<compile_context>
chip_gen: v7x
topology: tpu7x:2x2x1
jax: 0.10.2.dev20260603
libtpu: 0.0.44.dev20260713+nightly
codegen_flags: <defaults>
</compile_context>

<pallas_src>
import functools

import jax
import jax.numpy as jnp
from jax import lax
from jax.experimental import pallas as pl
from jax.experimental.pallas import tpu as pltpu
from jax.experimental.pallas import tpu_sc as plsc

N = 10000
E = 160000
F = 20000
K = 20

NC, NS, L = 2, 16, 16
NW = NC * NS
CHUNK = 128
ROWS_PER_SUB = N // NS

_MESH = plsc.VectorSubcoreMesh(core_axis_name="c", subcore_axis_name="s")
_SC_PARAMS = pltpu.CompilerParams(use_tc_tiling_on_sc=False)


def _pad_rows(a, total):
    return jnp.concatenate(
        [a, jnp.zeros((total - a.shape[0],) + a.shape[1:], a.dtype)], axis=0)


def _sc_gather(table, idx):
    Ltot = idx.shape[0]
    D = table.shape[1]
    per_w = Ltot // NW
    n_chunks = per_w // CHUNK

    def body(table_ref, idx_ref, out_ref, idx_v, rows_v, sem):
        wid = lax.axis_index("s") * NC + lax.axis_index("c")

        def step(t, _):
            base = wid * per_w + t * CHUNK
            pltpu.sync_copy(idx_ref.at[pl.ds(base, CHUNK)], idx_v)
            pltpu.async_copy(table_ref.at[idx_v], rows_v, sem).wait()
            pltpu.sync_copy(rows_v, out_ref.at[pl.ds(base, CHUNK)])
            return _

        lax.fori_loop(0, n_chunks, step, 0)

    return pl.kernel(
        body,
        mesh=_MESH,
        compiler_params=_SC_PARAMS,
        out_type=jax.ShapeDtypeStruct((Ltot, D), jnp.float32),
        scratch_types=[
            pltpu.VMEM((CHUNK,), jnp.int32),
            pltpu.VMEM((CHUNK, D), jnp.float32),
            pltpu.SemaphoreType.DMA,
        ],
    )(table, idx)


def _sc_scatter_add(idx, val, n_rows, d):
    Ltot = idx.shape[0]
    per_w = Ltot // NW
    n_chunks = per_w // CHUNK
    rps = n_rows // NS

    def body(idx_ref, val_ref, zeros_ref, out_ref, idx_v, val_v, acc):
        cid = lax.axis_index("c")
        sid = lax.axis_index("s")
        wid = sid * NC + cid
        pltpu.sync_copy(zeros_ref, acc.at[pl.ds(sid * rps, rps)])
        plsc.subcore_barrier()

        def step(t, _):
            base = wid * per_w + t * CHUNK
            pltpu.sync_copy(idx_ref.at[pl.ds(base, CHUNK)], idx_v)
            pltpu.sync_copy(val_ref.at[pl.ds(base, CHUNK)], val_v)
            pltpu.sync_copy(val_v, acc.at[idx_v], add=True)
            return _

        lax.fori_loop(0, n_chunks, step, 0)
        plsc.subcore_barrier()
        pltpu.sync_copy(acc.at[pl.ds(sid * rps, rps)],
                        out_ref.at[cid, pl.ds(sid * rps, rps)])

    zeros = jnp.zeros((rps, d), jnp.float32)
    return pl.kernel(
        body,
        mesh=_MESH,
        compiler_params=_SC_PARAMS,
        out_type=jax.ShapeDtypeStruct((NC, n_rows, d), jnp.float32),
        scratch_types=[
            pltpu.VMEM((CHUNK,), jnp.int32),
            pltpu.VMEM((CHUNK, d), jnp.float32),
            pltpu.VMEM_SHARED((n_rows, d), jnp.float32),
        ],
    )(idx, val, zeros)


def _sc_edge_pass(table, r0, r1, c0, c1, dst, fop):
    Ep = r0.shape[0]
    per_w = Ep // NW
    n_chunks = per_w // CHUNK
    rps = ROWS_PER_SUB
    nj = fop // L

    def body(table_ref, r0_ref, r1_ref, c0_ref, c1_ref, dst_ref, zeros_ref,
             out_ref, i0_v, i1_v, d_v, a0_v, a1_v, rows0, rows1, acc,
             sem0, sem1):
        cid = lax.axis_index("c")
        sid = lax.axis_index("s")
        wid = sid * NC + cid
        pltpu.sync_copy(zeros_ref, acc.at[pl.ds(sid * rps, rps)])
        plsc.subcore_barrier()

        def step(t, _):
            base = wid * per_w + t * CHUNK
            pltpu.sync_copy(r0_ref.at[pl.ds(base, CHUNK)], i0_v)
            pltpu.sync_copy(r1_ref.at[pl.ds(base, CHUNK)], i1_v)
            pltpu.sync_copy(c0_ref.at[pl.ds(base, CHUNK)], a0_v)
            pltpu.sync_copy(c1_ref.at[pl.ds(base, CHUNK)], a1_v)
            pltpu.sync_copy(dst_ref.at[pl.ds(base, CHUNK)], d_v)
            g0 = pltpu.async_copy(table_ref.at[i0_v], rows0, sem0)
            g1 = pltpu.async_copy(table_ref.at[i1_v], rows1, sem1)
            g0.wait()
            g1.wait()

            def interp(e, _):
                a0 = a0_v[e, :]
                a1 = a1_v[e, :]
                for j in range(nj):
                    sl = pl.ds(j * L, L)
                    rows0[e, sl] = a0 * rows0[e, sl] + a1 * rows1[e, sl]
                return _

            lax.fori_loop(0, CHUNK, interp, 0)
            pltpu.sync_copy(rows0, acc.at[d_v], add=True)
            return _

        lax.fori_loop(0, n_chunks, step, 0)
        plsc.subcore_barrier()
        pltpu.sync_copy(acc.at[pl.ds(sid * rps, rps)],
                        out_ref.at[cid, pl.ds(sid * rps, rps)])

    zeros = jnp.zeros((rps, fop), jnp.float32)
    return pl.kernel(
        body,
        mesh=_MESH,
        compiler_params=_SC_PARAMS,
        out_type=jax.ShapeDtypeStruct((NC, N, fop), jnp.float32),
        scratch_types=[
            pltpu.VMEM((CHUNK,), jnp.int32),
            pltpu.VMEM((CHUNK,), jnp.int32),
            pltpu.VMEM((CHUNK,), jnp.int32),
            pltpu.VMEM((CHUNK, L), jnp.float32),
            pltpu.VMEM((CHUNK, L), jnp.float32),
            pltpu.VMEM((CHUNK, fop), jnp.float32),
            pltpu.VMEM((CHUNK, fop), jnp.float32),
            pltpu.VMEM_SHARED((N, fop), jnp.float32),
            pltpu.SemaphoreType.DMA,
            pltpu.SemaphoreType.DMA,
        ],
    )(table, r0, r1, c0, c1, dst, zeros)


def _tc_prep_edges(va, vb, src):
    def body(va_ref, vb_ref, src_ref, r0_ref, r1_ref, c0_ref, c1_ref):
        dx = va_ref[:, 0:1] - vb_ref[:, 0:1]
        dy = va_ref[:, 1:2] - vb_ref[:, 1:2]
        dz = va_ref[:, 2:3] - vb_ref[:, 2:3]
        u = jnp.minimum(jnp.sqrt(dx * dx + dy * dy + dz * dz), 1.0) * (K - 1.0)
        i0 = jnp.clip(jnp.floor(u).astype(jnp.int32), 0, K - 2)
        frac = u - i0.astype(jnp.float32)
        r0 = src_ref[...] * K + i0
        r0_ref[...] = r0
        r1_ref[...] = r0 + 1
        c0_ref[...] = jnp.broadcast_to(1.0 - frac, c0_ref.shape)
        c1_ref[...] = jnp.broadcast_to(frac, c1_ref.shape)

    nb = 40
    b = E // nb
    return pl.pallas_call(
        body,
        grid=(nb,),
        in_specs=[pl.BlockSpec((b, 8), lambda i: (i, 0)),
                  pl.BlockSpec((b, 8), lambda i: (i, 0)),
                  pl.BlockSpec((b, 1), lambda i: (i, 0))],
        out_specs=[pl.BlockSpec((b, 1), lambda i: (i, 0)),
                   pl.BlockSpec((b, 1), lambda i: (i, 0)),
                   pl.BlockSpec((b, L), lambda i: (i, 0)),
                   pl.BlockSpec((b, L), lambda i: (i, 0))],
        out_shape=[jax.ShapeDtypeStruct((E, 1), jnp.int32),
                   jax.ShapeDtypeStruct((E, 1), jnp.int32),
                   jax.ShapeDtypeStruct((E, L), jnp.float32),
                   jax.ShapeDtypeStruct((E, L), jnp.float32)],
    )(va, vb, src)


def _tc_prep_faces(fv0, fv1, fv2):
    def body(a_ref, b_ref, c_ref, area_ref):
        t1 = [b_ref[:, i:i + 1] - a_ref[:, i:i + 1] for i in range(3)]
        t2 = [c_ref[:, i:i + 1] - a_ref[:, i:i + 1] for i in range(3)]
        cx = t1[1] * t2[2] - t1[2] * t2[1]
        cy = t1[2] * t2[0] - t1[0] * t2[2]
        cz = t1[0] * t2[1] - t1[1] * t2[0]
        area = 0.5 * jnp.sqrt(cx * cx + cy * cy + cz * cz)
        area_ref[...] = jnp.broadcast_to(area, area_ref.shape)

    nb = 10
    b = F // nb
    return pl.pallas_call(
        body,
        grid=(nb,),
        in_specs=[pl.BlockSpec((b, 8), lambda i: (i, 0))] * 3,
        out_specs=pl.BlockSpec((b, 8), lambda i: (i, 0)),
        out_shape=jax.ShapeDtypeStruct((F, 8), jnp.float32),
    )(fv0, fv1, fv2)


def _tc_x0(verts, normals, area_parts, cnt_parts, fc2_wt, fc2_b):
    def body(v_ref, n_ref, ap_ref, cp_ref, w_ref, b_ref, x_ref, ci_ref):
        ta = ap_ref[0, :, 0:1] + ap_ref[1, :, 0:1]
        cnt = cp_ref[0, :, 0:1] + cp_ref[1, :, 0:1]
        ci_ref[...] = 1.0 / jnp.maximum(cnt, 1.0)
        feat = jnp.concatenate([v_ref[...], ta, n_ref[...]], axis=1)
        x_ref[...] = jnp.dot(feat, w_ref[...],
                             preferred_element_type=jnp.float32) + b_ref[...]

    return pl.pallas_call(
        body,
        out_shape=[jax.ShapeDtypeStruct((N, 16), jnp.float32),
                   jax.ShapeDtypeStruct((N, 1), jnp.float32)],
    )(verts, normals, area_parts, cnt_parts, fc2_wt, fc2_b)


def _tc_matmul(x, w):
    fin = x.shape[1]
    cols = w.shape[1]
    cb = 640 if cols % 640 == 0 else cols
    nr = 5
    rb = N // nr

    def body(x_ref, w_ref, o_ref):
        o_ref[...] = jnp.dot(x_ref[...], w_ref[...],
                             preferred_element_type=jnp.float32)

    return pl.pallas_call(
        body,
        grid=(nr, cols // cb),
        in_specs=[pl.BlockSpec((rb, fin), lambda i, j: (i, 0)),
                  pl.BlockSpec((fin, cb), lambda i, j: (0, j))],
        out_specs=pl.BlockSpec((rb, cb), lambda i, j: (i, j)),
        out_shape=jax.ShapeDtypeStruct((N, cols), jnp.float32),
    )(x, w)


def _tc_epilogue(parts, x, root, bias, cnt_inv, fo, act):
    fop = parts.shape[2]
    fin = x.shape[1]
    nr = 5
    rb = N // nr

    def body(p_ref, x_ref, r_ref, b_ref, ci_ref, y_ref):
        agg = (p_ref[0] + p_ref[1])[:, :fo] * ci_ref[...]
        y = agg + jnp.dot(x_ref[...], r_ref[...],
                          preferred_element_type=jnp.float32) + b_ref[...]
        if act:
            y = jnp.where(y > 0, y, jnp.exp(jnp.minimum(y, 0.0)) - 1.0)
        y_ref[...] = y

    return pl.pallas_call(
        body,
        grid=(nr,),
        in_specs=[pl.BlockSpec((2, rb, fop), lambda i: (0, i, 0)),
                  pl.BlockSpec((rb, fin), lambda i: (i, 0)),
                  pl.BlockSpec((fin, fo), lambda i: (0, 0)),
                  pl.BlockSpec((1, fo), lambda i: (0, 0)),
                  pl.BlockSpec((rb, 1), lambda i: (i, 0))],
        out_specs=pl.BlockSpec((rb, fo), lambda i: (i, 0)),
        out_shape=jax.ShapeDtypeStruct((N, fo), jnp.float32),
    )(parts, x, root, bias, cnt_inv)


FOS = [64, 128, 64, 32, 16, 1]
FOPS = [64, 128, 64, 32, 16, 16]


def kernel(verts, edges, faces, normals, fc2_w, fc2_b,
           w1, r1, b1, w2, r2, b2, w3, r3, b3,
           w4, r4, b4, w5, r5, b5, w6, r6, b6):
    ws = [w1, w2, w3, w4, w5, w6]
    rs = [r1, r2, r3, r4, r5, r6]
    bs = [b1, b2, b3, b4, b5, b6]
    src, dst = edges[0], edges[1]
    f0, f1c, f2c = faces[:, 0], faces[:, 1], faces[:, 2]

    verts8 = jnp.concatenate([verts, jnp.zeros((N, 5), jnp.float32)], axis=1)

    gidx = jnp.concatenate([src, dst, f0, f1c, f2c])
    gidx = jnp.concatenate(
        [gidx, jnp.zeros((380928 - gidx.shape[0],), jnp.int32)])
    rows = _sc_gather(verts8, gidx)
    va, vb = rows[:E], rows[E:2 * E]
    fv0, fv1, fv2 = (rows[2 * E:2 * E + F], rows[2 * E + F:2 * E + 2 * F],
                     rows[2 * E + 2 * F:2 * E + 3 * F])

    er0, er1, ec0, ec1 = _tc_prep_edges(va, vb, src[:, None])
    area8 = _tc_prep_faces(fv0, fv1, fv2)

    Ep = 163840
    dst_p = _pad_rows(dst, Ep)
    ones8 = _pad_rows(jnp.ones((E, 8), jnp.float32), Ep)
    cnt_parts = _sc_scatter_add(dst_p, ones8, N, 8)
    fidx = _pad_rows(jnp.concatenate([f0, f1c, f2c]), 61440)
    fval = _pad_rows(jnp.concatenate([area8, area8, area8]), 61440)
    area_parts = _sc_scatter_add(fidx, fval, N, 8)

    x, cnt_inv = _tc_x0(verts, normals, area_parts, cnt_parts,
                        fc2_w.T, fc2_b[None, :])

    r0p = _pad_rows(er0[:, 0], Ep)
    r1p = jnp.concatenate([er1[:, 0], jnp.ones((Ep - E,), jnp.int32)])
    c0p = _pad_rows(ec0, Ep)
    c1p = _pad_rows(ec1, Ep)

    for i in range(6):
        fo, fop = FOS[i], FOPS[i]
        w = ws[i]
        if fop != fo:
            w = jnp.concatenate(
                [w, jnp.zeros((K, w.shape[1], fop - fo), jnp.float32)], axis=2)
        wflat = jnp.transpose(w, (1, 0, 2)).reshape(w.shape[1], K * fop)
        table = _tc_matmul(x, wflat).reshape(N * K, fop)
        parts = _sc_edge_pass(table, r0p, r1p, c0p, c1p, dst_p, fop)
        x = _tc_epilogue(parts, x, rs[i], bs[i][None, :], cnt_inv,
                         fo, act=(i < 5))
    return x[:, 0]

# --- scband reference (transcript-rebuilt; emitter-appended) ---
"""Pipeline reference for scband-spline-cnn-687194767571 (READ-ONLY COPY).

The authoritative reference and input builder live on the scoring server;
editing this copy changes nothing except your own understanding.
"""

import jax, jax.numpy as jnp
import numpy as np


def _spline_conv(x, src, dst, pseudo, W, root, bias):
    # SplineConv (torch_spline_conv) with dim=1, degree=1, open spline, aggr='mean'.
    K = W.shape[0]
    u = jnp.clip(pseudo[:, 0], 0.0, 1.0) * (K - 1)
    i0 = jnp.clip(jnp.floor(u).astype(jnp.int32), 0, K - 2)
    frac = u - i0.astype(jnp.float32)
    # per-kernel transformed features, then gather per edge (avoids per-edge weight gather)
    xW = jnp.einsum('ni,kio->nko', x, W)  # [N, K, Fout]
    m0 = xW[src, i0]        # [E, Fout]
    m1 = xW[src, i0 + 1]    # [E, Fout]
    msg = (1.0 - frac)[:, None] * m0 + frac[:, None] * m1
    N = x.shape[0]
    agg = jax.ops.segment_sum(msg, dst, num_segments=N)
    cnt = jax.ops.segment_sum(jnp.ones((dst.shape[0],), jnp.float32), dst, num_segments=N)
    agg = agg / jnp.maximum(cnt, 1.0)[:, None]
    return agg + x @ root + bias


def _forward(verts, edges, faces, normals, fc2_w, fc2_b, params):
    N = verts.shape[0]
    f0 = faces
    f1 = jnp.stack([faces[:, 1], faces[:, 0], faces[:, 2]], axis=1)
    f2 = jnp.stack([faces[:, 2], faces[:, 0], faces[:, 1]], axis=1)
    fp = jnp.concatenate([f0, f1, f2], axis=0)
    t1 = verts[fp[:, 1]] - verts[fp[:, 0]]
    t2 = verts[fp[:, 2]] - verts[fp[:, 0]]
    area = jnp.linalg.norm(jnp.cross(t1, t2), axis=1) * 0.5
    total_area = jax.ops.segment_sum(area, fp[:, 0], num_segments=N)
    src, dst = edges[0], edges[1]
    edge_attr = jnp.linalg.norm(verts[src] - verts[dst], axis=1)[:, None]
    x = jnp.concatenate([verts, total_area[:, None], normals], axis=1) @ fc2_w.T + fc2_b
    for i in range(6):
        W, r, b = params[3 * i], params[3 * i + 1], params[3 * i + 2]
        y = _spline_conv(x, src, dst, edge_attr, W, r, b)
        x = jax.nn.elu(y) if i < 5 else y
        # dropout is identity in eval/reference mode
    return jnp.squeeze(x, axis=1)


def setup_inputs(seed: int = 0):
    N, E, F, K = 10000, 160000, 20000, 20
    key = jax.random.key(seed)
    ks = jax.random.split(key, 24)
    inp = {}
    inp['verts'] = jax.random.uniform(ks[0], (N, 3), dtype=jnp.float32)
    inp['edges'] = jax.random.randint(ks[1], (2, E), 0, N, dtype=jnp.int32)
    inp['faces'] = jax.random.randint(ks[2], (F, 3), 0, N, dtype=jnp.int32)
    inp['normals'] = jax.random.normal(ks[3], (N, 3), dtype=jnp.float32)
    inp['fc2_w'] = jax.random.normal(ks[4], (16, 7), dtype=jnp.float32) * 0.1
    inp['fc2_b'] = jnp.zeros((16,), jnp.float32)
    dims = [(16, 64), (64, 128), (128, 64), (64, 32), (32, 16), (16, 1)]
    for i, (fi, fo) in enumerate(dims):
        inp['w%d' % (i + 1)] = jax.random.normal(ks[5 + 3 * i], (K, fi, fo), dtype=jnp.float32) * 0.05
        inp['r%d' % (i + 1)] = jax.random.normal(ks[6 + 3 * i], (fi, fo), dtype=jnp.float32) * 0.05
        inp['b%d' % (i + 1)] = jnp.zeros((fo,), jnp.float32)
    return inp


def reference(verts, edges, faces, normals, fc2_w, fc2_b, w1, r1, b1, w2, r2, b2, w3, r3, b3, w4, r4, b4, w5, r5, b5, w6, r6, b6):
    params = (w1, r1, b1, w2, r2, b2, w3, r3, b3, w4, r4, b4, w5, r5, b5, w6, r6, b6)
    return _forward(verts, edges, faces, normals, fc2_w, fc2_b, params)

if __name__ == "__main__":
    import jax
    _d = setup_inputs()
    print(jax.jit(kernel)(*tuple(_d.values())))

</pallas_src>

<mosaic_0001>
#map = affine_map<(d0, d1) -> (0, 0)>
#map1 = affine_map<(d0, d1) -> (0)>
#map2 = affine_map<(d0, d1) -> (0, 0, 0)>
module attributes {stable_mosaic.version = 14 : i64} {
  func.func @body(%arg0: i32, %arg1: i32, %arg2: memref<200000x64xf32, #tpu.memory_space<hbm>>, %arg3: memref<163840xi32, #tpu.memory_space<hbm>>, %arg4: memref<163840xi32, #tpu.memory_space<hbm>>, %arg5: memref<163840x16xf32, #tpu.memory_space<hbm>>, %arg6: memref<163840x16xf32, #tpu.memory_space<hbm>>, %arg7: memref<163840xi32, #tpu.memory_space<hbm>>, %arg8: memref<625x64xf32, #tpu.memory_space<hbm>>, %arg9: memref<2x10000x64xf32, #tpu.memory_space<hbm>>, %arg10: memref<128xi32, #tpu.memory_space<vmem>>, %arg11: memref<128xi32, #tpu.memory_space<vmem>>, %arg12: memref<128xi32, #tpu.memory_space<vmem>>, %arg13: memref<128x16xf32, #tpu.memory_space<vmem>>, %arg14: memref<128x16xf32, #tpu.memory_space<vmem>>, %arg15: memref<128x64xf32, #tpu.memory_space<vmem>>, %arg16: memref<128x64xf32, #tpu.memory_space<vmem>>, %arg17: memref<10000x64xf32, #tpu.memory_space<vmem_shared>>, %arg18: memref<!tpu.dma_semaphore, #tpu.memory_space<semaphore_mem>>, %arg19: memref<!tpu.dma_semaphore, #tpu.memory_space<semaphore_mem>>) attributes {dimension_semantics = [#tpu.dimension_semantics<core_parallel>, #tpu.dimension_semantics<subcore_parallel>], iteration_bounds = array<i64: 2, 16>, scalar_prefetch = 0 : i64, scratch_operands = 10 : i64, tpu.core_type = #tpu.core_type<sc_vector_subcore>, window_params = [{transform_indices = #map}, {transform_indices = #map1}, {transform_indices = #map1}, {transform_indices = #map}, {transform_indices = #map}, {transform_indices = #map1}, {transform_indices = #map}, {transform_indices = #map2}]} {
    %mul3A = arith.constant 2 : i32
    %mul3A_0 = arith.muli %arg1, %mul3A : i32
    %add3A = arith.addi %mul3A_0, %arg0 : i32
    %mul3A_1 = arith.constant 625 : i32
    %mul3A_2 = arith.muli %arg1, %mul3A_1 : i32
    "tpu.region"() ({
      %run_scoped3A = tpu.sem_alloc : memref<!tpu.dma_semaphore, #tpu.memory_space<semaphore_mem>>
      %dma_start3A = arith.constant 0 : i32
      %dma_start3A_13 = tpu.memref_slice %arg17[%mul3A_2, %dma_start3A] : memref<10000x64xf32, #tpu.memory_space<vmem_shared>> -> memref<625x64xf32, #tpu.memory_space<vmem_shared>>
      tpu.enqueue_dma source(%arg8 : memref<625x64xf32, #tpu.memory_space<hbm>>) target(%dma_start3A_13 : memref<625x64xf32, #tpu.memory_space<vmem_shared>>) target_semaphore(%run_scoped3A : memref<!tpu.dma_semaphore, #tpu.memory_space<semaphore_mem>>)
      %dma_wait3A = arith.constant 0 : i32
      %dma_wait3A_14 = tpu.memref_slice %arg17[%mul3A_2, %dma_wait3A] : memref<10000x64xf32, #tpu.memory_space<vmem_shared>> -> memref<625x64xf32, #tpu.memory_space<vmem_shared>>
      tpu.wait_dma2 semaphore(%run_scoped3A : memref<!tpu.dma_semaphore, #tpu.memory_space<semaphore_mem>>) src(%arg8 : memref<625x64xf32, #tpu.memory_space<hbm>>) dst(%dma_wait3A_14 : memref<625x64xf32, #tpu.memory_space<vmem_shared>>)
      tpu.yield
    }) : () -> ()
    %barrier3A = arith.constant 0 : index
    tpu.barrier barrier_id(%barrier3A)
    %scan3A = arith.constant 0 : i32
    %scan3A_3 = arith.constant 0 : i32
    %scan3A_4 = arith.constant 40 : i32
    %scan3A_5 = arith.addi %scan3A_3, %scan3A_4 : i32
    %scan3A_6 = arith.constant 1 : i32
    scf.for %scan3A_13 = %scan3A_3 to %scan3A_5 step %scan3A_6  : i32 {
      %mul3A_14 = arith.constant 5120 : i32
      %mul3A_15 = arith.muli %add3A, %mul3A_14 : i32
      %mul3A_16 = arith.constant 128 : i32
      %mul3A_17 = arith.muli %scan3A_13, %mul3A_16 : i32
      %add3A_18 = arith.addi %mul3A_15, %mul3A_17 : i32
      "tpu.region"() ({
        %run_scoped3A = tpu.sem_alloc : memref<!tpu.dma_semaphore, #tpu.memory_space<semaphore_mem>>
        %dma_start3A_35 = tpu.memref_slice %arg3[%add3A_18] : memref<163840xi32, #tpu.memory_space<hbm>> -> memref<128xi32, #tpu.memory_space<hbm>>
        %dma_start3A_36 = tpu.memref_slice %arg3[%add3A_18] : memref<163840xi32, #tpu.memory_space<hbm>> -> memref<128xi32, #tpu.memory_space<hbm>>
        tpu.enqueue_dma source(%dma_start3A_36 : memref<128xi32, #tpu.memory_space<hbm>>) target(%arg10 : memref<128xi32, #tpu.memory_space<vmem>>) target_semaphore(%run_scoped3A : memref<!tpu.dma_semaphore, #tpu.memory_space<semaphore_mem>>)
        %dma_wait3A_37 = tpu.memref_slice %arg3[%add3A_18] : memref<163840xi32, #tpu.memory_space<hbm>> -> memref<128xi32, #tpu.memory_space<hbm>>
        %dma_wait3A_38 = tpu.memref_slice %arg3[%add3A_18] : memref<163840xi32, #tpu.memory_space<hbm>> -> memref<128xi32, #tpu.memory_space<hbm>>
        tpu.wait_dma2 semaphore(%run_scoped3A : memref<!tpu.dma_semaphore, #tpu.memory_space<semaphore_mem>>) src(%dma_wait3A_38 : memref<128xi32, #tpu.memory_space<hbm>>) dst(%arg10 : memref<128xi32, #tpu.memory_space<vmem>>)
        tpu.yield
      }) : () -> ()
      "tpu.region"() ({
        %run_scoped3A = tpu.sem_alloc : memref<!tpu.dma_semaphore, #tpu.memory_space<semaphore_mem>>
        %dma_start3A_35 = tpu.memref_slice %arg4[%add3A_18] : memref<163840xi32, #tpu.memory_space<hbm>> -> memref<128xi32, #tpu.memory_space<hbm>>
        %dma_start3A_36 = tpu.memref_slice %arg4[%add3A_18] : memref<163840xi32, #tpu.memory_space<hbm>> -> memref<128xi32, #tpu.memory_space<hbm>>
        tpu.enqueue_dma source(%dma_start3A_36 : memref<128xi32, #tpu.memory_space<hbm>>) target(%arg11 : memref<128xi32, #tpu.memory_space<vmem>>) target_semaphore(%run_scoped3A : memref<!tpu.dma_semaphore, #tpu.memory_space<semaphore_mem>>)
        %dma_wait3A_37 = tpu.memref_slice %arg4[%add3A_18] : memref<163840xi32, #tpu.memory_space<hbm>> -> memref<128xi32, #tpu.memory_space<hbm>>
        %dma_wait3A_38 = tpu.memref_slice %arg4[%add3A_18] : memref<163840xi32, #tpu.memory_space<hbm>> -> memref<128xi32, #tpu.memory_space<hbm>>
        tpu.wait_dma2 semaphore(%run_scoped3A : memref<!tpu.dma_semaphore, #tpu.memory_space<semaphore_mem>>) src(%dma_wait3A_38 : memref<128xi32, #tpu.memory_space<hbm>>) dst(%arg11 : memref<128xi32, #tpu.memory_space<vmem>>)
        tpu.yield
      }) : () -> ()
      "tpu.region"() ({
        %run_scoped3A = tpu.sem_alloc : memref<!tpu.dma_semaphore, #tpu.memory_space<semaphore_mem>>
        %dma_start3A_35 = arith.constant 0 : i32
        %dma_start3A_36 = tpu.memref_slice %arg5[%add3A_18, %dma_start3A_35] : memref<163840x16xf32, #tpu.memory_space<hbm>> -> memref<128x16xf32, #tpu.memory_space<hbm>>
        %dma_start3A_37 = arith.constant 0 : i32
        %dma_start3A_38 = tpu.memref_slice %arg5[%add3A_18, %dma_start3A_37] : memref<163840x16xf32, #tpu.memory_space<hbm>> -> memref<128x16xf32, #tpu.memory_space<hbm>>
        tpu.enqueue_dma source(%dma_start3A_38 : memref<128x16xf32, #tpu.memory_space<hbm>>) target(%arg13 : memref<128x16xf32, #tpu.memory_space<vmem>>) target_semaphore(%run_scoped3A : memref<!tpu.dma_semaphore, #tpu.memory_space<semaphore_mem>>)
        %dma_wait3A_39 = arith.constant 0 : i32
        %dma_wait3A_40 = tpu.memref_slice %arg5[%add3A_18, %dma_wait3A_39] : memref<163840x16xf32, #tpu.memory_space<hbm>> -> memref<128x16xf32, #tpu.memory_space<hbm>>
        %dma_wait3A_41 = arith.constant 0 : i32
        %dma_wait3A_42 = tpu.memref_slice %arg5[%add3A_18, %dma_wait3A_41] : memref<163840x16xf32, #tpu.memory_space<hbm>> -> memref<128x16xf32, #tpu.memory_space<hbm>>
        tpu.wait_dma2 semaphore(%run_scoped3A : memref<!tpu.dma_semaphore, #tpu.memory_space<semaphore_mem>>) src(%dma_wait3A_42 : memref<128x16xf32, #tpu.memory_space<hbm>>) dst(%arg13 : memref<128x16xf32, #tpu.memory_space<vmem>>)
        tpu.yield
      }) : () -> ()
      "tpu.region"() ({
        %run_scoped3A = tpu.sem_alloc : memref<!tpu.dma_semaphore, #tpu.memory_space<semaphore_mem>>
        %dma_start3A_35 = arith.constant 0 : i32
        %dma_start3A_36 = tpu.memref_slice %arg6[%add3A_18, %dma_start3A_35] : memref<163840x16xf32, #tpu.memory_space<hbm>> -> memref<128x16xf32, #tpu.memory_space<hbm>>
        %dma_start3A_37 = arith.constant 0 : i32
        %dma_start3A_38 = tpu.memref_slice %arg6[%add3A_18, %dma_start3A_37] : memref<163840x16xf32, #tpu.memory_space<hbm>> -> memref<128x16xf32, #tpu.memory_space<hbm>>
        tpu.enqueue_dma source(%dma_start3A_38 : memref<128x16xf32, #tpu.memory_space<hbm>>) target(%arg14 : memref<128x16xf32, #tpu.memory_space<vmem>>) target_semaphore(%run_scoped3A : memref<!tpu.dma_semaphore, #tpu.memory_space<semaphore_mem>>)
        %dma_wait3A_39 = arith.constant 0 : i32
        %dma_wait3A_40 = tpu.memref_slice %arg6[%add3A_18, %dma_wait3A_39] : memref<163840x16xf32, #tpu.memory_space<hbm>> -> memref<128x16xf32, #tpu.memory_space<hbm>>
        %dma_wait3A_41 = arith.constant 0 : i32
        %dma_wait3A_42 = tpu.memref_slice %arg6[%add3A_18, %dma_wait3A_41] : memref<163840x16xf32, #tpu.memory_space<hbm>> -> memref<128x16xf32, #tpu.memory_space<hbm>>
        tpu.wait_dma2 semaphore(%run_scoped3A : memref<!tpu.dma_semaphore, #tpu.memory_space<semaphore_mem>>) src(%dma_wait3A_42 : memref<128x16xf32, #tpu.memory_space<hbm>>) dst(%arg14 : memref<128x16xf32, #tpu.memory_space<vmem>>)
        tpu.yield
      }) : () -> ()
      "tpu.region"() ({
        %run_scoped3A = tpu.sem_alloc : memref<!tpu.dma_semaphore, #tpu.memory_space<semaphore_mem>>
        %dma_start3A_35 = tpu.memref_slice %arg7[%add3A_18] : memref<163840xi32, #tpu.memory_space<hbm>> -> memref<128xi32, #tpu.memory_space<hbm>>
        %dma_start3A_36 = tpu.memref_slice %arg7[%add3A_18] : memref<163840xi32, #tpu.memory_space<hbm>> -> memref<128xi32, #tpu.memory_space<hbm>>
        tpu.enqueue_dma source(%dma_start3A_36 : memref<128xi32, #tpu.memory_space<hbm>>) target(%arg12 : memref<128xi32, #tpu.memory_space<vmem>>) target_semaphore(%run_scoped3A : memref<!tpu.dma_semaphore, #tpu.memory_space<semaphore_mem>>)
        %dma_wait3A_37 = tpu.memref_slice %arg7[%add3A_18] : memref<163840xi32, #tpu.memory_space<hbm>> -> memref<128xi32, #tpu.memory_space<hbm>>
        %dma_wait3A_38 = tpu.memref_slice %arg7[%add3A_18] : memref<163840xi32, #tpu.memory_space<hbm>> -> memref<128xi32, #tpu.memory_space<hbm>>
        tpu.wait_dma2 semaphore(%run_scoped3A : memref<!tpu.dma_semaphore, #tpu.memory_space<semaphore_mem>>) src(%dma_wait3A_38 : memref<128xi32, #tpu.memory_space<hbm>>) dst(%arg12 : memref<128xi32, #tpu.memory_space<vmem>>)
        tpu.yield
      }) : () -> ()
      %dma_start3A = arith.constant 0 : i32
      %dma_start3A_19 = arith.constant 0 : i32
      %dma_start3A_20 = tpu.memref_slice %arg2[%dma_start3A, %dma_start3A_19] : memref<200000x64xf32, #tpu.memory_space<hbm>> -> memref<200000x64xf32, #tpu.memory_space<hbm>>
      tpu.enqueue_indirect_dma source(%dma_start3A_20 : memref<200000x64xf32, #tpu.memory_space<hbm>>) target(%arg15 : memref<128x64xf32, #tpu.memory_space<vmem>>) offsets(%arg10 : memref<128xi32, #tpu.memory_space<vmem>>) semaphore(%arg18 : memref<!tpu.dma_semaphore, #tpu.memory_space<semaphore_mem>>)
      %dma_start3A_21 = arith.constant 0 : i32
      %dma_start3A_22 = arith.constant 0 : i32
      %dma_start3A_23 = tpu.memref_slice %arg2[%dma_start3A_21, %dma_start3A_22] : memref<200000x64xf32, #tpu.memory_space<hbm>> -> memref<200000x64xf32, #tpu.memory_space<hbm>>
      tpu.enqueue_indirect_dma source(%dma_start3A_23 : memref<200000x64xf32, #tpu.memory_space<hbm>>) target(%arg16 : memref<128x64xf32, #tpu.memory_space<vmem>>) offsets(%arg11 : memref<128xi32, #tpu.memory_space<vmem>>) semaphore(%arg19 : memref<!tpu.dma_semaphore, #tpu.memory_space<semaphore_mem>>)
      %dma_wait3A = arith.constant 0 : i32
      %dma_wait3A_24 = arith.constant 0 : i32
      %dma_wait3A_25 = tpu.memref_slice %arg2[%dma_wait3A, %dma_wait3A_24] : memref<200000x64xf32, #tpu.memory_space<hbm>> -> memref<200000x64xf32, #tpu.memory_space<hbm>>
      tpu.wait_indirect_dma semaphore(%arg18 : memref<!tpu.dma_semaphore, #tpu.memory_space<semaphore_mem>>) src(%dma_wait3A_25 : memref<200000x64xf32, #tpu.memory_space<hbm>>) dst(%arg15 : memref<128x64xf32, #tpu.memory_space<vmem>>)
      %dma_wait3A_26 = arith.constant 0 : i32
      %dma_wait3A_27 = arith.constant 0 : i32
      %dma_wait3A_28 = tpu.memref_slice %arg2[%dma_wait3A_26, %dma_wait3A_27] : memref<200000x64xf32, #tpu.memory_space<hbm>> -> memref<200000x64xf32, #tpu.memory_space<hbm>>
      tpu.wait_indirect_dma semaphore(%arg19 : memref<!tpu.dma_semaphore, #tpu.memory_space<semaphore_mem>>) src(%dma_wait3A_28 : memref<200000x64xf32, #tpu.memory_space<hbm>>) dst(%arg16 : memref<128x64xf32, #tpu.memory_space<vmem>>)
      %scan3A_29 = arith.constant 0 : i32
      %scan3A_30 = arith.constant 0 : i32
      %scan3A_31 = arith.constant 128 : i32
      %scan3A_32 = arith.addi %scan3A_30, %scan3A_31 : i32
      %scan3A_33 = arith.constant 1 : i32
      scf.for %scan3A_35 = %scan3A_30 to %scan3A_32 step %scan3A_33  : i32 {
        %get3A = arith.index_cast %scan3A_35 : i32 to index
        %get3A_36 = arith.constant 0 : index
        %get3A_37 = tpu.vector_load %arg13[%get3A, %get3A_36] {strides = array<i32>} : memref<128x16xf32, #tpu.memory_space<vmem>>, vector<1x16xf32>,
        %get3A_38 = vector.shape_cast %get3A_37 : vector<1x16xf32> to vector<16xf32>
        %get3A_39 = arith.index_cast %scan3A_35 : i32 to index
        %get3A_40 = arith.constant 0 : index
        %get3A_41 = tpu.vector_load %arg14[%get3A_39, %get3A_40] {strides = array<i32>} : memref<128x16xf32, #tpu.memory_space<vmem>>, vector<1x16xf32>,
        %get3A_42 = vector.shape_cast %get3A_41 : vector<1x16xf32> to vector<16xf32>
        %get3A_43 = arith.index_cast %scan3A_35 : i32 to index
        %get3A_44 = arith.constant 0 : index
        %get3A_45 = tpu.vector_load %arg15[%get3A_43, %get3A_44] {strides = array<i32>} : memref<128x64xf32, #tpu.memory_space<vmem>>, vector<1x16xf32>,
        %get3A_46 = vector.shape_cast %get3A_45 : vector<1x16xf32> to vector<16xf32>
        %mul3A_47 = arith.mulf %get3A_38, %get3A_46 : vector<16xf32>
        %get3A_48 = arith.index_cast %scan3A_35 : i32 to index
        %get3A_49 = arith.constant 0 : index
        %get3A_50 = tpu.vector_load %arg16[%get3A_48, %get3A_49] {strides = array<i32>} : memref<128x64xf32, #tpu.memory_space<vmem>>, vector<1x16xf32>,
        %get3A_51 = vector.shape_cast %get3A_50 : vector<1x16xf32> to vector<16xf32>
        %mul3A_52 = arith.mulf %get3A_42, %get3A_51 : vector<16xf32>
        %add3A_53 = arith.addf %mul3A_47, %mul3A_52 : vector<16xf32>
        %swap3A = arith.index_cast %scan3A_35 : i32 to index
        %swap3A_54 = arith.constant 0 : index
        %swap3A_55 = tpu.vector_load %arg15[%swap3A, %swap3A_54] {strides = array<i32>} : memref<128x64xf32, #tpu.memory_space<vmem>>, vector<1x16xf32>,
        %swap3A_56 = vector.shape_cast %swap3A_55 : vector<1x16xf32> to vector<16xf32>
        %swap3A_57 = vector.shape_cast %add3A_53 : vector<16xf32> to vector<1x16xf32>
        tpu.vector_store %arg15[%swap3A, %swap3A_54], %swap3A_57 {strides = array<i32>} : memref<128x64xf32, #tpu.memory_space<vmem>>, vector<1x16xf32>,
        %get3A_58 = arith.index_cast %scan3A_35 : i32 to index
        %get3A_59 = arith.constant 16 : index
        %get3A_60 = tpu.vector_load %arg15[%get3A_58, %get3A_59] {strides = array<i32>} : memref<128x64xf32, #tpu.memory_space<vmem>>, vector<1x16xf32>,
        %get3A_61 = vector.shape_cast %get3A_60 : vector<1x16xf32> to vector<16xf32>
        %mul3A_62 = arith.mulf %get3A_38, %get3A_61 : vector<16xf32>
        %get3A_63 = arith.index_cast %scan3A_35 : i32 to index
        %get3A_64 = arith.constant 16 : index
        %get3A_65 = tpu.vector_load %arg16[%get3A_63, %get3A_64] {strides = array<i32>} : memref<128x64xf32, #tpu.memory_space<vmem>>, vector<1x16xf32>,
        %get3A_66 = vector.shape_cast %get3A_65 : vector<1x16xf32> to vector<16xf32>
        %mul3A_67 = arith.mulf %get3A_42, %get3A_66 : vector<16xf32>
        %add3A_68 = arith.addf %mul3A_62, %mul3A_67 : vector<16xf32>
        %swap3A_69 = arith.index_cast %scan3A_35 : i32 to index
        %swap3A_70 = arith.constant 16 : index
        %swap3A_71 = tpu.vector_load %arg15[%swap3A_69, %swap3A_70] {strides = array<i32>} : memref<128x64xf32, #tpu.memory_space<vmem>>, vector<1x16xf32>,
        %swap3A_72 = vector.shape_cast %swap3A_71 : vector<1x16xf32> to vector<16xf32>
        %swap3A_73 = vector.shape_cast %add3A_68 : vector<16xf32> to vector<1x16xf32>
        tpu.vector_store %arg15[%swap3A_69, %swap3A_70], %swap3A_73 {strides = array<i32>} : memref<128x64xf32, #tpu.memory_space<vmem>>, vector<1x16xf32>,
        %get3A_74 = arith.index_cast %scan3A_35 : i32 to index
        %get3A_75 = arith.constant 32 : index
        %get3A_76 = tpu.vector_load %arg15[%get3A_74, %get3A_75] {strides = array<i32>} : memref<128x64xf32, #tpu.memory_space<vmem>>, vector<1x16xf32>,
        %get3A_77 = vector.shape_cast %get3A_76 : vector<1x16xf32> to vector<16xf32>
        %mul3A_78 = arith.mulf %get3A_38, %get3A_77 : vector<16xf32>
        %get3A_79 = arith.index_cast %scan3A_35 : i32 to index
        %get3A_80 = arith.constant 32 : index
        %get3A_81 = tpu.vector_load %arg16[%get3A_79, %get3A_80] {strides = array<i32>} : memref<128x64xf32, #tpu.memory_space<vmem>>, vector<1x16xf32>,
        %get3A_82 = vector.shape_cast %get3A_81 : vector<1x16xf32> to vector<16xf32>
        %mul3A_83 = arith.mulf %get3A_42, %get3A_82 : vector<16xf32>
        %add3A_84 = arith.addf %mul3A_78, %mul3A_83 : vector<16xf32>
        %swap3A_85 = arith.index_cast %scan3A_35 : i32 to index
        %swap3A_86 = arith.constant 32 : index
        %swap3A_87 = tpu.vector_load %arg15[%swap3A_85, %swap3A_86] {strides = array<i32>} : memref<128x64xf32, #tpu.memory_space<vmem>>, vector<1x16xf32>,
        %swap3A_88 = vector.shape_cast %swap3A_87 : vector<1x16xf32> to vector<16xf32>
        %swap3A_89 = vector.shape_cast %add3A_84 : vector<16xf32> to vector<1x16xf32>
        tpu.vector_store %arg15[%swap3A_85, %swap3A_86], %swap3A_89 {strides = array<i32>} : memref<128x64xf32, #tpu.memory_space<vmem>>, vector<1x16xf32>,
        %get3A_90 = arith.index_cast %scan3A_35 : i32 to index
        %get3A_91 = arith.constant 48 : index
        %get3A_92 = tpu.vector_load %arg15[%get3A_90, %get3A_91] {strides = array<i32>} : memref<128x64xf32, #tpu.memory_space<vmem>>, vector<1x16xf32>,
        %get3A_93 = vector.shape_cast %get3A_92 : vector<1x16xf32> to vector<16xf32>
        %mul3A_94 = arith.mulf %get3A_38, %get3A_93 : vector<16xf32>
        %get3A_95 = arith.index_cast %scan3A_35 : i32 to index
        %get3A_96 = arith.constant 48 : index
        %get3A_97 = tpu.vector_load %arg16[%get3A_95, %get3A_96] {strides = array<i32>} : memref<128x64xf32, #tpu.memory_space<vmem>>, vector<1x16xf32>,
        %get3A_98 = vector.shape_cast %get3A_97 : vector<1x16xf32> to vector<16xf32>
        %mul3A_99 = arith.mulf %get3A_42, %get3A_98 : vector<16xf32>
        %add3A_100 = arith.addf %mul3A_94, %mul3A_99 : vector<16xf32>
        %swap3A_101 = arith.index_cast %scan3A_35 : i32 to index
        %swap3A_102 = arith.constant 48 : index
        %swap3A_103 = tpu.vector_load %arg15[%swap3A_101, %swap3A_102] {strides = array<i32>} : memref<128x64xf32, #tpu.memory_space<vmem>>, vector<1x16xf32>,
        %swap3A_104 = vector.shape_cast %swap3A_103 : vector<1x16xf32> to vector<16xf32>
        %swap3A_105 = vector.shape_cast %add3A_100 : vector<16xf32> to vector<1x16xf32>
        tpu.vector_store %arg15[%swap3A_101, %swap3A_102], %swap3A_105 {strides = array<i32>} : memref<128x64xf32, #tpu.memory_space<vmem>>, vector<1x16xf32>,
      }
      %scan3A_34 = arith.constant 128 : i32
      "tpu.region"() ({
        %run_scoped3A = tpu.sem_alloc : memref<!tpu.dma_semaphore, #tpu.memory_space<semaphore_mem>>
        %dma_start3A_35 = arith.constant 0 : i32
        %dma_start3A_36 = arith.constant 0 : i32
        %dma_start3A_37 = tpu.memref_slice %arg17[%dma_start3A_35, %dma_start3A_36] : memref<10000x64xf32, #tpu.memory_space<vmem_shared>> -> memref<10000x64xf32, #tpu.memory_space<vmem_shared>>
        tpu.enqueue_indirect_dma source(%arg15 : memref<128x64xf32, #tpu.memory_space<vmem>>) target(%dma_start3A_37 : memref<10000x64xf32, #tpu.memory_space<vmem_shared>>) offsets(%arg12 : memref<128xi32, #tpu.memory_space<vmem>>) semaphore(%run_scoped3A : memref<!tpu.dma_semaphore, #tpu.memory_space<semaphore_mem>>) {add = true}
        %dma_wait3A_38 = arith.constant 0 : i32
        %dma_wait3A_39 = arith.constant 0 : i32
        %dma_wait3A_40 = tpu.memref_slice %arg17[%dma_wait3A_38, %dma_wait3A_39] : memref<10000x64xf32, #tpu.memory_space<vmem_shared>> -> memref<10000x64xf32, #tpu.memory_space<vmem_shared>>
        tpu.wait_indirect_dma semaphore(%run_scoped3A : memref<!tpu.dma_semaphore, #tpu.memory_space<semaphore_mem>>) src(%arg15 : memref<128x64xf32, #tpu.memory_space<vmem>>) dst(%dma_wait3A_40 : memref<10000x64xf32, #tpu.memory_space<vmem_shared>>)
        tpu.yield
      }) : () -> ()
    }
    %scan3A_7 = arith.constant 40 : i32
    %barrier3A_8 = arith.constant 0 : index
    tpu.barrier barrier_id(%barrier3A_8)
    %mul3A_9 = arith.constant 625 : i32
    %mul3A_10 = arith.muli %arg1, %mul3A_9 : i32
    %mul3A_11 = arith.constant 625 : i32
    %mul3A_12 = arith.muli %arg1, %mul3A_11 : i32
    "tpu.region"() ({
      %run_scoped3A = tpu.sem_alloc : memref<!tpu.dma_semaphore, #tpu.memory_space<semaphore_mem>>
      %dma_start3A = arith.constant 0 : i32
      %dma_start3A_13 = tpu.memref_slice %arg9[%arg0, %mul3A_12, %dma_start3A] : memref<2x10000x64xf32, #tpu.memory_space<hbm>> -> memref<1x625x64xf32, #tpu.memory_space<hbm>>
      %dma_start3A_14 = tpu.memref_squeeze %dma_start3A_13 : memref<1x625x64xf32, #tpu.memory_space<hbm>> -> memref<625x64xf32, #tpu.memory_space<hbm>>
      %dma_start3A_15 = arith.constant 0 : i32
      %dma_start3A_16 = tpu.memref_slice %arg17[%mul3A_10, %dma_start3A_15] : memref<10000x64xf32, #tpu.memory_space<vmem_shared>> -> memref<625x64xf32, #tpu.memory_space<vmem_shared>>
      tpu.enqueue_dma source(%dma_start3A_16 : memref<625x64xf32, #tpu.memory_space<vmem_shared>>) target(%dma_start3A_14 : memref<625x64xf32, #tpu.memory_space<hbm>>) target_semaphore(%run_scoped3A : memref<!tpu.dma_semaphore, #tpu.memory_space<semaphore_mem>>)
      %dma_wait3A = arith.constant 0 : i32
      %dma_wait3A_17 = tpu.memref_slice %arg9[%arg0, %mul3A_12, %dma_wait3A] : memref<2x10000x64xf32, #tpu.memory_space<hbm>> -> memref<1x625x64xf32, #tpu.memory_space<hbm>>
      %dma_wait3A_18 = tpu.memref_squeeze %dma_wait3A_17 : memref<1x625x64xf32, #tpu.memory_space<hbm>> -> memref<625x64xf32, #tpu.memory_space<hbm>>
      %dma_wait3A_19 = arith.constant 0 : i32
      %dma_wait3A_20 = tpu.memref_slice %arg17[%mul3A_10, %dma_wait3A_19] : memref<10000x64xf32, #tpu.memory_space<vmem_shared>> -> memref<625x64xf32, #tpu.memory_space<vmem_shared>>
      tpu.wait_dma2 semaphore(%run_scoped3A : memref<!tpu.dma_semaphore, #tpu.memory_space<semaphore_mem>>) src(%dma_wait3A_20 : memref<625x64xf32, #tpu.memory_space<vmem_shared>>) dst(%dma_wait3A_18 : memref<625x64xf32, #tpu.memory_space<hbm>>)
      tpu.yield
    }) : () -> ()
    return
  }
}

#map = affine_map<(d0, d1) -> (0, 0)>
#map1 = affine_map<(d0, d1) -> (0)>
module attributes {stable_mosaic.version = 14 : i64} {
  func.func @body(%arg0: i32, %arg1: i32, %arg2: memref<10000x8xf32, #tpu.memory_space<hbm>>, %arg3: memref<380928xi32, #tpu.memory_space<hbm>>, %arg4: memref<380928x8xf32, #tpu.memory_space<hbm>>, %arg5: memref<128xi32, #tpu.memory_space<vmem>>, %arg6: memref<128x8xf32, #tpu.memory_space<vmem>>, %arg7: memref<!tpu.dma_semaphore, #tpu.memory_space<semaphore_mem>>) attributes {dimension_semantics = [#tpu.dimension_semantics<core_parallel>, #tpu.dimension_semantics<subcore_parallel>], iteration_bounds = array<i64: 2, 16>, scalar_prefetch = 0 : i64, scratch_operands = 3 : i64, tpu.core_type = #tpu.core_type<sc_vector_subcore>, window_params = [{transform_indices = #map}, {transform_indices = #map1}, {transform_indices = #map}]} {
    %mul3A = arith.constant 2 : i32
    %mul3A_0 = arith.muli %arg1, %mul3A : i32
    %add3A = arith.addi %mul3A_0, %arg0 : i32
    %scan3A = arith.constant 0 : i32
    %scan3A_1 = arith.constant 0 : i32
    %scan3A_2 = arith.constant 93 : i32
    %scan3A_3 = arith.addi %scan3A_1, %scan3A_2 : i32
    %scan3A_4 = arith.constant 1 : i32
    scf.for %scan3A_6 = %scan3A_1 to %scan3A_3 step %scan3A_4  : i32 {
      %mul3A_7 = arith.constant 11904 : i32
      %mul3A_8 = arith.muli %add3A, %mul3A_7 : i32
      %mul3A_9 = arith.constant 128 : i32
      %mul3A_10 = arith.muli %scan3A_6, %mul3A_9 : i32
      %add3A_11 = arith.addi %mul3A_8, %mul3A_10 : i32
      "tpu.region"() ({
        %run_scoped3A = tpu.sem_alloc : memref<!tpu.dma_semaphore, #tpu.memory_space<semaphore_mem>>
        %dma_start3A_16 = tpu.memref_slice %arg3[%add3A_11] : memref<380928xi32, #tpu.memory_space<hbm>> -> memref<128xi32, #tpu.memory_space<hbm>>
        %dma_start3A_17 = tpu.memref_slice %arg3[%add3A_11] : memref<380928xi32, #tpu.memory_space<hbm>> -> memref<128xi32, #tpu.memory_space<hbm>>
        tpu.enqueue_dma source(%dma_start3A_17 : memref<128xi32, #tpu.memory_space<hbm>>) target(%arg5 : memref<128xi32, #tpu.memory_space<vmem>>) target_semaphore(%run_scoped3A : memref<!tpu.dma_semaphore, #tpu.memory_space<semaphore_mem>>)
        %dma_wait3A_18 = tpu.memref_slice %arg3[%add3A_11] : memref<380928xi32, #tpu.memory_space<hbm>> -> memref<128xi32, #tpu.memory_space<hbm>>
        %dma_wait3A_19 = tpu.memref_slice %arg3[%add3A_11] : memref<380928xi32, #tpu.memory_space<hbm>> -> memref<128xi32, #tpu.memory_space<hbm>>
        tpu.wait_dma2 semaphore(%run_scoped3A : memref<!tpu.dma_semaphore, #tpu.memory_space<semaphore_mem>>) src(%dma_wait3A_19 : memref<128xi32, #tpu.memory_space<hbm>>) dst(%arg5 : memref<128xi32, #tpu.memory_space<vmem>>)
        tpu.yield
      }) : () -> ()
      %dma_start3A = arith.constant 0 : i32
      %dma_start3A_12 = arith.constant 0 : i32
      %dma_start3A_13 = tpu.memref_slice %arg2[%dma_start3A, %dma_start3A_12] : memref<10000x8xf32, #tpu.memory_space<hbm>> -> memref<10000x8xf32, #tpu.memory_space<hbm>>
      tpu.enqueue_indirect_dma source(%dma_start3A_13 : memref<10000x8xf32, #tpu.memory_space<hbm>>) target(%arg6 : memref<128x8xf32, #tpu.memory_space<vmem>>) offsets(%arg5 : memref<128xi32, #tpu.memory_space<vmem>>) semaphore(%arg7 : memref<!tpu.dma_semaphore, #tpu.memory_space<semaphore_mem>>)
      %dma_wait3A = arith.constant 0 : i32
      %dma_wait3A_14 = arith.constant 0 : i32
      %dma_wait3A_15 = tpu.memref_slice %arg2[%dma_wait3A, %dma_wait3A_14] : memref<10000x8xf32, #tpu.memory_space<hbm>> -> memref<10000x8xf32, #tpu.memory_space<hbm>>
      tpu.wait_indirect_dma semaphore(%arg7 : memref<!tpu.dma_semaphore, #tpu.memory_space<semaphore_mem>>) src(%dma_wait3A_15 : memref<10000x8xf32, #tpu.memory_space<hbm>>) dst(%arg6 : memref<128x8xf32, #tpu.memory_space<vmem>>)
      "tpu.region"() ({
        %run_scoped3A = tpu.sem_alloc : memref<!tpu.dma_semaphore, #tpu.memory_space<semaphore_mem>>
        %dma_start3A_16 = arith.constant 0 : i32
        %dma_start3A_17 = tpu.memref_slice %arg4[%add3A_11, %dma_start3A_16] : memref<380928x8xf32, #tpu.memory_space<hbm>> -> memref<128x8xf32, #tpu.memory_space<hbm>>
        %dma_start3A_18 = arith.constant 0 : i32
        %dma_start3A_19 = tpu.memref_slice %arg4[%add3A_11, %dma_start3A_18] : memref<380928x8xf32, #tpu.memory_space<hbm>> -> memref<128x8xf32, #tpu.memory_space<hbm>>
        tpu.enqueue_dma source(%arg6 : memref<128x8xf32, #tpu.memory_space<vmem>>) target(%dma_start3A_19 : memref<128x8xf32, #tpu.memory_space<hbm>>) target_semaphore(%run_scoped3A : memref<!tpu.dma_semaphore, #tpu.memory_space<semaphore_mem>>)
        %dma_wait3A_20 = arith.constant 0 : i32
        %dma_wait3A_21 = tpu.memref_slice %arg4[%add3A_11, %dma_wait3A_20] : memref<380928x8xf32, #tpu.memory_space<hbm>> -> memref<128x8xf32, #tpu.memory_space<hbm>>
        %dma_wait3A_22 = arith.constant 0 : i32
        %dma_wait3A_23 = tpu.memref_slice %arg4[%add3A_11, %dma_wait3A_22] : memref<380928x8xf32, #tpu.memory_space<hbm>> -> memref<128x8xf32, #tpu.memory_space<hbm>>
        tpu.wait_dma2 semaphore(%run_scoped3A : memref<!tpu.dma_semaphore, #tpu.memory_space<semaphore_mem>>) src(%arg6 : memref<128x8xf32, #tpu.memory_space<vmem>>) dst(%dma_wait3A_23 : memref<128x8xf32, #tpu.memory_space<hbm>>)
        tpu.yield
      }) : () -> ()
    }
    %scan3A_5 = arith.constant 93 : i32
    return
  }
}

#map = affine_map<(d0, d1) -> (0)>
#map1 = affine_map<(d0, d1) -> (0, 0)>
#map2 = affine_map<(d0, d1) -> (0, 0, 0)>
module attributes {stable_mosaic.version = 14 : i64} {
  func.func @body(%arg0: i32, %arg1: i32, %arg2: memref<61440xi32, #tpu.memory_space<hbm>>, %arg3: memref<61440x8xf32, #tpu.memory_space<hbm>>, %arg4: memref<625x8xf32, #tpu.memory_space<hbm>>, %arg5: memref<2x10000x8xf32, #tpu.memory_space<hbm>>, %arg6: memref<128xi32, #tpu.memory_space<vmem>>, %arg7: memref<128x8xf32, #tpu.memory_space<vmem>>, %arg8: memref<10000x8xf32, #tpu.memory_space<vmem_shared>>) attributes {dimension_semantics = [#tpu.dimension_semantics<core_parallel>, #tpu.dimension_semantics<subcore_parallel>], iteration_bounds = array<i64: 2, 16>, scalar_prefetch = 0 : i64, scratch_operands = 3 : i64, tpu.core_type = #tpu.core_type<sc_vector_subcore>, window_params = [{transform_indices = #map}, {transform_indices = #map1}, {transform_indices = #map1}, {transform_indices = #map2}]} {
    %mul3A = arith.constant 2 : i32
    %mul3A_0 = arith.muli %arg1, %mul3A : i32
    %add3A = arith.addi %mul3A_0, %arg0 : i32
    %mul3A_1 = arith.constant 625 : i32
    %mul3A_2 = arith.muli %arg1, %mul3A_1 : i32
    "tpu.region"() ({
      %run_scoped3A = tpu.sem_alloc : memref<!tpu.dma_semaphore, #tpu.memory_space<semaphore_mem>>
      %dma_start3A = arith.constant 0 : i32
      %dma_start3A_13 = tpu.memref_slice %arg8[%mul3A_2, %dma_start3A] : memref<10000x8xf32, #tpu.memory_space<vmem_shared>> -> memref<625x8xf32, #tpu.memory_space<vmem_shared>>
      tpu.enqueue_dma source(%arg4 : memref<625x8xf32, #tpu.memory_space<hbm>>) target(%dma_start3A_13 : memref<625x8xf32, #tpu.memory_space<vmem_shared>>) target_semaphore(%run_scoped3A : memref<!tpu.dma_semaphore, #tpu.memory_space<semaphore_mem>>)
      %dma_wait3A = arith.constant 0 : i32
      %dma_wait3A_14 = tpu.memref_slice %arg8[%mul3A_2, %dma_wait3A] : memref<10000x8xf32, #tpu.memory_space<vmem_shared>> -> memref<625x8xf32, #tpu.memory_space<vmem_shared>>
      tpu.wait_dma2 semaphore(%run_scoped3A : memref<!tpu.dma_semaphore, #tpu.memory_space<semaphore_mem>>) src(%arg4 : memref<625x8xf32, #tpu.memory_space<hbm>>) dst(%dma_wait3A_14 : memref<625x8xf32, #tpu.memory_space<vmem_shared>>)
      tpu.yield
    }) : () -> ()
    %barrier3A = arith.constant 0 : index
    tpu.barrier barrier_id(%barrier3A)
    %scan3A = arith.constant 0 : i32
    %scan3A_3 = arith.constant 0 : i32
    %scan3A_4 = arith.constant 15 : i32
    %scan3A_5 = arith.addi %scan3A_3, %scan3A_4 : i32
    %scan3A_6 = arith.constant 1 : i32
    scf.for %scan3A_13 = %scan3A_3 to %scan3A_5 step %scan3A_6  : i32 {
      %mul3A_14 = arith.constant 1920 : i32
      %mul3A_15 = arith.muli %add3A, %mul3A_14 : i32
      %mul3A_16 = arith.constant 128 : i32
      %mul3A_17 = arith.muli %scan3A_13, %mul3A_16 : i32
      %add3A_18 = arith.addi %mul3A_15, %mul3A_17 : i32
      "tpu.region"() ({
        %run_scoped3A = tpu.sem_alloc : memref<!tpu.dma_semaphore, #tpu.memory_space<semaphore_mem>>
        %dma_start3A = tpu.memref_slice %arg2[%add3A_18] : memref<61440xi32, #tpu.memory_space<hbm>> -> memref<128xi32, #tpu.memory_space<hbm>>
        %dma_start3A_19 = tpu.memref_slice %arg2[%add3A_18] : memref<61440xi32, #tpu.memory_space<hbm>> -> memref<128xi32, #tpu.memory_space<hbm>>
        tpu.enqueue_dma source(%dma_start3A_19 : memref<128xi32, #tpu.memory_space<hbm>>) target(%arg6 : memref<128xi32, #tpu.memory_space<vmem>>) target_semaphore(%run_scoped3A : memref<!tpu.dma_semaphore, #tpu.memory_space<semaphore_mem>>)
        %dma_wait3A = tpu.memref_slice %arg2[%add3A_18] : memref<61440xi32, #tpu.memory_space<hbm>> -> memref<128xi32, #tpu.memory_space<hbm>>
        %dma_wait3A_20 = tpu.memref_slice %arg2[%add3A_18] : memref<61440xi32, #tpu.memory_space<hbm>> -> memref<128xi32, #tpu.memory_space<hbm>>
        tpu.wait_dma2 semaphore(%run_scoped3A : memref<!tpu.dma_semaphore, #tpu.memory_space<semaphore_mem>>) src(%dma_wait3A_20 : memref<128xi32, #tpu.memory_space<hbm>>) dst(%arg6 : memref<128xi32, #tpu.memory_space<vmem>>)
        tpu.yield
      }) : () -> ()
      "tpu.region"() ({
        %run_scoped3A = tpu.sem_alloc : memref<!tpu.dma_semaphore, #tpu.memory_space<semaphore_mem>>
        %dma_start3A = arith.constant 0 : i32
        %dma_start3A_19 = tpu.memref_slice %arg3[%add3A_18, %dma_start3A] : memref<61440x8xf32, #tpu.memory_space<hbm>> -> memref<128x8xf32, #tpu.memory_space<hbm>>
        %dma_start3A_20 = arith.constant 0 : i32
        %dma_start3A_21 = tpu.memref_slice %arg3[%add3A_18, %dma_start3A_20] : memref<61440x8xf32, #tpu.memory_space<hbm>> -> memref<128x8xf32, #tpu.memory_space<hbm>>
        tpu.enqueue_dma source(%dma_start3A_21 : memref<128x8xf32, #tpu.memory_space<hbm>>) target(%arg7 : memref<128x8xf32, #tpu.memory_space<vmem>>) target_semaphore(%run_scoped3A : memref<!tpu.dma_semaphore, #tpu.memory_space<semaphore_mem>>)
        %dma_wait3A = arith.constant 0 : i32
        %dma_wait3A_22 = tpu.memref_slice %arg3[%add3A_18, %dma_wait3A] : memref<61440x8xf32, #tpu.memory_space<hbm>> -> memref<128x8xf32, #tpu.memory_space<hbm>>
        %dma_wait3A_23 = arith.constant 0 : i32
        %dma_wait3A_24 = tpu.memref_slice %arg3[%add3A_18, %dma_wait3A_23] : memref<61440x8xf32, #tpu.memory_space<hbm>> -> memref<128x8xf32, #tpu.memory_space<hbm>>
        tpu.wait_dma2 semaphore(%run_scoped3A : memref<!tpu.dma_semaphore, #tpu.memory_space<semaphore_mem>>) src(%dma_wait3A_24 : memref<128x8xf32, #tpu.memory_space<hbm>>) dst(%arg7 : memref<128x8xf32, #tpu.memory_space<vmem>>)
        tpu.yield
      }) : () -> ()
      "tpu.region"() ({
        %run_scoped3A = tpu.sem_alloc : memref<!tpu.dma_semaphore, #tpu.memory_space<semaphore_mem>>
        %dma_start3A = arith.constant 0 : i32
        %dma_start3A_19 = arith.constant 0 : i32
        %dma_start3A_20 = tpu.memref_slice %arg8[%dma_start3A, %dma_start3A_19] : memref<10000x8xf32, #tpu.memory_space<vmem_shared>> -> memref<10000x8xf32, #tpu.memory_space<vmem_shared>>
        tpu.enqueue_indirect_dma source(%arg7 : memref<128x8xf32, #tpu.memory_space<vmem>>) target(%dma_start3A_20 : memref<10000x8xf32, #tpu.memory_space<vmem_shared>>) offsets(%arg6 : memref<128xi32, #tpu.memory_space<vmem>>) semaphore(%run_scoped3A : memref<!tpu.dma_semaphore, #tpu.memory_space<semaphore_mem>>) {add = true}
        %dma_wait3A = arith.constant 0 : i32
        %dma_wait3A_21 = arith.constant 0 : i32
        %dma_wait3A_22 = tpu.memref_slice %arg8[%dma_wait3A, %dma_wait3A_21] : memref<10000x8xf32, #tpu.memory_space<vmem_shared>> -> memref<10000x8xf32, #tpu.memory_space<vmem_shared>>
        tpu.wait_indirect_dma semaphore(%run_scoped3A : memref<!tpu.dma_semaphore, #tpu.memory_space<semaphore_mem>>) src(%arg7 : memref<128x8xf32, #tpu.memory_space<vmem>>) dst(%dma_wait3A_22 : memref<10000x8xf32, #tpu.memory_space<vmem_shared>>)
        tpu.yield
      }) : () -> ()
    }
    %scan3A_7 = arith.constant 15 : i32
    %barrier3A_8 = arith.constant 0 : index
    tpu.barrier barrier_id(%barrier3A_8)
    %mul3A_9 = arith.constant 625 : i32
    %mul3A_10 = arith.muli %arg1, %mul3A_9 : i32
    %mul3A_11 = arith.constant 625 : i32
    %mul3A_12 = arith.muli %arg1, %mul3A_11 : i32
    "tpu.region"() ({
      %run_scoped3A = tpu.sem_alloc : memref<!tpu.dma_semaphore, #tpu.memory_space<semaphore_mem>>
      %dma_start3A = arith.constant 0 : i32
      %dma_start3A_13 = tpu.memref_slice %arg5[%arg0, %mul3A_12, %dma_start3A] : memref<2x10000x8xf32, #tpu.memory_space<hbm>> -> memref<1x625x8xf32, #tpu.memory_space<hbm>>
      %dma_start3A_14 = tpu.memref_squeeze %dma_start3A_13 : memref<1x625x8xf32, #tpu.memory_space<hbm>> -> memref<625x8xf32, #tpu.memory_space<hbm>>
      %dma_start3A_15 = arith.constant 0 : i32
      %dma_start3A_16 = tpu.memref_slice %arg8[%mul3A_10, %dma_start3A_15] : memref<10000x8xf32, #tpu.memory_space<vmem_shared>> -> memref<625x8xf32, #tpu.memory_space<vmem_shared>>
      tpu.enqueue_dma source(%dma_start3A_16 : memref<625x8xf32, #tpu.memory_space<vmem_shared>>) target(%dma_start3A_14 : memref<625x8xf32, #tpu.memory_space<hbm>>) target_semaphore(%run_scoped3A : memref<!tpu.dma_semaphore, #tpu.memory_space<semaphore_mem>>)
      %dma_wait3A = arith.constant 0 : i32
      %dma_wait3A_17 = tpu.memref_slice %arg5[%arg0, %mul3A_12, %dma_wait3A] : memref<2x10000x8xf32, #tpu.memory_space<hbm>> -> memref<1x625x8xf32, #tpu.memory_space<hbm>>
      %dma_wait3A_18 = tpu.memref_squeeze %dma_wait3A_17 : memref<1x625x8xf32, #tpu.memory_space<hbm>> -> memref<625x8xf32, #tpu.memory_space<hbm>>
      %dma_wait3A_19 = arith.constant 0 : i32
      %dma_wait3A_20 = tpu.memref_slice %arg8[%mul3A_10, %dma_wait3A_19] : memref<10000x8xf32, #tpu.memory_space<vmem_shared>> -> memref<625x8xf32, #tpu.memory_space<vmem_shared>>
      tpu.wait_dma2 semaphore(%run_scoped3A : memref<!tpu.dma_semaphore, #tpu.memory_space<semaphore_mem>>) src(%dma_wait3A_20 : memref<625x8xf32, #tpu.memory_space<vmem_shared>>) dst(%dma_wait3A_18 : memref<625x8xf32, #tpu.memory_space<hbm>>)
      tpu.yield
    }) : () -> ()
    return
  }
}

#map = affine_map<(d0, d1) -> (0)>
#map1 = affine_map<(d0, d1) -> (0, 0)>
#map2 = affine_map<(d0, d1) -> (0, 0, 0)>
module attributes {stable_mosaic.version = 14 : i64} {
  func.func @body(%arg0: i32, %arg1: i32, %arg2: memref<163840xi32, #tpu.memory_space<hbm>>, %arg3: memref<163840x8xf32, #tpu.memory_space<hbm>>, %arg4: memref<625x8xf32, #tpu.memory_space<hbm>>, %arg5: memref<2x10000x8xf32, #tpu.memory_space<hbm>>, %arg6: memref<128xi32, #tpu.memory_space<vmem>>, %arg7: memref<128x8xf32, #tpu.memory_space<vmem>>, %arg8: memref<10000x8xf32, #tpu.memory_space<vmem_shared>>) attributes {dimension_semantics = [#tpu.dimension_semantics<core_parallel>, #tpu.dimension_semantics<subcore_parallel>], iteration_bounds = array<i64: 2, 16>, scalar_prefetch = 0 : i64, scratch_operands = 3 : i64, tpu.core_type = #tpu.core_type<sc_vector_subcore>, window_params = [{transform_indices = #map}, {transform_indices = #map1}, {transform_indices = #map1}, {transform_indices = #map2}]} {
    %mul3A = arith.constant 2 : i32
    %mul3A_0 = arith.muli %arg1, %mul3A : i32
    %add3A = arith.addi %mul3A_0, %arg0 : i32
    %mul3A_1 = arith.constant 625 : i32
    %mul3A_2 = arith.muli %arg1, %mul3A_1 : i32
    "tpu.region"() ({
      %run_scoped3A = tpu.sem_alloc : memref<!tpu.dma_semaphore, #tpu.memory_space<semaphore_mem>>
      %dma_start3A = arith.constant 0 : i32
      %dma_start3A_13 = tpu.memref_slice %arg8[%mul3A_2, %dma_start3A] : memref<10000x8xf32, #tpu.memory_space<vmem_shared>> -> memref<625x8xf32, #tpu.memory_space<vmem_shared>>
      tpu.enqueue_dma source(%arg4 : memref<625x8xf32, #tpu.memory_space<hbm>>) target(%dma_start3A_13 : memref<625x8xf32, #tpu.memory_space<vmem_shared>>) target_semaphore(%run_scoped3A : memref<!tpu.dma_semaphore, #tpu.memory_space<semaphore_mem>>)
      %dma_wait3A = arith.constant 0 : i32
      %dma_wait3A_14 = tpu.memref_slice %arg8[%mul3A_2, %dma_wait3A] : memref<10000x8xf32, #tpu.memory_space<vmem_shared>> -> memref<625x8xf32, #tpu.memory_space<vmem_shared>>
      tpu.wait_dma2 semaphore(%run_scoped3A : memref<!tpu.dma_semaphore, #tpu.memory_space<semaphore_mem>>) src(%arg4 : memref<625x8xf32, #tpu.memory_space<hbm>>) dst(%dma_wait3A_14 : memref<625x8xf32, #tpu.memory_space<vmem_shared>>)
      tpu.yield
    }) : () -> ()
    %barrier3A = arith.constant 0 : index
    tpu.barrier barrier_id(%barrier3A)
    %scan3A = arith.constant 0 : i32
    %scan3A_3 = arith.constant 0 : i32
    %scan3A_4 = arith.constant 40 : i32
    %scan3A_5 = arith.addi %scan3A_3, %scan3A_4 : i32
    %scan3A_6 = arith.constant 1 : i32
    scf.for %scan3A_13 = %scan3A_3 to %scan3A_5 step %scan3A_6  : i32 {
      %mul3A_14 = arith.constant 5120 : i32
      %mul3A_15 = arith.muli %add3A, %mul3A_14 : i32
      %mul3A_16 = arith.constant 128 : i32
      %mul3A_17 = arith.muli %scan3A_13, %mul3A_16 : i32
      %add3A_18 = arith.addi %mul3A_15, %mul3A_17 : i32
      "tpu.region"() ({
        %run_scoped3A = tpu.sem_alloc : memref<!tpu.dma_semaphore, #tpu.memory_space<semaphore_mem>>
        %dma_start3A = tpu.memref_slice %arg2[%add3A_18] : memref<163840xi32, #tpu.memory_space<hbm>> -> memref<128xi32, #tpu.memory_space<hbm>>
        %dma_start3A_19 = tpu.memref_slice %arg2[%add3A_18] : memref<163840xi32, #tpu.memory_space<hbm>> -> memref<128xi32, #tpu.memory_space<hbm>>
        tpu.enqueue_dma source(%dma_start3A_19 : memref<128xi32, #tpu.memory_space<hbm>>) target(%arg6 : memref<128xi32, #tpu.memory_space<vmem>>) target_semaphore(%run_scoped3A : memref<!tpu.dma_semaphore, #tpu.memory_space<semaphore_mem>>)
        %dma_wait3A = tpu.memref_slice %arg2[%add3A_18] : memref<163840xi32, #tpu.memory_space<hbm>> -> memref<128xi32, #tpu.memory_space<hbm>>
        %dma_wait3A_20 = tpu.memref_slice %arg2[%add3A_18] : memref<163840xi32, #tpu.memory_space<hbm>> -> memref<128xi32, #tpu.memory_space<hbm>>
        tpu.wait_dma2 semaphore(%run_scoped3A : memref<!tpu.dma_semaphore, #tpu.memory_space<semaphore_mem>>) src(%dma_wait3A_20 : memref<128xi32, #tpu.memory_space<hbm>>) dst(%arg6 : memref<128xi32, #tpu.memory_space<vmem>>)
        tpu.yield
      }) : () -> ()
      "tpu.region"() ({
        %run_scoped3A = tpu.sem_alloc : memref<!tpu.dma_semaphore, #tpu.memory_space<semaphore_mem>>
        %dma_start3A = arith.constant 0 : i32
        %dma_start3A_19 = tpu.memref_slice %arg3[%add3A_18, %dma_start3A] : memref<163840x8xf32, #tpu.memory_space<hbm>> -> memref<128x8xf32, #tpu.memory_space<hbm>>
        %dma_start3A_20 = arith.constant 0 : i32
        %dma_start3A_21 = tpu.memref_slice %arg3[%add3A_18, %dma_start3A_20] : memref<163840x8xf32, #tpu.memory_space<hbm>> -> memref<128x8xf32, #tpu.memory_space<hbm>>
        tpu.enqueue_dma source(%dma_start3A_21 : memref<128x8xf32, #tpu.memory_space<hbm>>) target(%arg7 : memref<128x8xf32, #tpu.memory_space<vmem>>) target_semaphore(%run_scoped3A : memref<!tpu.dma_semaphore, #tpu.memory_space<semaphore_mem>>)
        %dma_wait3A = arith.constant 0 : i32
        %dma_wait3A_22 = tpu.memref_slice %arg3[%add3A_18, %dma_wait3A] : memref<163840x8xf32, #tpu.memory_space<hbm>> -> memref<128x8xf32, #tpu.memory_space<hbm>>
        %dma_wait3A_23 = arith.constant 0 : i32
        %dma_wait3A_24 = tpu.memref_slice %arg3[%add3A_18, %dma_wait3A_23] : memref<163840x8xf32, #tpu.memory_space<hbm>> -> memref<128x8xf32, #tpu.memory_space<hbm>>
        tpu.wait_dma2 semaphore(%run_scoped3A : memref<!tpu.dma_semaphore, #tpu.memory_space<semaphore_mem>>) src(%dma_wait3A_24 : memref<128x8xf32, #tpu.memory_space<hbm>>) dst(%arg7 : memref<128x8xf32, #tpu.memory_space<vmem>>)
        tpu.yield
      }) : () -> ()
      "tpu.region"() ({
        %run_scoped3A = tpu.sem_alloc : memref<!tpu.dma_semaphore, #tpu.memory_space<semaphore_mem>>
        %dma_start3A = arith.constant 0 : i32
        %dma_start3A_19 = arith.constant 0 : i32
        %dma_start3A_20 = tpu.memref_slice %arg8[%dma_start3A, %dma_start3A_19] : memref<10000x8xf32, #tpu.memory_space<vmem_shared>> -> memref<10000x8xf32, #tpu.memory_space<vmem_shared>>
        tpu.enqueue_indirect_dma source(%arg7 : memref<128x8xf32, #tpu.memory_space<vmem>>) target(%dma_start3A_20 : memref<10000x8xf32, #tpu.memory_space<vmem_shared>>) offsets(%arg6 : memref<128xi32, #tpu.memory_space<vmem>>) semaphore(%run_scoped3A : memref<!tpu.dma_semaphore, #tpu.memory_space<semaphore_mem>>) {add = true}
        %dma_wait3A = arith.constant 0 : i32
        %dma_wait3A_21 = arith.constant 0 : i32
        %dma_wait3A_22 = tpu.memref_slice %arg8[%dma_wait3A, %dma_wait3A_21] : memref<10000x8xf32, #tpu.memory_space<vmem_shared>> -> memref<10000x8xf32, #tpu.memory_space<vmem_shared>>
        tpu.wait_indirect_dma semaphore(%run_scoped3A : memref<!tpu.dma_semaphore, #tpu.memory_space<semaphore_mem>>) src(%arg7 : memref<128x8xf32, #tpu.memory_space<vmem>>) dst(%dma_wait3A_22 : memref<10000x8xf32, #tpu.memory_space<vmem_shared>>)
        tpu.yield
      }) : () -> ()
    }
    %scan3A_7 = arith.constant 40 : i32
    %barrier3A_8 = arith.constant 0 : index
    tpu.barrier barrier_id(%barrier3A_8)
    %mul3A_9 = arith.constant 625 : i32
    %mul3A_10 = arith.muli %arg1, %mul3A_9 : i32
    %mul3A_11 = arith.constant 625 : i32
    %mul3A_12 = arith.muli %arg1, %mul3A_11 : i32
    "tpu.region"() ({
      %run_scoped3A = tpu.sem_alloc : memref<!tpu.dma_semaphore, #tpu.memory_space<semaphore_mem>>
      %dma_start3A = arith.constant 0 : i32
      %dma_start3A_13 = tpu.memref_slice %arg5[%arg0, %mul3A_12, %dma_start3A] : memref<2x10000x8xf32, #tpu.memory_space<hbm>> -> memref<1x625x8xf32, #tpu.memory_space<hbm>>
      %dma_start3A_14 = tpu.memref_squeeze %dma_start3A_13 : memref<1x625x8xf32, #tpu.memory_space<hbm>> -> memref<625x8xf32, #tpu.memory_space<hbm>>
      %dma_start3A_15 = arith.constant 0 : i32
      %dma_start3A_16 = tpu.memref_slice %arg8[%mul3A_10, %dma_start3A_15] : memref<10000x8xf32, #tpu.memory_space<vmem_shared>> -> memref<625x8xf32, #tpu.memory_space<vmem_shared>>
      tpu.enqueue_dma source(%dma_start3A_16 : memref<625x8xf32, #tpu.memory_space<vmem_shared>>) target(%dma_start3A_14 : memref<625x8xf32, #tpu.memory_space<hbm>>) target_semaphore(%run_scoped3A : memref<!tpu.dma_semaphore, #tpu.memory_space<semaphore_mem>>)
      %dma_wait3A = arith.constant 0 : i32
      %dma_wait3A_17 = tpu.memref_slice %arg5[%arg0, %mul3A_12, %dma_wait3A] : memref<2x10000x8xf32, #tpu.memory_space<hbm>> -> memref<1x625x8xf32, #tpu.memory_space<hbm>>
      %dma_wait3A_18 = tpu.memref_squeeze %dma_wait3A_17 : memref<1x625x8xf32, #tpu.memory_space<hbm>> -> memref<625x8xf32, #tpu.memory_space<hbm>>
      %dma_wait3A_19 = arith.constant 0 : i32
      %dma_wait3A_20 = tpu.memref_slice %arg8[%mul3A_10, %dma_wait3A_19] : memref<10000x8xf32, #tpu.memory_space<vmem_shared>> -> memref<625x8xf32, #tpu.memory_space<vmem_shared>>
      tpu.wait_dma2 semaphore(%run_scoped3A : memref<!tpu.dma_semaphore, #tpu.memory_space<semaphore_mem>>) src(%dma_wait3A_20 : memref<625x8xf32, #tpu.memory_space<vmem_shared>>) dst(%dma_wait3A_18 : memref<625x8xf32, #tpu.memory_space<hbm>>)
      tpu.yield
    }) : () -> ()
    return
  }
}

#map = affine_map<(d0, d1) -> (0, 0)>
#map1 = affine_map<(d0, d1) -> (0)>
#map2 = affine_map<(d0, d1) -> (0, 0, 0)>
module attributes {stable_mosaic.version = 14 : i64} {
  func.func @body(%arg0: i32, %arg1: i32, %arg2: memref<200000x128xf32, #tpu.memory_space<hbm>>, %arg3: memref<163840xi32, #tpu.memory_space<hbm>>, %arg4: memref<163840xi32, #tpu.memory_space<hbm>>, %arg5: memref<163840x16xf32, #tpu.memory_space<hbm>>, %arg6: memref<163840x16xf32, #tpu.memory_space<hbm>>, %arg7: memref<163840xi32, #tpu.memory_space<hbm>>, %arg8: memref<625x128xf32, #tpu.memory_space<hbm>>, %arg9: memref<2x10000x128xf32, #tpu.memory_space<hbm>>, %arg10: memref<128xi32, #tpu.memory_space<vmem>>, %arg11: memref<128xi32, #tpu.memory_space<vmem>>, %arg12: memref<128xi32, #tpu.memory_space<vmem>>, %arg13: memref<128x16xf32, #tpu.memory_space<vmem>>, %arg14: memref<128x16xf32, #tpu.memory_space<vmem>>, %arg15: memref<128x128xf32, #tpu.memory_space<vmem>>, %arg16: memref<128x128xf32, #tpu.memory_space<vmem>>, %arg17: memref<10000x128xf32, #tpu.memory_space<vmem_shared>>, %arg18: memref<!tpu.dma_semaphore, #tpu.memory_space<semaphore_mem>>, %arg19: memref<!tpu.dma_semaphore, #tpu.memory_space<semaphore_mem>>) attributes {dimension_semantics = [#tpu.dimension_semantics<core_parallel>, #tpu.dimension_semantics<subcore_parallel>], iteration_bounds = array<i64: 2, 16>, scalar_prefetch = 0 : i64, scratch_operands = 10 : i64, tpu.core_type = #tpu.core_type<sc_vector_subcore>, window_params = [{transform_indices = #map}, {transform_indices = #map1}, {transform_indices = #map1}, {transform_indices = #map}, {transform_indices = #map}, {transform_indices = #map1}, {transform_indices = #map}, {transform_indices = #map2}]} {
    %mul3A = arith.constant 2 : i32
    %mul3A_0 = arith.muli %arg1, %mul3A : i32
    %add3A = arith.addi %mul3A_0, %arg0 : i32
    %mul3A_1 = arith.constant 625 : i32
    %mul3A_2 = arith.muli %arg1, %mul3A_1 : i32
    "tpu.region"() ({
      %run_scoped3A = tpu.sem_alloc : memref<!tpu.dma_semaphore, #tpu.memory_space<semaphore_mem>>
      %dma_start3A = arith.constant 0 : i32
      %dma_start3A_13 = tpu.memref_slice %arg17[%mul3A_2, %dma_start3A] : memref<10000x128xf32, #tpu.memory_space<vmem_shared>> -> memref<625x128xf32, #tpu.memory_space<vmem_shared>>
      tpu.enqueue_dma source(%arg8 : memref<625x128xf32, #tpu.memory_space<hbm>>) target(%dma_start3A_13 : memref<625x128xf32, #tpu.memory_space<vmem_shared>>) target_semaphore(%run_scoped3A : memref<!tpu.dma_semaphore, #tpu.memory_space<semaphore_mem>>)
      %dma_wait3A = arith.constant 0 : i32
      %dma_wait3A_14 = tpu.memref_slice %arg17[%mul3A_2, %dma_wait3A] : memref<10000x128xf32, #tpu.memory_space<vmem_shared>> -> memref<625x128xf32, #tpu.memory_space<vmem_shared>>
      tpu.wait_dma2 semaphore(%run_scoped3A : memref<!tpu.dma_semaphore, #tpu.memory_space<semaphore_mem>>) src(%arg8 : memref<625x128xf32, #tpu.memory_space<hbm>>) dst(%dma_wait3A_14 : memref<625x128xf32, #tpu.memory_space<vmem_shared>>)
      tpu.yield
    }) : () -> ()
    %barrier3A = arith.constant 0 : index
    tpu.barrier barrier_id(%barrier3A)
    %scan3A = arith.constant 0 : i32
    %scan3A_3 = arith.constant 0 : i32
    %scan3A_4 = arith.constant 40 : i32
    %scan3A_5 = arith.addi %scan3A_3, %scan3A_4 : i32
    %scan3A_6 = arith.constant 1 : i32
    scf.for %scan3A_13 = %scan3A_3 to %scan3A_5 step %scan3A_6  : i32 {
      %mul3A_14 = arith.constant 5120 : i32
      %mul3A_15 = arith.muli %add3A, %mul3A_14 : i32
      %mul3A_16 = arith.constant 128 : i32
      %mul3A_17 = arith.muli %scan3A_13, %mul3A_16 : i32
      %add3A_18 = arith.addi %mul3A_15, %mul3A_17 : i32
      "tpu.region"() ({
        %run_scoped3A = tpu.sem_alloc : memref<!tpu.dma_semaphore, #tpu.memory_space<semaphore_mem>>
        %dma_start3A_35 = tpu.memref_slice %arg3[%add3A_18] : memref<163840xi32, #tpu.memory_space<hbm>> -> memref<128xi32, #tpu.memory_space<hbm>>
        %dma_start3A_36 = tpu.memref_slice %arg3[%add3A_18] : memref<163840xi32, #tpu.memory_space<hbm>> -> memref<128xi32, #tpu.memory_space<hbm>>
        tpu.enqueue_dma source(%dma_start3A_36 : memref<128xi32, #tpu.memory_space<hbm>>) target(%arg10 : memref<128xi32, #tpu.memory_space<vmem>>) target_semaphore(%run_scoped3A : memref<!tpu.dma_semaphore, #tpu.memory_space<semaphore_mem>>)
        %dma_wait3A_37 = tpu.memref_slice %arg3[%add3A_18] : memref<163840xi32, #tpu.memory_space<hbm>> -> memref<128xi32, #tpu.memory_space<hbm>>
        %dma_wait3A_38 = tpu.memref_slice %arg3[%add3A_18] : memref<163840xi32, #tpu.memory_space<hbm>> -> memref<128xi32, #tpu.memory_space<hbm>>
        tpu.wait_dma2 semaphore(%run_scoped3A : memref<!tpu.dma_semaphore, #tpu.memory_space<semaphore_mem>>) src(%dma_wait3A_38 : memref<128xi32, #tpu.memory_space<hbm>>) dst(%arg10 : memref<128xi32, #tpu.memory_space<vmem>>)
        tpu.yield
      }) : () -> ()
      "tpu.region"() ({
        %run_scoped3A = tpu.sem_alloc : memref<!tpu.dma_semaphore, #tpu.memory_space<semaphore_mem>>
        %dma_start3A_35 = tpu.memref_slice %arg4[%add3A_18] : memref<163840xi32, #tpu.memory_space<hbm>> -> memref<128xi32, #tpu.memory_space<hbm>>
        %dma_start3A_36 = tpu.memref_slice %arg4[%add3A_18] : memref<163840xi32, #tpu.memory_space<hbm>> -> memref<128xi32, #tpu.memory_space<hbm>>
        tpu.enqueue_dma source(%dma_start3A_36 : memref<128xi32, #tpu.memory_space<hbm>>) target(%arg11 : memref<128xi32, #tpu.memory_space<vmem>>) target_semaphore(%run_scoped3A : memref<!tpu.dma_semaphore, #tpu.memory_space<semaphore_mem>>)
        %dma_wait3A_37 = tpu.memref_slice %arg4[%add3A_18] : memref<163840xi32, #tpu.memory_space<hbm>> -> memref<128xi32, #tpu.memory_space<hbm>>
        %dma_wait3A_38 = tpu.memref_slice %arg4[%add3A_18] : memref<163840xi32, #tpu.memory_space<hbm>> -> memref<128xi32, #tpu.memory_space<hbm>>
        tpu.wait_dma2 semaphore(%run_scoped3A : memref<!tpu.dma_semaphore, #tpu.memory_space<semaphore_mem>>) src(%dma_wait3A_38 : memref<128xi32, #tpu.memory_space<hbm>>) dst(%arg11 : memref<128xi32, #tpu.memory_space<vmem>>)
        tpu.yield
      }) : () -> ()
      "tpu.region"() ({
        %run_scoped3A = tpu.sem_alloc : memref<!tpu.dma_semaphore, #tpu.memory_space<semaphore_mem>>
        %dma_start3A_35 = arith.constant 0 : i32
        %dma_start3A_36 = tpu.memref_slice %arg5[%add3A_18, %dma_start3A_35] : memref<163840x16xf32, #tpu.memory_space<hbm>> -> memref<128x16xf32, #tpu.memory_space<hbm>>
        %dma_start3A_37 = arith.constant 0 : i32
        %dma_start3A_38 = tpu.memref_slice %arg5[%add3A_18, %dma_start3A_37] : memref<163840x16xf32, #tpu.memory_space<hbm>> -> memref<128x16xf32, #tpu.memory_space<hbm>>
        tpu.enqueue_dma source(%dma_start3A_38 : memref<128x16xf32, #tpu.memory_space<hbm>>) target(%arg13 : memref<128x16xf32, #tpu.memory_space<vmem>>) target_semaphore(%run_scoped3A : memref<!tpu.dma_semaphore, #tpu.memory_space<semaphore_mem>>)
        %dma_wait3A_39 = arith.constant 0 : i32
        %dma_wait3A_40 = tpu.memref_slice %arg5[%add3A_18, %dma_wait3A_39] : memref<163840x16xf32, #tpu.memory_space<hbm>> -> memref<128x16xf32, #tpu.memory_space<hbm>>
        %dma_wait3A_41 = arith.constant 0 : i32
        %dma_wait3A_42 = tpu.memref_slice %arg5[%add3A_18, %dma_wait3A_41] : memref<163840x16xf32, #tpu.memory_space<hbm>> -> memref<128x16xf32, #tpu.memory_space<hbm>>
        tpu.wait_dma2 semaphore(%run_scoped3A : memref<!tpu.dma_semaphore, #tpu.memory_space<semaphore_mem>>) src(%dma_wait3A_42 : memref<128x16xf32, #tpu.memory_space<hbm>>) dst(%arg13 : memref<128x16xf32, #tpu.memory_space<vmem>>)
        tpu.yield
      }) : () -> ()
      "tpu.region"() ({
        %run_scoped3A = tpu.sem_alloc : memref<!tpu.dma_semaphore, #tpu.memory_space<semaphore_mem>>
        %dma_start3A_35 = arith.constant 0 : i32
        %dma_start3A_36 = tpu.memref_slice %arg6[%add3A_18, %dma_start3A_35] : memref<163840x16xf32, #tpu.memory_space<hbm>> -> memref<128x16xf32, #tpu.memory_space<hbm>>
        %dma_start3A_37 = arith.constant 0 : i32
        %dma_start3A_38 = tpu.memref_slice %arg6[%add3A_18, %dma_start3A_37] : memref<163840x16xf32, #tpu.memory_space<hbm>> -> memref<128x16xf32, #tpu.memory_space<hbm>>
        tpu.enqueue_dma source(%dma_start3A_38 : memref<128x16xf32, #tpu.memory_space<hbm>>) target(%arg14 : memref<128x16xf32, #tpu.memory_space<vmem>>) target_semaphore(%run_scoped3A : memref<!tpu.dma_semaphore, #tpu.memory_space<semaphore_mem>>)
        %dma_wait3A_39 = arith.constant 0 : i32
        %dma_wait3A_40 = tpu.memref_slice %arg6[%add3A_18, %dma_wait3A_39] : memref<163840x16xf32, #tpu.memory_space<hbm>> -> memref<128x16xf32, #tpu.memory_space<hbm>>
        %dma_wait3A_41 = arith.constant 0 : i32
        %dma_wait3A_42 = tpu.memref_slice %arg6[%add3A_18, %dma_wait3A_41] : memref<163840x16xf32, #tpu.memory_space<hbm>> -> memref<128x16xf32, #tpu.memory_space<hbm>>
        tpu.wait_dma2 semaphore(%run_scoped3A : memref<!tpu.dma_semaphore, #tpu.memory_space<semaphore_mem>>) src(%dma_wait3A_42 : memref<128x16xf32, #tpu.memory_space<hbm>>) dst(%arg14 : memref<128x16xf32, #tpu.memory_space<vmem>>)
        tpu.yield
      }) : () -> ()
      "tpu.region"() ({
        %run_scoped3A = tpu.sem_alloc : memref<!tpu.dma_semaphore, #tpu.memory_space<semaphore_mem>>
        %dma_start3A_35 = tpu.memref_slice %arg7[%add3A_18] : memref<163840xi32, #tpu.memory_space<hbm>> -> memref<128xi32, #tpu.memory_space<hbm>>
        %dma_start3A_36 = tpu.memref_slice %arg7[%add3A_18] : memref<163840xi32, #tpu.memory_space<hbm>> -> memref<128xi32, #tpu.memory_space<hbm>>
        tpu.enqueue_dma source(%dma_start3A_36 : memref<128xi32, #tpu.memory_space<hbm>>) target(%arg12 : memref<128xi32, #tpu.memory_space<vmem>>) target_semaphore(%run_scoped3A : memref<!tpu.dma_semaphore, #tpu.memory_space<semaphore_mem>>)
        %dma_wait3A_37 = tpu.memref_slice %arg7[%add3A_18] : memref<163840xi32, #tpu.memory_space<hbm>> -> memref<128xi32, #tpu.memory_space<hbm>>
        %dma_wait3A_38 = tpu.memref_slice %arg7[%add3A_18] : memref<163840xi32, #tpu.memory_space<hbm>> -> memref<128xi32, #tpu.memory_space<hbm>>
        tpu.wait_dma2 semaphore(%run_scoped3A : memref<!tpu.dma_semaphore, #tpu.memory_space<semaphore_mem>>) src(%dma_wait3A_38 : memref<128xi32, #tpu.memory_space<hbm>>) dst(%arg12 : memref<128xi32, #tpu.memory_space<vmem>>)
        tpu.yield
      }) : () -> ()
      %dma_start3A = arith.constant 0 : i32
      %dma_start3A_19 = arith.constant 0 : i32
      %dma_start3A_20 = tpu.memref_slice %arg2[%dma_start3A, %dma_start3A_19] : memref<200000x128xf32, #tpu.memory_space<hbm>> -> memref<200000x128xf32, #tpu.memory_space<hbm>>
      tpu.enqueue_indirect_dma source(%dma_start3A_20 : memref<200000x128xf32, #tpu.memory_space<hbm>>) target(%arg15 : memref<128x128xf32, #tpu.memory_space<vmem>>) offsets(%arg10 : memref<128xi32, #tpu.memory_space<vmem>>) semaphore(%arg18 : memref<!tpu.dma_semaphore, #tpu.memory_space<semaphore_mem>>)
      %dma_start3A_21 = arith.constant 0 : i32
      %dma_start3A_22 = arith.constant 0 : i32
      %dma_start3A_23 = tpu.memref_slice %arg2[%dma_start3A_21, %dma_start3A_22] : memref<200000x128xf32, #tpu.memory_space<hbm>> -> memref<200000x128xf32, #tpu.memory_space<hbm>>
      tpu.enqueue_indirect_dma source(%dma_start3A_23 : memref<200000x128xf32, #tpu.memory_space<hbm>>) target(%arg16 : memref<128x128xf32, #tpu.memory_space<vmem>>) offsets(%arg11 : memref<128xi32, #tpu.memory_space<vmem>>) semaphore(%arg19 : memref<!tpu.dma_semaphore, #tpu.memory_space<semaphore_mem>>)
      %dma_wait3A = arith.constant 0 : i32
      %dma_wait3A_24 = arith.constant 0 : i32
      %dma_wait3A_25 = tpu.memref_slice %arg2[%dma_wait3A, %dma_wait3A_24] : memref<200000x128xf32, #tpu.memory_space<hbm>> -> memref<200000x128xf32, #tpu.memory_space<hbm>>
      tpu.wait_indirect_dma semaphore(%arg18 : memref<!tpu.dma_semaphore, #tpu.memory_space<semaphore_mem>>) src(%dma_wait3A_25 : memref<200000x128xf32, #tpu.memory_space<hbm>>) dst(%arg15 : memref<128x128xf32, #tpu.memory_space<vmem>>)
      %dma_wait3A_26 = arith.constant 0 : i32
      %dma_wait3A_27 = arith.constant 0 : i32
      %dma_wait3A_28 = tpu.memref_slice %arg2[%dma_wait3A_26, %dma_wait3A_27] : memref<200000x128xf32, #tpu.memory_space<hbm>> -> memref<200000x128xf32, #tpu.memory_space<hbm>>
      tpu.wait_indirect_dma semaphore(%arg19 : memref<!tpu.dma_semaphore, #tpu.memory_space<semaphore_mem>>) src(%dma_wait3A_28 : memref<200000x128xf32, #tpu.memory_space<hbm>>) dst(%arg16 : memref<128x128xf32, #tpu.memory_space<vmem>>)
      %scan3A_29 = arith.constant 0 : i32
      %scan3A_30 = arith.constant 0 : i32
      %scan3A_31 = arith.constant 128 : i32
      %scan3A_32 = arith.addi %scan3A_30, %scan3A_31 : i32
      %scan3A_33 = arith.constant 1 : i32
      scf.for %scan3A_35 = %scan3A_30 to %scan3A_32 step %scan3A_33  : i32 {
        %get3A = arith.index_cast %scan3A_35 : i32 to index
        %get3A_36 = arith.constant 0 : index
        %get3A_37 = tpu.vector_load %arg13[%get3A, %get3A_36] {strides = array<i32>} : memref<128x16xf32, #tpu.memory_space<vmem>>, vector<1x16xf32>,
        %get3A_38 = vector.shape_cast %get3A_37 : vector<1x16xf32> to vector<16xf32>
        %get3A_39 = arith.index_cast %scan3A_35 : i32 to index
        %get3A_40 = arith.constant 0 : index
        %get3A_41 = tpu.vector_load %arg14[%get3A_39, %get3A_40] {strides = array<i32>} : memref<128x16xf32, #tpu.memory_space<vmem>>, vector<1x16xf32>,
        %get3A_42 = vector.shape_cast %get3A_41 : vector<1x16xf32> to vector<16xf32>
        %get3A_43 = arith.index_cast %scan3A_35 : i32 to index
        %get3A_44 = arith.constant 0 : index
        %get3A_45 = tpu.vector_load %arg15[%get3A_43, %get3A_44] {strides = array<i32>} : memref<128x128xf32, #tpu.memory_space<vmem>>, vector<1x16xf32>,
        %get3A_46 = vector.shape_cast %get3A_45 : vector<1x16xf32> to vector<16xf32>
        %mul3A_47 = arith.mulf %get3A_38, %get3A_46 : vector<16xf32>
        %get3A_48 = arith.index_cast %scan3A_35 : i32 to index
        %get3A_49 = arith.constant 0 : index
        %get3A_50 = tpu.vector_load %arg16[%get3A_48, %get3A_49] {strides = array<i32>} : memref<128x128xf32, #tpu.memory_space<vmem>>, vector<1x16xf32>,
        %get3A_51 = vector.shape_cast %get3A_50 : vector<1x16xf32> to vector<16xf32>
        %mul3A_52 = arith.mulf %get3A_42, %get3A_51 : vector<16xf32>
        %add3A_53 = arith.addf %mul3A_47, %mul3A_52 : vector<16xf32>
        %swap3A = arith.index_cast %scan3A_35 : i32 to index
        %swap3A_54 = arith.constant 0 : index
        %swap3A_55 = tpu.vector_load %arg15[%swap3A, %swap3A_54] {strides = array<i32>} : memref<128x128xf32, #tpu.memory_space<vmem>>, vector<1x16xf32>,
        %swap3A_56 = vector.shape_cast %swap3A_55 : vector<1x16xf32> to vector<16xf32>
        %swap3A_57 = vector.shape_cast %add3A_53 : vector<16xf32> to vector<1x16xf32>
        tpu.vector_store %arg15[%swap3A, %swap3A_54], %swap3A_57 {strides = array<i32>} : memref<128x128xf32, #tpu.memory_space<vmem>>, vector<1x16xf32>,
        %get3A_58 = arith.index_cast %scan3A_35 : i32 to index
        %get3A_59 = arith.constant 16 : index
        %get3A_60 = tpu.vector_load %arg15[%get3A_58, %get3A_59] {strides = array<i32>} : memref<128x128xf32, #tpu.memory_space<vmem>>, vector<1x16xf32>,
        %get3A_61 = vector.shape_cast %get3A_60 : vector<1x16xf32> to vector<16xf32>
        %mul3A_62 = arith.mulf %get3A_38, %get3A_61 : vector<16xf32>
        %get3A_63 = arith.index_cast %scan3A_35 : i32 to index
        %get3A_64 = arith.constant 16 : index
        %get3A_65 = tpu.vector_load %arg16[%get3A_63, %get3A_64] {strides = array<i32>} : memref<128x128xf32, #tpu.memory_space<vmem>>, vector<1x16xf32>,
        %get3A_66 = vector.shape_cast %get3A_65 : vector<1x16xf32> to vector<16xf32>
        %mul3A_67 = arith.mulf %get3A_42, %get3A_66 : vector<16xf32>
        %add3A_68 = arith.addf %mul3A_62, %mul3A_67 : vector<16xf32>
        %swap3A_69 = arith.index_cast %scan3A_35 : i32 to index
        %swap3A_70 = arith.constant 16 : index
        %swap3A_71 = tpu.vector_load %arg15[%swap3A_69, %swap3A_70] {strides = array<i32>} : memref<128x128xf32, #tpu.memory_space<vmem>>, vector<1x16xf32>,
        %swap3A_72 = vector.shape_cast %swap3A_71 : vector<1x16xf32> to vector<16xf32>
        %swap3A_73 = vector.shape_cast %add3A_68 : vector<16xf32> to vector<1x16xf32>
        tpu.vector_store %arg15[%swap3A_69, %swap3A_70], %swap3A_73 {strides = array<i32>} : memref<128x128xf32, #tpu.memory_space<vmem>>, vector<1x16xf32>,
        %get3A_74 = arith.index_cast %scan3A_35 : i32 to index
        %get3A_75 = arith.constant 32 : index
        %get3A_76 = tpu.vector_load %arg15[%get3A_74, %get3A_75] {strides = array<i32>} : memref<128x128xf32, #tpu.memory_space<vmem>>, vector<1x16xf32>,
        %get3A_77 = vector.shape_cast %get3A_76 : vector<1x16xf32> to vector<16xf32>
        %mul3A_78 = arith.mulf %get3A_38, %get3A_77 : vector<16xf32>
        %get3A_79 = arith.index_cast %scan3A_35 : i32 to index
        %get3A_80 = arith.constant 32 : index
        %get3A_81 = tpu.vector_load %arg16[%get3A_79, %get3A_80] {strides = array<i32>} : memref<128x128xf32, #tpu.memory_space<vmem>>, vector<1x16xf32>,
        %get3A_82 = vector.shape_cast %get3A_81 : vector<1x16xf32> to vector<16xf32>
        %mul3A_83 = arith.mulf %get3A_42, %get3A_82 : vector<16xf32>
        %add3A_84 = arith.addf %mul3A_78, %mul3A_83 : vector<16xf32>
        %swap3A_85 = arith.index_cast %scan3A_35 : i32 to index
        %swap3A_86 = arith.constant 32 : index
        %swap3A_87 = tpu.vector_load %arg15[%swap3A_85, %swap3A_86] {strides = array<i32>} : memref<128x128xf32, #tpu.memory_space<vmem>>, vector<1x16xf32>,
        %swap3A_88 = vector.shape_cast %swap3A_87 : vector<1x16xf32> to vector<16xf32>
        %swap3A_89 = vector.shape_cast %add3A_84 : vector<16xf32> to vector<1x16xf32>
        tpu.vector_store %arg15[%swap3A_85, %swap3A_86], %swap3A_89 {strides = array<i32>} : memref<128x128xf32, #tpu.memory_space<vmem>>, vector<1x16xf32>,
        %get3A_90 = arith.index_cast %scan3A_35 : i32 to index
        %get3A_91 = arith.constant 48 : index
        %get3A_92 = tpu.vector_load %arg15[%get3A_90, %get3A_91] {strides = array<i32>} : memref<128x128xf32, #tpu.memory_space<vmem>>, vector<1x16xf32>,
        %get3A_93 = vector.shape_cast %get3A_92 : vector<1x16xf32> to vector<16xf32>
        %mul3A_94 = arith.mulf %get3A_38, %get3A_93 : vector<16xf32>
        %get3A_95 = arith.index_cast %scan3A_35 : i32 to index
        %get3A_96 = arith.constant 48 : index
        %get3A_97 = tpu.vector_load %arg16[%get3A_95, %get3A_96] {strides = array<i32>} : memref<128x128xf32, #tpu.memory_space<vmem>>, vector<1x16xf32>,
        %get3A_98 = vector.shape_cast %get3A_97 : vector<1x16xf32> to vector<16xf32>
        %mul3A_99 = arith.mulf %get3A_42, %get3A_98 : vector<16xf32>
        %add3A_100 = arith.addf %mul3A_94, %mul3A_99 : vector<16xf32>
        %swap3A_101 = arith.index_cast %scan3A_35 : i32 to index
        %swap3A_102 = arith.constant 48 : index
        %swap3A_103 = tpu.vector_load %arg15[%swap3A_101, %swap3A_102] {strides = array<i32>} : memref<128x128xf32, #tpu.memory_space<vmem>>, vector<1x16xf32>,
        %swap3A_104 = vector.shape_cast %swap3A_103 : vector<1x16xf32> to vector<16xf32>
        %swap3A_105 = vector.shape_cast %add3A_100 : vector<16xf32> to vector<1x16xf32>
        tpu.vector_store %arg15[%swap3A_101, %swap3A_102], %swap3A_105 {strides = array<i32>} : memref<128x128xf32, #tpu.memory_space<vmem>>, vector<1x16xf32>,
        %get3A_106 = arith.index_cast %scan3A_35 : i32 to index
        %get3A_107 = arith.constant 64 : index
        %get3A_108 = tpu.vector_load %arg15[%get3A_106, %get3A_107] {strides = array<i32>} : memref<128x128xf32, #tpu.memory_space<vmem>>, vector<1x16xf32>,
        %get3A_109 = vector.shape_cast %get3A_108 : vector<1x16xf32> to vector<16xf32>
        %mul3A_110 = arith.mulf %get3A_38, %get3A_109 : vector<16xf32>
        %get3A_111 = arith.index_cast %scan3A_35 : i32 to index
        %get3A_112 = arith.constant 64 : index
        %get3A_113 = tpu.vector_load %arg16[%get3A_111, %get3A_112] {strides = array<i32>} : memref<128x128xf32, #tpu.memory_space<vmem>>, vector<1x16xf32>,
        %get3A_114 = vector.shape_cast %get3A_113 : vector<1x16xf32> to vector<16xf32>
        %mul3A_115 = arith.mulf %get3A_42, %get3A_114 : vector<16xf32>
        %add3A_116 = arith.addf %mul3A_110, %mul3A_115 : vector<16xf32>
        %swap3A_117 = arith.index_cast %scan3A_35 : i32 to index
        %swap3A_118 = arith.constant 64 : index
        %swap3A_119 = tpu.vector_load %arg15[%swap3A_117, %swap3A_118] {strides = array<i32>} : memref<128x128xf32, #tpu.memory_space<vmem>>, vector<1x16xf32>,
        %swap3A_120 = vector.shape_cast %swap3A_119 : vector<1x16xf32> to vector<16xf32>
        %swap3A_121 = vector.shape_cast %add3A_116 : vector<16xf32> to vector<1x16xf32>
        tpu.vector_store %arg15[%swap3A_117, %swap3A_118], %swap3A_121 {strides = array<i32>} : memref<128x128xf32, #tpu.memory_space<vmem>>, vector<1x16xf32>,
        %get3A_122 = arith.index_cast %scan3A_35 : i32 to index
        %get3A_123 = arith.constant 80 : index
        %get3A_124 = tpu.vector_load %arg15[%get3A_122, %get3A_123] {strides = array<i32>} : memref<128x128xf32, #tpu.memory_space<vmem>>, vector<1x16xf32>,
        %get3A_125 = vector.shape_cast %get3A_124 : vector<1x16xf32> to vector<16xf32>
        %mul3A_126 = arith.mulf %get3A_38, %get3A_125 : vector<16xf32>
        %get3A_127 = arith.index_cast %scan3A_35 : i32 to index
        %get3A_128 = arith.constant 80 : index
        %get3A_129 = tpu.vector_load %arg16[%get3A_127, %get3A_128] {strides = array<i32>} : memref<128x128xf32, #tpu.memory_space<vmem>>, vector<1x16xf32>,
        %get3A_130 = vector.shape_cast %get3A_129 : vector<1x16xf32> to vector<16xf32>
        %mul3A_131 = arith.mulf %get3A_42, %get3A_130 : vector<16xf32>
        %add3A_132 = arith.addf %mul3A_126, %mul3A_131 : vector<16xf32>
        %swap3A_133 = arith.index_cast %scan3A_35 : i32 to index
        %swap3A_134 = arith.constant 80 : index
        %swap3A_135 = tpu.vector_load %arg15[%swap3A_133, %swap3A_134] {strides = array<i32>} : memref<128x128xf32, #tpu.memory_space<vmem>>, vector<1x16xf32>,
        %swap3A_136 = vector.shape_cast %swap3A_135 : vector<1x16xf32> to vector<16xf32>
        %swap3A_137 = vector.shape_cast %add3A_132 : vector<16xf32> to vector<1x16xf32>
        tpu.vector_store %arg15[%swap3A_133, %swap3A_134], %swap3A_137 {strides = array<i32>} : memref<128x128xf32, #tpu.memory_space<vmem>>, vector<1x16xf32>,
        %get3A_138 = arith.index_cast %scan3A_35 : i32 to index
        %get3A_139 = arith.constant 96 : index
        %get3A_140 = tpu.vector_load %arg15[%get3A_138, %get3A_139] {strides = array<i32>} : memref<128x128xf32, #tpu.memory_space<vmem>>, vector<1x16xf32>,
        %get3A_141 = vector.shape_cast %get3A_140 : vector<1x16xf32> to vector<16xf32>
        %mul3A_142 = arith.mulf %get3A_38, %get3A_141 : vector<16xf32>
        %get3A_143 = arith.index_cast %scan3A_35 : i32 to index
        %get3A_144 = arith.constant 96 : index
        %get3A_145 = tpu.vector_load %arg16[%get3A_143, %get3A_144] {strides = array<i32>} : memref<128x128xf32, #tpu.memory_space<vmem>>, vector<1x16xf32>,
        %get3A_146 = vector.shape_cast %get3A_145 : vector<1x16xf32> to vector<16xf32>
        %mul3A_147 = arith.mulf %get3A_42, %get3A_146 : vector<16xf32>
        %add3A_148 = arith.addf %mul3A_142, %mul3A_147 : vector<16xf32>
        %swap3A_149 = arith.index_cast %scan3A_35 : i32 to index
        %swap3A_150 = arith.constant 96 : index
        %swap3A_151 = tpu.vector_load %arg15[%swap3A_149, %swap3A_150] {strides = array<i32>} : memref<128x128xf32, #tpu.memory_space<vmem>>, vector<1x16xf32>,
        %swap3A_152 = vector.shape_cast %swap3A_151 : vector<1x16xf32> to vector<16xf32>
        %swap3A_153 = vector.shape_cast %add3A_148 : vector<16xf32> to vector<1x16xf32>
        tpu.vector_store %arg15[%swap3A_149, %swap3A_150], %swap3A_153 {strides = array<i32>} : memref<128x128xf32, #tpu.memory_space<vmem>>, vector<1x16xf32>,
        %get3A_154 = arith.index_cast %scan3A_35 : i32 to index
        %get3A_155 = arith.constant 112 : index
        %get3A_156 = tpu.vector_load %arg15[%get3A_154, %get3A_155] {strides = array<i32>} : memref<128x128xf32, #tpu.memory_space<vmem>>, vector<1x16xf32>,
        %get3A_157 = vector.shape_cast %get3A_156 : vector<1x16xf32> to vector<16xf32>
        %mul3A_158 = arith.mulf %get3A_38, %get3A_157 : vector<16xf32>
        %get3A_159 = arith.index_cast %scan3A_35 : i32 to index
        %get3A_160 = arith.constant 112 : index
        %get3A_161 = tpu.vector_load %arg16[%get3A_159, %get3A_160] {strides = array<i32>} : memref<128x128xf32, #tpu.memory_space<vmem>>, vector<1x16xf32>,
        %get3A_162 = vector.shape_cast %get3A_161 : vector<1x16xf32> to vector<16xf32>
        %mul3A_163 = arith.mulf %get3A_42, %get3A_162 : vector<16xf32>
        %add3A_164 = arith.addf %mul3A_158, %mul3A_163 : vector<16xf32>
        %swap3A_165 = arith.index_cast %scan3A_35 : i32 to index
        %swap3A_166 = arith.constant 112 : index
        %swap3A_167 = tpu.vector_load %arg15[%swap3A_165, %swap3A_166] {strides = array<i32>} : memref<128x128xf32, #tpu.memory_space<vmem>>, vector<1x16xf32>,
        %swap3A_168 = vector.shape_cast %swap3A_167 : vector<1x16xf32> to vector<16xf32>
        %swap3A_169 = vector.shape_cast %add3A_164 : vector<16xf32> to vector<1x16xf32>
        tpu.vector_store %arg15[%swap3A_165, %swap3A_166], %swap3A_169 {strides = array<i32>} : memref<128x128xf32, #tpu.memory_space<vmem>>, vector<1x16xf32>,
      }
      %scan3A_34 = arith.constant 128 : i32
      "tpu.region"() ({
        %run_scoped3A = tpu.sem_alloc : memref<!tpu.dma_semaphore, #tpu.memory_space<semaphore_mem>>
        %dma_start3A_35 = arith.constant 0 : i32
        %dma_start3A_36 = arith.constant 0 : i32
        %dma_start3A_37 = tpu.memref_slice %arg17[%dma_start3A_35, %dma_start3A_36] : memref<10000x128xf32, #tpu.memory_space<vmem_shared>> -> memref<10000x128xf32, #tpu.memory_space<vmem_shared>>
        tpu.enqueue_indirect_dma source(%arg15 : memref<128x128xf32, #tpu.memory_space<vmem>>) target(%dma_start3A_37 : memref<10000x128xf32, #tpu.memory_space<vmem_shared>>) offsets(%arg12 : memref<128xi32, #tpu.memory_space<vmem>>) semaphore(%run_scoped3A : memref<!tpu.dma_semaphore, #tpu.memory_space<semaphore_mem>>) {add = true}
        %dma_wait3A_38 = arith.constant 0 : i32
        %dma_wait3A_39 = arith.constant 0 : i32
        %dma_wait3A_40 = tpu.memref_slice %arg17[%dma_wait3A_38, %dma_wait3A_39] : memref<10000x128xf32, #tpu.memory_space<vmem_shared>> -> memref<10000x128xf32, #tpu.memory_space<vmem_shared>>
        tpu.wait_indirect_dma semaphore(%run_scoped3A : memref<!tpu.dma_semaphore, #tpu.memory_space<semaphore_mem>>) src(%arg15 : memref<128x128xf32, #tpu.memory_space<vmem>>) dst(%dma_wait3A_40 : memref<10000x128xf32, #tpu.memory_space<vmem_shared>>)
        tpu.yield
      }) : () -> ()
    }
    %scan3A_7 = arith.constant 40 : i32
    %barrier3A_8 = arith.constant 0 : index
    tpu.barrier barrier_id(%barrier3A_8)
    %mul3A_9 = arith.constant 625 : i32
    %mul3A_10 = arith.muli %arg1, %mul3A_9 : i32
    %mul3A_11 = arith.constant 625 : i32
    %mul3A_12 = arith.muli %arg1, %mul3A_11 : i32
    "tpu.region"() ({
      %run_scoped3A = tpu.sem_alloc : memref<!tpu.dma_semaphore, #tpu.memory_space<semaphore_mem>>
      %dma_start3A = arith.constant 0 : i32
      %dma_start3A_13 = tpu.memref_slice %arg9[%arg0, %mul3A_12, %dma_start3A] : memref<2x10000x128xf32, #tpu.memory_space<hbm>> -> memref<1x625x128xf32, #tpu.memory_space<hbm>>
      %dma_start3A_14 = tpu.memref_squeeze %dma_start3A_13 : memref<1x625x128xf32, #tpu.memory_space<hbm>> -> memref<625x128xf32, #tpu.memory_space<hbm>>
      %dma_start3A_15 = arith.constant 0 : i32
      %dma_start3A_16 = tpu.memref_slice %arg17[%mul3A_10, %dma_start3A_15] : memref<10000x128xf32, #tpu.memory_space<vmem_shared>> -> memref<625x128xf32, #tpu.memory_space<vmem_shared>>
      tpu.enqueue_dma source(%dma_start3A_16 : memref<625x128xf32, #tpu.memory_space<vmem_shared>>) target(%dma_start3A_14 : memref<625x128xf32, #tpu.memory_space<hbm>>) target_semaphore(%run_scoped3A : memref<!tpu.dma_semaphore, #tpu.memory_space<semaphore_mem>>)
      %dma_wait3A = arith.constant 0 : i32
      %dma_wait3A_17 = tpu.memref_slice %arg9[%arg0, %mul3A_12, %dma_wait3A] : memref<2x10000x128xf32, #tpu.memory_space<hbm>> -> memref<1x625x128xf32, #tpu.memory_space<hbm>>
      %dma_wait3A_18 = tpu.memref_squeeze %dma_wait3A_17 : memref<1x625x128xf32, #tpu.memory_space<hbm>> -> memref<625x128xf32, #tpu.memory_space<hbm>>
      %dma_wait3A_19 = arith.constant 0 : i32
      %dma_wait3A_20 = tpu.memref_slice %arg17[%mul3A_10, %dma_wait3A_19] : memref<10000x128xf32, #tpu.memory_space<vmem_shared>> -> memref<625x128xf32, #tpu.memory_space<vmem_shared>>
      tpu.wait_dma2 semaphore(%run_scoped3A : memref<!tpu.dma_semaphore, #tpu.memory_space<semaphore_mem>>) src(%dma_wait3A_20 : memref<625x128xf32, #tpu.memory_space<vmem_shared>>) dst(%dma_wait3A_18 : memref<625x128xf32, #tpu.memory_space<hbm>>)
      tpu.yield
    }) : () -> ()
    return
  }
}

#map = affine_map<(d0, d1) -> (0, 0)>
#map1 = affine_map<(d0, d1) -> (0)>
#map2 = affine_map<(d0, d1) -> (0, 0, 0)>
module attributes {stable_mosaic.version = 14 : i64} {
  func.func @body(%arg0: i32, %arg1: i32, %arg2: memref<200000x64xf32, #tpu.memory_space<hbm>>, %arg3: memref<163840xi32, #tpu.memory_space<hbm>>, %arg4: memref<163840xi32, #tpu.memory_space<hbm>>, %arg5: memref<163840x16xf32, #tpu.memory_space<hbm>>, %arg6: memref<163840x16xf32, #tpu.memory_space<hbm>>, %arg7: memref<163840xi32, #tpu.memory_space<hbm>>, %arg8: memref<625x64xf32, #tpu.memory_space<hbm>>, %arg9: memref<2x10000x64xf32, #tpu.memory_space<hbm>>, %arg10: memref<128xi32, #tpu.memory_space<vmem>>, %arg11: memref<128xi32, #tpu.memory_space<vmem>>, %arg12: memref<128xi32, #tpu.memory_space<vmem>>, %arg13: memref<128x16xf32, #tpu.memory_space<vmem>>, %arg14: memref<128x16xf32, #tpu.memory_space<vmem>>, %arg15: memref<128x64xf32, #tpu.memory_space<vmem>>, %arg16: memref<128x64xf32, #tpu.memory_space<vmem>>, %arg17: memref<10000x64xf32, #tpu.memory_space<vmem_shared>>, %arg18: memref<!tpu.dma_semaphore, #tpu.memory_space<semaphore_mem>>, %arg19: memref<!tpu.dma_semaphore, #tpu.memory_space<semaphore_mem>>) attributes {dimension_semantics = [#tpu.dimension_semantics<core_parallel>, #tpu.dimension_semantics<subcore_parallel>], iteration_bounds = array<i64: 2, 16>, scalar_prefetch = 0 : i64, scratch_operands = 10 : i64, tpu.core_type = #tpu.core_type<sc_vector_subcore>, window_params = [{transform_indices = #map}, {transform_indices = #map1}, {transform_indices = #map1}, {transform_indices = #map}, {transform_indices = #map}, {transform_indices = #map1}, {transform_indices = #map}, {transform_indices = #map2}]} {
    %mul3A = arith.constant 2 : i32
    %mul3A_0 = arith.muli %arg1, %mul3A : i32
    %add3A = arith.addi %mul3A_0, %arg0 : i32
    %mul3A_1 = arith.constant 625 : i32
    %mul3A_2 = arith.muli %arg1, %mul3A_1 : i32
    "tpu.region"() ({
      %run_scoped3A = tpu.sem_alloc : memref<!tpu.dma_semaphore, #tpu.memory_space<semaphore_mem>>
      %dma_start3A = arith.constant 0 : i32
      %dma_start3A_13 = tpu.memref_slice %arg17[%mul3A_2, %dma_start3A] : memref<10000x64xf32, #tpu.memory_space<vmem_shared>> -> memref<625x64xf32, #tpu.memory_space<vmem_shared>>
      tpu.enqueue_dma source(%arg8 : memref<625x64xf32, #tpu.memory_space<hbm>>) target(%dma_start3A_13 : memref<625x64xf32, #tpu.memory_space<vmem_shared>>) target_semaphore(%run_scoped3A : memref<!tpu.dma_semaphore, #tpu.memory_space<semaphore_mem>>)
      %dma_wait3A = arith.constant 0 : i32
      %dma_wait3A_14 = tpu.memref_slice %arg17[%mul3A_2, %dma_wait3A] : memref<10000x64xf32, #tpu.memory_space<vmem_shared>> -> memref<625x64xf32, #tpu.memory_space<vmem_shared>>
      tpu.wait_dma2 semaphore(%run_scoped3A : memref<!tpu.dma_semaphore, #tpu.memory_space<semaphore_mem>>) src(%arg8 : memref<625x64xf32, #tpu.memory_space<hbm>>) dst(%dma_wait3A_14 : memref<625x64xf32, #tpu.memory_space<vmem_shared>>)
      tpu.yield
    }) : () -> ()
    %barrier3A = arith.constant 0 : index
    tpu.barrier barrier_id(%barrier3A)
    %scan3A = arith.constant 0 : i32
    %scan3A_3 = arith.constant 0 : i32
    %scan3A_4 = arith.constant 40 : i32
    %scan3A_5 = arith.addi %scan3A_3, %scan3A_4 : i32
    %scan3A_6 = arith.constant 1 : i32
    scf.for %scan3A_13 = %scan3A_3 to %scan3A_5 step %scan3A_6  : i32 {
      %mul3A_14 = arith.constant 5120 : i32
      %mul3A_15 = arith.muli %add3A, %mul3A_14 : i32
      %mul3A_16 = arith.constant 128 : i32
      %mul3A_17 = arith.muli %scan3A_13, %mul3A_16 : i32
      %add3A_18 = arith.addi %mul3A_15, %mul3A_17 : i32
      "tpu.region"() ({
        %run_scoped3A = tpu.sem_alloc : memref<!tpu.dma_semaphore, #tpu.memory_space<semaphore_mem>>
        %dma_start3A_35 = tpu.memref_slice %arg3[%add3A_18] : memref<163840xi32, #tpu.memory_space<hbm>> -> memref<128xi32, #tpu.memory_space<hbm>>
        %dma_start3A_36 = tpu.memref_slice %arg3[%add3A_18] : memref<163840xi32, #tpu.memory_space<hbm>> -> memref<128xi32, #tpu.memory_space<hbm>>
        tpu.enqueue_dma source(%dma_start3A_36 : memref<128xi32, #tpu.memory_space<hbm>>) target(%arg10 : memref<128xi32, #tpu.memory_space<vmem>>) target_semaphore(%run_scoped3A : memref<!tpu.dma_semaphore, #tpu.memory_space<semaphore_mem>>)
        %dma_wait3A_37 = tpu.memref_slice %arg3[%add3A_18] : memref<163840xi32, #tpu.memory_space<hbm>> -> memref<128xi32, #tpu.memory_space<hbm>>
        %dma_wait3A_38 = tpu.memref_slice %arg3[%add3A_18] : memref<163840xi32, #tpu.memory_space<hbm>> -> memref<128xi32, #tpu.memory_space<hbm>>
        tpu.wait_dma2 semaphore(%run_scoped3A : memref<!tpu.dma_semaphore, #tpu.memory_space<semaphore_mem>>) src(%dma_wait3A_38 : memref<128xi32, #tpu.memory_space<hbm>>) dst(%arg10 : memref<128xi32, #tpu.memory_space<vmem>>)
        tpu.yield
      }) : () -> ()
      "tpu.region"() ({
        %run_scoped3A = tpu.sem_alloc : memref<!tpu.dma_semaphore, #tpu.memory_space<semaphore_mem>>
        %dma_start3A_35 = tpu.memref_slice %arg4[%add3A_18] : memref<163840xi32, #tpu.memory_space<hbm>> -> memref<128xi32, #tpu.memory_space<hbm>>
        %dma_start3A_36 = tpu.memref_slice %arg4[%add3A_18] : memref<163840xi32, #tpu.memory_space<hbm>> -> memref<128xi32, #tpu.memory_space<hbm>>
        tpu.enqueue_dma source(%dma_start3A_36 : memref<128xi32, #tpu.memory_space<hbm>>) target(%arg11 : memref<128xi32, #tpu.memory_space<vmem>>) target_semaphore(%run_scoped3A : memref<!tpu.dma_semaphore, #tpu.memory_space<semaphore_mem>>)
        %dma_wait3A_37 = tpu.memref_slice %arg4[%add3A_18] : memref<163840xi32, #tpu.memory_space<hbm>> -> memref<128xi32, #tpu.memory_space<hbm>>
        %dma_wait3A_38 = tpu.memref_slice %arg4[%add3A_18] : memref<163840xi32, #tpu.memory_space<hbm>> -> memref<128xi32, #tpu.memory_space<hbm>>
        tpu.wait_dma2 semaphore(%run_scoped3A : memref<!tpu.dma_semaphore, #tpu.memory_space<semaphore_mem>>) src(%dma_wait3A_38 : memref<128xi32, #tpu.memory_space<hbm>>) dst(%arg11 : memref<128xi32, #tpu.memory_space<vmem>>)
        tpu.yield
      }) : () -> ()
      "tpu.region"() ({
        %run_scoped3A = tpu.sem_alloc : memref<!tpu.dma_semaphore, #tpu.memory_space<semaphore_mem>>
        %dma_start3A_35 = arith.constant 0 : i32
        %dma_start3A_36 = tpu.memref_slice %arg5[%add3A_18, %dma_start3A_35] : memref<163840x16xf32, #tpu.memory_space<hbm>> -> memref<128x16xf32, #tpu.memory_space<hbm>>
        %dma_start3A_37 = arith.constant 0 : i32
        %dma_start3A_38 = tpu.memref_slice %arg5[%add3A_18, %dma_start3A_37] : memref<163840x16xf32, #tpu.memory_space<hbm>> -> memref<128x16xf32, #tpu.memory_space<hbm>>
        tpu.enqueue_dma source(%dma_start3A_38 : memref<128x16xf32, #tpu.memory_space<hbm>>) target(%arg13 : memref<128x16xf32, #tpu.memory_space<vmem>>) target_semaphore(%run_scoped3A : memref<!tpu.dma_semaphore, #tpu.memory_space<semaphore_mem>>)
        %dma_wait3A_39 = arith.constant 0 : i32
        %dma_wait3A_40 = tpu.memref_slice %arg5[%add3A_18, %dma_wait3A_39] : memref<163840x16xf32, #tpu.memory_space<hbm>> -> memref<128x16xf32, #tpu.memory_space<hbm>>
        %dma_wait3A_41 = arith.constant 0 : i32
        %dma_wait3A_42 = tpu.memref_slice %arg5[%add3A_18, %dma_wait3A_41] : memref<163840x16xf32, #tpu.memory_space<hbm>> -> memref<128x16xf32, #tpu.memory_space<hbm>>
        tpu.wait_dma2 semaphore(%run_scoped3A : memref<!tpu.dma_semaphore, #tpu.memory_space<semaphore_mem>>) src(%dma_wait3A_42 : memref<128x16xf32, #tpu.memory_space<hbm>>) dst(%arg13 : memref<128x16xf32, #tpu.memory_space<vmem>>)
        tpu.yield
      }) : () -> ()
      "tpu.region"() ({
        %run_scoped3A = tpu.sem_alloc : memref<!tpu.dma_semaphore, #tpu.memory_space<semaphore_mem>>
        %dma_start3A_35 = arith.constant 0 : i32
        %dma_start3A_36 = tpu.memref_slice %arg6[%add3A_18, %dma_start3A_35] : memref<163840x16xf32, #tpu.memory_space<hbm>> -> memref<128x16xf32, #tpu.memory_space<hbm>>
        %dma_start3A_37 = arith.constant 0 : i32
        %dma_start3A_38 = tpu.memref_slice %arg6[%add3A_18, %dma_start3A_37] : memref<163840x16xf32, #tpu.memory_space<hbm>> -> memref<128x16xf32, #tpu.memory_space<hbm>>
        tpu.enqueue_dma source(%dma_start3A_38 : memref<128x16xf32, #tpu.memory_space<hbm>>) target(%arg14 : memref<128x16xf32, #tpu.memory_space<vmem>>) target_semaphore(%run_scoped3A : memref<!tpu.dma_semaphore, #tpu.memory_space<semaphore_mem>>)
        %dma_wait3A_39 = arith.constant 0 : i32
        %dma_wait3A_40 = tpu.memref_slice %arg6[%add3A_18, %dma_wait3A_39] : memref<163840x16xf32, #tpu.memory_space<hbm>> -> memref<128x16xf32, #tpu.memory_space<hbm>>
        %dma_wait3A_41 = arith.constant 0 : i32
        %dma_wait3A_42 = tpu.memref_slice %arg6[%add3A_18, %dma_wait3A_41] : memref<163840x16xf32, #tpu.memory_space<hbm>> -> memref<128x16xf32, #tpu.memory_space<hbm>>
        tpu.wait_dma2 semaphore(%run_scoped3A : memref<!tpu.dma_semaphore, #tpu.memory_space<semaphore_mem>>) src(%dma_wait3A_42 : memref<128x16xf32, #tpu.memory_space<hbm>>) dst(%arg14 : memref<128x16xf32, #tpu.memory_space<vmem>>)
        tpu.yield
      }) : () -> ()
      "tpu.region"() ({
        %run_scoped3A = tpu.sem_alloc : memref<!tpu.dma_semaphore, #tpu.memory_space<semaphore_mem>>
        %dma_start3A_35 = tpu.memref_slice %arg7[%add3A_18] : memref<163840xi32, #tpu.memory_space<hbm>> -> memref<128xi32, #tpu.memory_space<hbm>>
        %dma_start3A_36 = tpu.memref_slice %arg7[%add3A_18] : memref<163840xi32, #tpu.memory_space<hbm>> -> memref<128xi32, #tpu.memory_space<hbm>>
        tpu.enqueue_dma source(%dma_start3A_36 : memref<128xi32, #tpu.memory_space<hbm>>) target(%arg12 : memref<128xi32, #tpu.memory_space<vmem>>) target_semaphore(%run_scoped3A : memref<!tpu.dma_semaphore, #tpu.memory_space<semaphore_mem>>)
        %dma_wait3A_37 = tpu.memref_slice %arg7[%add3A_18] : memref<163840xi32, #tpu.memory_space<hbm>> -> memref<128xi32, #tpu.memory_space<hbm>>
        %dma_wait3A_38 = tpu.memref_slice %arg7[%add3A_18] : memref<163840xi32, #tpu.memory_space<hbm>> -> memref<128xi32, #tpu.memory_space<hbm>>
        tpu.wait_dma2 semaphore(%run_scoped3A : memref<!tpu.dma_semaphore, #tpu.memory_space<semaphore_mem>>) src(%dma_wait3A_38 : memref<128xi32, #tpu.memory_space<hbm>>) dst(%arg12 : memref<128xi32, #tpu.memory_space<vmem>>)
        tpu.yield
      }) : () -> ()
      %dma_start3A = arith.constant 0 : i32
      %dma_start3A_19 = arith.constant 0 : i32
      %dma_start3A_20 = tpu.memref_slice %arg2[%dma_start3A, %dma_start3A_19] : memref<200000x64xf32, #tpu.memory_space<hbm>> -> memref<200000x64xf32, #tpu.memory_space<hbm>>
      tpu.enqueue_indirect_dma source(%dma_start3A_20 : memref<200000x64xf32, #tpu.memory_space<hbm>>) target(%arg15 : memref<128x64xf32, #tpu.memory_space<vmem>>) offsets(%arg10 : memref<128xi32, #tpu.memory_space<vmem>>) semaphore(%arg18 : memref<!tpu.dma_semaphore, #tpu.memory_space<semaphore_mem>>)
      %dma_start3A_21 = arith.constant 0 : i32
      %dma_start3A_22 = arith.constant 0 : i32
      %dma_start3A_23 = tpu.memref_slice %arg2[%dma_start3A_21, %dma_start3A_22] : memref<200000x64xf32, #tpu.memory_space<hbm>> -> memref<200000x64xf32, #tpu.memory_space<hbm>>
      tpu.enqueue_indirect_dma source(%dma_start3A_23 : memref<200000x64xf32, #tpu.memory_space<hbm>>) target(%arg16 : memref<128x64xf32, #tpu.memory_space<vmem>>) offsets(%arg11 : memref<128xi32, #tpu.memory_space<vmem>>) semaphore(%arg19 : memref<!tpu.dma_semaphore, #tpu.memory_space<semaphore_mem>>)
      %dma_wait3A = arith.constant 0 : i32
      %dma_wait3A_24 = arith.constant 0 : i32
      %dma_wait3A_25 = tpu.memref_slice %arg2[%dma_wait3A, %dma_wait3A_24] : memref<200000x64xf32, #tpu.memory_space<hbm>> -> memref<200000x64xf32, #tpu.memory_space<hbm>>
      tpu.wait_indirect_dma semaphore(%arg18 : memref<!tpu.dma_semaphore, #tpu.memory_space<semaphore_mem>>) src(%dma_wait3A_25 : memref<200000x64xf32, #tpu.memory_space<hbm>>) dst(%arg15 : memref<128x64xf32, #tpu.memory_space<vmem>>)
      %dma_wait3A_26 = arith.constant 0 : i32
      %dma_wait3A_27 = arith.constant 0 : i32
      %dma_wait3A_28 = tpu.memref_slice %arg2[%dma_wait3A_26, %dma_wait3A_27] : memref<200000x64xf32, #tpu.memory_space<hbm>> -> memref<200000x64xf32, #tpu.memory_space<hbm>>
      tpu.wait_indirect_dma semaphore(%arg19 : memref<!tpu.dma_semaphore, #tpu.memory_space<semaphore_mem>>) src(%dma_wait3A_28 : memref<200000x64xf32, #tpu.memory_space<hbm>>) dst(%arg16 : memref<128x64xf32, #tpu.memory_space<vmem>>)
      %scan3A_29 = arith.constant 0 : i32
      %scan3A_30 = arith.constant 0 : i32
      %scan3A_31 = arith.constant 128 : i32
      %scan3A_32 = arith.addi %scan3A_30, %scan3A_31 : i32
      %scan3A_33 = arith.constant 1 : i32
      scf.for %scan3A_35 = %scan3A_30 to %scan3A_32 step %scan3A_33  : i32 {
        %get3A = arith.index_cast %scan3A_35 : i32 to index
        %get3A_36 = arith.constant 0 : index
        %get3A_37 = tpu.vector_load %arg13[%get3A, %get3A_36] {strides = array<i32>} : memref<128x16xf32, #tpu.memory_space<vmem>>, vector<1x16xf32>,
        %get3A_38 = vector.shape_cast %get3A_37 : vector<1x16xf32> to vector<16xf32>
        %get3A_39 = arith.index_cast %scan3A_35 : i32 to index
        %get3A_40 = arith.constant 0 : index
        %get3A_41 = tpu.vector_load %arg14[%get3A_39, %get3A_40] {strides = array<i32>} : memref<128x16xf32, #tpu.memory_space<vmem>>, vector<1x16xf32>,
        %get3A_42 = vector.shape_cast %get3A_41 : vector<1x16xf32> to vector<16xf32>
        %get3A_43 = arith.index_cast %scan3A_35 : i32 to index
        %get3A_44 = arith.constant 0 : index
        %get3A_45 = tpu.vector_load %arg15[%get3A_43, %get3A_44] {strides = array<i32>} : memref<128x64xf32, #tpu.memory_space<vmem>>, vector<1x16xf32>,
        %get3A_46 = vector.shape_cast %get3A_45 : vector<1x16xf32> to vector<16xf32>
        %mul3A_47 = arith.mulf %get3A_38, %get3A_46 : vector<16xf32>
        %get3A_48 = arith.index_cast %scan3A_35 : i32 to index
        %get3A_49 = arith.constant 0 : index
        %get3A_50 = tpu.vector_load %arg16[%get3A_48, %get3A_49] {strides = array<i32>} : memref<128x64xf32, #tpu.memory_space<vmem>>, vector<1x16xf32>,
        %get3A_51 = vector.shape_cast %get3A_50 : vector<1x16xf32> to vector<16xf32>
        %mul3A_52 = arith.mulf %get3A_42, %get3A_51 : vector<16xf32>
        %add3A_53 = arith.addf %mul3A_47, %mul3A_52 : vector<16xf32>
        %swap3A = arith.index_cast %scan3A_35 : i32 to index
        %swap3A_54 = arith.constant 0 : index
        %swap3A_55 = tpu.vector_load %arg15[%swap3A, %swap3A_54] {strides = array<i32>} : memref<128x64xf32, #tpu.memory_space<vmem>>, vector<1x16xf32>,
        %swap3A_56 = vector.shape_cast %swap3A_55 : vector<1x16xf32> to vector<16xf32>
        %swap3A_57 = vector.shape_cast %add3A_53 : vector<16xf32> to vector<1x16xf32>
        tpu.vector_store %arg15[%swap3A, %swap3A_54], %swap3A_57 {strides = array<i32>} : memref<128x64xf32, #tpu.memory_space<vmem>>, vector<1x16xf32>,
        %get3A_58 = arith.index_cast %scan3A_35 : i32 to index
        %get3A_59 = arith.constant 16 : index
        %get3A_60 = tpu.vector_load %arg15[%get3A_58, %get3A_59] {strides = array<i32>} : memref<128x64xf32, #tpu.memory_space<vmem>>, vector<1x16xf32>,
        %get3A_61 = vector.shape_cast %get3A_60 : vector<1x16xf32> to vector<16xf32>
        %mul3A_62 = arith.mulf %get3A_38, %get3A_61 : vector<16xf32>
        %get3A_63 = arith.index_cast %scan3A_35 : i32 to index
        %get3A_64 = arith.constant 16 : index
        %get3A_65 = tpu.vector_load %arg16[%get3A_63, %get3A_64] {strides = array<i32>} : memref<128x64xf32, #tpu.memory_space<vmem>>, vector<1x16xf32>,
        %get3A_66 = vector.shape_cast %get3A_65 : vector<1x16xf32> to vector<16xf32>
        %mul3A_67 = arith.mulf %get3A_42, %get3A_66 : vector<16xf32>
        %add3A_68 = arith.addf %mul3A_62, %mul3A_67 : vector<16xf32>
        %swap3A_69 = arith.index_cast %scan3A_35 : i32 to index
        %swap3A_70 = arith.constant 16 : index
        %swap3A_71 = tpu.vector_load %arg15[%swap3A_69, %swap3A_70] {strides = array<i32>} : memref<128x64xf32, #tpu.memory_space<vmem>>, vector<1x16xf32>,
        %swap3A_72 = vector.shape_cast %swap3A_71 : vector<1x16xf32> to vector<16xf32>
        %swap3A_73 = vector.shape_cast %add3A_68 : vector<16xf32> to vector<1x16xf32>
        tpu.vector_store %arg15[%swap3A_69, %swap3A_70], %swap3A_73 {strides = array<i32>} : memref<128x64xf32, #tpu.memory_space<vmem>>, vector<1x16xf32>,
        %get3A_74 = arith.index_cast %scan3A_35 : i32 to index
        %get3A_75 = arith.constant 32 : index
        %get3A_76 = tpu.vector_load %arg15[%get3A_74, %get3A_75] {strides = array<i32>} : memref<128x64xf32, #tpu.memory_space<vmem>>, vector<1x16xf32>,
        %get3A_77 = vector.shape_cast %get3A_76 : vector<1x16xf32> to vector<16xf32>
        %mul3A_78 = arith.mulf %get3A_38, %get3A_77 : vector<16xf32>
        %get3A_79 = arith.index_cast %scan3A_35 : i32 to index
        %get3A_80 = arith.constant 32 : index
        %get3A_81 = tpu.vector_load %arg16[%get3A_79, %get3A_80] {strides = array<i32>} : memref<128x64xf32, #tpu.memory_space<vmem>>, vector<1x16xf32>,
        %get3A_82 = vector.shape_cast %get3A_81 : vector<1x16xf32> to vector<16xf32>
        %mul3A_83 = arith.mulf %get3A_42, %get3A_82 : vector<16xf32>
        %add3A_84 = arith.addf %mul3A_78, %mul3A_83 : vector<16xf32>
        %swap3A_85 = arith.index_cast %scan3A_35 : i32 to index
        %swap3A_86 = arith.constant 32 : index
        %swap3A_87 = tpu.vector_load %arg15[%swap3A_85, %swap3A_86] {strides = array<i32>} : memref<128x64xf32, #tpu.memory_space<vmem>>, vector<1x16xf32>,
        %swap3A_88 = vector.shape_cast %swap3A_87 : vector<1x16xf32> to vector<16xf32>
        %swap3A_89 = vector.shape_cast %add3A_84 : vector<16xf32> to vector<1x16xf32>
        tpu.vector_store %arg15[%swap3A_85, %swap3A_86], %swap3A_89 {strides = array<i32>} : memref<128x64xf32, #tpu.memory_space<vmem>>, vector<1x16xf32>,
        %get3A_90 = arith.index_cast %scan3A_35 : i32 to index
        %get3A_91 = arith.constant 48 : index
        %get3A_92 = tpu.vector_load %arg15[%get3A_90, %get3A_91] {strides = array<i32>} : memref<128x64xf32, #tpu.memory_space<vmem>>, vector<1x16xf32>,
        %get3A_93 = vector.shape_cast %get3A_92 : vector<1x16xf32> to vector<16xf32>
        %mul3A_94 = arith.mulf %get3A_38, %get3A_93 : vector<16xf32>
        %get3A_95 = arith.index_cast %scan3A_35 : i32 to index
        %get3A_96 = arith.constant 48 : index
        %get3A_97 = tpu.vector_load %arg16[%get3A_95, %get3A_96] {strides = array<i32>} : memref<128x64xf32, #tpu.memory_space<vmem>>, vector<1x16xf32>,
        %get3A_98 = vector.shape_cast %get3A_97 : vector<1x16xf32> to vector<16xf32>
        %mul3A_99 = arith.mulf %get3A_42, %get3A_98 : vector<16xf32>
        %add3A_100 = arith.addf %mul3A_94, %mul3A_99 : vector<16xf32>
        %swap3A_101 = arith.index_cast %scan3A_35 : i32 to index
        %swap3A_102 = arith.constant 48 : index
        %swap3A_103 = tpu.vector_load %arg15[%swap3A_101, %swap3A_102] {strides = array<i32>} : memref<128x64xf32, #tpu.memory_space<vmem>>, vector<1x16xf32>,
        %swap3A_104 = vector.shape_cast %swap3A_103 : vector<1x16xf32> to vector<16xf32>
        %swap3A_105 = vector.shape_cast %add3A_100 : vector<16xf32> to vector<1x16xf32>
        tpu.vector_store %arg15[%swap3A_101, %swap3A_102], %swap3A_105 {strides = array<i32>} : memref<128x64xf32, #tpu.memory_space<vmem>>, vector<1x16xf32>,
      }
      %scan3A_34 = arith.constant 128 : i32
      "tpu.region"() ({
        %run_scoped3A = tpu.sem_alloc : memref<!tpu.dma_semaphore, #tpu.memory_space<semaphore_mem>>
        %dma_start3A_35 = arith.constant 0 : i32
        %dma_start3A_36 = arith.constant 0 : i32
        %dma_start3A_37 = tpu.memref_slice %arg17[%dma_start3A_35, %dma_start3A_36] : memref<10000x64xf32, #tpu.memory_space<vmem_shared>> -> memref<10000x64xf32, #tpu.memory_space<vmem_shared>>
        tpu.enqueue_indirect_dma source(%arg15 : memref<128x64xf32, #tpu.memory_space<vmem>>) target(%dma_start3A_37 : memref<10000x64xf32, #tpu.memory_space<vmem_shared>>) offsets(%arg12 : memref<128xi32, #tpu.memory_space<vmem>>) semaphore(%run_scoped3A : memref<!tpu.dma_semaphore, #tpu.memory_space<semaphore_mem>>) {add = true}
        %dma_wait3A_38 = arith.constant 0 : i32
        %dma_wait3A_39 = arith.constant 0 : i32
        %dma_wait3A_40 = tpu.memref_slice %arg17[%dma_wait3A_38, %dma_wait3A_39] : memref<10000x64xf32, #tpu.memory_space<vmem_shared>> -> memref<10000x64xf32, #tpu.memory_space<vmem_shared>>
        tpu.wait_indirect_dma semaphore(%run_scoped3A : memref<!tpu.dma_semaphore, #tpu.memory_space<semaphore_mem>>) src(%arg15 : memref<128x64xf32, #tpu.memory_space<vmem>>) dst(%dma_wait3A_40 : memref<10000x64xf32, #tpu.memory_space<vmem_shared>>)
        tpu.yield
      }) : () -> ()
    }
    %scan3A_7 = arith.constant 40 : i32
    %barrier3A_8 = arith.constant 0 : index
    tpu.barrier barrier_id(%barrier3A_8)
    %mul3A_9 = arith.constant 625 : i32
    %mul3A_10 = arith.muli %arg1, %mul3A_9 : i32
    %mul3A_11 = arith.constant 625 : i32
    %mul3A_12 = arith.muli %arg1, %mul3A_11 : i32
    "tpu.region"() ({
      %run_scoped3A = tpu.sem_alloc : memref<!tpu.dma_semaphore, #tpu.memory_space<semaphore_mem>>
      %dma_start3A = arith.constant 0 : i32
      %dma_start3A_13 = tpu.memref_slice %arg9[%arg0, %mul3A_12, %dma_start3A] : memref<2x10000x64xf32, #tpu.memory_space<hbm>> -> memref<1x625x64xf32, #tpu.memory_space<hbm>>
      %dma_start3A_14 = tpu.memref_squeeze %dma_start3A_13 : memref<1x625x64xf32, #tpu.memory_space<hbm>> -> memref<625x64xf32, #tpu.memory_space<hbm>>
      %dma_start3A_15 = arith.constant 0 : i32
      %dma_start3A_16 = tpu.memref_slice %arg17[%mul3A_10, %dma_start3A_15] : memref<10000x64xf32, #tpu.memory_space<vmem_shared>> -> memref<625x64xf32, #tpu.memory_space<vmem_shared>>
      tpu.enqueue_dma source(%dma_start3A_16 : memref<625x64xf32, #tpu.memory_space<vmem_shared>>) target(%dma_start3A_14 : memref<625x64xf32, #tpu.memory_space<hbm>>) target_semaphore(%run_scoped3A : memref<!tpu.dma_semaphore, #tpu.memory_space<semaphore_mem>>)
      %dma_wait3A = arith.constant 0 : i32
      %dma_wait3A_17 = tpu.memref_slice %arg9[%arg0, %mul3A_12, %dma_wait3A] : memref<2x10000x64xf32, #tpu.memory_space<hbm>> -> memref<1x625x64xf32, #tpu.memory_space<hbm>>
      %dma_wait3A_18 = tpu.memref_squeeze %dma_wait3A_17 : memref<1x625x64xf32, #tpu.memory_space<hbm>> -> memref<625x64xf32, #tpu.memory_space<hbm>>
      %dma_wait3A_19 = arith.constant 0 : i32
      %dma_wait3A_20 = tpu.memref_slice %arg17[%mul3A_10, %dma_wait3A_19] : memref<10000x64xf32, #tpu.memory_space<vmem_shared>> -> memref<625x64xf32, #tpu.memory_space<vmem_shared>>
      tpu.wait_dma2 semaphore(%run_scoped3A : memref<!tpu.dma_semaphore, #tpu.memory_space<semaphore_mem>>) src(%dma_wait3A_20 : memref<625x64xf32, #tpu.memory_space<vmem_shared>>) dst(%dma_wait3A_18 : memref<625x64xf32, #tpu.memory_space<hbm>>)
      tpu.yield
    }) : () -> ()
    return
  }
}

#map = affine_map<(d0, d1) -> (0, 0)>
#map1 = affine_map<(d0, d1) -> (0)>
#map2 = affine_map<(d0, d1) -> (0, 0, 0)>
module attributes {stable_mosaic.version = 14 : i64} {
  func.func @body(%arg0: i32, %arg1: i32, %arg2: memref<200000x32xf32, #tpu.memory_space<hbm>>, %arg3: memref<163840xi32, #tpu.memory_space<hbm>>, %arg4: memref<163840xi32, #tpu.memory_space<hbm>>, %arg5: memref<163840x16xf32, #tpu.memory_space<hbm>>, %arg6: memref<163840x16xf32, #tpu.memory_space<hbm>>, %arg7: memref<163840xi32, #tpu.memory_space<hbm>>, %arg8: memref<625x32xf32, #tpu.memory_space<hbm>>, %arg9: memref<2x10000x32xf32, #tpu.memory_space<hbm>>, %arg10: memref<128xi32, #tpu.memory_space<vmem>>, %arg11: memref<128xi32, #tpu.memory_space<vmem>>, %arg12: memref<128xi32, #tpu.memory_space<vmem>>, %arg13: memref<128x16xf32, #tpu.memory_space<vmem>>, %arg14: memref<128x16xf32, #tpu.memory_space<vmem>>, %arg15: memref<128x32xf32, #tpu.memory_space<vmem>>, %arg16: memref<128x32xf32, #tpu.memory_space<vmem>>, %arg17: memref<10000x32xf32, #tpu.memory_space<vmem_shared>>, %arg18: memref<!tpu.dma_semaphore, #tpu.memory_space<semaphore_mem>>, %arg19: memref<!tpu.dma_semaphore, #tpu.memory_space<semaphore_mem>>) attributes {dimension_semantics = [#tpu.dimension_semantics<core_parallel>, #tpu.dimension_semantics<subcore_parallel>], iteration_bounds = array<i64: 2, 16>, scalar_prefetch = 0 : i64, scratch_operands = 10 : i64, tpu.core_type = #tpu.core_type<sc_vector_subcore>, window_params = [{transform_indices = #map}, {transform_indices = #map1}, {transform_indices = #map1}, {transform_indices = #map}, {transform_indices = #map}, {transform_indices = #map1}, {transform_indices = #map}, {transform_indices = #map2}]} {
    %mul3A = arith.constant 2 : i32
    %mul3A_0 = arith.muli %arg1, %mul3A : i32
    %add3A = arith.addi %mul3A_0, %arg0 : i32
    %mul3A_1 = arith.constant 625 : i32
    %mul3A_2 = arith.muli %arg1, %mul3A_1 : i32
    "tpu.region"() ({
      %run_scoped3A = tpu.sem_alloc : memref<!tpu.dma_semaphore, #tpu.memory_space<semaphore_mem>>
      %dma_start3A = arith.constant 0 : i32
      %dma_start3A_13 = tpu.memref_slice %arg17[%mul3A_2, %dma_start3A] : memref<10000x32xf32, #tpu.memory_space<vmem_shared>> -> memref<625x32xf32, #tpu.memory_space<vmem_shared>>
      tpu.enqueue_dma source(%arg8 : memref<625x32xf32, #tpu.memory_space<hbm>>) target(%dma_start3A_13 : memref<625x32xf32, #tpu.memory_space<vmem_shared>>) target_semaphore(%run_scoped3A : memref<!tpu.dma_semaphore, #tpu.memory_space<semaphore_mem>>)
      %dma_wait3A = arith.constant 0 : i32
      %dma_wait3A_14 = tpu.memref_slice %arg17[%mul3A_2, %dma_wait3A] : memref<10000x32xf32, #tpu.memory_space<vmem_shared>> -> memref<625x32xf32, #tpu.memory_space<vmem_shared>>
      tpu.wait_dma2 semaphore(%run_scoped3A : memref<!tpu.dma_semaphore, #tpu.memory_space<semaphore_mem>>) src(%arg8 : memref<625x32xf32, #tpu.memory_space<hbm>>) dst(%dma_wait3A_14 : memref<625x32xf32, #tpu.memory_space<vmem_shared>>)
      tpu.yield
    }) : () -> ()
    %barrier3A = arith.constant 0 : index
    tpu.barrier barrier_id(%barrier3A)
    %scan3A = arith.constant 0 : i32
    %scan3A_3 = arith.constant 0 : i32
    %scan3A_4 = arith.constant 40 : i32
    %scan3A_5 = arith.addi %scan3A_3, %scan3A_4 : i32
    %scan3A_6 = arith.constant 1 : i32
    scf.for %scan3A_13 = %scan3A_3 to %scan3A_5 step %scan3A_6  : i32 {
      %mul3A_14 = arith.constant 5120 : i32
      %mul3A_15 = arith.muli %add3A, %mul3A_14 : i32
      %mul3A_16 = arith.constant 128 : i32
      %mul3A_17 = arith.muli %scan3A_13, %mul3A_16 : i32
      %add3A_18 = arith.addi %mul3A_15, %mul3A_17 : i32
      "tpu.region"() ({
        %run_scoped3A = tpu.sem_alloc : memref<!tpu.dma_semaphore, #tpu.memory_space<semaphore_mem>>
        %dma_start3A_35 = tpu.memref_slice %arg3[%add3A_18] : memref<163840xi32, #tpu.memory_space<hbm>> -> memref<128xi32, #tpu.memory_space<hbm>>
        %dma_start3A_36 = tpu.memref_slice %arg3[%add3A_18] : memref<163840xi32, #tpu.memory_space<hbm>> -> memref<128xi32, #tpu.memory_space<hbm>>
        tpu.enqueue_dma source(%dma_start3A_36 : memref<128xi32, #tpu.memory_space<hbm>>) target(%arg10 : memref<128xi32, #tpu.memory_space<vmem>>) target_semaphore(%run_scoped3A : memref<!tpu.dma_semaphore, #tpu.memory_space<semaphore_mem>>)
        %dma_wait3A_37 = tpu.memref_slice %arg3[%add3A_18] : memref<163840xi32, #tpu.memory_space<hbm>> -> memref<128xi32, #tpu.memory_space<hbm>>
        %dma_wait3A_38 = tpu.memref_slice %arg3[%add3A_18] : memref<163840xi32, #tpu.memory_space<hbm>> -> memref<128xi32, #tpu.memory_space<hbm>>
        tpu.wait_dma2 semaphore(%run_scoped3A : memref<!tpu.dma_semaphore, #tpu.memory_space<semaphore_mem>>) src(%dma_wait3A_38 : memref<128xi32, #tpu.memory_space<hbm>>) dst(%arg10 : memref<128xi32, #tpu.memory_space<vmem>>)
        tpu.yield
      }) : () -> ()
      "tpu.region"() ({
        %run_scoped3A = tpu.sem_alloc : memref<!tpu.dma_semaphore, #tpu.memory_space<semaphore_mem>>
        %dma_start3A_35 = tpu.memref_slice %arg4[%add3A_18] : memref<163840xi32, #tpu.memory_space<hbm>> -> memref<128xi32, #tpu.memory_space<hbm>>
        %dma_start3A_36 = tpu.memref_slice %arg4[%add3A_18] : memref<163840xi32, #tpu.memory_space<hbm>> -> memref<128xi32, #tpu.memory_space<hbm>>
        tpu.enqueue_dma source(%dma_start3A_36 : memref<128xi32, #tpu.memory_space<hbm>>) target(%arg11 : memref<128xi32, #tpu.memory_space<vmem>>) target_semaphore(%run_scoped3A : memref<!tpu.dma_semaphore, #tpu.memory_space<semaphore_mem>>)
        %dma_wait3A_37 = tpu.memref_slice %arg4[%add3A_18] : memref<163840xi32, #tpu.memory_space<hbm>> -> memref<128xi32, #tpu.memory_space<hbm>>
        %dma_wait3A_38 = tpu.memref_slice %arg4[%add3A_18] : memref<163840xi32, #tpu.memory_space<hbm>> -> memref<128xi32, #tpu.memory_space<hbm>>
        tpu.wait_dma2 semaphore(%run_scoped3A : memref<!tpu.dma_semaphore, #tpu.memory_space<semaphore_mem>>) src(%dma_wait3A_38 : memref<128xi32, #tpu.memory_space<hbm>>) dst(%arg11 : memref<128xi32, #tpu.memory_space<vmem>>)
        tpu.yield
      }) : () -> ()
      "tpu.region"() ({
        %run_scoped3A = tpu.sem_alloc : memref<!tpu.dma_semaphore, #tpu.memory_space<semaphore_mem>>
        %dma_start3A_35 = arith.constant 0 : i32
        %dma_start3A_36 = tpu.memref_slice %arg5[%add3A_18, %dma_start3A_35] : memref<163840x16xf32, #tpu.memory_space<hbm>> -> memref<128x16xf32, #tpu.memory_space<hbm>>
        %dma_start3A_37 = arith.constant 0 : i32
        %dma_start3A_38 = tpu.memref_slice %arg5[%add3A_18, %dma_start3A_37] : memref<163840x16xf32, #tpu.memory_space<hbm>> -> memref<128x16xf32, #tpu.memory_space<hbm>>
        tpu.enqueue_dma source(%dma_start3A_38 : memref<128x16xf32, #tpu.memory_space<hbm>>) target(%arg13 : memref<128x16xf32, #tpu.memory_space<vmem>>) target_semaphore(%run_scoped3A : memref<!tpu.dma_semaphore, #tpu.memory_space<semaphore_mem>>)
        %dma_wait3A_39 = arith.constant 0 : i32
        %dma_wait3A_40 = tpu.memref_slice %arg5[%add3A_18, %dma_wait3A_39] : memref<163840x16xf32, #tpu.memory_space<hbm>> -> memref<128x16xf32, #tpu.memory_space<hbm>>
        %dma_wait3A_41 = arith.constant 0 : i32
        %dma_wait3A_42 = tpu.memref_slice %arg5[%add3A_18, %dma_wait3A_41] : memref<163840x16xf32, #tpu.memory_space<hbm>> -> memref<128x16xf32, #tpu.memory_space<hbm>>
        tpu.wait_dma2 semaphore(%run_scoped3A : memref<!tpu.dma_semaphore, #tpu.memory_space<semaphore_mem>>) src(%dma_wait3A_42 : memref<128x16xf32, #tpu.memory_space<hbm>>) dst(%arg13 : memref<128x16xf32, #tpu.memory_space<vmem>>)
        tpu.yield
      }) : () -> ()
      "tpu.region"() ({
        %run_scoped3A = tpu.sem_alloc : memref<!tpu.dma_semaphore, #tpu.memory_space<semaphore_mem>>
        %dma_start3A_35 = arith.constant 0 : i32
        %dma_start3A_36 = tpu.memref_slice %arg6[%add3A_18, %dma_start3A_35] : memref<163840x16xf32, #tpu.memory_space<hbm>> -> memref<128x16xf32, #tpu.memory_space<hbm>>
        %dma_start3A_37 = arith.constant 0 : i32
        %dma_start3A_38 = tpu.memref_slice %arg6[%add3A_18, %dma_start3A_37] : memref<163840x16xf32, #tpu.memory_space<hbm>> -> memref<128x16xf32, #tpu.memory_space<hbm>>
        tpu.enqueue_dma source(%dma_start3A_38 : memref<128x16xf32, #tpu.memory_space<hbm>>) target(%arg14 : memref<128x16xf32, #tpu.memory_space<vmem>>) target_semaphore(%run_scoped3A : memref<!tpu.dma_semaphore, #tpu.memory_space<semaphore_mem>>)
        %dma_wait3A_39 = arith.constant 0 : i32
        %dma_wait3A_40 = tpu.memref_slice %arg6[%add3A_18, %dma_wait3A_39] : memref<163840x16xf32, #tpu.memory_space<hbm>> -> memref<128x16xf32, #tpu.memory_space<hbm>>
        %dma_wait3A_41 = arith.constant 0 : i32
        %dma_wait3A_42 = tpu.memref_slice %arg6[%add3A_18, %dma_wait3A_41] : memref<163840x16xf32, #tpu.memory_space<hbm>> -> memref<128x16xf32, #tpu.memory_space<hbm>>
        tpu.wait_dma2 semaphore(%run_scoped3A : memref<!tpu.dma_semaphore, #tpu.memory_space<semaphore_mem>>) src(%dma_wait3A_42 : memref<128x16xf32, #tpu.memory_space<hbm>>) dst(%arg14 : memref<128x16xf32, #tpu.memory_space<vmem>>)
        tpu.yield
      }) : () -> ()
      "tpu.region"() ({
        %run_scoped3A = tpu.sem_alloc : memref<!tpu.dma_semaphore, #tpu.memory_space<semaphore_mem>>
        %dma_start3A_35 = tpu.memref_slice %arg7[%add3A_18] : memref<163840xi32, #tpu.memory_space<hbm>> -> memref<128xi32, #tpu.memory_space<hbm>>
        %dma_start3A_36 = tpu.memref_slice %arg7[%add3A_18] : memref<163840xi32, #tpu.memory_space<hbm>> -> memref<128xi32, #tpu.memory_space<hbm>>
        tpu.enqueue_dma source(%dma_start3A_36 : memref<128xi32, #tpu.memory_space<hbm>>) target(%arg12 : memref<128xi32, #tpu.memory_space<vmem>>) target_semaphore(%run_scoped3A : memref<!tpu.dma_semaphore, #tpu.memory_space<semaphore_mem>>)
        %dma_wait3A_37 = tpu.memref_slice %arg7[%add3A_18] : memref<163840xi32, #tpu.memory_space<hbm>> -> memref<128xi32, #tpu.memory_space<hbm>>
        %dma_wait3A_38 = tpu.memref_slice %arg7[%add3A_18] : memref<163840xi32, #tpu.memory_space<hbm>> -> memref<128xi32, #tpu.memory_space<hbm>>
        tpu.wait_dma2 semaphore(%run_scoped3A : memref<!tpu.dma_semaphore, #tpu.memory_space<semaphore_mem>>) src(%dma_wait3A_38 : memref<128xi32, #tpu.memory_space<hbm>>) dst(%arg12 : memref<128xi32, #tpu.memory_space<vmem>>)
        tpu.yield
      }) : () -> ()
      %dma_start3A = arith.constant 0 : i32
      %dma_start3A_19 = arith.constant 0 : i32
      %dma_start3A_20 = tpu.memref_slice %arg2[%dma_start3A, %dma_start3A_19] : memref<200000x32xf32, #tpu.memory_space<hbm>> -> memref<200000x32xf32, #tpu.memory_space<hbm>>
      tpu.enqueue_indirect_dma source(%dma_start3A_20 : memref<200000x32xf32, #tpu.memory_space<hbm>>) target(%arg15 : memref<128x32xf32, #tpu.memory_space<vmem>>) offsets(%arg10 : memref<128xi32, #tpu.memory_space<vmem>>) semaphore(%arg18 : memref<!tpu.dma_semaphore, #tpu.memory_space<semaphore_mem>>)
      %dma_start3A_21 = arith.constant 0 : i32
      %dma_start3A_22 = arith.constant 0 : i32
      %dma_start3A_23 = tpu.memref_slice %arg2[%dma_start3A_21, %dma_start3A_22] : memref<200000x32xf32, #tpu.memory_space<hbm>> -> memref<200000x32xf32, #tpu.memory_space<hbm>>
      tpu.enqueue_indirect_dma source(%dma_start3A_23 : memref<200000x32xf32, #tpu.memory_space<hbm>>) target(%arg16 : memref<128x32xf32, #tpu.memory_space<vmem>>) offsets(%arg11 : memref<128xi32, #tpu.memory_space<vmem>>) semaphore(%arg19 : memref<!tpu.dma_semaphore, #tpu.memory_space<semaphore_mem>>)
      %dma_wait3A = arith.constant 0 : i32
      %dma_wait3A_24 = arith.constant 0 : i32
      %dma_wait3A_25 = tpu.memref_slice %arg2[%dma_wait3A, %dma_wait3A_24] : memref<200000x32xf32, #tpu.memory_space<hbm>> -> memref<200000x32xf32, #tpu.memory_space<hbm>>
      tpu.wait_indirect_dma semaphore(%arg18 : memref<!tpu.dma_semaphore, #tpu.memory_space<semaphore_mem>>) src(%dma_wait3A_25 : memref<200000x32xf32, #tpu.memory_space<hbm>>) dst(%arg15 : memref<128x32xf32, #tpu.memory_space<vmem>>)
      %dma_wait3A_26 = arith.constant 0 : i32
      %dma_wait3A_27 = arith.constant 0 : i32
      %dma_wait3A_28 = tpu.memref_slice %arg2[%dma_wait3A_26, %dma_wait3A_27] : memref<200000x32xf32, #tpu.memory_space<hbm>> -> memref<200000x32xf32, #tpu.memory_space<hbm>>
      tpu.wait_indirect_dma semaphore(%arg19 : memref<!tpu.dma_semaphore, #tpu.memory_space<semaphore_mem>>) src(%dma_wait3A_28 : memref<200000x32xf32, #tpu.memory_space<hbm>>) dst(%arg16 : memref<128x32xf32, #tpu.memory_space<vmem>>)
      %scan3A_29 = arith.constant 0 : i32
      %scan3A_30 = arith.constant 0 : i32
      %scan3A_31 = arith.constant 128 : i32
      %scan3A_32 = arith.addi %scan3A_30, %scan3A_31 : i32
      %scan3A_33 = arith.constant 1 : i32
      scf.for %scan3A_35 = %scan3A_30 to %scan3A_32 step %scan3A_33  : i32 {
        %get3A = arith.index_cast %scan3A_35 : i32 to index
        %get3A_36 = arith.constant 0 : index
        %get3A_37 = tpu.vector_load %arg13[%get3A, %get3A_36] {strides = array<i32>} : memref<128x16xf32, #tpu.memory_space<vmem>>, vector<1x16xf32>,
        %get3A_38 = vector.shape_cast %get3A_37 : vector<1x16xf32> to vector<16xf32>
        %get3A_39 = arith.index_cast %scan3A_35 : i32 to index
        %get3A_40 = arith.constant 0 : index
        %get3A_41 = tpu.vector_load %arg14[%get3A_39, %get3A_40] {strides = array<i32>} : memref<128x16xf32, #tpu.memory_space<vmem>>, vector<1x16xf32>,
        %get3A_42 = vector.shape_cast %get3A_41 : vector<1x16xf32> to vector<16xf32>
        %get3A_43 = arith.index_cast %scan3A_35 : i32 to index
        %get3A_44 = arith.constant 0 : index
        %get3A_45 = tpu.vector_load %arg15[%get3A_43, %get3A_44] {strides = array<i32>} : memref<128x32xf32, #tpu.memory_space<vmem>>, vector<1x16xf32>,
        %get3A_46 = vector.shape_cast %get3A_45 : vector<1x16xf32> to vector<16xf32>
        %mul3A_47 = arith.mulf %get3A_38, %get3A_46 : vector<16xf32>
        %get3A_48 = arith.index_cast %scan3A_35 : i32 to index
        %get3A_49 = arith.constant 0 : index
        %get3A_50 = tpu.vector_load %arg16[%get3A_48, %get3A_49] {strides = array<i32>} : memref<128x32xf32, #tpu.memory_space<vmem>>, vector<1x16xf32>,
        %get3A_51 = vector.shape_cast %get3A_50 : vector<1x16xf32> to vector<16xf32>
        %mul3A_52 = arith.mulf %get3A_42, %get3A_51 : vector<16xf32>
        %add3A_53 = arith.addf %mul3A_47, %mul3A_52 : vector<16xf32>
        %swap3A = arith.index_cast %scan3A_35 : i32 to index
        %swap3A_54 = arith.constant 0 : index
        %swap3A_55 = tpu.vector_load %arg15[%swap3A, %swap3A_54] {strides = array<i32>} : memref<128x32xf32, #tpu.memory_space<vmem>>, vector<1x16xf32>,
        %swap3A_56 = vector.shape_cast %swap3A_55 : vector<1x16xf32> to vector<16xf32>
        %swap3A_57 = vector.shape_cast %add3A_53 : vector<16xf32> to vector<1x16xf32>
        tpu.vector_store %arg15[%swap3A, %swap3A_54], %swap3A_57 {strides = array<i32>} : memref<128x32xf32, #tpu.memory_space<vmem>>, vector<1x16xf32>,
        %get3A_58 = arith.index_cast %scan3A_35 : i32 to index
        %get3A_59 = arith.constant 16 : index
        %get3A_60 = tpu.vector_load %arg15[%get3A_58, %get3A_59] {strides = array<i32>} : memref<128x32xf32, #tpu.memory_space<vmem>>, vector<1x16xf32>,
        %get3A_61 = vector.shape_cast %get3A_60 : vector<1x16xf32> to vector<16xf32>
        %mul3A_62 = arith.mulf %get3A_38, %get3A_61 : vector<16xf32>
        %get3A_63 = arith.index_cast %scan3A_35 : i32 to index
        %get3A_64 = arith.constant 16 : index
        %get3A_65 = tpu.vector_load %arg16[%get3A_63, %get3A_64] {strides = array<i32>} : memref<128x32xf32, #tpu.memory_space<vmem>>, vector<1x16xf32>,
        %get3A_66 = vector.shape_cast %get3A_65 : vector<1x16xf32> to vector<16xf32>
        %mul3A_67 = arith.mulf %get3A_42, %get3A_66 : vector<16xf32>
        %add3A_68 = arith.addf %mul3A_62, %mul3A_67 : vector<16xf32>
        %swap3A_69 = arith.index_cast %scan3A_35 : i32 to index
        %swap3A_70 = arith.constant 16 : index
        %swap3A_71 = tpu.vector_load %arg15[%swap3A_69, %swap3A_70] {strides = array<i32>} : memref<128x32xf32, #tpu.memory_space<vmem>>, vector<1x16xf32>,
        %swap3A_72 = vector.shape_cast %swap3A_71 : vector<1x16xf32> to vector<16xf32>
        %swap3A_73 = vector.shape_cast %add3A_68 : vector<16xf32> to vector<1x16xf32>
        tpu.vector_store %arg15[%swap3A_69, %swap3A_70], %swap3A_73 {strides = array<i32>} : memref<128x32xf32, #tpu.memory_space<vmem>>, vector<1x16xf32>,
      }
      %scan3A_34 = arith.constant 128 : i32
      "tpu.region"() ({
        %run_scoped3A = tpu.sem_alloc : memref<!tpu.dma_semaphore, #tpu.memory_space<semaphore_mem>>
        %dma_start3A_35 = arith.constant 0 : i32
        %dma_start3A_36 = arith.constant 0 : i32
        %dma_start3A_37 = tpu.memref_slice %arg17[%dma_start3A_35, %dma_start3A_36] : memref<10000x32xf32, #tpu.memory_space<vmem_shared>> -> memref<10000x32xf32, #tpu.memory_space<vmem_shared>>
        tpu.enqueue_indirect_dma source(%arg15 : memref<128x32xf32, #tpu.memory_space<vmem>>) target(%dma_start3A_37 : memref<10000x32xf32, #tpu.memory_space<vmem_shared>>) offsets(%arg12 : memref<128xi32, #tpu.memory_space<vmem>>) semaphore(%run_scoped3A : memref<!tpu.dma_semaphore, #tpu.memory_space<semaphore_mem>>) {add = true}
        %dma_wait3A_38 = arith.constant 0 : i32
        %dma_wait3A_39 = arith.constant 0 : i32
        %dma_wait3A_40 = tpu.memref_slice %arg17[%dma_wait3A_38, %dma_wait3A_39] : memref<10000x32xf32, #tpu.memory_space<vmem_shared>> -> memref<10000x32xf32, #tpu.memory_space<vmem_shared>>
        tpu.wait_indirect_dma semaphore(%run_scoped3A : memref<!tpu.dma_semaphore, #tpu.memory_space<semaphore_mem>>) src(%arg15 : memref<128x32xf32, #tpu.memory_space<vmem>>) dst(%dma_wait3A_40 : memref<10000x32xf32, #tpu.memory_space<vmem_shared>>)
        tpu.yield
      }) : () -> ()
    }
    %scan3A_7 = arith.constant 40 : i32
    %barrier3A_8 = arith.constant 0 : index
    tpu.barrier barrier_id(%barrier3A_8)
    %mul3A_9 = arith.constant 625 : i32
    %mul3A_10 = arith.muli %arg1, %mul3A_9 : i32
    %mul3A_11 = arith.constant 625 : i32
    %mul3A_12 = arith.muli %arg1, %mul3A_11 : i32
    "tpu.region"() ({
      %run_scoped3A = tpu.sem_alloc : memref<!tpu.dma_semaphore, #tpu.memory_space<semaphore_mem>>
      %dma_start3A = arith.constant 0 : i32
      %dma_start3A_13 = tpu.memref_slice %arg9[%arg0, %mul3A_12, %dma_start3A] : memref<2x10000x32xf32, #tpu.memory_space<hbm>> -> memref<1x625x32xf32, #tpu.memory_space<hbm>>
      %dma_start3A_14 = tpu.memref_squeeze %dma_start3A_13 : memref<1x625x32xf32, #tpu.memory_space<hbm>> -> memref<625x32xf32, #tpu.memory_space<hbm>>
      %dma_start3A_15 = arith.constant 0 : i32
      %dma_start3A_16 = tpu.memref_slice %arg17[%mul3A_10, %dma_start3A_15] : memref<10000x32xf32, #tpu.memory_space<vmem_shared>> -> memref<625x32xf32, #tpu.memory_space<vmem_shared>>
      tpu.enqueue_dma source(%dma_start3A_16 : memref<625x32xf32, #tpu.memory_space<vmem_shared>>) target(%dma_start3A_14 : memref<625x32xf32, #tpu.memory_space<hbm>>) target_semaphore(%run_scoped3A : memref<!tpu.dma_semaphore, #tpu.memory_space<semaphore_mem>>)
      %dma_wait3A = arith.constant 0 : i32
      %dma_wait3A_17 = tpu.memref_slice %arg9[%arg0, %mul3A_12, %dma_wait3A] : memref<2x10000x32xf32, #tpu.memory_space<hbm>> -> memref<1x625x32xf32, #tpu.memory_space<hbm>>
      %dma_wait3A_18 = tpu.memref_squeeze %dma_wait3A_17 : memref<1x625x32xf32, #tpu.memory_space<hbm>> -> memref<625x32xf32, #tpu.memory_space<hbm>>
      %dma_wait3A_19 = arith.constant 0 : i32
      %dma_wait3A_20 = tpu.memref_slice %arg17[%mul3A_10, %dma_wait3A_19] : memref<10000x32xf32, #tpu.memory_space<vmem_shared>> -> memref<625x32xf32, #tpu.memory_space<vmem_shared>>
      tpu.wait_dma2 semaphore(%run_scoped3A : memref<!tpu.dma_semaphore, #tpu.memory_space<semaphore_mem>>) src(%dma_wait3A_20 : memref<625x32xf32, #tpu.memory_space<vmem_shared>>) dst(%dma_wait3A_18 : memref<625x32xf32, #tpu.memory_space<hbm>>)
      tpu.yield
    }) : () -> ()
    return
  }
}

#map = affine_map<(d0, d1) -> (0, 0)>
#map1 = affine_map<(d0, d1) -> (0)>
#map2 = affine_map<(d0, d1) -> (0, 0, 0)>
module attributes {stable_mosaic.version = 14 : i64} {
  func.func @body(%arg0: i32, %arg1: i32, %arg2: memref<200000x16xf32, #tpu.memory_space<hbm>>, %arg3: memref<163840xi32, #tpu.memory_space<hbm>>, %arg4: memref<163840xi32, #tpu.memory_space<hbm>>, %arg5: memref<163840x16xf32, #tpu.memory_space<hbm>>, %arg6: memref<163840x16xf32, #tpu.memory_space<hbm>>, %arg7: memref<163840xi32, #tpu.memory_space<hbm>>, %arg8: memref<625x16xf32, #tpu.memory_space<hbm>>, %arg9: memref<2x10000x16xf32, #tpu.memory_space<hbm>>, %arg10: memref<128xi32, #tpu.memory_space<vmem>>, %arg11: memref<128xi32, #tpu.memory_space<vmem>>, %arg12: memref<128xi32, #tpu.memory_space<vmem>>, %arg13: memref<128x16xf32, #tpu.memory_space<vmem>>, %arg14: memref<128x16xf32, #tpu.memory_space<vmem>>, %arg15: memref<128x16xf32, #tpu.memory_space<vmem>>, %arg16: memref<128x16xf32, #tpu.memory_space<vmem>>, %arg17: memref<10000x16xf32, #tpu.memory_space<vmem_shared>>, %arg18: memref<!tpu.dma_semaphore, #tpu.memory_space<semaphore_mem>>, %arg19: memref<!tpu.dma_semaphore, #tpu.memory_space<semaphore_mem>>) attributes {dimension_semantics = [#tpu.dimension_semantics<core_parallel>, #tpu.dimension_semantics<subcore_parallel>], iteration_bounds = array<i64: 2, 16>, scalar_prefetch = 0 : i64, scratch_operands = 10 : i64, tpu.core_type = #tpu.core_type<sc_vector_subcore>, window_params = [{transform_indices = #map}, {transform_indices = #map1}, {transform_indices = #map1}, {transform_indices = #map}, {transform_indices = #map}, {transform_indices = #map1}, {transform_indices = #map}, {transform_indices = #map2}]} {
    %mul3A = arith.constant 2 : i32
    %mul3A_0 = arith.muli %arg1, %mul3A : i32
    %add3A = arith.addi %mul3A_0, %arg0 : i32
    %mul3A_1 = arith.constant 625 : i32
    %mul3A_2 = arith.muli %arg1, %mul3A_1 : i32
    "tpu.region"() ({
      %run_scoped3A = tpu.sem_alloc : memref<!tpu.dma_semaphore, #tpu.memory_space<semaphore_mem>>
      %dma_start3A = arith.constant 0 : i32
      %dma_start3A_13 = tpu.memref_slice %arg17[%mul3A_2, %dma_start3A] : memref<10000x16xf32, #tpu.memory_space<vmem_shared>> -> memref<625x16xf32, #tpu.memory_space<vmem_shared>>
      tpu.enqueue_dma source(%arg8 : memref<625x16xf32, #tpu.memory_space<hbm>>) target(%dma_start3A_13 : memref<625x16xf32, #tpu.memory_space<vmem_shared>>) target_semaphore(%run_scoped3A : memref<!tpu.dma_semaphore, #tpu.memory_space<semaphore_mem>>)
      %dma_wait3A = arith.constant 0 : i32
      %dma_wait3A_14 = tpu.memref_slice %arg17[%mul3A_2, %dma_wait3A] : memref<10000x16xf32, #tpu.memory_space<vmem_shared>> -> memref<625x16xf32, #tpu.memory_space<vmem_shared>>
      tpu.wait_dma2 semaphore(%run_scoped3A : memref<!tpu.dma_semaphore, #tpu.memory_space<semaphore_mem>>) src(%arg8 : memref<625x16xf32, #tpu.memory_space<hbm>>) dst(%dma_wait3A_14 : memref<625x16xf32, #tpu.memory_space<vmem_shared>>)
      tpu.yield
    }) : () -> ()
    %barrier3A = arith.constant 0 : index
    tpu.barrier barrier_id(%barrier3A)
    %scan3A = arith.constant 0 : i32
    %scan3A_3 = arith.constant 0 : i32
    %scan3A_4 = arith.constant 40 : i32
    %scan3A_5 = arith.addi %scan3A_3, %scan3A_4 : i32
    %scan3A_6 = arith.constant 1 : i32
    scf.for %scan3A_13 = %scan3A_3 to %scan3A_5 step %scan3A_6  : i32 {
      %mul3A_14 = arith.constant 5120 : i32
      %mul3A_15 = arith.muli %add3A, %mul3A_14 : i32
      %mul3A_16 = arith.constant 128 : i32
      %mul3A_17 = arith.muli %scan3A_13, %mul3A_16 : i32
      %add3A_18 = arith.addi %mul3A_15, %mul3A_17 : i32
      "tpu.region"() ({
        %run_scoped3A = tpu.sem_alloc : memref<!tpu.dma_semaphore, #tpu.memory_space<semaphore_mem>>
        %dma_start3A_35 = tpu.memref_slice %arg3[%add3A_18] : memref<163840xi32, #tpu.memory_space<hbm>> -> memref<128xi32, #tpu.memory_space<hbm>>
        %dma_start3A_36 = tpu.memref_slice %arg3[%add3A_18] : memref<163840xi32, #tpu.memory_space<hbm>> -> memref<128xi32, #tpu.memory_space<hbm>>
        tpu.enqueue_dma source(%dma_start3A_36 : memref<128xi32, #tpu.memory_space<hbm>>) target(%arg10 : memref<128xi32, #tpu.memory_space<vmem>>) target_semaphore(%run_scoped3A : memref<!tpu.dma_semaphore, #tpu.memory_space<semaphore_mem>>)
        %dma_wait3A_37 = tpu.memref_slice %arg3[%add3A_18] : memref<163840xi32, #tpu.memory_space<hbm>> -> memref<128xi32, #tpu.memory_space<hbm>>
        %dma_wait3A_38 = tpu.memref_slice %arg3[%add3A_18] : memref<163840xi32, #tpu.memory_space<hbm>> -> memref<128xi32, #tpu.memory_space<hbm>>
        tpu.wait_dma2 semaphore(%run_scoped3A : memref<!tpu.dma_semaphore, #tpu.memory_space<semaphore_mem>>) src(%dma_wait3A_38 : memref<128xi32, #tpu.memory_space<hbm>>) dst(%arg10 : memref<128xi32, #tpu.memory_space<vmem>>)
        tpu.yield
      }) : () -> ()
      "tpu.region"() ({
        %run_scoped3A = tpu.sem_alloc : memref<!tpu.dma_semaphore, #tpu.memory_space<semaphore_mem>>
        %dma_start3A_35 = tpu.memref_slice %arg4[%add3A_18] : memref<163840xi32, #tpu.memory_space<hbm>> -> memref<128xi32, #tpu.memory_space<hbm>>
        %dma_start3A_36 = tpu.memref_slice %arg4[%add3A_18] : memref<163840xi32, #tpu.memory_space<hbm>> -> memref<128xi32, #tpu.memory_space<hbm>>
        tpu.enqueue_dma source(%dma_start3A_36 : memref<128xi32, #tpu.memory_space<hbm>>) target(%arg11 : memref<128xi32, #tpu.memory_space<vmem>>) target_semaphore(%run_scoped3A : memref<!tpu.dma_semaphore, #tpu.memory_space<semaphore_mem>>)
        %dma_wait3A_37 = tpu.memref_slice %arg4[%add3A_18] : memref<163840xi32, #tpu.memory_space<hbm>> -> memref<128xi32, #tpu.memory_space<hbm>>
        %dma_wait3A_38 = tpu.memref_slice %arg4[%add3A_18] : memref<163840xi32, #tpu.memory_space<hbm>> -> memref<128xi32, #tpu.memory_space<hbm>>
        tpu.wait_dma2 semaphore(%run_scoped3A : memref<!tpu.dma_semaphore, #tpu.memory_space<semaphore_mem>>) src(%dma_wait3A_38 : memref<128xi32, #tpu.memory_space<hbm>>) dst(%arg11 : memref<128xi32, #tpu.memory_space<vmem>>)
        tpu.yield
      }) : () -> ()
      "tpu.region"() ({
        %run_scoped3A = tpu.sem_alloc : memref<!tpu.dma_semaphore, #tpu.memory_space<semaphore_mem>>
        %dma_start3A_35 = arith.constant 0 : i32
        %dma_start3A_36 = tpu.memref_slice %arg5[%add3A_18, %dma_start3A_35] : memref<163840x16xf32, #tpu.memory_space<hbm>> -> memref<128x16xf32, #tpu.memory_space<hbm>>
        %dma_start3A_37 = arith.constant 0 : i32
        %dma_start3A_38 = tpu.memref_slice %arg5[%add3A_18, %dma_start3A_37] : memref<163840x16xf32, #tpu.memory_space<hbm>> -> memref<128x16xf32, #tpu.memory_space<hbm>>
        tpu.enqueue_dma source(%dma_start3A_38 : memref<128x16xf32, #tpu.memory_space<hbm>>) target(%arg13 : memref<128x16xf32, #tpu.memory_space<vmem>>) target_semaphore(%run_scoped3A : memref<!tpu.dma_semaphore, #tpu.memory_space<semaphore_mem>>)
        %dma_wait3A_39 = arith.constant 0 : i32
        %dma_wait3A_40 = tpu.memref_slice %arg5[%add3A_18, %dma_wait3A_39] : memref<163840x16xf32, #tpu.memory_space<hbm>> -> memref<128x16xf32, #tpu.memory_space<hbm>>
        %dma_wait3A_41 = arith.constant 0 : i32
        %dma_wait3A_42 = tpu.memref_slice %arg5[%add3A_18, %dma_wait3A_41] : memref<163840x16xf32, #tpu.memory_space<hbm>> -> memref<128x16xf32, #tpu.memory_space<hbm>>
        tpu.wait_dma2 semaphore(%run_scoped3A : memref<!tpu.dma_semaphore, #tpu.memory_space<semaphore_mem>>) src(%dma_wait3A_42 : memref<128x16xf32, #tpu.memory_space<hbm>>) dst(%arg13 : memref<128x16xf32, #tpu.memory_space<vmem>>)
        tpu.yield
      }) : () -> ()
      "tpu.region"() ({
        %run_scoped3A = tpu.sem_alloc : memref<!tpu.dma_semaphore, #tpu.memory_space<semaphore_mem>>
        %dma_start3A_35 = arith.constant 0 : i32
        %dma_start3A_36 = tpu.memref_slice %arg6[%add3A_18, %dma_start3A_35] : memref<163840x16xf32, #tpu.memory_space<hbm>> -> memref<128x16xf32, #tpu.memory_space<hbm>>
        %dma_start3A_37 = arith.constant 0 : i32
        %dma_start3A_38 = tpu.memref_slice %arg6[%add3A_18, %dma_start3A_37] : memref<163840x16xf32, #tpu.memory_space<hbm>> -> memref<128x16xf32, #tpu.memory_space<hbm>>
        tpu.enqueue_dma source(%dma_start3A_38 : memref<128x16xf32, #tpu.memory_space<hbm>>) target(%arg14 : memref<128x16xf32, #tpu.memory_space<vmem>>) target_semaphore(%run_scoped3A : memref<!tpu.dma_semaphore, #tpu.memory_space<semaphore_mem>>)
        %dma_wait3A_39 = arith.constant 0 : i32
        %dma_wait3A_40 = tpu.memref_slice %arg6[%add3A_18, %dma_wait3A_39] : memref<163840x16xf32, #tpu.memory_space<hbm>> -> memref<128x16xf32, #tpu.memory_space<hbm>>
        %dma_wait3A_41 = arith.constant 0 : i32
        %dma_wait3A_42 = tpu.memref_slice %arg6[%add3A_18, %dma_wait3A_41] : memref<163840x16xf32, #tpu.memory_space<hbm>> -> memref<128x16xf32, #tpu.memory_space<hbm>>
        tpu.wait_dma2 semaphore(%run_scoped3A : memref<!tpu.dma_semaphore, #tpu.memory_space<semaphore_mem>>) src(%dma_wait3A_42 : memref<128x16xf32, #tpu.memory_space<hbm>>) dst(%arg14 : memref<128x16xf32, #tpu.memory_space<vmem>>)
        tpu.yield
      }) : () -> ()
      "tpu.region"() ({
        %run_scoped3A = tpu.sem_alloc : memref<!tpu.dma_semaphore, #tpu.memory_space<semaphore_mem>>
        %dma_start3A_35 = tpu.memref_slice %arg7[%add3A_18] : memref<163840xi32, #tpu.memory_space<hbm>> -> memref<128xi32, #tpu.memory_space<hbm>>
        %dma_start3A_36 = tpu.memref_slice %arg7[%add3A_18] : memref<163840xi32, #tpu.memory_space<hbm>> -> memref<128xi32, #tpu.memory_space<hbm>>
        tpu.enqueue_dma source(%dma_start3A_36 : memref<128xi32, #tpu.memory_space<hbm>>) target(%arg12 : memref<128xi32, #tpu.memory_space<vmem>>) target_semaphore(%run_scoped3A : memref<!tpu.dma_semaphore, #tpu.memory_space<semaphore_mem>>)
        %dma_wait3A_37 = tpu.memref_slice %arg7[%add3A_18] : memref<163840xi32, #tpu.memory_space<hbm>> -> memref<128xi32, #tpu.memory_space<hbm>>
        %dma_wait3A_38 = tpu.memref_slice %arg7[%add3A_18] : memref<163840xi32, #tpu.memory_space<hbm>> -> memref<128xi32, #tpu.memory_space<hbm>>
        tpu.wait_dma2 semaphore(%run_scoped3A : memref<!tpu.dma_semaphore, #tpu.memory_space<semaphore_mem>>) src(%dma_wait3A_38 : memref<128xi32, #tpu.memory_space<hbm>>) dst(%arg12 : memref<128xi32, #tpu.memory_space<vmem>>)
        tpu.yield
      }) : () -> ()
      %dma_start3A = arith.constant 0 : i32
      %dma_start3A_19 = arith.constant 0 : i32
      %dma_start3A_20 = tpu.memref_slice %arg2[%dma_start3A, %dma_start3A_19] : memref<200000x16xf32, #tpu.memory_space<hbm>> -> memref<200000x16xf32, #tpu.memory_space<hbm>>
      tpu.enqueue_indirect_dma source(%dma_start3A_20 : memref<200000x16xf32, #tpu.memory_space<hbm>>) target(%arg15 : memref<128x16xf32, #tpu.memory_space<vmem>>) offsets(%arg10 : memref<128xi32, #tpu.memory_space<vmem>>) semaphore(%arg18 : memref<!tpu.dma_semaphore, #tpu.memory_space<semaphore_mem>>)
      %dma_start3A_21 = arith.constant 0 : i32
      %dma_start3A_22 = arith.constant 0 : i32
      %dma_start3A_23 = tpu.memref_slice %arg2[%dma_start3A_21, %dma_start3A_22] : memref<200000x16xf32, #tpu.memory_space<hbm>> -> memref<200000x16xf32, #tpu.memory_space<hbm>>
      tpu.enqueue_indirect_dma source(%dma_start3A_23 : memref<200000x16xf32, #tpu.memory_space<hbm>>) target(%arg16 : memref<128x16xf32, #tpu.memory_space<vmem>>) offsets(%arg11 : memref<128xi32, #tpu.memory_space<vmem>>) semaphore(%arg19 : memref<!tpu.dma_semaphore, #tpu.memory_space<semaphore_mem>>)
      %dma_wait3A = arith.constant 0 : i32
      %dma_wait3A_24 = arith.constant 0 : i32
      %dma_wait3A_25 = tpu.memref_slice %arg2[%dma_wait3A, %dma_wait3A_24] : memref<200000x16xf32, #tpu.memory_space<hbm>> -> memref<200000x16xf32, #tpu.memory_space<hbm>>
      tpu.wait_indirect_dma semaphore(%arg18 : memref<!tpu.dma_semaphore, #tpu.memory_space<semaphore_mem>>) src(%dma_wait3A_25 : memref<200000x16xf32, #tpu.memory_space<hbm>>) dst(%arg15 : memref<128x16xf32, #tpu.memory_space<vmem>>)
      %dma_wait3A_26 = arith.constant 0 : i32
      %dma_wait3A_27 = arith.constant 0 : i32
      %dma_wait3A_28 = tpu.memref_slice %arg2[%dma_wait3A_26, %dma_wait3A_27] : memref<200000x16xf32, #tpu.memory_space<hbm>> -> memref<200000x16xf32, #tpu.memory_space<hbm>>
      tpu.wait_indirect_dma semaphore(%arg19 : memref<!tpu.dma_semaphore, #tpu.memory_space<semaphore_mem>>) src(%dma_wait3A_28 : memref<200000x16xf32, #tpu.memory_space<hbm>>) dst(%arg16 : memref<128x16xf32, #tpu.memory_space<vmem>>)
      %scan3A_29 = arith.constant 0 : i32
      %scan3A_30 = arith.constant 0 : i32
      %scan3A_31 = arith.constant 128 : i32
      %scan3A_32 = arith.addi %scan3A_30, %scan3A_31 : i32
      %scan3A_33 = arith.constant 1 : i32
      scf.for %scan3A_35 = %scan3A_30 to %scan3A_32 step %scan3A_33  : i32 {
        %get3A = arith.index_cast %scan3A_35 : i32 to index
        %get3A_36 = arith.constant 0 : index
        %get3A_37 = tpu.vector_load %arg13[%get3A, %get3A_36] {strides = array<i32>} : memref<128x16xf32, #tpu.memory_space<vmem>>, vector<1x16xf32>,
        %get3A_38 = vector.shape_cast %get3A_37 : vector<1x16xf32> to vector<16xf32>
        %get3A_39 = arith.index_cast %scan3A_35 : i32 to index
        %get3A_40 = arith.constant 0 : index
        %get3A_41 = tpu.vector_load %arg14[%get3A_39, %get3A_40] {strides = array<i32>} : memref<128x16xf32, #tpu.memory_space<vmem>>, vector<1x16xf32>,
        %get3A_42 = vector.shape_cast %get3A_41 : vector<1x16xf32> to vector<16xf32>
        %get3A_43 = arith.index_cast %scan3A_35 : i32 to index
        %get3A_44 = arith.constant 0 : index
        %get3A_45 = tpu.vector_load %arg15[%get3A_43, %get3A_44] {strides = array<i32>} : memref<128x16xf32, #tpu.memory_space<vmem>>, vector<1x16xf32>,
        %get3A_46 = vector.shape_cast %get3A_45 : vector<1x16xf32> to vector<16xf32>
        %mul3A_47 = arith.mulf %get3A_38, %get3A_46 : vector<16xf32>
        %get3A_48 = arith.index_cast %scan3A_35 : i32 to index
        %get3A_49 = arith.constant 0 : index
        %get3A_50 = tpu.vector_load %arg16[%get3A_48, %get3A_49] {strides = array<i32>} : memref<128x16xf32, #tpu.memory_space<vmem>>, vector<1x16xf32>,
        %get3A_51 = vector.shape_cast %get3A_50 : vector<1x16xf32> to vector<16xf32>
        %mul3A_52 = arith.mulf %get3A_42, %get3A_51 : vector<16xf32>
        %add3A_53 = arith.addf %mul3A_47, %mul3A_52 : vector<16xf32>
        %swap3A = arith.index_cast %scan3A_35 : i32 to index
        %swap3A_54 = arith.constant 0 : index
        %swap3A_55 = tpu.vector_load %arg15[%swap3A, %swap3A_54] {strides = array<i32>} : memref<128x16xf32, #tpu.memory_space<vmem>>, vector<1x16xf32>,
        %swap3A_56 = vector.shape_cast %swap3A_55 : vector<1x16xf32> to vector<16xf32>
        %swap3A_57 = vector.shape_cast %add3A_53 : vector<16xf32> to vector<1x16xf32>
        tpu.vector_store %arg15[%swap3A, %swap3A_54], %swap3A_57 {strides = array<i32>} : memref<128x16xf32, #tpu.memory_space<vmem>>, vector<1x16xf32>,
      }
      %scan3A_34 = arith.constant 128 : i32
      "tpu.region"() ({
        %run_scoped3A = tpu.sem_alloc : memref<!tpu.dma_semaphore, #tpu.memory_space<semaphore_mem>>
        %dma_start3A_35 = arith.constant 0 : i32
        %dma_start3A_36 = arith.constant 0 : i32
        %dma_start3A_37 = tpu.memref_slice %arg17[%dma_start3A_35, %dma_start3A_36] : memref<10000x16xf32, #tpu.memory_space<vmem_shared>> -> memref<10000x16xf32, #tpu.memory_space<vmem_shared>>
        tpu.enqueue_indirect_dma source(%arg15 : memref<128x16xf32, #tpu.memory_space<vmem>>) target(%dma_start3A_37 : memref<10000x16xf32, #tpu.memory_space<vmem_shared>>) offsets(%arg12 : memref<128xi32, #tpu.memory_space<vmem>>) semaphore(%run_scoped3A : memref<!tpu.dma_semaphore, #tpu.memory_space<semaphore_mem>>) {add = true}
        %dma_wait3A_38 = arith.constant 0 : i32
        %dma_wait3A_39 = arith.constant 0 : i32
        %dma_wait3A_40 = tpu.memref_slice %arg17[%dma_wait3A_38, %dma_wait3A_39] : memref<10000x16xf32, #tpu.memory_space<vmem_shared>> -> memref<10000x16xf32, #tpu.memory_space<vmem_shared>>
        tpu.wait_indirect_dma semaphore(%run_scoped3A : memref<!tpu.dma_semaphore, #tpu.memory_space<semaphore_mem>>) src(%arg15 : memref<128x16xf32, #tpu.memory_space<vmem>>) dst(%dma_wait3A_40 : memref<10000x16xf32, #tpu.memory_space<vmem_shared>>)
        tpu.yield
      }) : () -> ()
    }
    %scan3A_7 = arith.constant 40 : i32
    %barrier3A_8 = arith.constant 0 : index
    tpu.barrier barrier_id(%barrier3A_8)
    %mul3A_9 = arith.constant 625 : i32
    %mul3A_10 = arith.muli %arg1, %mul3A_9 : i32
    %mul3A_11 = arith.constant 625 : i32
    %mul3A_12 = arith.muli %arg1, %mul3A_11 : i32
    "tpu.region"() ({
      %run_scoped3A = tpu.sem_alloc : memref<!tpu.dma_semaphore, #tpu.memory_space<semaphore_mem>>
      %dma_start3A = arith.constant 0 : i32
      %dma_start3A_13 = tpu.memref_slice %arg9[%arg0, %mul3A_12, %dma_start3A] : memref<2x10000x16xf32, #tpu.memory_space<hbm>> -> memref<1x625x16xf32, #tpu.memory_space<hbm>>
      %dma_start3A_14 = tpu.memref_squeeze %dma_start3A_13 : memref<1x625x16xf32, #tpu.memory_space<hbm>> -> memref<625x16xf32, #tpu.memory_space<hbm>>
      %dma_start3A_15 = arith.constant 0 : i32
      %dma_start3A_16 = tpu.memref_slice %arg17[%mul3A_10, %dma_start3A_15] : memref<10000x16xf32, #tpu.memory_space<vmem_shared>> -> memref<625x16xf32, #tpu.memory_space<vmem_shared>>
      tpu.enqueue_dma source(%dma_start3A_16 : memref<625x16xf32, #tpu.memory_space<vmem_shared>>) target(%dma_start3A_14 : memref<625x16xf32, #tpu.memory_space<hbm>>) target_semaphore(%run_scoped3A : memref<!tpu.dma_semaphore, #tpu.memory_space<semaphore_mem>>)
      %dma_wait3A = arith.constant 0 : i32
      %dma_wait3A_17 = tpu.memref_slice %arg9[%arg0, %mul3A_12, %dma_wait3A] : memref<2x10000x16xf32, #tpu.memory_space<hbm>> -> memref<1x625x16xf32, #tpu.memory_space<hbm>>
      %dma_wait3A_18 = tpu.memref_squeeze %dma_wait3A_17 : memref<1x625x16xf32, #tpu.memory_space<hbm>> -> memref<625x16xf32, #tpu.memory_space<hbm>>
      %dma_wait3A_19 = arith.constant 0 : i32
      %dma_wait3A_20 = tpu.memref_slice %arg17[%mul3A_10, %dma_wait3A_19] : memref<10000x16xf32, #tpu.memory_space<vmem_shared>> -> memref<625x16xf32, #tpu.memory_space<vmem_shared>>
      tpu.wait_dma2 semaphore(%run_scoped3A : memref<!tpu.dma_semaphore, #tpu.memory_space<semaphore_mem>>) src(%dma_wait3A_20 : memref<625x16xf32, #tpu.memory_space<vmem_shared>>) dst(%dma_wait3A_18 : memref<625x16xf32, #tpu.memory_space<hbm>>)
      tpu.yield
    }) : () -> ()
    return
  }
}

#map = affine_map<(d0, d1) -> (0, 0)>
#map1 = affine_map<(d0, d1) -> (0)>
#map2 = affine_map<(d0, d1) -> (0, 0, 0)>
module attributes {stable_mosaic.version = 14 : i64} {
  func.func @body(%arg0: i32, %arg1: i32, %arg2: memref<200000x16xf32, #tpu.memory_space<hbm>>, %arg3: memref<163840xi32, #tpu.memory_space<hbm>>, %arg4: memref<163840xi32, #tpu.memory_space<hbm>>, %arg5: memref<163840x16xf32, #tpu.memory_space<hbm>>, %arg6: memref<163840x16xf32, #tpu.memory_space<hbm>>, %arg7: memref<163840xi32, #tpu.memory_space<hbm>>, %arg8: memref<625x16xf32, #tpu.memory_space<hbm>>, %arg9: memref<2x10000x16xf32, #tpu.memory_space<hbm>>, %arg10: memref<128xi32, #tpu.memory_space<vmem>>, %arg11: memref<128xi32, #tpu.memory_space<vmem>>, %arg12: memref<128xi32, #tpu.memory_space<vmem>>, %arg13: memref<128x16xf32, #tpu.memory_space<vmem>>, %arg14: memref<128x16xf32, #tpu.memory_space<vmem>>, %arg15: memref<128x16xf32, #tpu.memory_space<vmem>>, %arg16: memref<128x16xf32, #tpu.memory_space<vmem>>, %arg17: memref<10000x16xf32, #tpu.memory_space<vmem_shared>>, %arg18: memref<!tpu.dma_semaphore, #tpu.memory_space<semaphore_mem>>, %arg19: memref<!tpu.dma_semaphore, #tpu.memory_space<semaphore_mem>>) attributes {dimension_semantics = [#tpu.dimension_semantics<core_parallel>, #tpu.dimension_semantics<subcore_parallel>], iteration_bounds = array<i64: 2, 16>, scalar_prefetch = 0 : i64, scratch_operands = 10 : i64, tpu.core_type = #tpu.core_type<sc_vector_subcore>, window_params = [{transform_indices = #map}, {transform_indices = #map1}, {transform_indices = #map1}, {transform_indices = #map}, {transform_indices = #map}, {transform_indices = #map1}, {transform_indices = #map}, {transform_indices = #map2}]} {
    %mul3A = arith.constant 2 : i32
    %mul3A_0 = arith.muli %arg1, %mul3A : i32
    %add3A = arith.addi %mul3A_0, %arg0 : i32
    %mul3A_1 = arith.constant 625 : i32
    %mul3A_2 = arith.muli %arg1, %mul3A_1 : i32
    "tpu.region"() ({
      %run_scoped3A = tpu.sem_alloc : memref<!tpu.dma_semaphore, #tpu.memory_space<semaphore_mem>>
      %dma_start3A = arith.constant 0 : i32
      %dma_start3A_13 = tpu.memref_slice %arg17[%mul3A_2, %dma_start3A] : memref<10000x16xf32, #tpu.memory_space<vmem_shared>> -> memref<625x16xf32, #tpu.memory_space<vmem_shared>>
      tpu.enqueue_dma source(%arg8 : memref<625x16xf32, #tpu.memory_space<hbm>>) target(%dma_start3A_13 : memref<625x16xf32, #tpu.memory_space<vmem_shared>>) target_semaphore(%run_scoped3A : memref<!tpu.dma_semaphore, #tpu.memory_space<semaphore_mem>>)
      %dma_wait3A = arith.constant 0 : i32
      %dma_wait3A_14 = tpu.memref_slice %arg17[%mul3A_2, %dma_wait3A] : memref<10000x16xf32, #tpu.memory_space<vmem_shared>> -> memref<625x16xf32, #tpu.memory_space<vmem_shared>>
      tpu.wait_dma2 semaphore(%run_scoped3A : memref<!tpu.dma_semaphore, #tpu.memory_space<semaphore_mem>>) src(%arg8 : memref<625x16xf32, #tpu.memory_space<hbm>>) dst(%dma_wait3A_14 : memref<625x16xf32, #tpu.memory_space<vmem_shared>>)
      tpu.yield
    }) : () -> ()
    %barrier3A = arith.constant 0 : index
    tpu.barrier barrier_id(%barrier3A)
    %scan3A = arith.constant 0 : i32
    %scan3A_3 = arith.constant 0 : i32
    %scan3A_4 = arith.constant 40 : i32
    %scan3A_5 = arith.addi %scan3A_3, %scan3A_4 : i32
    %scan3A_6 = arith.constant 1 : i32
    scf.for %scan3A_13 = %scan3A_3 to %scan3A_5 step %scan3A_6  : i32 {
      %mul3A_14 = arith.constant 5120 : i32
      %mul3A_15 = arith.muli %add3A, %mul3A_14 : i32
      %mul3A_16 = arith.constant 128 : i32
      %mul3A_17 = arith.muli %scan3A_13, %mul3A_16 : i32
      %add3A_18 = arith.addi %mul3A_15, %mul3A_17 : i32
      "tpu.region"() ({
        %run_scoped3A = tpu.sem_alloc : memref<!tpu.dma_semaphore, #tpu.memory_space<semaphore_mem>>
        %dma_start3A_35 = tpu.memref_slice %arg3[%add3A_18] : memref<163840xi32, #tpu.memory_space<hbm>> -> memref<128xi32, #tpu.memory_space<hbm>>
        %dma_start3A_36 = tpu.memref_slice %arg3[%add3A_18] : memref<163840xi32, #tpu.memory_space<hbm>> -> memref<128xi32, #tpu.memory_space<hbm>>
        tpu.enqueue_dma source(%dma_start3A_36 : memref<128xi32, #tpu.memory_space<hbm>>) target(%arg10 : memref<128xi32, #tpu.memory_space<vmem>>) target_semaphore(%run_scoped3A : memref<!tpu.dma_semaphore, #tpu.memory_space<semaphore_mem>>)
        %dma_wait3A_37 = tpu.memref_slice %arg3[%add3A_18] : memref<163840xi32, #tpu.memory_space<hbm>> -> memref<128xi32, #tpu.memory_space<hbm>>
        %dma_wait3A_38 = tpu.memref_slice %arg3[%add3A_18] : memref<163840xi32, #tpu.memory_space<hbm>> -> memref<128xi32, #tpu.memory_space<hbm>>
        tpu.wait_dma2 semaphore(%run_scoped3A : memref<!tpu.dma_semaphore, #tpu.memory_space<semaphore_mem>>) src(%dma_wait3A_38 : memref<128xi32, #tpu.memory_space<hbm>>) dst(%arg10 : memref<128xi32, #tpu.memory_space<vmem>>)
        tpu.yield
      }) : () -> ()
      "tpu.region"() ({
        %run_scoped3A = tpu.sem_alloc : memref<!tpu.dma_semaphore, #tpu.memory_space<semaphore_mem>>
        %dma_start3A_35 = tpu.memref_slice %arg4[%add3A_18] : memref<163840xi32, #tpu.memory_space<hbm>> -> memref<128xi32, #tpu.memory_space<hbm>>
        %dma_start3A_36 = tpu.memref_slice %arg4[%add3A_18] : memref<163840xi32, #tpu.memory_space<hbm>> -> memref<128xi32, #tpu.memory_space<hbm>>
        tpu.enqueue_dma source(%dma_start3A_36 : memref<128xi32, #tpu.memory_space<hbm>>) target(%arg11 : memref<128xi32, #tpu.memory_space<vmem>>) target_semaphore(%run_scoped3A : memref<!tpu.dma_semaphore, #tpu.memory_space<semaphore_mem>>)
        %dma_wait3A_37 = tpu.memref_slice %arg4[%add3A_18] : memref<163840xi32, #tpu.memory_space<hbm>> -> memref<128xi32, #tpu.memory_space<hbm>>
        %dma_wait3A_38 = tpu.memref_slice %arg4[%add3A_18] : memref<163840xi32, #tpu.memory_space<hbm>> -> memref<128xi32, #tpu.memory_space<hbm>>
        tpu.wait_dma2 semaphore(%run_scoped3A : memref<!tpu.dma_semaphore, #tpu.memory_space<semaphore_mem>>) src(%dma_wait3A_38 : memref<128xi32, #tpu.memory_space<hbm>>) dst(%arg11 : memref<128xi32, #tpu.memory_space<vmem>>)
        tpu.yield
      }) : () -> ()
      "tpu.region"() ({
        %run_scoped3A = tpu.sem_alloc : memref<!tpu.dma_semaphore, #tpu.memory_space<semaphore_mem>>
        %dma_start3A_35 = arith.constant 0 : i32
        %dma_start3A_36 = tpu.memref_slice %arg5[%add3A_18, %dma_start3A_35] : memref<163840x16xf32, #tpu.memory_space<hbm>> -> memref<128x16xf32, #tpu.memory_space<hbm>>
        %dma_start3A_37 = arith.constant 0 : i32
        %dma_start3A_38 = tpu.memref_slice %arg5[%add3A_18, %dma_start3A_37] : memref<163840x16xf32, #tpu.memory_space<hbm>> -> memref<128x16xf32, #tpu.memory_space<hbm>>
        tpu.enqueue_dma source(%dma_start3A_38 : memref<128x16xf32, #tpu.memory_space<hbm>>) target(%arg13 : memref<128x16xf32, #tpu.memory_space<vmem>>) target_semaphore(%run_scoped3A : memref<!tpu.dma_semaphore, #tpu.memory_space<semaphore_mem>>)
        %dma_wait3A_39 = arith.constant 0 : i32
        %dma_wait3A_40 = tpu.memref_slice %arg5[%add3A_18, %dma_wait3A_39] : memref<163840x16xf32, #tpu.memory_space<hbm>> -> memref<128x16xf32, #tpu.memory_space<hbm>>
        %dma_wait3A_41 = arith.constant 0 : i32
        %dma_wait3A_42 = tpu.memref_slice %arg5[%add3A_18, %dma_wait3A_41] : memref<163840x16xf32, #tpu.memory_space<hbm>> -> memref<128x16xf32, #tpu.memory_space<hbm>>
        tpu.wait_dma2 semaphore(%run_scoped3A : memref<!tpu.dma_semaphore, #tpu.memory_space<semaphore_mem>>) src(%dma_wait3A_42 : memref<128x16xf32, #tpu.memory_space<hbm>>) dst(%arg13 : memref<128x16xf32, #tpu.memory_space<vmem>>)
        tpu.yield
      }) : () -> ()
      "tpu.region"() ({
        %run_scoped3A = tpu.sem_alloc : memref<!tpu.dma_semaphore, #tpu.memory_space<semaphore_mem>>
        %dma_start3A_35 = arith.constant 0 : i32
        %dma_start3A_36 = tpu.memref_slice %arg6[%add3A_18, %dma_start3A_35] : memref<163840x16xf32, #tpu.memory_space<hbm>> -> memref<128x16xf32, #tpu.memory_space<hbm>>
        %dma_start3A_37 = arith.constant 0 : i32
        %dma_start3A_38 = tpu.memref_slice %arg6[%add3A_18, %dma_start3A_37] : memref<163840x16xf32, #tpu.memory_space<hbm>> -> memref<128x16xf32, #tpu.memory_space<hbm>>
        tpu.enqueue_dma source(%dma_start3A_38 : memref<128x16xf32, #tpu.memory_space<hbm>>) target(%arg14 : memref<128x16xf32, #tpu.memory_space<vmem>>) target_semaphore(%run_scoped3A : memref<!tpu.dma_semaphore, #tpu.memory_space<semaphore_mem>>)
        %dma_wait3A_39 = arith.constant 0 : i32
        %dma_wait3A_40 = tpu.memref_slice %arg6[%add3A_18, %dma_wait3A_39] : memref<163840x16xf32, #tpu.memory_space<hbm>> -> memref<128x16xf32, #tpu.memory_space<hbm>>
        %dma_wait3A_41 = arith.constant 0 : i32
        %dma_wait3A_42 = tpu.memref_slice %arg6[%add3A_18, %dma_wait3A_41] : memref<163840x16xf32, #tpu.memory_space<hbm>> -> memref<128x16xf32, #tpu.memory_space<hbm>>
        tpu.wait_dma2 semaphore(%run_scoped3A : memref<!tpu.dma_semaphore, #tpu.memory_space<semaphore_mem>>) src(%dma_wait3A_42 : memref<128x16xf32, #tpu.memory_space<hbm>>) dst(%arg14 : memref<128x16xf32, #tpu.memory_space<vmem>>)
        tpu.yield
      }) : () -> ()
      "tpu.region"() ({
        %run_scoped3A = tpu.sem_alloc : memref<!tpu.dma_semaphore, #tpu.memory_space<semaphore_mem>>
        %dma_start3A_35 = tpu.memref_slice %arg7[%add3A_18] : memref<163840xi32, #tpu.memory_space<hbm>> -> memref<128xi32, #tpu.memory_space<hbm>>
        %dma_start3A_36 = tpu.memref_slice %arg7[%add3A_18] : memref<163840xi32, #tpu.memory_space<hbm>> -> memref<128xi32, #tpu.memory_space<hbm>>
        tpu.enqueue_dma source(%dma_start3A_36 : memref<128xi32, #tpu.memory_space<hbm>>) target(%arg12 : memref<128xi32, #tpu.memory_space<vmem>>) target_semaphore(%run_scoped3A : memref<!tpu.dma_semaphore, #tpu.memory_space<semaphore_mem>>)
        %dma_wait3A_37 = tpu.memref_slice %arg7[%add3A_18] : memref<163840xi32, #tpu.memory_space<hbm>> -> memref<128xi32, #tpu.memory_space<hbm>>
        %dma_wait3A_38 = tpu.memref_slice %arg7[%add3A_18] : memref<163840xi32, #tpu.memory_space<hbm>> -> memref<128xi32, #tpu.memory_space<hbm>>
        tpu.wait_dma2 semaphore(%run_scoped3A : memref<!tpu.dma_semaphore, #tpu.memory_space<semaphore_mem>>) src(%dma_wait3A_38 : memref<128xi32, #tpu.memory_space<hbm>>) dst(%arg12 : memref<128xi32, #tpu.memory_space<vmem>>)
        tpu.yield
      }) : () -> ()
      %dma_start3A = arith.constant 0 : i32
      %dma_start3A_19 = arith.constant 0 : i32
      %dma_start3A_20 = tpu.memref_slice %arg2[%dma_start3A, %dma_start3A_19] : memref<200000x16xf32, #tpu.memory_space<hbm>> -> memref<200000x16xf32, #tpu.memory_space<hbm>>
      tpu.enqueue_indirect_dma source(%dma_start3A_20 : memref<200000x16xf32, #tpu.memory_space<hbm>>) target(%arg15 : memref<128x16xf32, #tpu.memory_space<vmem>>) offsets(%arg10 : memref<128xi32, #tpu.memory_space<vmem>>) semaphore(%arg18 : memref<!tpu.dma_semaphore, #tpu.memory_space<semaphore_mem>>)
      %dma_start3A_21 = arith.constant 0 : i32
      %dma_start3A_22 = arith.constant 0 : i32
      %dma_start3A_23 = tpu.memref_slice %arg2[%dma_start3A_21, %dma_start3A_22] : memref<200000x16xf32, #tpu.memory_space<hbm>> -> memref<200000x16xf32, #tpu.memory_space<hbm>>
      tpu.enqueue_indirect_dma source(%dma_start3A_23 : memref<200000x16xf32, #tpu.memory_space<hbm>>) target(%arg16 : memref<128x16xf32, #tpu.memory_space<vmem>>) offsets(%arg11 : memref<128xi32, #tpu.memory_space<vmem>>) semaphore(%arg19 : memref<!tpu.dma_semaphore, #tpu.memory_space<semaphore_mem>>)
      %dma_wait3A = arith.constant 0 : i32
      %dma_wait3A_24 = arith.constant 0 : i32
      %dma_wait3A_25 = tpu.memref_slice %arg2[%dma_wait3A, %dma_wait3A_24] : memref<200000x16xf32, #tpu.memory_space<hbm>> -> memref<200000x16xf32, #tpu.memory_space<hbm>>
      tpu.wait_indirect_dma semaphore(%arg18 : memref<!tpu.dma_semaphore, #tpu.memory_space<semaphore_mem>>) src(%dma_wait3A_25 : memref<200000x16xf32, #tpu.memory_space<hbm>>) dst(%arg15 : memref<128x16xf32, #tpu.memory_space<vmem>>)
      %dma_wait3A_26 = arith.constant 0 : i32
      %dma_wait3A_27 = arith.constant 0 : i32
      %dma_wait3A_28 = tpu.memref_slice %arg2[%dma_wait3A_26, %dma_wait3A_27] : memref<200000x16xf32, #tpu.memory_space<hbm>> -> memref<200000x16xf32, #tpu.memory_space<hbm>>
      tpu.wait_indirect_dma semaphore(%arg19 : memref<!tpu.dma_semaphore, #tpu.memory_space<semaphore_mem>>) src(%dma_wait3A_28 : memref<200000x16xf32, #tpu.memory_space<hbm>>) dst(%arg16 : memref<128x16xf32, #tpu.memory_space<vmem>>)
      %scan3A_29 = arith.constant 0 : i32
      %scan3A_30 = arith.constant 0 : i32
      %scan3A_31 = arith.constant 128 : i32
      %scan3A_32 = arith.addi %scan3A_30, %scan3A_31 : i32
      %scan3A_33 = arith.constant 1 : i32
      scf.for %scan3A_35 = %scan3A_30 to %scan3A_32 step %scan3A_33  : i32 {
        %get3A = arith.index_cast %scan3A_35 : i32 to index
        %get3A_36 = arith.constant 0 : index
        %get3A_37 = tpu.vector_load %arg13[%get3A, %get3A_36] {strides = array<i32>} : memref<128x16xf32, #tpu.memory_space<vmem>>, vector<1x16xf32>,
        %get3A_38 = vector.shape_cast %get3A_37 : vector<1x16xf32> to vector<16xf32>
        %get3A_39 = arith.index_cast %scan3A_35 : i32 to index
        %get3A_40 = arith.constant 0 : index
        %get3A_41 = tpu.vector_load %arg14[%get3A_39, %get3A_40] {strides = array<i32>} : memref<128x16xf32, #tpu.memory_space<vmem>>, vector<1x16xf32>,
        %get3A_42 = vector.shape_cast %get3A_41 : vector<1x16xf32> to vector<16xf32>
        %get3A_43 = arith.index_cast %scan3A_35 : i32 to index
        %get3A_44 = arith.constant 0 : index
        %get3A_45 = tpu.vector_load %arg15[%get3A_43, %get3A_44] {strides = array<i32>} : memref<128x16xf32, #tpu.memory_space<vmem>>, vector<1x16xf32>,
        %get3A_46 = vector.shape_cast %get3A_45 : vector<1x16xf32> to vector<16xf32>
        %mul3A_47 = arith.mulf %get3A_38, %get3A_46 : vector<16xf32>
        %get3A_48 = arith.index_cast %scan3A_35 : i32 to index
        %get3A_49 = arith.constant 0 : index
        %get3A_50 = tpu.vector_load %arg16[%get3A_48, %get3A_49] {strides = array<i32>} : memref<128x16xf32, #tpu.memory_space<vmem>>, vector<1x16xf32>,
        %get3A_51 = vector.shape_cast %get3A_50 : vector<1x16xf32> to vector<16xf32>
        %mul3A_52 = arith.mulf %get3A_42, %get3A_51 : vector<16xf32>
        %add3A_53 = arith.addf %mul3A_47, %mul3A_52 : vector<16xf32>
        %swap3A = arith.index_cast %scan3A_35 : i32 to index
        %swap3A_54 = arith.constant 0 : index
        %swap3A_55 = tpu.vector_load %arg15[%swap3A, %swap3A_54] {strides = array<i32>} : memref<128x16xf32, #tpu.memory_space<vmem>>, vector<1x16xf32>,
        %swap3A_56 = vector.shape_cast %swap3A_55 : vector<1x16xf32> to vector<16xf32>
        %swap3A_57 = vector.shape_cast %add3A_53 : vector<16xf32> to vector<1x16xf32>
        tpu.vector_store %arg15[%swap3A, %swap3A_54], %swap3A_57 {strides = array<i32>} : memref<128x16xf32, #tpu.memory_space<vmem>>, vector<1x16xf32>,
      }
      %scan3A_34 = arith.constant 128 : i32
      "tpu.region"() ({
        %run_scoped3A = tpu.sem_alloc : memref<!tpu.dma_semaphore, #tpu.memory_space<semaphore_mem>>
        %dma_start3A_35 = arith.constant 0 : i32
        %dma_start3A_36 = arith.constant 0 : i32
        %dma_start3A_37 = tpu.memref_slice %arg17[%dma_start3A_35, %dma_start3A_36] : memref<10000x16xf32, #tpu.memory_space<vmem_shared>> -> memref<10000x16xf32, #tpu.memory_space<vmem_shared>>
        tpu.enqueue_indirect_dma source(%arg15 : memref<128x16xf32, #tpu.memory_space<vmem>>) target(%dma_start3A_37 : memref<10000x16xf32, #tpu.memory_space<vmem_shared>>) offsets(%arg12 : memref<128xi32, #tpu.memory_space<vmem>>) semaphore(%run_scoped3A : memref<!tpu.dma_semaphore, #tpu.memory_space<semaphore_mem>>) {add = true}
        %dma_wait3A_38 = arith.constant 0 : i32
        %dma_wait3A_39 = arith.constant 0 : i32
        %dma_wait3A_40 = tpu.memref_slice %arg17[%dma_wait3A_38, %dma_wait3A_39] : memref<10000x16xf32, #tpu.memory_space<vmem_shared>> -> memref<10000x16xf32, #tpu.memory_space<vmem_shared>>
        tpu.wait_indirect_dma semaphore(%run_scoped3A : memref<!tpu.dma_semaphore, #tpu.memory_space<semaphore_mem>>) src(%arg15 : memref<128x16xf32, #tpu.memory_space<vmem>>) dst(%dma_wait3A_40 : memref<10000x16xf32, #tpu.memory_space<vmem_shared>>)
        tpu.yield
      }) : () -> ()
    }
    %scan3A_7 = arith.constant 40 : i32
    %barrier3A_8 = arith.constant 0 : index
    tpu.barrier barrier_id(%barrier3A_8)
    %mul3A_9 = arith.constant 625 : i32
    %mul3A_10 = arith.muli %arg1, %mul3A_9 : i32
    %mul3A_11 = arith.constant 625 : i32
    %mul3A_12 = arith.muli %arg1, %mul3A_11 : i32
    "tpu.region"() ({
      %run_scoped3A = tpu.sem_alloc : memref<!tpu.dma_semaphore, #tpu.memory_space<semaphore_mem>>
      %dma_start3A = arith.constant 0 : i32
      %dma_start3A_13 = tpu.memref_slice %arg9[%arg0, %mul3A_12, %dma_start3A] : memref<2x10000x16xf32, #tpu.memory_space<hbm>> -> memref<1x625x16xf32, #tpu.memory_space<hbm>>
      %dma_start3A_14 = tpu.memref_squeeze %dma_start3A_13 : memref<1x625x16xf32, #tpu.memory_space<hbm>> -> memref<625x16xf32, #tpu.memory_space<hbm>>
      %dma_start3A_15 = arith.constant 0 : i32
      %dma_start3A_16 = tpu.memref_slice %arg17[%mul3A_10, %dma_start3A_15] : memref<10000x16xf32, #tpu.memory_space<vmem_shared>> -> memref<625x16xf32, #tpu.memory_space<vmem_shared>>
      tpu.enqueue_dma source(%dma_start3A_16 : memref<625x16xf32, #tpu.memory_space<vmem_shared>>) target(%dma_start3A_14 : memref<625x16xf32, #tpu.memory_space<hbm>>) target_semaphore(%run_scoped3A : memref<!tpu.dma_semaphore, #tpu.memory_space<semaphore_mem>>)
      %dma_wait3A = arith.constant 0 : i32
      %dma_wait3A_17 = tpu.memref_slice %arg9[%arg0, %mul3A_12, %dma_wait3A] : memref<2x10000x16xf32, #tpu.memory_space<hbm>> -> memref<1x625x16xf32, #tpu.memory_space<hbm>>
      %dma_wait3A_18 = tpu.memref_squeeze %dma_wait3A_17 : memref<1x625x16xf32, #tpu.memory_space<hbm>> -> memref<625x16xf32, #tpu.memory_space<hbm>>
      %dma_wait3A_19 = arith.constant 0 : i32
      %dma_wait3A_20 = tpu.memref_slice %arg17[%mul3A_10, %dma_wait3A_19] : memref<10000x16xf32, #tpu.memory_space<vmem_shared>> -> memref<625x16xf32, #tpu.memory_space<vmem_shared>>
      tpu.wait_dma2 semaphore(%run_scoped3A : memref<!tpu.dma_semaphore, #tpu.memory_space<semaphore_mem>>) src(%dma_wait3A_20 : memref<625x16xf32, #tpu.memory_space<vmem_shared>>) dst(%dma_wait3A_18 : memref<625x16xf32, #tpu.memory_space<hbm>>)
      tpu.yield
    }) : () -> ()
    return
  }
}

module attributes {stable_mosaic.version = 14 : i64} {
  func.func @body(%arg0: i32, %arg1: memref<2000x8xf32, #tpu.memory_space<vmem>>, %arg2: memref<2000x8xf32, #tpu.memory_space<vmem>>, %arg3: memref<2000x8xf32, #tpu.memory_space<vmem>>, %arg4: memref<2000x8xf32, #tpu.memory_space<vmem>>) attributes {dimension_semantics = [#tpu.dimension_semantics<arbitrary>], iteration_bounds = array<i64: 10>, scalar_prefetch = 0 : i64, scratch_operands = 0 : i64, tpu.core_type = #tpu.core_type<tc>, window_params = [{transform_indices = @transform_0, window_bounds = array<i64: 2000, 8>}, {transform_indices = @transform_1, window_bounds = array<i64: 2000, 8>}, {transform_indices = @transform_2, window_bounds = array<i64: 2000, 8>}, {transform_indices = @transform_3, window_bounds = array<i64: 2000, 8>}]} {
    %get3A = arith.constant 0 : index
    %get3A_0 = arith.constant 0 : index
    %get3A_1 = vector.load %arg2[%get3A, %get3A_0] : memref<2000x8xf32, #tpu.memory_space<vmem>>, vector<2000x1xf32>
    %get3A_2 = arith.constant 0 : index
    %get3A_3 = arith.constant 0 : index
    %get3A_4 = vector.load %arg1[%get3A_2, %get3A_3] : memref<2000x8xf32, #tpu.memory_space<vmem>>, vector<2000x1xf32>
    %sub3A = arith.subf %get3A_1, %get3A_4 : vector<2000x1xf32>
    %get3A_5 = arith.constant 0 : index
    %get3A_6 = arith.constant 1 : index
    %get3A_7 = vector.load %arg2[%get3A_5, %get3A_6] : memref<2000x8xf32, #tpu.memory_space<vmem>>, vector<2000x1xf32>
    %get3A_8 = arith.constant 0 : index
    %get3A_9 = arith.constant 1 : index
    %get3A_10 = vector.load %arg1[%get3A_8, %get3A_9] : memref<2000x8xf32, #tpu.memory_space<vmem>>, vector<2000x1xf32>
    %sub3A_11 = arith.subf %get3A_7, %get3A_10 : vector<2000x1xf32>
    %get3A_12 = arith.constant 0 : index
    %get3A_13 = arith.constant 2 : index
    %get3A_14 = vector.load %arg2[%get3A_12, %get3A_13] : memref<2000x8xf32, #tpu.memory_space<vmem>>, vector<2000x1xf32>
    %get3A_15 = arith.constant 0 : index
    %get3A_16 = arith.constant 2 : index
    %get3A_17 = vector.load %arg1[%get3A_15, %get3A_16] : memref<2000x8xf32, #tpu.memory_space<vmem>>, vector<2000x1xf32>
    %sub3A_18 = arith.subf %get3A_14, %get3A_17 : vector<2000x1xf32>
    %get3A_19 = arith.constant 0 : index
    %get3A_20 = arith.constant 0 : index
    %get3A_21 = vector.load %arg3[%get3A_19, %get3A_20] : memref<2000x8xf32, #tpu.memory_space<vmem>>, vector<2000x1xf32>
    %get3A_22 = arith.constant 0 : index
    %get3A_23 = arith.constant 0 : index
    %get3A_24 = vector.load %arg1[%get3A_22, %get3A_23] : memref<2000x8xf32, #tpu.memory_space<vmem>>, vector<2000x1xf32>
    %sub3A_25 = arith.subf %get3A_21, %get3A_24 : vector<2000x1xf32>
    %get3A_26 = arith.constant 0 : index
    %get3A_27 = arith.constant 1 : index
    %get3A_28 = vector.load %arg3[%get3A_26, %get3A_27] : memref<2000x8xf32, #tpu.memory_space<vmem>>, vector<2000x1xf32>
    %get3A_29 = arith.constant 0 : index
    %get3A_30 = arith.constant 1 : index
    %get3A_31 = vector.load %arg1[%get3A_29, %get3A_30] : memref<2000x8xf32, #tpu.memory_space<vmem>>, vector<2000x1xf32>
    %sub3A_32 = arith.subf %get3A_28, %get3A_31 : vector<2000x1xf32>
    %get3A_33 = arith.constant 0 : index
    %get3A_34 = arith.constant 2 : index
    %get3A_35 = vector.load %arg3[%get3A_33, %get3A_34] : memref<2000x8xf32, #tpu.memory_space<vmem>>, vector<2000x1xf32>
    %get3A_36 = arith.constant 0 : index
    %get3A_37 = arith.constant 2 : index
    %get3A_38 = vector.load %arg1[%get3A_36, %get3A_37] : memref<2000x8xf32, #tpu.memory_space<vmem>>, vector<2000x1xf32>
    %sub3A_39 = arith.subf %get3A_35, %get3A_38 : vector<2000x1xf32>
    %mul3A = arith.mulf %sub3A_11, %sub3A_39 : vector<2000x1xf32>
    %mul3A_40 = arith.mulf %sub3A_18, %sub3A_32 : vector<2000x1xf32>
    %sub3A_41 = arith.subf %mul3A, %mul3A_40 : vector<2000x1xf32>
    %mul3A_42 = arith.mulf %sub3A_18, %sub3A_25 : vector<2000x1xf32>
    %mul3A_43 = arith.mulf %sub3A, %sub3A_39 : vector<2000x1xf32>
    %sub3A_44 = arith.subf %mul3A_42, %mul3A_43 : vector<2000x1xf32>
    %mul3A_45 = arith.mulf %sub3A, %sub3A_32 : vector<2000x1xf32>
    %mul3A_46 = arith.mulf %sub3A_11, %sub3A_25 : vector<2000x1xf32>
    %sub3A_47 = arith.subf %mul3A_45, %mul3A_46 : vector<2000x1xf32>
    %mul3A_48 = arith.mulf %sub3A_41, %sub3A_41 : vector<2000x1xf32>
    %mul3A_49 = arith.mulf %sub3A_44, %sub3A_44 : vector<2000x1xf32>
    %add3A = arith.addf %mul3A_48, %mul3A_49 : vector<2000x1xf32>
    %mul3A_50 = arith.mulf %sub3A_47, %sub3A_47 : vector<2000x1xf32>
    %add3A_51 = arith.addf %add3A, %mul3A_50 : vector<2000x1xf32>
    %sqrt3A = math.sqrt %add3A_51 : vector<2000x1xf32>
    %mul3A_52 = arith.constant 5.000000e-01 : f32
    %mul3A_53 = vector.broadcast %mul3A_52 : f32 to vector<2000x1xf32>
    %mul3A_54 = arith.mulf %mul3A_53, %sqrt3A : vector<2000x1xf32>
    %broadcast_in_dim3A = vector.shape_cast %mul3A_54 : vector<2000x1xf32> to vector<2000x1xf32>
    %broadcast_in_dim3A_55 = vector.broadcast %broadcast_in_dim3A : vector<2000x1xf32> to vector<2000x8xf32>
    %swap3A = arith.constant 0 : index
    %swap3A_56 = arith.constant 0 : index
    %swap3A_57 = vector.load %arg4[%swap3A, %swap3A_56] : memref<2000x8xf32, #tpu.memory_space<vmem>>, vector<2000x8xf32>
    tpu.vector_store %arg4[%swap3A, %swap3A_56], %broadcast_in_dim3A_55 {strides = array<i32>} : memref<2000x8xf32, #tpu.memory_space<vmem>>, vector<2000x8xf32>,
    return
  }
  func.func @transform_0(%arg0: i32) -> (i32, i32) {
    %c0_i32 = arith.constant 0 : i32
    %c0_i32_0 = arith.constant 0 : i32
    return %arg0, %c0_i32 : i32, i32
  }
  func.func @transform_1(%arg0: i32) -> (i32, i32) {
    %c0_i32 = arith.constant 0 : i32
    %c0_i32_0 = arith.constant 0 : i32
    return %arg0, %c0_i32 : i32, i32
  }
  func.func @transform_2(%arg0: i32) -> (i32, i32) {
    %c0_i32 = arith.constant 0 : i32
    %c0_i32_0 = arith.constant 0 : i32
    return %arg0, %c0_i32 : i32, i32
  }
  func.func @transform_3(%arg0: i32) -> (i32, i32) {
    %c0_i32 = arith.constant 0 : i32
    %c0_i32_0 = arith.constant 0 : i32
    return %arg0, %c0_i32 : i32, i32
  }
}

module attributes {stable_mosaic.version = 14 : i64} {
  func.func @body(%arg0: i32, %arg1: memref<4000x8xf32, #tpu.memory_space<vmem>>, %arg2: memref<4000x8xf32, #tpu.memory_space<vmem>>, %arg3: memref<4000x1xi32, #tpu.memory_space<vmem>>, %arg4: memref<4000x1xi32, #tpu.memory_space<vmem>>, %arg5: memref<4000x1xi32, #tpu.memory_space<vmem>>, %arg6: memref<4000x16xf32, #tpu.memory_space<vmem>>, %arg7: memref<4000x16xf32, #tpu.memory_space<vmem>>) attributes {dimension_semantics = [#tpu.dimension_semantics<arbitrary>], iteration_bounds = array<i64: 40>, scalar_prefetch = 0 : i64, scratch_operands = 0 : i64, tpu.core_type = #tpu.core_type<tc>, window_params = [{transform_indices = @transform_0, window_bounds = array<i64: 4000, 8>}, {transform_indices = @transform_1, window_bounds = array<i64: 4000, 8>}, {transform_indices = @transform_2, window_bounds = array<i64: 4000, 1>}, {transform_indices = @transform_3, window_bounds = array<i64: 4000, 1>}, {transform_indices = @transform_4, window_bounds = array<i64: 4000, 1>}, {transform_indices = @transform_5, window_bounds = array<i64: 4000, 16>}, {transform_indices = @transform_6, window_bounds = array<i64: 4000, 16>}]} {
    %get3A = arith.constant 0 : index
    %get3A_0 = arith.constant 0 : index
    %get3A_1 = vector.load %arg1[%get3A, %get3A_0] : memref<4000x8xf32, #tpu.memory_space<vmem>>, vector<4000x1xf32>
    %get3A_2 = arith.constant 0 : index
    %get3A_3 = arith.constant 0 : index
    %get3A_4 = vector.load %arg2[%get3A_2, %get3A_3] : memref<4000x8xf32, #tpu.memory_space<vmem>>, vector<4000x1xf32>
    %sub3A = arith.subf %get3A_1, %get3A_4 : vector<4000x1xf32>
    %get3A_5 = arith.constant 0 : index
    %get3A_6 = arith.constant 1 : index
    %get3A_7 = vector.load %arg1[%get3A_5, %get3A_6] : memref<4000x8xf32, #tpu.memory_space<vmem>>, vector<4000x1xf32>
    %get3A_8 = arith.constant 0 : index
    %get3A_9 = arith.constant 1 : index
    %get3A_10 = vector.load %arg2[%get3A_8, %get3A_9] : memref<4000x8xf32, #tpu.memory_space<vmem>>, vector<4000x1xf32>
    %sub3A_11 = arith.subf %get3A_7, %get3A_10 : vector<4000x1xf32>
    %get3A_12 = arith.constant 0 : index
    %get3A_13 = arith.constant 2 : index
    %get3A_14 = vector.load %arg1[%get3A_12, %get3A_13] : memref<4000x8xf32, #tpu.memory_space<vmem>>, vector<4000x1xf32>
    %get3A_15 = arith.constant 0 : index
    %get3A_16 = arith.constant 2 : index
    %get3A_17 = vector.load %arg2[%get3A_15, %get3A_16] : memref<4000x8xf32, #tpu.memory_space<vmem>>, vector<4000x1xf32>
    %sub3A_18 = arith.subf %get3A_14, %get3A_17 : vector<4000x1xf32>
    %mul3A = arith.mulf %sub3A, %sub3A : vector<4000x1xf32>
    %mul3A_19 = arith.mulf %sub3A_11, %sub3A_11 : vector<4000x1xf32>
    %add3A = arith.addf %mul3A, %mul3A_19 : vector<4000x1xf32>
    %mul3A_20 = arith.mulf %sub3A_18, %sub3A_18 : vector<4000x1xf32>
    %add3A_21 = arith.addf %add3A, %mul3A_20 : vector<4000x1xf32>
    %sqrt3A = math.sqrt %add3A_21 : vector<4000x1xf32>
    %min3A = arith.constant 1.000000e+00 : f32
    %min3A_22 = vector.broadcast %min3A : f32 to vector<4000x1xf32>
    %min3A_23 = arith.minimumf %sqrt3A, %min3A_22 : vector<4000x1xf32>
    %mul3A_24 = arith.constant 1.900000e+01 : f32
    %mul3A_25 = vector.broadcast %mul3A_24 : f32 to vector<4000x1xf32>
    %mul3A_26 = arith.mulf %min3A_23, %mul3A_25 : vector<4000x1xf32>
    %floor3A = math.floor %mul3A_26 : vector<4000x1xf32>
    %convert_element_type3A = arith.fptosi %floor3A : vector<4000x1xf32> to vector<4000x1xi32>
    %jit3A = arith.constant 0 : i32
    %jit3A_27 = arith.constant 18 : i32
    %max3A = vector.broadcast %jit3A : i32 to vector<4000x1xi32>
    %max3A_28 = arith.maxsi %max3A, %convert_element_type3A : vector<4000x1xi32>
    %min3A_29 = vector.broadcast %jit3A_27 : i32 to vector<4000x1xi32>
    %min3A_30 = arith.minsi %min3A_29, %max3A_28 : vector<4000x1xi32>
    %convert_element_type3A_31 = arith.sitofp %min3A_30 : vector<4000x1xi32> to vector<4000x1xf32>
    %sub3A_32 = arith.subf %mul3A_26, %convert_element_type3A_31 : vector<4000x1xf32>
    %get3A_33 = arith.constant 0 : index
    %get3A_34 = arith.constant 0 : index
    %get3A_35 = vector.load %arg3[%get3A_33, %get3A_34] : memref<4000x1xi32, #tpu.memory_space<vmem>>, vector<4000x1xi32>
    %mul3A_36 = arith.constant 20 : i32
    %mul3A_37 = vector.broadcast %mul3A_36 : i32 to vector<4000x1xi32>
    %mul3A_38 = arith.muli %get3A_35, %mul3A_37 : vector<4000x1xi32>
    %add3A_39 = arith.addi %mul3A_38, %min3A_30 : vector<4000x1xi32>
    %swap3A = arith.constant 0 : index
    %swap3A_40 = arith.constant 0 : index
    %swap3A_41 = vector.load %arg4[%swap3A, %swap3A_40] : memref<4000x1xi32, #tpu.memory_space<vmem>>, vector<4000x1xi32>
    tpu.vector_store %arg4[%swap3A, %swap3A_40], %add3A_39 {strides = array<i32>} : memref<4000x1xi32, #tpu.memory_space<vmem>>, vector<4000x1xi32>,
    %add3A_42 = arith.constant 1 : i32
    %add3A_43 = vector.broadcast %add3A_42 : i32 to vector<4000x1xi32>
    %add3A_44 = arith.addi %add3A_39, %add3A_43 : vector<4000x1xi32>
    %swap3A_45 = arith.constant 0 : index
    %swap3A_46 = arith.constant 0 : index
    %swap3A_47 = vector.load %arg5[%swap3A_45, %swap3A_46] : memref<4000x1xi32, #tpu.memory_space<vmem>>, vector<4000x1xi32>
    tpu.vector_store %arg5[%swap3A_45, %swap3A_46], %add3A_44 {strides = array<i32>} : memref<4000x1xi32, #tpu.memory_space<vmem>>, vector<4000x1xi32>,
    %sub3A_48 = arith.constant 1.000000e+00 : f32
    %sub3A_49 = vector.broadcast %sub3A_48 : f32 to vector<4000x1xf32>
    %sub3A_50 = arith.subf %sub3A_49, %sub3A_32 : vector<4000x1xf32>
    %broadcast_in_dim3A = vector.shape_cast %sub3A_50 : vector<4000x1xf32> to vector<4000x1xf32>
    %broadcast_in_dim3A_51 = vector.broadcast %broadcast_in_dim3A : vector<4000x1xf32> to vector<4000x16xf32>
    %swap3A_52 = arith.constant 0 : index
    %swap3A_53 = arith.constant 0 : index
    %swap3A_54 = vector.load %arg6[%swap3A_52, %swap3A_53] : memref<4000x16xf32, #tpu.memory_space<vmem>>, vector<4000x16xf32>
    tpu.vector_store %arg6[%swap3A_52, %swap3A_53], %broadcast_in_dim3A_51 {strides = array<i32>} : memref<4000x16xf32, #tpu.memory_space<vmem>>, vector<4000x16xf32>,
    %broadcast_in_dim3A_55 = vector.shape_cast %sub3A_32 : vector<4000x1xf32> to vector<4000x1xf32>
    %broadcast_in_dim3A_56 = vector.broadcast %broadcast_in_dim3A_55 : vector<4000x1xf32> to vector<4000x16xf32>
    %swap3A_57 = arith.constant 0 : index
    %swap3A_58 = arith.constant 0 : index
    %swap3A_59 = vector.load %arg7[%swap3A_57, %swap3A_58] : memref<4000x16xf32, #tpu.memory_space<vmem>>, vector<4000x16xf32>
    tpu.vector_store %arg7[%swap3A_57, %swap3A_58], %broadcast_in_dim3A_56 {strides = array<i32>} : memref<4000x16xf32, #tpu.memory_space<vmem>>, vector<4000x16xf32>,
    return
  }
  func.func @transform_0(%arg0: i32) -> (i32, i32) {
    %c0_i32 = arith.constant 0 : i32
    %c0_i32_0 = arith.constant 0 : i32
    return %arg0, %c0_i32 : i32, i32
  }
  func.func @transform_1(%arg0: i32) -> (i32, i32) {
    %c0_i32 = arith.constant 0 : i32
    %c0_i32_0 = arith.constant 0 : i32
    return %arg0, %c0_i32 : i32, i32
  }
  func.func @transform_2(%arg0: i32) -> (i32, i32) {
    %c0_i32 = arith.constant 0 : i32
    %c0_i32_0 = arith.constant 0 : i32
    return %arg0, %c0_i32 : i32, i32
  }
  func.func @transform_3(%arg0: i32) -> (i32, i32) {
    %c0_i32 = arith.constant 0 : i32
    %c0_i32_0 = arith.constant 0 : i32
    return %arg0, %c0_i32 : i32, i32
  }
  func.func @transform_4(%arg0: i32) -> (i32, i32) {
    %c0_i32 = arith.constant 0 : i32
    %c0_i32_0 = arith.constant 0 : i32
    return %arg0, %c0_i32 : i32, i32
  }
  func.func @transform_5(%arg0: i32) -> (i32, i32) {
    %c0_i32 = arith.constant 0 : i32
    %c0_i32_0 = arith.constant 0 : i32
    return %arg0, %c0_i32 : i32, i32
  }
  func.func @transform_6(%arg0: i32) -> (i32, i32) {
    %c0_i32 = arith.constant 0 : i32
    %c0_i32_0 = arith.constant 0 : i32
    return %arg0, %c0_i32 : i32, i32
  }
}

module attributes {stable_mosaic.version = 14 : i64} {
  func.func @body(%arg0: memref<10000x3xf32, #tpu.memory_space<vmem>>, %arg1: memref<10000x3xf32, #tpu.memory_space<vmem>>, %arg2: memref<2x10000x8xf32, #tpu.memory_space<vmem>>, %arg3: memref<2x10000x8xf32, #tpu.memory_space<vmem>>, %arg4: memref<7x16xf32, #tpu.memory_space<vmem>>, %arg5: memref<1x16xf32, #tpu.memory_space<vmem>>, %arg6: memref<10000x16xf32, #tpu.memory_space<vmem>>, %arg7: memref<10000x1xf32, #tpu.memory_space<vmem>>) attributes {dimension_semantics = [], scalar_prefetch = 0 : i64, scratch_operands = 0 : i64, tpu.core_type = #tpu.core_type<tc>} {
    %get3A = arith.constant 0 : index
    %get3A_0 = arith.constant 0 : index
    %get3A_1 = arith.constant 0 : index
    %get3A_2 = vector.load %arg2[%get3A, %get3A_0, %get3A_1] : memref<2x10000x8xf32, #tpu.memory_space<vmem>>, vector<1x10000x1xf32>
    %get3A_3 = vector.shape_cast %get3A_2 : vector<1x10000x1xf32> to vector<10000x1xf32>
    %get3A_4 = arith.constant 1 : index
    %get3A_5 = arith.constant 0 : index
    %get3A_6 = arith.constant 0 : index
    %get3A_7 = vector.load %arg2[%get3A_4, %get3A_5, %get3A_6] : memref<2x10000x8xf32, #tpu.memory_space<vmem>>, vector<1x10000x1xf32>
    %get3A_8 = vector.shape_cast %get3A_7 : vector<1x10000x1xf32> to vector<10000x1xf32>
    %add3A = arith.addf %get3A_3, %get3A_8 : vector<10000x1xf32>
    %get3A_9 = arith.constant 0 : index
    %get3A_10 = arith.constant 0 : index
    %get3A_11 = arith.constant 0 : index
    %get3A_12 = vector.load %arg3[%get3A_9, %get3A_10, %get3A_11] : memref<2x10000x8xf32, #tpu.memory_space<vmem>>, vector<1x10000x1xf32>
    %get3A_13 = vector.shape_cast %get3A_12 : vector<1x10000x1xf32> to vector<10000x1xf32>
    %get3A_14 = arith.constant 1 : index
    %get3A_15 = arith.constant 0 : index
    %get3A_16 = arith.constant 0 : index
    %get3A_17 = vector.load %arg3[%get3A_14, %get3A_15, %get3A_16] : memref<2x10000x8xf32, #tpu.memory_space<vmem>>, vector<1x10000x1xf32>
    %get3A_18 = vector.shape_cast %get3A_17 : vector<1x10000x1xf32> to vector<10000x1xf32>
    %add3A_19 = arith.addf %get3A_13, %get3A_18 : vector<10000x1xf32>
    %max3A = arith.constant 1.000000e+00 : f32
    %max3A_20 = vector.broadcast %max3A : f32 to vector<10000x1xf32>
    %max3A_21 = arith.maximumf %add3A_19, %max3A_20 : vector<10000x1xf32>
    %div3A = arith.constant 1.000000e+00 : f32
    %div3A_22 = vector.broadcast %div3A : f32 to vector<10000x1xf32>
    %div3A_23 = arith.divf %div3A_22, %max3A_21 : vector<10000x1xf32>
    %swap3A = arith.constant 0 : index
    %swap3A_24 = arith.constant 0 : index
    %swap3A_25 = vector.load %arg7[%swap3A, %swap3A_24] : memref<10000x1xf32, #tpu.memory_space<vmem>>, vector<10000x1xf32>
    tpu.vector_store %arg7[%swap3A, %swap3A_24], %div3A_23 {strides = array<i32>} : memref<10000x1xf32, #tpu.memory_space<vmem>>, vector<10000x1xf32>,
    %get3A_26 = arith.constant 0 : index
    %get3A_27 = arith.constant 0 : index
    %get3A_28 = vector.load %arg0[%get3A_26, %get3A_27] : memref<10000x3xf32, #tpu.memory_space<vmem>>, vector<10000x3xf32>
    %get3A_29 = arith.constant 0 : index
    %get3A_30 = arith.constant 0 : index
    %get3A_31 = vector.load %arg1[%get3A_29, %get3A_30] : memref<10000x3xf32, #tpu.memory_space<vmem>>, vector<10000x3xf32>
    %concatenate3A = tpu.concatenate %get3A_28, %add3A, %get3A_31 in 1 : vector<10000x3xf32>, vector<10000x1xf32>, vector<10000x3xf32> -> vector<10000x7xf32>
    %get3A_32 = arith.constant 0 : index
    %get3A_33 = arith.constant 0 : index
    %get3A_34 = vector.load %arg4[%get3A_32, %get3A_33] : memref<7x16xf32, #tpu.memory_space<vmem>>, vector<7x16xf32>
    %dot_general3A = arith.constant dense<0.000000e+00> : vector<10000x16xf32>
    %dot_general3A_35 = tpu.matmul %concatenate3A, %get3A_34, %dot_general3A {dimension_numbers = #tpu.dot_dimension_numbers<[1], [0], [0], [1], [0, 0, 1, 1], [], []>, transpose_lhs_hint = false} : vector<10000x7xf32>, vector<7x16xf32>, vector<10000x16xf32> -> vector<10000x16xf32>
    %get3A_36 = arith.constant 0 : index
    %get3A_37 = arith.constant 0 : index
    %get3A_38 = vector.load %arg5[%get3A_36, %get3A_37] : memref<1x16xf32, #tpu.memory_space<vmem>>, vector<1x16xf32>
    %add3A_39 = vector.broadcast %get3A_38 : vector<1x16xf32> to vector<10000x16xf32>
    %add3A_40 = arith.addf %dot_general3A_35, %add3A_39 : vector<10000x16xf32>
    %swap3A_41 = arith.constant 0 : index
    %swap3A_42 = arith.constant 0 : index
    %swap3A_43 = vector.load %arg6[%swap3A_41, %swap3A_42] : memref<10000x16xf32, #tpu.memory_space<vmem>>, vector<10000x16xf32>
    tpu.vector_store %arg6[%swap3A_41, %swap3A_42], %add3A_40 {strides = array<i32>} : memref<10000x16xf32, #tpu.memory_space<vmem>>, vector<10000x16xf32>,
    return
  }
}

module attributes {stable_mosaic.version = 14 : i64} {
  func.func @body(%arg0: i32, %arg1: i32, %arg2: memref<2000x16xf32, #tpu.memory_space<vmem>>, %arg3: memref<16x640xf32, #tpu.memory_space<vmem>>, %arg4: memref<2000x640xf32, #tpu.memory_space<vmem>>) attributes {dimension_semantics = [#tpu.dimension_semantics<arbitrary>, #tpu.dimension_semantics<arbitrary>], iteration_bounds = array<i64: 5, 2>, scalar_prefetch = 0 : i64, scratch_operands = 0 : i64, tpu.core_type = #tpu.core_type<tc>, window_params = [{transform_indices = @transform_0, window_bounds = array<i64: 2000, 16>}, {transform_indices = @transform_1, window_bounds = array<i64: 16, 640>}, {transform_indices = @transform_2, window_bounds = array<i64: 2000, 640>}]} {
    %get3A = arith.constant 0 : index
    %get3A_0 = arith.constant 0 : index
    %get3A_1 = vector.load %arg2[%get3A, %get3A_0] : memref<2000x16xf32, #tpu.memory_space<vmem>>, vector<2000x16xf32>
    %get3A_2 = arith.constant 0 : index
    %get3A_3 = arith.constant 0 : index
    %get3A_4 = vector.load %arg3[%get3A_2, %get3A_3] : memref<16x640xf32, #tpu.memory_space<vmem>>, vector<16x640xf32>
    %dot_general3A = arith.constant dense<0.000000e+00> : vector<2000x640xf32>
    %dot_general3A_5 = tpu.matmul %get3A_1, %get3A_4, %dot_general3A {dimension_numbers = #tpu.dot_dimension_numbers<[1], [0], [0], [1], [0, 0, 1, 1], [], []>, transpose_lhs_hint = false} : vector<2000x16xf32>, vector<16x640xf32>, vector<2000x640xf32> -> vector<2000x640xf32>
    %swap3A = arith.constant 0 : index
    %swap3A_6 = arith.constant 0 : index
    %swap3A_7 = vector.load %arg4[%swap3A, %swap3A_6] : memref<2000x640xf32, #tpu.memory_space<vmem>>, vector<2000x640xf32>
    tpu.vector_store %arg4[%swap3A, %swap3A_6], %dot_general3A_5 {strides = array<i32>} : memref<2000x640xf32, #tpu.memory_space<vmem>>, vector<2000x640xf32>,
    return
  }
  func.func @transform_0(%arg0: i32, %arg1: i32) -> (i32, i32) {
    %c0_i32 = arith.constant 0 : i32
    %c0_i32_0 = arith.constant 0 : i32
    return %arg0, %c0_i32 : i32, i32
  }
  func.func @transform_1(%arg0: i32, %arg1: i32) -> (i32, i32) {
    %c0_i32 = arith.constant 0 : i32
    %c0_i32_0 = arith.constant 0 : i32
    return %c0_i32, %arg1 : i32, i32
  }
  func.func @transform_2(%arg0: i32, %arg1: i32) -> (i32, i32) {
    %c0_i32 = arith.constant 0 : i32
    return %arg0, %arg1 : i32, i32
  }
}

module attributes {stable_mosaic.version = 14 : i64} {
  func.func @body(%arg0: i32, %arg1: memref<2x2000x64xf32, #tpu.memory_space<vmem>>, %arg2: memref<2000x16xf32, #tpu.memory_space<vmem>>, %arg3: memref<16x64xf32, #tpu.memory_space<vmem>>, %arg4: memref<1x64xf32, #tpu.memory_space<vmem>>, %arg5: memref<2000x1xf32, #tpu.memory_space<vmem>>, %arg6: memref<2000x64xf32, #tpu.memory_space<vmem>>) attributes {dimension_semantics = [#tpu.dimension_semantics<arbitrary>], iteration_bounds = array<i64: 5>, scalar_prefetch = 0 : i64, scratch_operands = 0 : i64, tpu.core_type = #tpu.core_type<tc>, window_params = [{transform_indices = @transform_0, window_bounds = array<i64: 2, 2000, 64>}, {transform_indices = @transform_1, window_bounds = array<i64: 2000, 16>}, {pipeline_mode = #tpu.pipeline_mode<synchronous>, transform_indices = @transform_2, window_bounds = array<i64: 16, 64>}, {pipeline_mode = #tpu.pipeline_mode<synchronous>, transform_indices = @transform_3, window_bounds = array<i64: 1, 64>}, {transform_indices = @transform_4, window_bounds = array<i64: 2000, 1>}, {transform_indices = @transform_5, window_bounds = array<i64: 2000, 64>}]} {
    %get3A = arith.constant 0 : index
    %get3A_0 = arith.constant 0 : index
    %get3A_1 = arith.constant 0 : index
    %get3A_2 = vector.load %arg1[%get3A, %get3A_0, %get3A_1] : memref<2x2000x64xf32, #tpu.memory_space<vmem>>, vector<1x2000x64xf32>
    %get3A_3 = vector.shape_cast %get3A_2 : vector<1x2000x64xf32> to vector<2000x64xf32>
    %get3A_4 = arith.constant 1 : index
    %get3A_5 = arith.constant 0 : index
    %get3A_6 = arith.constant 0 : index
    %get3A_7 = vector.load %arg1[%get3A_4, %get3A_5, %get3A_6] : memref<2x2000x64xf32, #tpu.memory_space<vmem>>, vector<1x2000x64xf32>
    %get3A_8 = vector.shape_cast %get3A_7 : vector<1x2000x64xf32> to vector<2000x64xf32>
    %add3A = arith.addf %get3A_3, %get3A_8 : vector<2000x64xf32>
    %get3A_9 = arith.constant 0 : index
    %get3A_10 = arith.constant 0 : index
    %get3A_11 = vector.load %arg5[%get3A_9, %get3A_10] : memref<2000x1xf32, #tpu.memory_space<vmem>>, vector<2000x1xf32>
    %mul3A = vector.broadcast %get3A_11 : vector<2000x1xf32> to vector<2000x64xf32>
    %mul3A_12 = arith.mulf %add3A, %mul3A : vector<2000x64xf32>
    %get3A_13 = arith.constant 0 : index
    %get3A_14 = arith.constant 0 : index
    %get3A_15 = vector.load %arg2[%get3A_13, %get3A_14] : memref<2000x16xf32, #tpu.memory_space<vmem>>, vector<2000x16xf32>
    %get3A_16 = arith.constant 0 : index
    %get3A_17 = arith.constant 0 : index
    %get3A_18 = vector.load %arg3[%get3A_16, %get3A_17] : memref<16x64xf32, #tpu.memory_space<vmem>>, vector<16x64xf32>
    %dot_general3A = arith.constant dense<0.000000e+00> : vector<2000x64xf32>
    %dot_general3A_19 = tpu.matmul %get3A_15, %get3A_18, %dot_general3A {dimension_numbers = #tpu.dot_dimension_numbers<[1], [0], [0], [1], [0, 0, 1, 1], [], []>, transpose_lhs_hint = false} : vector<2000x16xf32>, vector<16x64xf32>, vector<2000x64xf32> -> vector<2000x64xf32>
    %add3A_20 = arith.addf %mul3A_12, %dot_general3A_19 : vector<2000x64xf32>
    %get3A_21 = arith.constant 0 : index
    %get3A_22 = arith.constant 0 : index
    %get3A_23 = vector.load %arg4[%get3A_21, %get3A_22] : memref<1x64xf32, #tpu.memory_space<vmem>>, vector<1x64xf32>
    %add3A_24 = vector.broadcast %get3A_23 : vector<1x64xf32> to vector<2000x64xf32>
    %add3A_25 = arith.addf %add3A_20, %add3A_24 : vector<2000x64xf32>
    %gt3A = arith.constant 0.000000e+00 : f32
    %gt3A_26 = vector.broadcast %gt3A : f32 to vector<2000x64xf32>
    %gt3A_27 = arith.cmpf ogt, %add3A_25, %gt3A_26 : vector<2000x64xf32>
    %min3A = arith.constant 0.000000e+00 : f32
    %min3A_28 = vector.broadcast %min3A : f32 to vector<2000x64xf32>
    %min3A_29 = arith.minimumf %add3A_25, %min3A_28 : vector<2000x64xf32>
    %exp3A = math.exp %min3A_29 : vector<2000x64xf32>
    %sub3A = arith.constant 1.000000e+00 : f32
    %sub3A_30 = vector.broadcast %sub3A : f32 to vector<2000x64xf32>
    %sub3A_31 = arith.subf %exp3A, %sub3A_30 : vector<2000x64xf32>
    %select_n3A = arith.select %gt3A_27, %add3A_25, %sub3A_31 : vector<2000x64xi1>, vector<2000x64xf32>
    %swap3A = arith.constant 0 : index
    %swap3A_32 = arith.constant 0 : index
    %swap3A_33 = vector.load %arg6[%swap3A, %swap3A_32] : memref<2000x64xf32, #tpu.memory_space<vmem>>, vector<2000x64xf32>
    tpu.vector_store %arg6[%swap3A, %swap3A_32], %select_n3A {strides = array<i32>} : memref<2000x64xf32, #tpu.memory_space<vmem>>, vector<2000x64xf32>,
    return
  }
  func.func @transform_0(%arg0: i32) -> (i32, i32, i32) {
    %c0_i32 = arith.constant 0 : i32
    %c0_i32_0 = arith.constant 0 : i32
    %c0_i32_1 = arith.constant 0 : i32
    return %c0_i32, %arg0, %c0_i32_0 : i32, i32, i32
  }
  func.func @transform_1(%arg0: i32) -> (i32, i32) {
    %c0_i32 = arith.constant 0 : i32
    %c0_i32_0 = arith.constant 0 : i32
    return %arg0, %c0_i32 : i32, i32
  }
  func.func @transform_2(%arg0: i32) -> (i32, i32) {
    %c0_i32 = arith.constant 0 : i32
    %c0_i32_0 = arith.constant 0 : i32
    %c0_i32_1 = arith.constant 0 : i32
    return %c0_i32, %c0_i32_0 : i32, i32
  }
  func.func @transform_3(%arg0: i32) -> (i32, i32) {
    %c0_i32 = arith.constant 0 : i32
    %c0_i32_0 = arith.constant 0 : i32
    %c0_i32_1 = arith.constant 0 : i32
    return %c0_i32, %c0_i32_0 : i32, i32
  }
  func.func @transform_4(%arg0: i32) -> (i32, i32) {
    %c0_i32 = arith.constant 0 : i32
    %c0_i32_0 = arith.constant 0 : i32
    return %arg0, %c0_i32 : i32, i32
  }
  func.func @transform_5(%arg0: i32) -> (i32, i32) {
    %c0_i32 = arith.constant 0 : i32
    %c0_i32_0 = arith.constant 0 : i32
    return %arg0, %c0_i32 : i32, i32
  }
}

module attributes {stable_mosaic.version = 14 : i64} {
  func.func @body(%arg0: i32, %arg1: i32, %arg2: memref<2000x64xf32, #tpu.memory_space<vmem>>, %arg3: memref<64x640xf32, #tpu.memory_space<vmem>>, %arg4: memref<2000x640xf32, #tpu.memory_space<vmem>>) attributes {dimension_semantics = [#tpu.dimension_semantics<arbitrary>, #tpu.dimension_semantics<arbitrary>], iteration_bounds = array<i64: 5, 4>, scalar_prefetch = 0 : i64, scratch_operands = 0 : i64, tpu.core_type = #tpu.core_type<tc>, window_params = [{transform_indices = @transform_0, window_bounds = array<i64: 2000, 64>}, {transform_indices = @transform_1, window_bounds = array<i64: 64, 640>}, {transform_indices = @transform_2, window_bounds = array<i64: 2000, 640>}]} {
    %get3A = arith.constant 0 : index
    %get3A_0 = arith.constant 0 : index
    %get3A_1 = vector.load %arg2[%get3A, %get3A_0] : memref<2000x64xf32, #tpu.memory_space<vmem>>, vector<2000x64xf32>
    %get3A_2 = arith.constant 0 : index
    %get3A_3 = arith.constant 0 : index
    %get3A_4 = vector.load %arg3[%get3A_2, %get3A_3] : memref<64x640xf32, #tpu.memory_space<vmem>>, vector<64x640xf32>
    %dot_general3A = arith.constant dense<0.000000e+00> : vector<2000x640xf32>
    %dot_general3A_5 = tpu.matmul %get3A_1, %get3A_4, %dot_general3A {dimension_numbers = #tpu.dot_dimension_numbers<[1], [0], [0], [1], [0, 0, 1, 1], [], []>, transpose_lhs_hint = false} : vector<2000x64xf32>, vector<64x640xf32>, vector<2000x640xf32> -> vector<2000x640xf32>
    %swap3A = arith.constant 0 : index
    %swap3A_6 = arith.constant 0 : index
    %swap3A_7 = vector.load %arg4[%swap3A, %swap3A_6] : memref<2000x640xf32, #tpu.memory_space<vmem>>, vector<2000x640xf32>
    tpu.vector_store %arg4[%swap3A, %swap3A_6], %dot_general3A_5 {strides = array<i32>} : memref<2000x640xf32, #tpu.memory_space<vmem>>, vector<2000x640xf32>,
    return
  }
  func.func @transform_0(%arg0: i32, %arg1: i32) -> (i32, i32) {
    %c0_i32 = arith.constant 0 : i32
    %c0_i32_0 = arith.constant 0 : i32
    return %arg0, %c0_i32 : i32, i32
  }
  func.func @transform_1(%arg0: i32, %arg1: i32) -> (i32, i32) {
    %c0_i32 = arith.constant 0 : i32
    %c0_i32_0 = arith.constant 0 : i32
    return %c0_i32, %arg1 : i32, i32
  }
  func.func @transform_2(%arg0: i32, %arg1: i32) -> (i32, i32) {
    %c0_i32 = arith.constant 0 : i32
    return %arg0, %arg1 : i32, i32
  }
}

module attributes {stable_mosaic.version = 14 : i64} {
  func.func @body(%arg0: i32, %arg1: memref<2x2000x128xf32, #tpu.memory_space<vmem>>, %arg2: memref<2000x64xf32, #tpu.memory_space<vmem>>, %arg3: memref<64x128xf32, #tpu.memory_space<vmem>>, %arg4: memref<1x128xf32, #tpu.memory_space<vmem>>, %arg5: memref<2000x1xf32, #tpu.memory_space<vmem>>, %arg6: memref<2000x128xf32, #tpu.memory_space<vmem>>) attributes {dimension_semantics = [#tpu.dimension_semantics<arbitrary>], iteration_bounds = array<i64: 5>, scalar_prefetch = 0 : i64, scratch_operands = 0 : i64, tpu.core_type = #tpu.core_type<tc>, window_params = [{transform_indices = @transform_0, window_bounds = array<i64: 2, 2000, 128>}, {transform_indices = @transform_1, window_bounds = array<i64: 2000, 64>}, {pipeline_mode = #tpu.pipeline_mode<synchronous>, transform_indices = @transform_2, window_bounds = array<i64: 64, 128>}, {pipeline_mode = #tpu.pipeline_mode<synchronous>, transform_indices = @transform_3, window_bounds = array<i64: 1, 128>}, {transform_indices = @transform_4, window_bounds = array<i64: 2000, 1>}, {transform_indices = @transform_5, window_bounds = array<i64: 2000, 128>}]} {
    %get3A = arith.constant 0 : index
    %get3A_0 = arith.constant 0 : index
    %get3A_1 = arith.constant 0 : index
    %get3A_2 = vector.load %arg1[%get3A, %get3A_0, %get3A_1] : memref<2x2000x128xf32, #tpu.memory_space<vmem>>, vector<1x2000x128xf32>
    %get3A_3 = vector.shape_cast %get3A_2 : vector<1x2000x128xf32> to vector<2000x128xf32>
    %get3A_4 = arith.constant 1 : index
    %get3A_5 = arith.constant 0 : index
    %get3A_6 = arith.constant 0 : index
    %get3A_7 = vector.load %arg1[%get3A_4, %get3A_5, %get3A_6] : memref<2x2000x128xf32, #tpu.memory_space<vmem>>, vector<1x2000x128xf32>
    %get3A_8 = vector.shape_cast %get3A_7 : vector<1x2000x128xf32> to vector<2000x128xf32>
    %add3A = arith.addf %get3A_3, %get3A_8 : vector<2000x128xf32>
    %get3A_9 = arith.constant 0 : index
    %get3A_10 = arith.constant 0 : index
    %get3A_11 = vector.load %arg5[%get3A_9, %get3A_10] : memref<2000x1xf32, #tpu.memory_space<vmem>>, vector<2000x1xf32>
    %mul3A = vector.broadcast %get3A_11 : vector<2000x1xf32> to vector<2000x128xf32>
    %mul3A_12 = arith.mulf %add3A, %mul3A : vector<2000x128xf32>
    %get3A_13 = arith.constant 0 : index
    %get3A_14 = arith.constant 0 : index
    %get3A_15 = vector.load %arg2[%get3A_13, %get3A_14] : memref<2000x64xf32, #tpu.memory_space<vmem>>, vector<2000x64xf32>
    %get3A_16 = arith.constant 0 : index
    %get3A_17 = arith.constant 0 : index
    %get3A_18 = vector.load %arg3[%get3A_16, %get3A_17] : memref<64x128xf32, #tpu.memory_space<vmem>>, vector<64x128xf32>
    %dot_general3A = arith.constant dense<0.000000e+00> : vector<2000x128xf32>
    %dot_general3A_19 = tpu.matmul %get3A_15, %get3A_18, %dot_general3A {dimension_numbers = #tpu.dot_dimension_numbers<[1], [0], [0], [1], [0, 0, 1, 1], [], []>, transpose_lhs_hint = false} : vector<2000x64xf32>, vector<64x128xf32>, vector<2000x128xf32> -> vector<2000x128xf32>
    %add3A_20 = arith.addf %mul3A_12, %dot_general3A_19 : vector<2000x128xf32>
    %get3A_21 = arith.constant 0 : index
    %get3A_22 = arith.constant 0 : index
    %get3A_23 = vector.load %arg4[%get3A_21, %get3A_22] : memref<1x128xf32, #tpu.memory_space<vmem>>, vector<1x128xf32>
    %add3A_24 = vector.broadcast %get3A_23 : vector<1x128xf32> to vector<2000x128xf32>
    %add3A_25 = arith.addf %add3A_20, %add3A_24 : vector<2000x128xf32>
    %gt3A = arith.constant 0.000000e+00 : f32
    %gt3A_26 = vector.broadcast %gt3A : f32 to vector<2000x128xf32>
    %gt3A_27 = arith.cmpf ogt, %add3A_25, %gt3A_26 : vector<2000x128xf32>
    %min3A = arith.constant 0.000000e+00 : f32
    %min3A_28 = vector.broadcast %min3A : f32 to vector<2000x128xf32>
    %min3A_29 = arith.minimumf %add3A_25, %min3A_28 : vector<2000x128xf32>
    %exp3A = math.exp %min3A_29 : vector<2000x128xf32>
    %sub3A = arith.constant 1.000000e+00 : f32
    %sub3A_30 = vector.broadcast %sub3A : f32 to vector<2000x128xf32>
    %sub3A_31 = arith.subf %exp3A, %sub3A_30 : vector<2000x128xf32>
    %select_n3A = arith.select %gt3A_27, %add3A_25, %sub3A_31 : vector<2000x128xi1>, vector<2000x128xf32>
    %swap3A = arith.constant 0 : index
    %swap3A_32 = arith.constant 0 : index
    %swap3A_33 = vector.load %arg6[%swap3A, %swap3A_32] : memref<2000x128xf32, #tpu.memory_space<vmem>>, vector<2000x128xf32>
    tpu.vector_store %arg6[%swap3A, %swap3A_32], %select_n3A {strides = array<i32>} : memref<2000x128xf32, #tpu.memory_space<vmem>>, vector<2000x128xf32>,
    return
  }
  func.func @transform_0(%arg0: i32) -> (i32, i32, i32) {
    %c0_i32 = arith.constant 0 : i32
    %c0_i32_0 = arith.constant 0 : i32
    %c0_i32_1 = arith.constant 0 : i32
    return %c0_i32, %arg0, %c0_i32_0 : i32, i32, i32
  }
  func.func @transform_1(%arg0: i32) -> (i32, i32) {
    %c0_i32 = arith.constant 0 : i32
    %c0_i32_0 = arith.constant 0 : i32
    return %arg0, %c0_i32 : i32, i32
  }
  func.func @transform_2(%arg0: i32) -> (i32, i32) {
    %c0_i32 = arith.constant 0 : i32
    %c0_i32_0 = arith.constant 0 : i32
    %c0_i32_1 = arith.constant 0 : i32
    return %c0_i32, %c0_i32_0 : i32, i32
  }
  func.func @transform_3(%arg0: i32) -> (i32, i32) {
    %c0_i32 = arith.constant 0 : i32
    %c0_i32_0 = arith.constant 0 : i32
    %c0_i32_1 = arith.constant 0 : i32
    return %c0_i32, %c0_i32_0 : i32, i32
  }
  func.func @transform_4(%arg0: i32) -> (i32, i32) {
    %c0_i32 = arith.constant 0 : i32
    %c0_i32_0 = arith.constant 0 : i32
    return %arg0, %c0_i32 : i32, i32
  }
  func.func @transform_5(%arg0: i32) -> (i32, i32) {
    %c0_i32 = arith.constant 0 : i32
    %c0_i32_0 = arith.constant 0 : i32
    return %arg0, %c0_i32 : i32, i32
  }
}

module attributes {stable_mosaic.version = 14 : i64} {
  func.func @body(%arg0: i32, %arg1: i32, %arg2: memref<2000x128xf32, #tpu.memory_space<vmem>>, %arg3: memref<128x640xf32, #tpu.memory_space<vmem>>, %arg4: memref<2000x640xf32, #tpu.memory_space<vmem>>) attributes {dimension_semantics = [#tpu.dimension_semantics<arbitrary>, #tpu.dimension_semantics<arbitrary>], iteration_bounds = array<i64: 5, 2>, scalar_prefetch = 0 : i64, scratch_operands = 0 : i64, tpu.core_type = #tpu.core_type<tc>, window_params = [{transform_indices = @transform_0, window_bounds = array<i64: 2000, 128>}, {transform_indices = @transform_1, window_bounds = array<i64: 128, 640>}, {transform_indices = @transform_2, window_bounds = array<i64: 2000, 640>}]} {
    %get3A = arith.constant 0 : index
    %get3A_0 = arith.constant 0 : index
    %get3A_1 = vector.load %arg2[%get3A, %get3A_0] : memref<2000x128xf32, #tpu.memory_space<vmem>>, vector<2000x128xf32>
    %get3A_2 = arith.constant 0 : index
    %get3A_3 = arith.constant 0 : index
    %get3A_4 = vector.load %arg3[%get3A_2, %get3A_3] : memref<128x640xf32, #tpu.memory_space<vmem>>, vector<128x640xf32>
    %dot_general3A = arith.constant dense<0.000000e+00> : vector<2000x640xf32>
    %dot_general3A_5 = tpu.matmul %get3A_1, %get3A_4, %dot_general3A {dimension_numbers = #tpu.dot_dimension_numbers<[1], [0], [0], [1], [0, 0, 1, 1], [], []>, transpose_lhs_hint = false} : vector<2000x128xf32>, vector<128x640xf32>, vector<2000x640xf32> -> vector<2000x640xf32>
    %swap3A = arith.constant 0 : index
    %swap3A_6 = arith.constant 0 : index
    %swap3A_7 = vector.load %arg4[%swap3A, %swap3A_6] : memref<2000x640xf32, #tpu.memory_space<vmem>>, vector<2000x640xf32>
    tpu.vector_store %arg4[%swap3A, %swap3A_6], %dot_general3A_5 {strides = array<i32>} : memref<2000x640xf32, #tpu.memory_space<vmem>>, vector<2000x640xf32>,
    return
  }
  func.func @transform_0(%arg0: i32, %arg1: i32) -> (i32, i32) {
    %c0_i32 = arith.constant 0 : i32
    %c0_i32_0 = arith.constant 0 : i32
    return %arg0, %c0_i32 : i32, i32
  }
  func.func @transform_1(%arg0: i32, %arg1: i32) -> (i32, i32) {
    %c0_i32 = arith.constant 0 : i32
    %c0_i32_0 = arith.constant 0 : i32
    return %c0_i32, %arg1 : i32, i32
  }
  func.func @transform_2(%arg0: i32, %arg1: i32) -> (i32, i32) {
    %c0_i32 = arith.constant 0 : i32
    return %arg0, %arg1 : i32, i32
  }
}

module attributes {stable_mosaic.version = 14 : i64} {
  func.func @body(%arg0: i32, %arg1: memref<2x2000x64xf32, #tpu.memory_space<vmem>>, %arg2: memref<2000x128xf32, #tpu.memory_space<vmem>>, %arg3: memref<128x64xf32, #tpu.memory_space<vmem>>, %arg4: memref<1x64xf32, #tpu.memory_space<vmem>>, %arg5: memref<2000x1xf32, #tpu.memory_space<vmem>>, %arg6: memref<2000x64xf32, #tpu.memory_space<vmem>>) attributes {dimension_semantics = [#tpu.dimension_semantics<arbitrary>], iteration_bounds = array<i64: 5>, scalar_prefetch = 0 : i64, scratch_operands = 0 : i64, tpu.core_type = #tpu.core_type<tc>, window_params = [{transform_indices = @transform_0, window_bounds = array<i64: 2, 2000, 64>}, {transform_indices = @transform_1, window_bounds = array<i64: 2000, 128>}, {pipeline_mode = #tpu.pipeline_mode<synchronous>, transform_indices = @transform_2, window_bounds = array<i64: 128, 64>}, {pipeline_mode = #tpu.pipeline_mode<synchronous>, transform_indices = @transform_3, window_bounds = array<i64: 1, 64>}, {transform_indices = @transform_4, window_bounds = array<i64: 2000, 1>}, {transform_indices = @transform_5, window_bounds = array<i64: 2000, 64>}]} {
    %get3A = arith.constant 0 : index
    %get3A_0 = arith.constant 0 : index
    %get3A_1 = arith.constant 0 : index
    %get3A_2 = vector.load %arg1[%get3A, %get3A_0, %get3A_1] : memref<2x2000x64xf32, #tpu.memory_space<vmem>>, vector<1x2000x64xf32>
    %get3A_3 = vector.shape_cast %get3A_2 : vector<1x2000x64xf32> to vector<2000x64xf32>
    %get3A_4 = arith.constant 1 : index
    %get3A_5 = arith.constant 0 : index
    %get3A_6 = arith.constant 0 : index
    %get3A_7 = vector.load %arg1[%get3A_4, %get3A_5, %get3A_6] : memref<2x2000x64xf32, #tpu.memory_space<vmem>>, vector<1x2000x64xf32>
    %get3A_8 = vector.shape_cast %get3A_7 : vector<1x2000x64xf32> to vector<2000x64xf32>
    %add3A = arith.addf %get3A_3, %get3A_8 : vector<2000x64xf32>
    %get3A_9 = arith.constant 0 : index
    %get3A_10 = arith.constant 0 : index
    %get3A_11 = vector.load %arg5[%get3A_9, %get3A_10] : memref<2000x1xf32, #tpu.memory_space<vmem>>, vector<2000x1xf32>
    %mul3A = vector.broadcast %get3A_11 : vector<2000x1xf32> to vector<2000x64xf32>
    %mul3A_12 = arith.mulf %add3A, %mul3A : vector<2000x64xf32>
    %get3A_13 = arith.constant 0 : index
    %get3A_14 = arith.constant 0 : index
    %get3A_15 = vector.load %arg2[%get3A_13, %get3A_14] : memref<2000x128xf32, #tpu.memory_space<vmem>>, vector<2000x128xf32>
    %get3A_16 = arith.constant 0 : index
    %get3A_17 = arith.constant 0 : index
    %get3A_18 = vector.load %arg3[%get3A_16, %get3A_17] : memref<128x64xf32, #tpu.memory_space<vmem>>, vector<128x64xf32>
    %dot_general3A = arith.constant dense<0.000000e+00> : vector<2000x64xf32>
    %dot_general3A_19 = tpu.matmul %get3A_15, %get3A_18, %dot_general3A {dimension_numbers = #tpu.dot_dimension_numbers<[1], [0], [0], [1], [0, 0, 1, 1], [], []>, transpose_lhs_hint = false} : vector<2000x128xf32>, vector<128x64xf32>, vector<2000x64xf32> -> vector<2000x64xf32>
    %add3A_20 = arith.addf %mul3A_12, %dot_general3A_19 : vector<2000x64xf32>
    %get3A_21 = arith.constant 0 : index
    %get3A_22 = arith.constant 0 : index
    %get3A_23 = vector.load %arg4[%get3A_21, %get3A_22] : memref<1x64xf32, #tpu.memory_space<vmem>>, vector<1x64xf32>
    %add3A_24 = vector.broadcast %get3A_23 : vector<1x64xf32> to vector<2000x64xf32>
    %add3A_25 = arith.addf %add3A_20, %add3A_24 : vector<2000x64xf32>
    %gt3A = arith.constant 0.000000e+00 : f32
    %gt3A_26 = vector.broadcast %gt3A : f32 to vector<2000x64xf32>
    %gt3A_27 = arith.cmpf ogt, %add3A_25, %gt3A_26 : vector<2000x64xf32>
    %min3A = arith.constant 0.000000e+00 : f32
    %min3A_28 = vector.broadcast %min3A : f32 to vector<2000x64xf32>
    %min3A_29 = arith.minimumf %add3A_25, %min3A_28 : vector<2000x64xf32>
    %exp3A = math.exp %min3A_29 : vector<2000x64xf32>
    %sub3A = arith.constant 1.000000e+00 : f32
    %sub3A_30 = vector.broadcast %sub3A : f32 to vector<2000x64xf32>
    %sub3A_31 = arith.subf %exp3A, %sub3A_30 : vector<2000x64xf32>
    %select_n3A = arith.select %gt3A_27, %add3A_25, %sub3A_31 : vector<2000x64xi1>, vector<2000x64xf32>
    %swap3A = arith.constant 0 : index
    %swap3A_32 = arith.constant 0 : index
    %swap3A_33 = vector.load %arg6[%swap3A, %swap3A_32] : memref<2000x64xf32, #tpu.memory_space<vmem>>, vector<2000x64xf32>
    tpu.vector_store %arg6[%swap3A, %swap3A_32], %select_n3A {strides = array<i32>} : memref<2000x64xf32, #tpu.memory_space<vmem>>, vector<2000x64xf32>,
    return
  }
  func.func @transform_0(%arg0: i32) -> (i32, i32, i32) {
    %c0_i32 = arith.constant 0 : i32
    %c0_i32_0 = arith.constant 0 : i32
    %c0_i32_1 = arith.constant 0 : i32
    return %c0_i32, %arg0, %c0_i32_0 : i32, i32, i32
  }
  func.func @transform_1(%arg0: i32) -> (i32, i32) {
    %c0_i32 = arith.constant 0 : i32
    %c0_i32_0 = arith.constant 0 : i32
    return %arg0, %c0_i32 : i32, i32
  }
  func.func @transform_2(%arg0: i32) -> (i32, i32) {
    %c0_i32 = arith.constant 0 : i32
    %c0_i32_0 = arith.constant 0 : i32
    %c0_i32_1 = arith.constant 0 : i32
    return %c0_i32, %c0_i32_0 : i32, i32
  }
  func.func @transform_3(%arg0: i32) -> (i32, i32) {
    %c0_i32 = arith.constant 0 : i32
    %c0_i32_0 = arith.constant 0 : i32
    %c0_i32_1 = arith.constant 0 : i32
    return %c0_i32, %c0_i32_0 : i32, i32
  }
  func.func @transform_4(%arg0: i32) -> (i32, i32) {
    %c0_i32 = arith.constant 0 : i32
    %c0_i32_0 = arith.constant 0 : i32
    return %arg0, %c0_i32 : i32, i32
  }
  func.func @transform_5(%arg0: i32) -> (i32, i32) {
    %c0_i32 = arith.constant 0 : i32
    %c0_i32_0 = arith.constant 0 : i32
    return %arg0, %c0_i32 : i32, i32
  }
}

module attributes {stable_mosaic.version = 14 : i64} {
  func.func @body(%arg0: i32, %arg1: i32, %arg2: memref<2000x64xf32, #tpu.memory_space<vmem>>, %arg3: memref<64x640xf32, #tpu.memory_space<vmem>>, %arg4: memref<2000x640xf32, #tpu.memory_space<vmem>>) attributes {dimension_semantics = [#tpu.dimension_semantics<arbitrary>, #tpu.dimension_semantics<arbitrary>], iteration_bounds = array<i64: 5, 1>, scalar_prefetch = 0 : i64, scratch_operands = 0 : i64, tpu.core_type = #tpu.core_type<tc>, window_params = [{transform_indices = @transform_0, window_bounds = array<i64: 2000, 64>}, {transform_indices = @transform_1, window_bounds = array<i64: 64, 640>}, {transform_indices = @transform_2, window_bounds = array<i64: 2000, 640>}]} {
    %get3A = arith.constant 0 : index
    %get3A_0 = arith.constant 0 : index
    %get3A_1 = vector.load %arg2[%get3A, %get3A_0] : memref<2000x64xf32, #tpu.memory_space<vmem>>, vector<2000x64xf32>
    %get3A_2 = arith.constant 0 : index
    %get3A_3 = arith.constant 0 : index
    %get3A_4 = vector.load %arg3[%get3A_2, %get3A_3] : memref<64x640xf32, #tpu.memory_space<vmem>>, vector<64x640xf32>
    %dot_general3A = arith.constant dense<0.000000e+00> : vector<2000x640xf32>
    %dot_general3A_5 = tpu.matmul %get3A_1, %get3A_4, %dot_general3A {dimension_numbers = #tpu.dot_dimension_numbers<[1], [0], [0], [1], [0, 0, 1, 1], [], []>, transpose_lhs_hint = false} : vector<2000x64xf32>, vector<64x640xf32>, vector<2000x640xf32> -> vector<2000x640xf32>
    %swap3A = arith.constant 0 : index
    %swap3A_6 = arith.constant 0 : index
    %swap3A_7 = vector.load %arg4[%swap3A, %swap3A_6] : memref<2000x640xf32, #tpu.memory_space<vmem>>, vector<2000x640xf32>
    tpu.vector_store %arg4[%swap3A, %swap3A_6], %dot_general3A_5 {strides = array<i32>} : memref<2000x640xf32, #tpu.memory_space<vmem>>, vector<2000x640xf32>,
    return
  }
  func.func @transform_0(%arg0: i32, %arg1: i32) -> (i32, i32) {
    %c0_i32 = arith.constant 0 : i32
    %c0_i32_0 = arith.constant 0 : i32
    return %arg0, %c0_i32 : i32, i32
  }
  func.func @transform_1(%arg0: i32, %arg1: i32) -> (i32, i32) {
    %c0_i32 = arith.constant 0 : i32
    %c0_i32_0 = arith.constant 0 : i32
    return %c0_i32, %arg1 : i32, i32
  }
  func.func @transform_2(%arg0: i32, %arg1: i32) -> (i32, i32) {
    %c0_i32 = arith.constant 0 : i32
    return %arg0, %arg1 : i32, i32
  }
}

module attributes {stable_mosaic.version = 14 : i64} {
  func.func @body(%arg0: i32, %arg1: memref<2x2000x32xf32, #tpu.memory_space<vmem>>, %arg2: memref<2000x64xf32, #tpu.memory_space<vmem>>, %arg3: memref<64x32xf32, #tpu.memory_space<vmem>>, %arg4: memref<1x32xf32, #tpu.memory_space<vmem>>, %arg5: memref<2000x1xf32, #tpu.memory_space<vmem>>, %arg6: memref<2000x32xf32, #tpu.memory_space<vmem>>) attributes {dimension_semantics = [#tpu.dimension_semantics<arbitrary>], iteration_bounds = array<i64: 5>, scalar_prefetch = 0 : i64, scratch_operands = 0 : i64, tpu.core_type = #tpu.core_type<tc>, window_params = [{transform_indices = @transform_0, window_bounds = array<i64: 2, 2000, 32>}, {transform_indices = @transform_1, window_bounds = array<i64: 2000, 64>}, {pipeline_mode = #tpu.pipeline_mode<synchronous>, transform_indices = @transform_2, window_bounds = array<i64: 64, 32>}, {pipeline_mode = #tpu.pipeline_mode<synchronous>, transform_indices = @transform_3, window_bounds = array<i64: 1, 32>}, {transform_indices = @transform_4, window_bounds = array<i64: 2000, 1>}, {transform_indices = @transform_5, window_bounds = array<i64: 2000, 32>}]} {
    %get3A = arith.constant 0 : index
    %get3A_0 = arith.constant 0 : index
    %get3A_1 = arith.constant 0 : index
    %get3A_2 = vector.load %arg1[%get3A, %get3A_0, %get3A_1] : memref<2x2000x32xf32, #tpu.memory_space<vmem>>, vector<1x2000x32xf32>
    %get3A_3 = vector.shape_cast %get3A_2 : vector<1x2000x32xf32> to vector<2000x32xf32>
    %get3A_4 = arith.constant 1 : index
    %get3A_5 = arith.constant 0 : index
    %get3A_6 = arith.constant 0 : index
    %get3A_7 = vector.load %arg1[%get3A_4, %get3A_5, %get3A_6] : memref<2x2000x32xf32, #tpu.memory_space<vmem>>, vector<1x2000x32xf32>
    %get3A_8 = vector.shape_cast %get3A_7 : vector<1x2000x32xf32> to vector<2000x32xf32>
    %add3A = arith.addf %get3A_3, %get3A_8 : vector<2000x32xf32>
    %get3A_9 = arith.constant 0 : index
    %get3A_10 = arith.constant 0 : index
    %get3A_11 = vector.load %arg5[%get3A_9, %get3A_10] : memref<2000x1xf32, #tpu.memory_space<vmem>>, vector<2000x1xf32>
    %mul3A = vector.broadcast %get3A_11 : vector<2000x1xf32> to vector<2000x32xf32>
    %mul3A_12 = arith.mulf %add3A, %mul3A : vector<2000x32xf32>
    %get3A_13 = arith.constant 0 : index
    %get3A_14 = arith.constant 0 : index
    %get3A_15 = vector.load %arg2[%get3A_13, %get3A_14] : memref<2000x64xf32, #tpu.memory_space<vmem>>, vector<2000x64xf32>
    %get3A_16 = arith.constant 0 : index
    %get3A_17 = arith.constant 0 : index
    %get3A_18 = vector.load %arg3[%get3A_16, %get3A_17] : memref<64x32xf32, #tpu.memory_space<vmem>>, vector<64x32xf32>
    %dot_general3A = arith.constant dense<0.000000e+00> : vector<2000x32xf32>
    %dot_general3A_19 = tpu.matmul %get3A_15, %get3A_18, %dot_general3A {dimension_numbers = #tpu.dot_dimension_numbers<[1], [0], [0], [1], [0, 0, 1, 1], [], []>, transpose_lhs_hint = false} : vector<2000x64xf32>, vector<64x32xf32>, vector<2000x32xf32> -> vector<2000x32xf32>
    %add3A_20 = arith.addf %mul3A_12, %dot_general3A_19 : vector<2000x32xf32>
    %get3A_21 = arith.constant 0 : index
    %get3A_22 = arith.constant 0 : index
    %get3A_23 = vector.load %arg4[%get3A_21, %get3A_22] : memref<1x32xf32, #tpu.memory_space<vmem>>, vector<1x32xf32>
    %add3A_24 = vector.broadcast %get3A_23 : vector<1x32xf32> to vector<2000x32xf32>
    %add3A_25 = arith.addf %add3A_20, %add3A_24 : vector<2000x32xf32>
    %gt3A = arith.constant 0.000000e+00 : f32
    %gt3A_26 = vector.broadcast %gt3A : f32 to vector<2000x32xf32>
    %gt3A_27 = arith.cmpf ogt, %add3A_25, %gt3A_26 : vector<2000x32xf32>
    %min3A = arith.constant 0.000000e+00 : f32
    %min3A_28 = vector.broadcast %min3A : f32 to vector<2000x32xf32>
    %min3A_29 = arith.minimumf %add3A_25, %min3A_28 : vector<2000x32xf32>
    %exp3A = math.exp %min3A_29 : vector<2000x32xf32>
    %sub3A = arith.constant 1.000000e+00 : f32
    %sub3A_30 = vector.broadcast %sub3A : f32 to vector<2000x32xf32>
    %sub3A_31 = arith.subf %exp3A, %sub3A_30 : vector<2000x32xf32>
    %select_n3A = arith.select %gt3A_27, %add3A_25, %sub3A_31 : vector<2000x32xi1>, vector<2000x32xf32>
    %swap3A = arith.constant 0 : index
    %swap3A_32 = arith.constant 0 : index
    %swap3A_33 = vector.load %arg6[%swap3A, %swap3A_32] : memref<2000x32xf32, #tpu.memory_space<vmem>>, vector<2000x32xf32>
    tpu.vector_store %arg6[%swap3A, %swap3A_32], %select_n3A {strides = array<i32>} : memref<2000x32xf32, #tpu.memory_space<vmem>>, vector<2000x32xf32>,
    return
  }
  func.func @transform_0(%arg0: i32) -> (i32, i32, i32) {
    %c0_i32 = arith.constant 0 : i32
    %c0_i32_0 = arith.constant 0 : i32
    %c0_i32_1 = arith.constant 0 : i32
    return %c0_i32, %arg0, %c0_i32_0 : i32, i32, i32
  }
  func.func @transform_1(%arg0: i32) -> (i32, i32) {
    %c0_i32 = arith.constant 0 : i32
    %c0_i32_0 = arith.constant 0 : i32
    return %arg0, %c0_i32 : i32, i32
  }
  func.func @transform_2(%arg0: i32) -> (i32, i32) {
    %c0_i32 = arith.constant 0 : i32
    %c0_i32_0 = arith.constant 0 : i32
    %c0_i32_1 = arith.constant 0 : i32
    return %c0_i32, %c0_i32_0 : i32, i32
  }
  func.func @transform_3(%arg0: i32) -> (i32, i32) {
    %c0_i32 = arith.constant 0 : i32
    %c0_i32_0 = arith.constant 0 : i32
    %c0_i32_1 = arith.constant 0 : i32
    return %c0_i32, %c0_i32_0 : i32, i32
  }
  func.func @transform_4(%arg0: i32) -> (i32, i32) {
    %c0_i32 = arith.constant 0 : i32
    %c0_i32_0 = arith.constant 0 : i32
    return %arg0, %c0_i32 : i32, i32
  }
  func.func @transform_5(%arg0: i32) -> (i32, i32) {
    %c0_i32 = arith.constant 0 : i32
    %c0_i32_0 = arith.constant 0 : i32
    return %arg0, %c0_i32 : i32, i32
  }
}

module attributes {stable_mosaic.version = 14 : i64} {
  func.func @body(%arg0: i32, %arg1: i32, %arg2: memref<2000x32xf32, #tpu.memory_space<vmem>>, %arg3: memref<32x320xf32, #tpu.memory_space<vmem>>, %arg4: memref<2000x320xf32, #tpu.memory_space<vmem>>) attributes {dimension_semantics = [#tpu.dimension_semantics<arbitrary>, #tpu.dimension_semantics<arbitrary>], iteration_bounds = array<i64: 5, 1>, scalar_prefetch = 0 : i64, scratch_operands = 0 : i64, tpu.core_type = #tpu.core_type<tc>, window_params = [{transform_indices = @transform_0, window_bounds = array<i64: 2000, 32>}, {transform_indices = @transform_1, window_bounds = array<i64: 32, 320>}, {transform_indices = @transform_2, window_bounds = array<i64: 2000, 320>}]} {
    %get3A = arith.constant 0 : index
    %get3A_0 = arith.constant 0 : index
    %get3A_1 = vector.load %arg2[%get3A, %get3A_0] : memref<2000x32xf32, #tpu.memory_space<vmem>>, vector<2000x32xf32>
    %get3A_2 = arith.constant 0 : index
    %get3A_3 = arith.constant 0 : index
    %get3A_4 = vector.load %arg3[%get3A_2, %get3A_3] : memref<32x320xf32, #tpu.memory_space<vmem>>, vector<32x320xf32>
    %dot_general3A = arith.constant dense<0.000000e+00> : vector<2000x320xf32>
    %dot_general3A_5 = tpu.matmul %get3A_1, %get3A_4, %dot_general3A {dimension_numbers = #tpu.dot_dimension_numbers<[1], [0], [0], [1], [0, 0, 1, 1], [], []>, transpose_lhs_hint = false} : vector<2000x32xf32>, vector<32x320xf32>, vector<2000x320xf32> -> vector<2000x320xf32>
    %swap3A = arith.constant 0 : index
    %swap3A_6 = arith.constant 0 : index
    %swap3A_7 = vector.load %arg4[%swap3A, %swap3A_6] : memref<2000x320xf32, #tpu.memory_space<vmem>>, vector<2000x320xf32>
    tpu.vector_store %arg4[%swap3A, %swap3A_6], %dot_general3A_5 {strides = array<i32>} : memref<2000x320xf32, #tpu.memory_space<vmem>>, vector<2000x320xf32>,
    return
  }
  func.func @transform_0(%arg0: i32, %arg1: i32) -> (i32, i32) {
    %c0_i32 = arith.constant 0 : i32
    %c0_i32_0 = arith.constant 0 : i32
    return %arg0, %c0_i32 : i32, i32
  }
  func.func @transform_1(%arg0: i32, %arg1: i32) -> (i32, i32) {
    %c0_i32 = arith.constant 0 : i32
    %c0_i32_0 = arith.constant 0 : i32
    return %c0_i32, %arg1 : i32, i32
  }
  func.func @transform_2(%arg0: i32, %arg1: i32) -> (i32, i32) {
    %c0_i32 = arith.constant 0 : i32
    return %arg0, %arg1 : i32, i32
  }
}

module attributes {stable_mosaic.version = 14 : i64} {
  func.func @body(%arg0: i32, %arg1: memref<2x2000x16xf32, #tpu.memory_space<vmem>>, %arg2: memref<2000x32xf32, #tpu.memory_space<vmem>>, %arg3: memref<32x16xf32, #tpu.memory_space<vmem>>, %arg4: memref<1x16xf32, #tpu.memory_space<vmem>>, %arg5: memref<2000x1xf32, #tpu.memory_space<vmem>>, %arg6: memref<2000x16xf32, #tpu.memory_space<vmem>>) attributes {dimension_semantics = [#tpu.dimension_semantics<arbitrary>], iteration_bounds = array<i64: 5>, scalar_prefetch = 0 : i64, scratch_operands = 0 : i64, tpu.core_type = #tpu.core_type<tc>, window_params = [{transform_indices = @transform_0, window_bounds = array<i64: 2, 2000, 16>}, {transform_indices = @transform_1, window_bounds = array<i64: 2000, 32>}, {pipeline_mode = #tpu.pipeline_mode<synchronous>, transform_indices = @transform_2, window_bounds = array<i64: 32, 16>}, {pipeline_mode = #tpu.pipeline_mode<synchronous>, transform_indices = @transform_3, window_bounds = array<i64: 1, 16>}, {transform_indices = @transform_4, window_bounds = array<i64: 2000, 1>}, {transform_indices = @transform_5, window_bounds = array<i64: 2000, 16>}]} {
    %get3A = arith.constant 0 : index
    %get3A_0 = arith.constant 0 : index
    %get3A_1 = arith.constant 0 : index
    %get3A_2 = vector.load %arg1[%get3A, %get3A_0, %get3A_1] : memref<2x2000x16xf32, #tpu.memory_space<vmem>>, vector<1x2000x16xf32>
    %get3A_3 = vector.shape_cast %get3A_2 : vector<1x2000x16xf32> to vector<2000x16xf32>
    %get3A_4 = arith.constant 1 : index
    %get3A_5 = arith.constant 0 : index
    %get3A_6 = arith.constant 0 : index
    %get3A_7 = vector.load %arg1[%get3A_4, %get3A_5, %get3A_6] : memref<2x2000x16xf32, #tpu.memory_space<vmem>>, vector<1x2000x16xf32>
    %get3A_8 = vector.shape_cast %get3A_7 : vector<1x2000x16xf32> to vector<2000x16xf32>
    %add3A = arith.addf %get3A_3, %get3A_8 : vector<2000x16xf32>
    %get3A_9 = arith.constant 0 : index
    %get3A_10 = arith.constant 0 : index
    %get3A_11 = vector.load %arg5[%get3A_9, %get3A_10] : memref<2000x1xf32, #tpu.memory_space<vmem>>, vector<2000x1xf32>
    %mul3A = vector.broadcast %get3A_11 : vector<2000x1xf32> to vector<2000x16xf32>
    %mul3A_12 = arith.mulf %add3A, %mul3A : vector<2000x16xf32>
    %get3A_13 = arith.constant 0 : index
    %get3A_14 = arith.constant 0 : index
    %get3A_15 = vector.load %arg2[%get3A_13, %get3A_14] : memref<2000x32xf32, #tpu.memory_space<vmem>>, vector<2000x32xf32>
    %get3A_16 = arith.constant 0 : index
    %get3A_17 = arith.constant 0 : index
    %get3A_18 = vector.load %arg3[%get3A_16, %get3A_17] : memref<32x16xf32, #tpu.memory_space<vmem>>, vector<32x16xf32>
    %dot_general3A = arith.constant dense<0.000000e+00> : vector<2000x16xf32>
    %dot_general3A_19 = tpu.matmul %get3A_15, %get3A_18, %dot_general3A {dimension_numbers = #tpu.dot_dimension_numbers<[1], [0], [0], [1], [0, 0, 1, 1], [], []>, transpose_lhs_hint = false} : vector<2000x32xf32>, vector<32x16xf32>, vector<2000x16xf32> -> vector<2000x16xf32>
    %add3A_20 = arith.addf %mul3A_12, %dot_general3A_19 : vector<2000x16xf32>
    %get3A_21 = arith.constant 0 : index
    %get3A_22 = arith.constant 0 : index
    %get3A_23 = vector.load %arg4[%get3A_21, %get3A_22] : memref<1x16xf32, #tpu.memory_space<vmem>>, vector<1x16xf32>
    %add3A_24 = vector.broadcast %get3A_23 : vector<1x16xf32> to vector<2000x16xf32>
    %add3A_25 = arith.addf %add3A_20, %add3A_24 : vector<2000x16xf32>
    %gt3A = arith.constant 0.000000e+00 : f32
    %gt3A_26 = vector.broadcast %gt3A : f32 to vector<2000x16xf32>
    %gt3A_27 = arith.cmpf ogt, %add3A_25, %gt3A_26 : vector<2000x16xf32>
    %min3A = arith.constant 0.000000e+00 : f32
    %min3A_28 = vector.broadcast %min3A : f32 to vector<2000x16xf32>
    %min3A_29 = arith.minimumf %add3A_25, %min3A_28 : vector<2000x16xf32>
    %exp3A = math.exp %min3A_29 : vector<2000x16xf32>
    %sub3A = arith.constant 1.000000e+00 : f32
    %sub3A_30 = vector.broadcast %sub3A : f32 to vector<2000x16xf32>
    %sub3A_31 = arith.subf %exp3A, %sub3A_30 : vector<2000x16xf32>
    %select_n3A = arith.select %gt3A_27, %add3A_25, %sub3A_31 : vector<2000x16xi1>, vector<2000x16xf32>
    %swap3A = arith.constant 0 : index
    %swap3A_32 = arith.constant 0 : index
    %swap3A_33 = vector.load %arg6[%swap3A, %swap3A_32] : memref<2000x16xf32, #tpu.memory_space<vmem>>, vector<2000x16xf32>
    tpu.vector_store %arg6[%swap3A, %swap3A_32], %select_n3A {strides = array<i32>} : memref<2000x16xf32, #tpu.memory_space<vmem>>, vector<2000x16xf32>,
    return
  }
  func.func @transform_0(%arg0: i32) -> (i32, i32, i32) {
    %c0_i32 = arith.constant 0 : i32
    %c0_i32_0 = arith.constant 0 : i32
    %c0_i32_1 = arith.constant 0 : i32
    return %c0_i32, %arg0, %c0_i32_0 : i32, i32, i32
  }
  func.func @transform_1(%arg0: i32) -> (i32, i32) {
    %c0_i32 = arith.constant 0 : i32
    %c0_i32_0 = arith.constant 0 : i32
    return %arg0, %c0_i32 : i32, i32
  }
  func.func @transform_2(%arg0: i32) -> (i32, i32) {
    %c0_i32 = arith.constant 0 : i32
    %c0_i32_0 = arith.constant 0 : i32
    %c0_i32_1 = arith.constant 0 : i32
    return %c0_i32, %c0_i32_0 : i32, i32
  }
  func.func @transform_3(%arg0: i32) -> (i32, i32) {
    %c0_i32 = arith.constant 0 : i32
    %c0_i32_0 = arith.constant 0 : i32
    %c0_i32_1 = arith.constant 0 : i32
    return %c0_i32, %c0_i32_0 : i32, i32
  }
  func.func @transform_4(%arg0: i32) -> (i32, i32) {
    %c0_i32 = arith.constant 0 : i32
    %c0_i32_0 = arith.constant 0 : i32
    return %arg0, %c0_i32 : i32, i32
  }
  func.func @transform_5(%arg0: i32) -> (i32, i32) {
    %c0_i32 = arith.constant 0 : i32
    %c0_i32_0 = arith.constant 0 : i32
    return %arg0, %c0_i32 : i32, i32
  }
}

module attributes {stable_mosaic.version = 14 : i64} {
  func.func @body(%arg0: i32, %arg1: i32, %arg2: memref<2000x16xf32, #tpu.memory_space<vmem>>, %arg3: memref<16x320xf32, #tpu.memory_space<vmem>>, %arg4: memref<2000x320xf32, #tpu.memory_space<vmem>>) attributes {dimension_semantics = [#tpu.dimension_semantics<arbitrary>, #tpu.dimension_semantics<arbitrary>], iteration_bounds = array<i64: 5, 1>, scalar_prefetch = 0 : i64, scratch_operands = 0 : i64, tpu.core_type = #tpu.core_type<tc>, window_params = [{transform_indices = @transform_0, window_bounds = array<i64: 2000, 16>}, {transform_indices = @transform_1, window_bounds = array<i64: 16, 320>}, {transform_indices = @transform_2, window_bounds = array<i64: 2000, 320>}]} {
    %get3A = arith.constant 0 : index
    %get3A_0 = arith.constant 0 : index
    %get3A_1 = vector.load %arg2[%get3A, %get3A_0] : memref<2000x16xf32, #tpu.memory_space<vmem>>, vector<2000x16xf32>
    %get3A_2 = arith.constant 0 : index
    %get3A_3 = arith.constant 0 : index
    %get3A_4 = vector.load %arg3[%get3A_2, %get3A_3] : memref<16x320xf32, #tpu.memory_space<vmem>>, vector<16x320xf32>
    %dot_general3A = arith.constant dense<0.000000e+00> : vector<2000x320xf32>
    %dot_general3A_5 = tpu.matmul %get3A_1, %get3A_4, %dot_general3A {dimension_numbers = #tpu.dot_dimension_numbers<[1], [0], [0], [1], [0, 0, 1, 1], [], []>, transpose_lhs_hint = false} : vector<2000x16xf32>, vector<16x320xf32>, vector<2000x320xf32> -> vector<2000x320xf32>
    %swap3A = arith.constant 0 : index
    %swap3A_6 = arith.constant 0 : index
    %swap3A_7 = vector.load %arg4[%swap3A, %swap3A_6] : memref<2000x320xf32, #tpu.memory_space<vmem>>, vector<2000x320xf32>
    tpu.vector_store %arg4[%swap3A, %swap3A_6], %dot_general3A_5 {strides = array<i32>} : memref<2000x320xf32, #tpu.memory_space<vmem>>, vector<2000x320xf32>,
    return
  }
  func.func @transform_0(%arg0: i32, %arg1: i32) -> (i32, i32) {
    %c0_i32 = arith.constant 0 : i32
    %c0_i32_0 = arith.constant 0 : i32
    return %arg0, %c0_i32 : i32, i32
  }
  func.func @transform_1(%arg0: i32, %arg1: i32) -> (i32, i32) {
    %c0_i32 = arith.constant 0 : i32
    %c0_i32_0 = arith.constant 0 : i32
    return %c0_i32, %arg1 : i32, i32
  }
  func.func @transform_2(%arg0: i32, %arg1: i32) -> (i32, i32) {
    %c0_i32 = arith.constant 0 : i32
    return %arg0, %arg1 : i32, i32
  }
}

module attributes {stable_mosaic.version = 14 : i64} {
  func.func @body(%arg0: i32, %arg1: memref<2x2000x16xf32, #tpu.memory_space<vmem>>, %arg2: memref<2000x16xf32, #tpu.memory_space<vmem>>, %arg3: memref<16x1xf32, #tpu.memory_space<vmem>>, %arg4: memref<1x1xf32, #tpu.memory_space<vmem>>, %arg5: memref<2000x1xf32, #tpu.memory_space<vmem>>, %arg6: memref<2000x1xf32, #tpu.memory_space<vmem>>) attributes {dimension_semantics = [#tpu.dimension_semantics<arbitrary>], iteration_bounds = array<i64: 5>, scalar_prefetch = 0 : i64, scratch_operands = 0 : i64, tpu.core_type = #tpu.core_type<tc>, window_params = [{transform_indices = @transform_0, window_bounds = array<i64: 2, 2000, 16>}, {transform_indices = @transform_1, window_bounds = array<i64: 2000, 16>}, {pipeline_mode = #tpu.pipeline_mode<synchronous>, transform_indices = @transform_2, window_bounds = array<i64: 16, 1>}, {pipeline_mode = #tpu.pipeline_mode<synchronous>, transform_indices = @transform_3, window_bounds = array<i64: 1, 1>}, {transform_indices = @transform_4, window_bounds = array<i64: 2000, 1>}, {transform_indices = @transform_5, window_bounds = array<i64: 2000, 1>}]} {
    %get3A = arith.constant 0 : index
    %get3A_0 = arith.constant 0 : index
    %get3A_1 = arith.constant 0 : index
    %get3A_2 = vector.load %arg1[%get3A, %get3A_0, %get3A_1] : memref<2x2000x16xf32, #tpu.memory_space<vmem>>, vector<1x2000x16xf32>
    %get3A_3 = vector.shape_cast %get3A_2 : vector<1x2000x16xf32> to vector<2000x16xf32>
    %get3A_4 = arith.constant 1 : index
    %get3A_5 = arith.constant 0 : index
    %get3A_6 = arith.constant 0 : index
    %get3A_7 = vector.load %arg1[%get3A_4, %get3A_5, %get3A_6] : memref<2x2000x16xf32, #tpu.memory_space<vmem>>, vector<1x2000x16xf32>
    %get3A_8 = vector.shape_cast %get3A_7 : vector<1x2000x16xf32> to vector<2000x16xf32>
    %add3A = arith.addf %get3A_3, %get3A_8 : vector<2000x16xf32>
    %slice3A = vector.extract_strided_slice %add3A {offsets = [0, 0], sizes = [2000, 1], strides = [1, 1]} : vector<2000x16xf32> to vector<2000x1xf32>
    %get3A_9 = arith.constant 0 : index
    %get3A_10 = arith.constant 0 : index
    %get3A_11 = vector.load %arg5[%get3A_9, %get3A_10] : memref<2000x1xf32, #tpu.memory_space<vmem>>, vector<2000x1xf32>
    %mul3A = arith.mulf %slice3A, %get3A_11 : vector<2000x1xf32>
    %get3A_12 = arith.constant 0 : index
    %get3A_13 = arith.constant 0 : index
    %get3A_14 = vector.load %arg2[%get3A_12, %get3A_13] : memref<2000x16xf32, #tpu.memory_space<vmem>>, vector<2000x16xf32>
    %get3A_15 = arith.constant 0 : index
    %get3A_16 = arith.constant 0 : index
    %get3A_17 = vector.load %arg3[%get3A_15, %get3A_16] : memref<16x1xf32, #tpu.memory_space<vmem>>, vector<16x1xf32>
    %dot_general3A = arith.constant dense<0.000000e+00> : vector<2000x1xf32>
    %dot_general3A_18 = tpu.matmul %get3A_14, %get3A_17, %dot_general3A {dimension_numbers = #tpu.dot_dimension_numbers<[1], [0], [0], [1], [0, 0, 1, 1], [], []>, transpose_lhs_hint = false} : vector<2000x16xf32>, vector<16x1xf32>, vector<2000x1xf32> -> vector<2000x1xf32>
    %add3A_19 = arith.addf %mul3A, %dot_general3A_18 : vector<2000x1xf32>
    %get3A_20 = arith.constant 0 : index
    %get3A_21 = arith.constant 0 : index
    %get3A_22 = vector.load %arg4[%get3A_20, %get3A_21] : memref<1x1xf32, #tpu.memory_space<vmem>>, vector<1x1xf32>
    %add3A_23 = vector.broadcast %get3A_22 : vector<1x1xf32> to vector<2000x1xf32>
    %add3A_24 = arith.addf %add3A_19, %add3A_23 : vector<2000x1xf32>
    %swap3A = arith.constant 0 : index
    %swap3A_25 = arith.constant 0 : index
    %swap3A_26 = vector.load %arg6[%swap3A, %swap3A_25] : memref<2000x1xf32, #tpu.memory_space<vmem>>, vector<2000x1xf32>
    tpu.vector_store %arg6[%swap3A, %swap3A_25], %add3A_24 {strides = array<i32>} : memref<2000x1xf32, #tpu.memory_space<vmem>>, vector<2000x1xf32>,
    return
  }
  func.func @transform_0(%arg0: i32) -> (i32, i32, i32) {
    %c0_i32 = arith.constant 0 : i32
    %c0_i32_0 = arith.constant 0 : i32
    %c0_i32_1 = arith.constant 0 : i32
    return %c0_i32, %arg0, %c0_i32_0 : i32, i32, i32
  }
  func.func @transform_1(%arg0: i32) -> (i32, i32) {
    %c0_i32 = arith.constant 0 : i32
    %c0_i32_0 = arith.constant 0 : i32
    return %arg0, %c0_i32 : i32, i32
  }
  func.func @transform_2(%arg0: i32) -> (i32, i32) {
    %c0_i32 = arith.constant 0 : i32
    %c0_i32_0 = arith.constant 0 : i32
    %c0_i32_1 = arith.constant 0 : i32
    return %c0_i32, %c0_i32_0 : i32, i32
  }
  func.func @transform_3(%arg0: i32) -> (i32, i32) {
    %c0_i32 = arith.constant 0 : i32
    %c0_i32_0 = arith.constant 0 : i32
    %c0_i32_1 = arith.constant 0 : i32
    return %c0_i32, %c0_i32_0 : i32, i32
  }
  func.func @transform_4(%arg0: i32) -> (i32, i32) {
    %c0_i32 = arith.constant 0 : i32
    %c0_i32_0 = arith.constant 0 : i32
    return %arg0, %c0_i32 : i32, i32
  }
  func.func @transform_5(%arg0: i32) -> (i32, i32) {
    %c0_i32 = arith.constant 0 : i32
    %c0_i32_0 = arith.constant 0 : i32
    return %arg0, %c0_i32 : i32, i32
  }
}

</mosaic_0001>

<sc_bundles>
// kernel: kernel.26.cloned.1.call-start
scs
__scs_entry_jumppad:
0x0: {  	(pc) =	sbr.rel $0x88, $3  }
0x1: {  	(tag) =	ssettag $0x0;
	lr =	simm.s32 $0x1  }
0x2: {  	[smem:$0x3F89] =	sst lr;
	_ =	strace $0xD0000000  }
0x3: {  	_ = 	snop  }
0x4: {  	_ = 	snop  }
0x5: {  	_ = 	snop  }
0x6: {  	_ = 	snop  }
0x7: {  	_ = 	snop  }
__scs_overlays_trampoline_lowered:
0x8: {  	[smem:$0x3F98] =	sst s0  }
0x9: {  	[smem:$0x3F99] =	sst s1  }
0xa: {  	[smem:$0x3F9A] =	sst s2  }
0xb: {  	[smem:$0x3F9B] =	sst s3  }
0xc: {  	[smem:$0x3F9C] =	sst s4  }
0xd: {  	[smem:$0x3F9D] =	sst s5  }
0xe: {  	[smem:$0x3F9E] =	sst s6  }
0xf: {  	[smem:$0x3F9F] =	sst s7  }
0x10: {  	[smem:$0x3FA0] =	sst s8  }
0x11: {  	[smem:$0x3FA1] =	sst s9;
	s0 =	simm.s32 @!p0 $0x0  }
0x12: {  	s1 =	sld [smem:$0x3F87];
	s0 =	simm.s32 @p0 $0x1  }
0x13: {  	[smem:$0x3FA2] =	sst s0;
	s0 =	simm.s32 @!p1 $0x0  }
0x14: {  	s2 =	sld [smem:$0x3F86];
	s0 =	simm.s32 @p1 $0x1  }
0x15: {  	[smem:$0x3FA3] =	sst s0;
	s0 =	simm.s32 @!p2 $0x0  }
0x16: {  	s3 =	sld [smem:$0x3FDB];
	s0 =	simm.s32 @p2 $0x1  }
0x17: {  	s4 =	simm.s32 $0x1BF5;
	[smem:$0x3FA5] =	sst s0  }
0x18: {  	s0 =	sld [smem:$0x3F88];
	_ =	swait.ge [sflag:s4], $0x0  }
0x19: {  	s7 =	sld [smem:$0x3F89]  }
0x1a: {  	s8 =	sadd.s32 $0xFFFFE003, lr  }
0x1b: {  	s9 =	sadd.s32 $0xFFFFFEF7, lr;
	s5 =	simm.s32 $0xFFFFFFFF;
	p2 =	slt.u32 s8, $0xFFFFF086  }
0x1c: {  	p1 =	slt.u32 s9, $0xF7A;
	s5 =	simm.s32 @!p2 $0x0  }
0x1d: {  	s5 =	simm.s32 @p1 $0x1;
	p0 =	seq.s32 s7, s2  }
0x1e: {  	s7 =	smul.u32 @!p0 $0xF7A, s2;
	p2 =	seq.s32 @!p0 s5, $0x0  }
0x1f: {  	s9 =	smul.u32 $0xF7A, s1;
	s8 =	simm.s32 @!p0 $0x1BF5;
	p2 =	por !p2, p0  }
0x20: {  	[sflag:s8] =	ssyncset.s32 @!p0 $0xFFFFF086;
	s6 =	sadd.s32 @!p0 s3, s7;
	s7 =	simm.s32 @!p0 $0x108  }
0x21: {  	s3 =	sadd.s32 s3, s9;
	s6 =	sadd.s32 @!p0 $0x88, s6;
	s7 =	simm.s32 @p2 $0x1082  }
0x22: {  	[simem:s7], [sflag:s8] =	dma.local @!p0 [hbm:s6], $0xF7A  }
0x23: {  	s9 =	sor.u32 $0xD0000000, s2;
	s6 =	simm.s32 $0x108;
	_ =	swait.ge @!p0 [sflag:s8], $0x0  }
0x24: {  	s3 =	sadd.s32 $0x88, s3;
	s6 =	simm.s32 @!p1 $0x1082;
	[sflag:s4] =	ssyncset.s32 $0xFFFFF086  }
0x25: {  	[simem:s6], [sflag:s4] =	dma.local [hbm:s3], $0xF7A  }
0x26: {  	[smem:$0x3F89] =	sst s1;
	(tag) =	ssettag s2;
	_ =	strace s9  }
0x27: {  	s1 =	sld [smem:$0x3F99]  }
0x28: {  	s2 =	sld [smem:$0x3F9A]  }
0x29: {  	s4 =	sld [smem:$0x3F9C]  }
0x2a: {  	p0 =	seq.s32 s5, $0x0;
	s5 =	sld [smem:$0x3F9D]  }
0x2b: {  	s6 =	sld [smem:$0x3F9E]  }
0x2c: {  	s7 =	sld [smem:$0x3F9F]  }
0x2d: {  	s3 =	simm.s32 $0x108;
	s8 =	sld [smem:$0x3FA0]  }
0x2e: {  	s3 =	simm.s32 @!p0 $0x1082;
	s9 =	sld [smem:$0x3FA1]  }
0x2f: {  	lr =	sadd.s32 s0, s3;
	s0 =	sld [smem:$0x3F98]  }
0x30: {  	s3 =	sld [smem:$0x3F9B]  }
0x31: {  	[smem:$0x3FA4] =	sst s10  }
0x32: {  	s10 =	sld [smem:$0x3FA2];
	_ =	sdelay $0x3  }
0x33: {  	p0 =	seq.s32 s10, $0x1;
	s10 =	sld [smem:$0x3FA4];
	_ =	sdelay $0x3  }
0x34: {  	[smem:$0x3FA4] =	sst s10  }
0x35: {  	s10 =	sld [smem:$0x3FA3];
	_ =	sdelay $0x3  }
0x36: {  	p1 =	seq.s32 s10, $0x1;
	s10 =	sld [smem:$0x3FA4];
	_ =	sdelay $0x3  }
0x37: {  	[smem:$0x3FA4] =	sst s10  }
0x38: {  	s10 =	sld [smem:$0x3FA5]  }
0x39: {  	_ = 	snop;
	(pc) =	sbr.ind lr, $3  }
0x3a: {  	_ = 	snop  }
0x3b: {  	_ = 	snop  }
0x3c: {  	p2 =	seq.s32 s10, $0x1;
	s10 =	sld [smem:$0x3FA4]  }
0x3d: {  	_ =	shalt  }
0x3e: {  	_ =	shalt  }
0x3f: {  	_ =	shalt  }
0x40: {  	_ =	shalt  }
0x41: {  	_ =	shalt  }
0x42: {  	_ =	shalt  }
0x43: {  	_ =	shalt  }
0x44: {  	_ =	shalt  }
0x45: {  	_ =	shalt  }
0x46: {  	_ =	shalt  }
0x47: {  	_ =	shalt  }
0x48: {  	_ =	shalt  }
0x49: {  	_ =	shalt  }
0x4a: {  	_ =	shalt  }
0x4b: {  	_ =	shalt  }
0x4c: {  	_ =	shalt  }
0x4d: {  	_ =	shalt  }
0x4e: {  	_ =	shalt  }
0x4f: {  	_ =	shalt  }
0x50: {  	_ =	shalt  }
0x51: {  	_ =	shalt  }
0x52: {  	_ =	shalt  }
0x53: {  	_ =	shalt  }
0x54: {  	_ =	shalt  }
0x55: {  	_ =	shalt  }
0x56: {  	_ =	shalt  }
0x57: {  	_ =	shalt  }
0x58: {  	_ =	shalt  }
0x59: {  	_ =	shalt  }
0x5a: {  	_ =	shalt  }
0x5b: {  	_ =	shalt  }
0x5c: {  	_ =	shalt  }
0x5d: {  	_ =	shalt  }
0x5e: {  	_ =	shalt  }
0x5f: {  	_ =	shalt  }
0x60: {  	_ =	shalt  }
0x61: {  	_ =	shalt  }
0x62: {  	_ =	shalt  }
0x63: {  	_ =	shalt  }
0x64: {  	_ =	shalt  }
0x65: {  	_ =	shalt  }
0x66: {  	_ =	shalt  }
0x67: {  	_ =	shalt  }
0x68: {  	_ =	shalt  }
0x69: {  	_ =	shalt  }
0x6a: {  	_ =	shalt  }
0x6b: {  	_ =	shalt  }
0x6c: {  	_ =	shalt  }
0x6d: {  	_ =	shalt  }
0x6e: {  	_ =	shalt  }
0x6f: {  	_ =	shalt  }
0x70: {  	_ =	shalt  }
0x71: {  	_ =	shalt  }
0x72: {  	_ =	shalt  }
0x73: {  	_ =	shalt  }
0x74: {  	_ =	shalt  }
0x75: {  	_ =	shalt  }
0x76: {  	_ =	shalt  }
0x77: {  	_ =	shalt  }
0x78: {  	_ =	shalt  }
0x79: {  	_ =	shalt  }
0x7a: {  	_ =	shalt  }
0x7b: {  	_ =	shalt  }
0x7c: {  	_ =	shalt  }
0x7d: {  	_ =	shalt  }
0x7e: {  	_ =	shalt  }
0x7f: {  	_ =	shalt  }
0x80: {  	_ =	shalt  }
0x81: {  	_ =	shalt  }
0x82: {  	_ =	shalt  }
0x83: {  	_ =	shalt  }
0x84: {  	_ =	shalt  }
0x85: {  	_ =	shalt  }
0x86: {  	_ =	shalt  }
0x87: {  	_ =	shalt  }
.Lfunc_end0:
.L_simem_size_0:
called_computation_lowered:
.L_overlay_start_0:
0x88: {  	s2 =	sld [smem:$0x3FD9]  }
0x89: {  	s3 =	sld [smem:$0x3FFE];
	_ =	sdelay $0x1  }
0x8a: {  	s1 =	srdreg.scid  }
0x8b: {  	s0 =	sand.u32 $0x1, s1  }
0x8c: {  	s16 =	sshll.u32 s0, $0xA;
	s2 =	sadd.s32 s3, s2  }
0x8d: {  	s2 =	sadd.s32 s2, s16  }
0x8e: {  	[smem:$0x3FB0] =	sst s2  }
0x8f: {  	_ = 	snop  }
0x90: {  	(tm) =	ssettm $0x1  }
0x91: {  	s17 =	sld [smem:$0x3FFB];
	_ =	sdelay $0x3  }
0x92: {  	_ =	strace s17  }
0x93: {  	s2 =	sld [smem:$0x3FFC];
	_ =	sdelay $0x3  }
0x94: {  	_ =	strace s2  }
0x95: {  	s2 =	sld [smem:$0x3FFD];
	_ =	sdelay $0x3  }
0x96: {  	_ =	strace s2  }
0x97: {  	_ =	strace $0x8FFFFFFF  }
0x98: {  	s18 =	sld [smem:$0x3FDB];
	_ =	sdelay $0x1  }
0x99: {  	s19 =	simm.s32 $_scs_section_size  }
0x9a: {  	s4 =	simm.s32 $_size__tile_overlayer_lowered;
	s5 =	simm.s32 $_tile_overlayer_lowered  }
0x9b: {  	s22 =	simm.s32 $0x1BFF;
	s21 =	sshll.u32 s5, $0x1;
	s2 =	sadd.s32 s19, s18  }
0x9c: {  	s6 =	simm.s32 $0x0;
	s20 =	sshll.u32 s4, $0x1;
	s4 =	sadd.s32 s21, s2  }
0x9d: {  	[timem:s6], [sflag:s22] =	dma.local [hbm:s4], s20  }
0x9e: {  	_ =	swait.ge [sflag:s22], s20  }
0x9f: {  	s3 =	ssub.s32 $0x0, s20;
	[sflag:s22] =	ssyncset.done $0x0  }
0xa0: {  	[sflag:s22] =	ssyncadd.s32 s3;
	_ =	sdelay $0x1  }
0xa1: {  	s23 =	simm.s32 $0x1B8B  }
0xa2: {  	_ =	swait.ge [sflag:s23], $0x1  }
0xa3: {  	[sflag:s23] =	ssyncset.done $0x0  }
0xa4: {  	s25 =	simm.s32 $0x1B8E;
	s24 =	sld [smem:$0x3FFE];
	[sflag:s23] =	ssyncadd.s32 $0xFFFFFFFF  }
0xa5: {  	s26 =	simm.s32 $execute0_lowered;
	[smem:$0x3FD2] =	sst s25  }
0xa6: {  	s4 =	sshll.u32 s26, $0x1;
	_ =	strace $0x80000046;
	[dreg:$0x1] =	wrdreg $0xFFFFFFFF  }
0xa7: {  	s28 =	simm.s32 $_size_execute0_lowered;
	s2 =	sadd.s32 s2, s4;
	[dreg:$0x0] =	wrdreg $0x0  }
0xa8: {  	s4 =	sshll.u32 s28, $0x1;
	[dreg:$0x2] =	wrdreg s2  }
0xa9: {  	[dreg:$0x3] =	wrdreg s4  }
0xaa: {  	[dreg:$0x4] =	wrdreg $0xC0  }
0xab: {  	_ =	task [dreg:s6], $0x5FFFF  }
0xac: {  	[dreg:$0x1] =	wrdreg $0xFFFFFFFF  }
0xad: {  	[dreg:$0x0] =	wrdreg $0x60  }
0xae: {  	[dreg:$0x2] =	wrdreg s24  }
0xaf: {  	[dreg:$0x3] =	wrdreg $0xA  }
0xb0: {  	_ =	task.clear_ibuf [dreg:s6], $0x4FFFF;
	_ =	strace $0x90000046  }
0xb1: {  	s29 =	simm.s32 $0xA;
	_ =	strace $0x80000048  }
0xb2: {  	_ =	swait.ge [sflag:s29], $0x1  }
0xb3: {  	[sflag:s29] =	ssyncadd.s32 $0xFFFFFFFF  }
0xb4: {  	_ =	strace $0x90000048  }
0xb5: {  	_ =	sfence  }
0xb6: {  	s30 =	sld [smem:$0x0];
	_ =	sdelay $0x2  }
0xb7: {  	s31 =	sshll.u32 s1, $0xD;
	s1 =	sshrl.u32 s1, $0x2  }
0xb8: {  	s3 =	sand.u32 $0x4000, s31;
	s1 =	sadd.s32 s1, s30  }
0xb9: {  	s0 =	sor.u32 s3, s0;
	s1 =	sshll.u32 s1, $0x11  }
0xba: {  	s0 =	sor.u32 s1, s0  }
0xbb: {  	s0 =	sadd.s32 $0x8F2B, s0  }
0xbc: {  	[sflag:s0] =	ssyncadd.remote.s32 $0x1  }
0xbd: {  	_ =	sfence.sel $0xFFFF  }
0xbe: {  	[dreg:$0x0] =	wrdreg $0xFFFFFFFF;
	(pc) =	sbr.abs _section_cstart, $3  }
0xbf: {  	[dreg:$0x1] =	wrdreg $0xFFFFFFFF  }
0xc0: {  	_ =	task.clear_ibuf [dreg:s6], $0x2FFFF;
	_ =	strace $0x9FFFFFFF  }
0xc1: {  	(tm) =	ssettm $0x7FFFFFFF  }
tec
execute0_lowered:
.L_overlay_start_1:
0x0: {  	(tag) =	ssettag $0x1  }
0x1: {  	s1 =	srdreg.scid  }
0x2: {  	s0 =	stileid.u32;
	s4 =	rddreg [dreg:$0x0];
	s2 =	simm.s32 $0x0  }
0x3: {  	s9 =	simm.s32 $0x1;
	s3 =	sand.u32 $0x1, s1;
	s5 =	smul.u32 $0x5D00, s0  }
0x4: {  	s10 =	simm.s32 $0x0;
	[smem:$0x7FF] =	sst s2;
	s6 =	smul.u32 $0x2E80, s3  }
0x5: {  	s1 =	rddreg [dreg:$0x1];
	s7 =	ssub.s32 $0x2, s3;
	_ =	strace $0x80000047  }
0x6: {  	s3 =	sadd.s32 $0x30C00, s4;
	s30 =	sshrl.u32 s7, $0x1;
	s5 =	sadd.s32 s6, s5  }
0x7: {  	s6 =	ssub.s32 s7, s30;
	s7 =	simm.s32 $0x2;
	s8 =	sshrl.u32 s5, $0x3  }
0x8: {  	s5 =	sadd.s32 s5, s4;
	s31 =	sadd.s32 s8, s4;
	s4 =	smax.u32 s6, $0x1  }
0x9: {  	s5 =	sadd.s32 $0x3EE00, s5;
	s8 =	simm.s32 $0x80;
	s6 =	sadd.s32 $0x33400, s31  }
.LBB2_1:
0xa: {  	s11 =	sadd.s32 $0x0, s6  }
0xb: {  	[tilespmem:s2], [sflag:$0x2] =	stream.linear.gather [hbm4b:s11+s2], $0x80, $0x38;
	[tilespmem:$0x480] =	vst v63  }
0xc: {  	_ =	swait.ge [sflag:s7], $0x80  }
0xd: {  	[sflag:s7] =	ssyncset.done $0x0  }
0xe: {  	[sflag:s7] =	ssyncadd.s32 $0xFFFFFF80  }
0xf: {  	[tilespmem:s8], [sflag:$0x1] =	stream.indirect.gather [hbm4b:s3+s8], $0x8, s2, s8, $0xb8;
	[tilespmem:$0x480] =	vst v63  }
0x10: {  	_ =	swait.ge [sflag:s9], $0x400  }
0x11: {  	[sflag:s9] =	ssyncset.done $0x0  }
0x12: {  	[sflag:s9] =	ssyncadd.s32 $0xFFFFFC00  }
0x13: {  	[hbm4b:s5+s2] =	stream.linear.scatter [tilespmem:s8], [sflag:$0x2], $0x400, $0x38;
	[tilespmem:$0x480] =	vst v63  }
0x14: {  	s12 =	simm.s32 $0x10;
	_ =	swait.ge [sflag:s7], $0x400  }
0x15: {  	s13 =	simm.s32 $0x20;
	s11 =	sadd.s32 $0x80, s5;
	[sflag:s7] =	ssyncset.done $0x0  }
.LBB2_2:
0x16: {  	s14 =	sadd.s32 s12, s6  }
0x17: {  	[sflag:s7] =	ssyncadd.s32 $0xFFFFFC00;
	s12 =	smov.u32 s13;
	s15 =	sadd.s32 $0x10, s13  }
0x18: {  	[tilespmem:s2], [sflag:$0x2] =	stream.linear.gather [hbm4b:s14+s2], $0x80, $0x38;
	[tilespmem:$0x480] =	vst v63  }
0x19: {  	p0 =	sne.s32 s13, $0x5C0;
	_ =	swait.ge [sflag:s7], $0x80  }
0x1a: {  	[sflag:s7] =	ssyncset.done $0x0  }
0x1b: {  	[sflag:s7] =	ssyncadd.s32 $0xFFFFFF80  }
0x1c: {  	[tilespmem:s8], [sflag:$0x1] =	stream.indirect.gather [hbm4b:s3+s8], $0x8, s2, s8, $0xb8;
	[tilespmem:$0x480] =	vst v63  }
0x1d: {  	_ =	swait.ge [sflag:s9], $0x400  }
.Ltmp0:
0x1e: {  	[sflag:s9] =	ssyncset.done $0x0;
	(pc) =	sbr.rel @p0 .LBB2_2-.Ltmp0, $4  }
0x1f: {  	[sflag:s9] =	ssyncadd.s32 $0xFFFFFC00  }
0x20: {  	[hbm4b:s11+s2] =	stream.linear.scatter [tilespmem:s8], [sflag:$0x2], $0x400, $0x38;
	[tilespmem:$0x480] =	vst v63  }
0x21: {  	_ =	swait.ge [sflag:s7], $0x400  }
0x22: {  	s13 =	smov.u32 s15;
	s11 =	sadd.s32 $0x80, s11;
	[sflag:s7] =	ssyncset.done $0x0  }
0x23: {  	s12 =	sadd.s32 s12, s6;
	[sflag:s7] =	ssyncadd.s32 $0xFFFFFC00  }
0x24: {  	[tilespmem:s2], [sflag:$0x2] =	stream.linear.gather [hbm4b:s12+s2], $0x80, $0x38;
	[tilespmem:$0x480] =	vst v63  }
0x25: {  	_ =	swait.ge [sflag:s7], $0x80  }
0x26: {  	[sflag:s7] =	ssyncset.done $0x0  }
0x27: {  	[sflag:s7] =	ssyncadd.s32 $0xFFFFFF80  }
0x28: {  	[tilespmem:s8], [sflag:$0x1] =	stream.indirect.gather [hbm4b:s3+s8], $0x8, s2, s8, $0xb8;
	[tilespmem:$0x480] =	vst v63  }
0x29: {  	s10 =	sadd.s32 $0x1, s10;
	_ =	swait.ge [sflag:s9], $0x400  }
0x2a: {  	p0 =	sne.s32 s10, s4;
	[sflag:s9] =	ssyncset.done $0x0  }
.Ltmp1:
0x2b: {  	[sflag:s9] =	ssyncadd.s32 $0xFFFFFC00;
	(pc) =	sbr.rel @p0 .LBB2_1-.Ltmp1, $4  }
0x2c: {  	[hbm4b:s11+s2] =	stream.linear.scatter [tilespmem:s8], [sflag:$0x2], $0x400, $0x38;
	[tilespmem:$0x480] =	vst v63  }
0x2d: {  	_ =	swait.ge [sflag:s7], $0x400  }
0x2e: {  	[sflag:s7] =	ssyncset.done $0x0  }
0x2f: {  	[sflag:s7] =	ssyncadd.s32 $0xFFFFFC00  }
0x30: {  	_ =	sfence.sel $0x180000  }
0x31: {  	[bflag:$0x0] =	sbarrier.arrive $0xFFFF  }
0x32: {  	p0 =	sne.s32 s0, $0x0;
	_ =	strace $0x90000047  }
0x33: {  	s0 =	sadd.s32 @!p0 $0x100000, s1;
	[bflag:$0x2] =	sbarrier.arrive $0xFFFF  }
0x34: {  	[sflag:s0] =	ssyncadd.tile.s32 @!p0 $0x1;
	_ =	shalt  }
.Lfunc_end2:
_tile_overlayer_lowered:
.L_overlay_start_2:
0x35: {  	(tag) =	ssettag $0x2  }
0x36: {  	s0 =	rddreg [dreg:$0x0];
	s2 =	stileid.u32  }
0x37: {  	s1 =	rddreg [dreg:$0x1];
	p0 =	sne.s32 s2, $0x0  }
0x38: {  	s3 =	rddreg [dreg:$0x2];
	[bflag:$0x3] =	sbarrier.arrive $0xFFFF;
	s2 =	simm.s32 @!p0 $0x1C02  }
0x39: {  	[timem:s3], [sflag:s2] =	dma.local @!p0 [hbm:s0], s1  }
0x3a: {  	s0 =	simm.s32 @!p0 $0x2  }
0x3b: {  	_ =	swait.ge @!p0 [sflag:s0], s1  }
0x3c: {  	s1 =	ssub.s32 @!p0 $0x0, s1;
	[sflag:s0] =	ssyncset.done @!p0 $0x0  }
0x3d: {  	[sflag:s0] =	ssyncadd.s32 @!p0 s1  }
0x3e: {  	[bflag:$0x3] =	sbarrier.arrive $0xFFFF  }
0x3f: {  	_ =	shalt  }

// kernel: kernel.29.cloned.1.call-start
scs
__scs_entry_jumppad:
0x0: {  	(pc) =	sbr.rel $0x88, $3  }
0x1: {  	(tag) =	ssettag $0x0;
	lr =	simm.s32 $0x1  }
0x2: {  	[smem:$0x3F89] =	sst lr;
	_ =	strace $0xD0000000  }
0x3: {  	_ = 	snop  }
0x4: {  	_ = 	snop  }
0x5: {  	_ = 	snop  }
0x6: {  	_ = 	snop  }
0x7: {  	_ = 	snop  }
__scs_overlays_trampoline_lowered:
0x8: {  	[smem:$0x3F98] =	sst s0  }
0x9: {  	[smem:$0x3F99] =	sst s1  }
0xa: {  	[smem:$0x3F9A] =	sst s2  }
0xb: {  	[smem:$0x3F9B] =	sst s3  }
0xc: {  	[smem:$0x3F9C] =	sst s4  }
0xd: {  	[smem:$0x3F9D] =	sst s5  }
0xe: {  	[smem:$0x3F9E] =	sst s6  }
0xf: {  	[smem:$0x3F9F] =	sst s7  }
0x10: {  	[smem:$0x3FA0] =	sst s8  }
0x11: {  	[smem:$0x3FA1] =	sst s9;
	s0 =	simm.s32 @!p0 $0x0  }
0x12: {  	s1 =	sld [smem:$0x3F87];
	s0 =	simm.s32 @p0 $0x1  }
0x13: {  	[smem:$0x3FA2] =	sst s0;
	s0 =	simm.s32 @!p1 $0x0  }
0x14: {  	s2 =	sld [smem:$0x3F86];
	s0 =	simm.s32 @p1 $0x1  }
0x15: {  	[smem:$0x3FA3] =	sst s0;
	s0 =	simm.s32 @!p2 $0x0  }
0x16: {  	s3 =	sld [smem:$0x3FDB];
	s0 =	simm.s32 @p2 $0x1  }
0x17: {  	s4 =	simm.s32 $0x1BF5;
	[smem:$0x3FA5] =	sst s0  }
0x18: {  	s0 =	sld [smem:$0x3F88];
	_ =	swait.ge [sflag:s4], $0x0  }
0x19: {  	s7 =	sld [smem:$0x3F89]  }
0x1a: {  	s8 =	sadd.s32 $0xFFFFE003, lr  }
0x1b: {  	s9 =	sadd.s32 $0xFFFFFEF7, lr;
	s5 =	simm.s32 $0xFFFFFFFF;
	p2 =	slt.u32 s8, $0xFFFFF086  }
0x1c: {  	p1 =	slt.u32 s9, $0xF7A;
	s5 =	simm.s32 @!p2 $0x0  }
0x1d: {  	s5 =	simm.s32 @p1 $0x1;
	p0 =	seq.s32 s7, s2  }
0x1e: {  	s7 =	smul.u32 @!p0 $0xF7A, s2;
	p2 =	seq.s32 @!p0 s5, $0x0  }
0x1f: {  	s9 =	smul.u32 $0xF7A, s1;
	s8 =	simm.s32 @!p0 $0x1BF5;
	p2 =	por !p2, p0  }
0x20: {  	[sflag:s8] =	ssyncset.s32 @!p0 $0xFFFFF086;
	s6 =	sadd.s32 @!p0 s3, s7;
	s7 =	simm.s32 @!p0 $0x108  }
0x21: {  	s3 =	sadd.s32 s3, s9;
	s6 =	sadd.s32 @!p0 $0x88, s6;
	s7 =	simm.s32 @p2 $0x1082  }
0x22: {  	[simem:s7], [sflag:s8] =	dma.local @!p0 [hbm:s6], $0xF7A  }
0x23: {  	s9 =	sor.u32 $0xD0000000, s2;
	s6 =	simm.s32 $0x108;
	_ =	swait.ge @!p0 [sflag:s8], $0x0  }
0x24: {  	s3 =	sadd.s32 $0x88, s3;
	s6 =	simm.s32 @!p1 $0x1082;
	[sflag:s4] =	ssyncset.s32 $0xFFFFF086  }
0x25: {  	[simem:s6], [sflag:s4] =	dma.local [hbm:s3], $0xF7A  }
0x26: {  	[smem:$0x3F89] =	sst s1;
	(tag) =	ssettag s2;
	_ =	strace s9  }
0x27: {  	s1 =	sld [smem:$0x3F99]  }
0x28: {  	s2 =	sld [smem:$0x3F9A]  }
0x29: {  	s4 =	sld [smem:$0x3F9C]  }
0x2a: {  	p0 =	seq.s32 s5, $0x0;
	s5 =	sld [smem:$0x3F9D]  }
0x2b: {  	s6 =	sld [smem:$0x3F9E]  }
0x2c: {  	s7 =	sld [smem:$0x3F9F]  }
0x2d: {  	s3 =	simm.s32 $0x108;
	s8 =	sld [smem:$0x3FA0]  }
0x2e: {  	s3 =	simm.s32 @!p0 $0x1082;
	s9 =	sld [smem:$0x3FA1]  }
0x2f: {  	lr =	sadd.s32 s0, s3;
	s0 =	sld [smem:$0x3F98]  }
0x30: {  	s3 =	sld [smem:$0x3F9B]  }
0x31: {  	[smem:$0x3FA4] =	sst s10  }
0x32: {  	s10 =	sld [smem:$0x3FA2];
	_ =	sdelay $0x3  }
0x33: {  	p0 =	seq.s32 s10, $0x1;
	s10 =	sld [smem:$0x3FA4];
	_ =	sdelay $0x3  }
0x34: {  	[smem:$0x3FA4] =	sst s10  }
0x35: {  	s10 =	sld [smem:$0x3FA3];
	_ =	sdelay $0x3  }
0x36: {  	p1 =	seq.s32 s10, $0x1;
	s10 =	sld [smem:$0x3FA4];
	_ =	sdelay $0x3  }
0x37: {  	[smem:$0x3FA4] =	sst s10  }
0x38: {  	s10 =	sld [smem:$0x3FA5]  }
0x39: {  	_ = 	snop;
	(pc) =	sbr.ind lr, $3  }
0x3a: {  	_ = 	snop  }
0x3b: {  	_ = 	snop  }
0x3c: {  	p2 =	seq.s32 s10, $0x1;
	s10 =	sld [smem:$0x3FA4]  }
0x3d: {  	_ =	shalt  }
0x3e: {  	_ =	shalt  }
0x3f: {  	_ =	shalt  }
0x40: {  	_ =	shalt  }
0x41: {  	_ =	shalt  }
0x42: {  	_ =	shalt  }
0x43: {  	_ =	shalt  }
0x44: {  	_ =	shalt  }
0x45: {  	_ =	shalt  }
0x46: {  	_ =	shalt  }
0x47: {  	_ =	shalt  }
0x48: {  	_ =	shalt  }
0x49: {  	_ =	shalt  }
0x4a: {  	_ =	shalt  }
0x4b: {  	_ =	shalt  }
0x4c: {  	_ =	shalt  }
0x4d: {  	_ =	shalt  }
0x4e: {  	_ =	shalt  }
0x4f: {  	_ =	shalt  }
0x50: {  	_ =	shalt  }
0x51: {  	_ =	shalt  }
0x52: {  	_ =	shalt  }
0x53: {  	_ =	shalt  }
0x54: {  	_ =	shalt  }
0x55: {  	_ =	shalt  }
0x56: {  	_ =	shalt  }
0x57: {  	_ =	shalt  }
0x58: {  	_ =	shalt  }
0x59: {  	_ =	shalt  }
0x5a: {  	_ =	shalt  }
0x5b: {  	_ =	shalt  }
0x5c: {  	_ =	shalt  }
0x5d: {  	_ =	shalt  }
0x5e: {  	_ =	shalt  }
0x5f: {  	_ =	shalt  }
0x60: {  	_ =	shalt  }
0x61: {  	_ =	shalt  }
0x62: {  	_ =	shalt  }
0x63: {  	_ =	shalt  }
0x64: {  	_ =	shalt  }
0x65: {  	_ =	shalt  }
0x66: {  	_ =	shalt  }
0x67: {  	_ =	shalt  }
0x68: {  	_ =	shalt  }
0x69: {  	_ =	shalt  }
0x6a: {  	_ =	shalt  }
0x6b: {  	_ =	shalt  }
0x6c: {  	_ =	shalt  }
0x6d: {  	_ =	shalt  }
0x6e: {  	_ =	shalt  }
0x6f: {  	_ =	shalt  }
0x70: {  	_ =	shalt  }
0x71: {  	_ =	shalt  }
0x72: {  	_ =	shalt  }
0x73: {  	_ =	shalt  }
0x74: {  	_ =	shalt  }
0x75: {  	_ =	shalt  }
0x76: {  	_ =	shalt  }
0x77: {  	_ =	shalt  }
0x78: {  	_ =	shalt  }
0x79: {  	_ =	shalt  }
0x7a: {  	_ =	shalt  }
0x7b: {  	_ =	shalt  }
0x7c: {  	_ =	shalt  }
0x7d: {  	_ =	shalt  }
0x7e: {  	_ =	shalt  }
0x7f: {  	_ =	shalt  }
0x80: {  	_ =	shalt  }
0x81: {  	_ =	shalt  }
0x82: {  	_ =	shalt  }
0x83: {  	_ =	shalt  }
0x84: {  	_ =	shalt  }
0x85: {  	_ =	shalt  }
0x86: {  	_ =	shalt  }
0x87: {  	_ =	shalt  }
.Lfunc_end0:
.L_simem_size_0:
called_computation.1_lowered:
.L_overlay_start_0:
0x88: {  	s2 =	sld [smem:$0x3FD9]  }
0x89: {  	s3 =	sld [smem:$0x3FFE];
	_ =	sdelay $0x1  }
0x8a: {  	s1 =	srdreg.scid  }
0x8b: {  	s0 =	sand.u32 $0x1, s1  }
0x8c: {  	s17 =	sshll.u32 s0, $0xA;
	s2 =	sadd.s32 s3, s2  }
0x8d: {  	s2 =	sadd.s32 s2, s17  }
0x8e: {  	[smem:$0x3FB0] =	sst s2  }
0x8f: {  	_ = 	snop  }
0x90: {  	s18 =	sld [smem:$0x3FD0];
	(tm) =	ssettm $0x1  }
0x91: {  	s19 =	sld [smem:$0x3FFB];
	_ =	sdelay $0x3  }
0x92: {  	_ =	strace s19  }
0x93: {  	s2 =	sld [smem:$0x3FFC];
	_ =	sdelay $0x3  }
0x94: {  	_ =	strace s2  }
0x95: {  	s2 =	sld [smem:$0x3FFD];
	_ =	sdelay $0x3  }
0x96: {  	_ =	strace s2  }
0x97: {  	_ =	strace $0x8FFFFFFF  }
0x98: {  	s20 =	sld [smem:$0x3FDB];
	_ =	sdelay $0x1  }
0x99: {  	s4 =	simm.s32 $_scs_section_size  }
0x9a: {  	s5 =	simm.s32 $_size__tile_overlayer_lowered;
	s6 =	simm.s32 $_tile_overlayer_lowered  }
0x9b: {  	s7 =	simm.s32 $0x1BFF;
	s21 =	sshll.u32 s6, $0x1;
	s4 =	sadd.s32 s4, s20  }
0x9c: {  	s22 =	simm.s32 $0x0;
	s5 =	sshll.u32 s5, $0x1;
	s6 =	sadd.s32 s21, s4  }
0x9d: {  	[timem:s22], [sflag:s7] =	dma.local [hbm:s6], s5  }
0x9e: {  	_ =	swait.ge [sflag:s7], s5  }
0x9f: {  	s5 =	ssub.s32 $0x0, s5;
	[sflag:s7] =	ssyncset.done $0x0  }
0xa0: {  	[sflag:s7] =	ssyncadd.s32 s5;
	_ =	sdelay $0x1  }
0xa1: {  	s23 =	simm.s32 $0x1B8B  }
0xa2: {  	_ =	swait.ge [sflag:s23], $0x1  }
0xa3: {  	[sflag:s23] =	ssyncset.done $0x0  }
0xa4: {  	[sflag:s23] =	ssyncadd.s32 $0xFFFFFFFF  }
0xa5: {  	s5 =	sld [smem:$0x0]  }
0xa6: {  	s6 =	sand.u32 $0xFFFFFFFE, s1  }
0xa7: {  	p0 =	sne.s32 s1, s6  }
0xa8: {  	s6 =	sshll.u32 @p0 s6, $0xE  }
0xa9: {  	s6 =	sadd.s32 @p0 $0x11B8D, s6;
	s7 =	sshll.u32 @p0 s5, $0x11  }
0xaa: {  	s6 =	sor.u32 @p0 s7, s6  }
0xab: {  	[sflag:s6] =	ssyncadd.remote.s32 @p0 $0x1;
	_ =	sdelay $0x1  }
0xac: {  	s6 =	simm.s32 @p0 $0x1B8D  }
0xad: {  	_ =	swait.eq @p0 [sflag:s6], $0x1  }
0xae: {  	[sflag:s6] =	ssyncadd.s32 @p0 $0xFFFFFFFF  }
0xaf: {  	s7 =	sshll.u32 @!p0 s1, $0xE  }
0xb0: {  	s7 =	sor.u32 @!p0 $0x4000, s7;
	s6 =	simm.s32 @!p0 $0x1B8D  }
0xb1: {  	s5 =	sshll.u32 @!p0 s5, $0x11;
	s7 =	sadd.s32 @!p0 $0x11B8D, s7;
	_ =	swait.eq @!p0 [sflag:s6], $0x1  }
0xb2: {  	s5 =	sor.u32 @!p0 s5, s7;
	[sflag:s6] =	ssyncadd.s32 @!p0 $0xFFFFFFFF  }
0xb3: {  	s25 =	simm.s32 $0x1B8E;
	s24 =	sld [smem:$0x3FFE];
	[sflag:s5] =	ssyncadd.remote.s32 @!p0 $0x1  }
0xb4: {  	s26 =	simm.s32 $execute0_lowered;
	[smem:$0x3FD2] =	sst s25  }
0xb5: {  	s6 =	sshll.u32 s26, $0x1;
	_ =	strace $0x80000049;
	[dreg:$0x1] =	wrdreg $0xFFFFFFFF  }
0xb6: {  	s28 =	simm.s32 $_size_execute0_lowered;
	s4 =	sadd.s32 s4, s6;
	[dreg:$0x0] =	wrdreg $0x0  }
0xb7: {  	s6 =	sshll.u32 s28, $0x1;
	[dreg:$0x2] =	wrdreg s4  }
0xb8: {  	[dreg:$0x3] =	wrdreg s6  }
0xb9: {  	[dreg:$0x4] =	wrdreg $0xC0  }
0xba: {  	_ =	task [dreg:s22], $0x5FFFF  }
0xbb: {  	[dreg:$0x1] =	wrdreg $0xFFFFFFFF  }
0xbc: {  	[dreg:$0x0] =	wrdreg $0x60  }
0xbd: {  	[dreg:$0x2] =	wrdreg s24  }
0xbe: {  	[dreg:$0x3] =	wrdreg s18  }
0xbf: {  	[dreg:$0x4] =	wrdreg $0x4800  }
0xc0: {  	[dreg:$0x5] =	wrdreg $0x9  }
0xc1: {  	_ =	task.clear_ibuf [dreg:s22], $0x6FFFF;
	_ =	strace $0x90000049  }
0xc2: {  	s29 =	simm.s32 $0x9;
	_ =	strace $0x8000004B  }
0xc3: {  	_ =	swait.ge [sflag:s29], $0x1  }
0xc4: {  	[sflag:s29] =	ssyncadd.s32 $0xFFFFFFFF  }
0xc5: {  	_ =	strace $0x9000004B  }
0xc6: {  	_ =	sfence  }
0xc7: {  	s30 =	sld [smem:$0x0];
	_ =	sdelay $0x2  }
0xc8: {  	s31 =	sshll.u32 s1, $0xD;
	s1 =	sshrl.u32 s1, $0x2  }
0xc9: {  	s4 =	sand.u32 $0x4000, s31;
	s1 =	sadd.s32 s1, s30  }
0xca: {  	s0 =	sor.u32 s4, s0;
	s1 =	sshll.u32 s1, $0x11  }
0xcb: {  	s0 =	sor.u32 s1, s0  }
0xcc: {  	s0 =	sadd.s32 $0x8F2B, s0  }
0xcd: {  	[sflag:s0] =	ssyncadd.remote.s32 $0x1  }
0xce: {  	_ =	sfence.sel $0xFFFF  }
0xcf: {  	[dreg:$0x0] =	wrdreg $0xFFFFFFFF;
	(pc) =	sbr.abs _section_cstart, $3  }
0xd0: {  	[dreg:$0x1] =	wrdreg $0xFFFFFFFF  }
0xd1: {  	_ =	task.clear_ibuf [dreg:s22], $0x2FFFF;
	_ =	strace $0x9FFFFFFF  }
0xd2: {  	(tm) =	ssettm $0x7FFFFFFF  }
0xd3: {  	_ =	shalt  }
tec
execute0_lowered:
.L_overlay_start_1:
0x0: {  	(tag) =	ssettag $0x1  }
0x1: {  	s5 =	rddreg [dreg:$0x0]  }
0x2: {  	s1 =	srdreg.scid;
	s2 =	rddreg [dreg:$0x1]  }
0x3: {  	s0 =	stileid.u32;
	s3 =	rddreg [dreg:$0x2]  }
0x4: {  	s4 =	simm.s32 $0x0;
	s13 =	simm.s32 $0x0;
	s7 =	smul.u32 $0x2800, s0  }
0x5: {  	s6 =	sand.u32 $0x1, s1;
	s9 =	smul.u32 $0x1388, s0;
	s1 =	rddreg [dreg:$0x3]  }
0x6: {  	[smem:$0x7FF] =	sst s4;
	s31 =	sshll.u32 s0, $0x6;
	s8 =	smul.u32 $0x1400, s6  }
0x7: {  	s10 =	smul.u32 $0x13880, s6;
	_ =	strace $0x8000004A;
	s6 =	ssub.s32 $0x2, s6  }
0x8: {  	s29 =	sshrl.u32 s6, $0x1;
	s12 =	sadd.s32 s9, s3;
	s7 =	sadd.s32 s8, s7  }
0x9: {  	s10 =	sadd.s32 s9, s10;
	s30 =	ssub.s32 s6, s29;
	s8 =	sshrl.u32 s7, $0x3  }
0xa: {  	s25 =	sshrl.u32 s10, $0x3;
	s26 =	sadd.s32 s7, s5;
	s7 =	smax.u32 s30, $0x1  }
0xb: {  	s10 =	sshrl.u32 s12, $0x3;
	s12 =	simm.s32 $0x80;
	s11 =	sadd.s32 s8, s5  }
0xc: {  	s28 =	sadd.s32 s25, s5;
	s5 =	sor.u32 $0x1C01, s31;
	s8 =	sadd.s32 $0x320E00, s26  }
0xd: {  	s6 =	sadd.s32 $0xA0E00, s28;
	s9 =	sadd.s32 $0x9BE00, s11;
	s11 =	simm.s32 $0x1  }
.LBB2_1:
0xe: {  	[spmem:s10], [sflag:s5] =	dma.local [hbm:s2], $0x271  }
0xf: {  	_ =	swait.ge [sflag:s11], $0x271  }
0x10: {  	[sflag:s11] =	ssyncset.done $0x0  }
0x11: {  	[sflag:s11] =	ssyncadd.s32 $0xFFFFFD8F  }
0x12: {  	s14 =	sadd.s32 $0x0, s9;
	[bflag:$0x0] =	sbarrier.arrive $0xFFFF  }
0x13: {  	[tilespmem:s4], [sflag:$0x1] =	stream.linear.gather [hbm4b:s14+s4], $0x80, $0x38;
	[tilespmem:$0x1808] =	vst v63  }
0x14: {  	_ =	swait.ge [sflag:s11], $0x80  }
0x15: {  	[sflag:s11] =	ssyncset.done $0x0  }
0x16: {  	[sflag:s11] =	ssyncadd.s32 $0xFFFFFF80  }
0x17: {  	[tilespmem:s12], [sflag:$0x1] =	stream.linear.gather [hbm4b:s8+s4], $0x400, $0x38;
	[tilespmem:$0x1808] =	vst v63  }
0x18: {  	_ =	swait.ge [sflag:s11], $0x400  }
0x19: {  	[sflag:s11] =	ssyncset.done $0x0  }
0x1a: {  	[sflag:s11] =	ssyncadd.s32 $0xFFFFFC00  }
0x1b: {  	[spmem:s3] =	stream.indirect.scatter.add.f32 [tilespmem:s12], [sflag:$0x1], $0x8, s4, s12, $0xb8;
	[tilespmem:$0x1808] =	vst v63  }
0x1c: {  	s15 =	simm.s32 $0x10;
	_ =	swait.ge [sflag:s11], $0x400  }
0x1d: {  	s16 =	simm.s32 $0x20;
	s14 =	sadd.s32 $0x80, s8;
	[sflag:s11] =	ssyncset.done $0x0  }
.LBB2_2:
0x1e: {  	s17 =	sadd.s32 s15, s9  }
0x1f: {  	[sflag:s11] =	ssyncadd.s32 $0xFFFFFC00;
	s15 =	smov.u32 s16;
	s18 =	sadd.s32 $0x10, s16  }
0x20: {  	[tilespmem:s4], [sflag:$0x1] =	stream.linear.gather [hbm4b:s17+s4], $0x80, $0x38;
	[tilespmem:$0x1808] =	vst v63  }
0x21: {  	p0 =	sne.s32 s16, $0x270;
	_ =	swait.ge [sflag:s11], $0x80  }
0x22: {  	[sflag:s11] =	ssyncset.done $0x0  }
0x23: {  	[sflag:s11] =	ssyncadd.s32 $0xFFFFFF80  }
0x24: {  	[tilespmem:s12], [sflag:$0x1] =	stream.linear.gather [hbm4b:s14+s4], $0x400, $0x38;
	[tilespmem:$0x1808] =	vst v63  }
0x25: {  	_ =	swait.ge [sflag:s11], $0x400  }
.Ltmp0:
0x26: {  	[sflag:s11] =	ssyncset.done $0x0;
	(pc) =	sbr.rel @p0 .LBB2_2-.Ltmp0, $4  }
0x27: {  	[sflag:s11] =	ssyncadd.s32 $0xFFFFFC00  }
0x28: {  	[spmem:s3] =	stream.indirect.scatter.add.f32 [tilespmem:s12], [sflag:$0x1], $0x8, s4, s12, $0xb8;
	[tilespmem:$0x1808] =	vst v63  }
0x29: {  	_ =	swait.ge [sflag:s11], $0x400  }
0x2a: {  	s16 =	smov.u32 s18;
	s14 =	sadd.s32 $0x80, s14;
	[sflag:s11] =	ssyncset.done $0x0  }
0x2b: {  	s15 =	sadd.s32 s15, s9;
	[sflag:s11] =	ssyncadd.s32 $0xFFFFFC00  }
0x2c: {  	[tilespmem:s4], [sflag:$0x1] =	stream.linear.gather [hbm4b:s15+s4], $0x80, $0x38;
	[tilespmem:$0x1808] =	vst v63  }
0x2d: {  	_ =	swait.ge [sflag:s11], $0x80  }
0x2e: {  	[sflag:s11] =	ssyncset.done $0x0  }
0x2f: {  	[sflag:s11] =	ssyncadd.s32 $0xFFFFFF80  }
0x30: {  	[tilespmem:s12], [sflag:$0x1] =	stream.linear.gather [hbm4b:s14+s4], $0x400, $0x38;
	[tilespmem:$0x1808] =	vst v63  }
0x31: {  	_ =	swait.ge [sflag:s11], $0x400  }
0x32: {  	[sflag:s11] =	ssyncset.done $0x0  }
0x33: {  	[sflag:s11] =	ssyncadd.s32 $0xFFFFFC00  }
0x34: {  	[spmem:s3] =	stream.indirect.scatter.add.f32 [tilespmem:s12], [sflag:$0x1], $0x8, s4, s12, $0xb8;
	[tilespmem:$0x1808] =	vst v63  }
0x35: {  	_ =	swait.ge [sflag:s11], $0x400  }
0x36: {  	s13 =	sadd.s32 $0x1, s13;
	[sflag:s11] =	ssyncset.done $0x0  }
0x37: {  	p0 =	sne.s32 s13, s7;
	[sflag:s11] =	ssyncadd.s32 $0xFFFFFC00  }
.Ltmp1:
0x38: {  	[bflag:$0x0] =	sbarrier.arrive $0xFFFF;
	(pc) =	sbr.rel @p0 .LBB2_1-.Ltmp1, $4  }
0x39: {  	[hbm:s6], [sflag:s5] =	dma.local [spmem:s10], $0x271  }
0x3a: {  	_ =	swait.ge [sflag:s11], $0x271  }
0x3b: {  	[sflag:s11] =	ssyncset.done $0x0  }
0x3c: {  	[sflag:s11] =	ssyncadd.s32 $0xFFFFFD8F  }
0x3d: {  	_ =	sfence.sel $0x180000  }
0x3e: {  	[bflag:$0x0] =	sbarrier.arrive $0xFFFF  }
0x3f: {  	p0 =	sne.s32 s0, $0x0;
	_ =	strace $0x9000004A  }
0x40: {  	s0 =	sadd.s32 @!p0 $0x100000, s1;
	[bflag:$0x2] =	sbarrier.arrive $0xFFFF  }
0x41: {  	[sflag:s0] =	ssyncadd.tile.s32 @!p0 $0x1;
	_ =	shalt  }
.Lfunc_end2:
_tile_overlayer_lowered:
.L_overlay_start_2:
0x42: {  	(tag) =	ssettag $0x2  }
0x43: {  	s0 =	rddreg [dreg:$0x0];
	s2 =	stileid.u32  }
0x44: {  	s1 =	rddreg [dreg:$0x1];
	p0 =	sne.s32 s2, $0x0  }
0x45: {  	s3 =	rddreg [dreg:$0x2];
	[bflag:$0x3] =	sbarrier.arrive $0xFFFF;
	s2 =	simm.s32 @!p0 $0x1C01  }
0x46: {  	[timem:s3], [sflag:s2] =	dma.local @!p0 [hbm:s0], s1  }
0x47: {  	s0 =	simm.s32 @!p0 $0x1  }
0x48: {  	_ =	swait.ge @!p0 [sflag:s0], s1  }
0x49: {  	s1 =	ssub.s32 @!p0 $0x0, s1;
	[sflag:s0] =	ssyncset.done @!p0 $0x0  }
0x4a: {  	[sflag:s0] =	ssyncadd.s32 @!p0 s1  }
0x4b: {  	[bflag:$0x3] =	sbarrier.arrive $0xFFFF  }
0x4c: {  	_ =	shalt  }

// kernel: kernel.32.cloned.1.call-start
scs
__scs_entry_jumppad:
0x0: {  	(pc) =	sbr.rel $0x88, $3  }
0x1: {  	(tag) =	ssettag $0x0;
	lr =	simm.s32 $0x1  }
0x2: {  	[smem:$0x3F89] =	sst lr;
	_ =	strace $0xD0000000  }
0x3: {  	_ = 	snop  }
0x4: {  	_ = 	snop  }
0x5: {  	_ = 	snop  }
0x6: {  	_ = 	snop  }
0x7: {  	_ = 	snop  }
__scs_overlays_trampoline_lowered:
0x8: {  	[smem:$0x3F98] =	sst s0  }
0x9: {  	[smem:$0x3F99] =	sst s1  }
0xa: {  	[smem:$0x3F9A] =	sst s2  }
0xb: {  	[smem:$0x3F9B] =	sst s3  }
0xc: {  	[smem:$0x3F9C] =	sst s4  }
0xd: {  	[smem:$0x3F9D] =	sst s5  }
0xe: {  	[smem:$0x3F9E] =	sst s6  }
0xf: {  	[smem:$0x3F9F] =	sst s7  }
0x10: {  	[smem:$0x3FA0] =	sst s8  }
0x11: {  	[smem:$0x3FA1] =	sst s9;
	s0 =	simm.s32 @!p0 $0x0  }
0x12: {  	s1 =	sld [smem:$0x3F87];
	s0 =	simm.s32 @p0 $0x1  }
0x13: {  	[smem:$0x3FA2] =	sst s0;
	s0 =	simm.s32 @!p1 $0x0  }
0x14: {  	s2 =	sld [smem:$0x3F86];
	s0 =	simm.s32 @p1 $0x1  }
0x15: {  	[smem:$0x3FA3] =	sst s0;
	s0 =	simm.s32 @!p2 $0x0  }
0x16: {  	s3 =	sld [smem:$0x3FDB];
	s0 =	simm.s32 @p2 $0x1  }
0x17: {  	s4 =	simm.s32 $0x1BF5;
	[smem:$0x3FA5] =	sst s0  }
0x18: {  	s0 =	sld [smem:$0x3F88];
	_ =	swait.ge [sflag:s4], $0x0  }
0x19: {  	s7 =	sld [smem:$0x3F89]  }
0x1a: {  	s8 =	sadd.s32 $0xFFFFE003, lr  }
0x1b: {  	s9 =	sadd.s32 $0xFFFFFEF7, lr;
	s5 =	simm.s32 $0xFFFFFFFF;
	p2 =	slt.u32 s8, $0xFFFFF086  }
0x1c: {  	p1 =	slt.u32 s9, $0xF7A;
	s5 =	simm.s32 @!p2 $0x0  }
0x1d: {  	s5 =	simm.s32 @p1 $0x1;
	p0 =	seq.s32 s7, s2  }
0x1e: {  	s7 =	smul.u32 @!p0 $0xF7A, s2;
	p2 =	seq.s32 @!p0 s5, $0x0  }
0x1f: {  	s9 =	smul.u32 $0xF7A, s1;
	s8 =	simm.s32 @!p0 $0x1BF5;
	p2 =	por !p2, p0  }
0x20: {  	[sflag:s8] =	ssyncset.s32 @!p0 $0xFFFFF086;
	s6 =	sadd.s32 @!p0 s3, s7;
	s7 =	simm.s32 @!p0 $0x108  }
0x21: {  	s3 =	sadd.s32 s3, s9;
	s6 =	sadd.s32 @!p0 $0x88, s6;
	s7 =	simm.s32 @p2 $0x1082  }
0x22: {  	[simem:s7], [sflag:s8] =	dma.local @!p0 [hbm:s6], $0xF7A  }
0x23: {  	s9 =	sor.u32 $0xD0000000, s2;
	s6 =	simm.s32 $0x108;
	_ =	swait.ge @!p0 [sflag:s8], $0x0  }
0x24: {  	s3 =	sadd.s32 $0x88, s3;
	s6 =	simm.s32 @!p1 $0x1082;
	[sflag:s4] =	ssyncset.s32 $0xFFFFF086  }
0x25: {  	[simem:s6], [sflag:s4] =	dma.local [hbm:s3], $0xF7A  }
0x26: {  	[smem:$0x3F89] =	sst s1;
	(tag) =	ssettag s2;
	_ =	strace s9  }
0x27: {  	s1 =	sld [smem:$0x3F99]  }
0x28: {  	s2 =	sld [smem:$0x3F9A]  }
0x29: {  	s4 =	sld [smem:$0x3F9C]  }
0x2a: {  	p0 =	seq.s32 s5, $0x0;
	s5 =	sld [smem:$0x3F9D]  }
0x2b: {  	s6 =	sld [smem:$0x3F9E]  }
0x2c: {  	s7 =	sld [smem:$0x3F9F]  }
0x2d: {  	s3 =	simm.s32 $0x108;
	s8 =	sld [smem:$0x3FA0]  }
0x2e: {  	s3 =	simm.s32 @!p0 $0x1082;
	s9 =	sld [smem:$0x3FA1]  }
0x2f: {  	lr =	sadd.s32 s0, s3;
	s0 =	sld [smem:$0x3F98]  }
0x30: {  	s3 =	sld [smem:$0x3F9B]  }
0x31: {  	[smem:$0x3FA4] =	sst s10  }
0x32: {  	s10 =	sld [smem:$0x3FA2];
	_ =	sdelay $0x3  }
0x33: {  	p0 =	seq.s32 s10, $0x1;
	s10 =	sld [smem:$0x3FA4];
	_ =	sdelay $0x3  }
0x34: {  	[smem:$0x3FA4] =	sst s10  }
0x35: {  	s10 =	sld [smem:$0x3FA3];
	_ =	sdelay $0x3  }
0x36: {  	p1 =	seq.s32 s10, $0x1;
	s10 =	sld [smem:$0x3FA4];
	_ =	sdelay $0x3  }
0x37: {  	[smem:$0x3FA4] =	sst s10  }
0x38: {  	s10 =	sld [smem:$0x3FA5]  }
0x39: {  	_ = 	snop;
	(pc) =	sbr.ind lr, $3  }
0x3a: {  	_ = 	snop  }
0x3b: {  	_ = 	snop  }
0x3c: {  	p2 =	seq.s32 s10, $0x1;
	s10 =	sld [smem:$0x3FA4]  }
0x3d: {  	_ =	shalt  }
0x3e: {  	_ =	shalt  }
0x3f: {  	_ =	shalt  }
0x40: {  	_ =	shalt  }
0x41: {  	_ =	shalt  }
0x42: {  	_ =	shalt  }
0x43: {  	_ =	shalt  }
0x44: {  	_ =	shalt  }
0x45: {  	_ =	shalt  }
0x46: {  	_ =	shalt  }
0x47: {  	_ =	shalt  }
0x48: {  	_ =	shalt  }
0x49: {  	_ =	shalt  }
0x4a: {  	_ =	shalt  }
0x4b: {  	_ =	shalt  }
0x4c: {  	_ =	shalt  }
0x4d: {  	_ =	shalt  }
0x4e: {  	_ =	shalt  }
0x4f: {  	_ =	shalt  }
0x50: {  	_ =	shalt  }
0x51: {  	_ =	shalt  }
0x52: {  	_ =	shalt  }
0x53: {  	_ =	shalt  }
0x54: {  	_ =	shalt  }
0x55: {  	_ =	shalt  }
0x56: {  	_ =	shalt  }
0x57: {  	_ =	shalt  }
0x58: {  	_ =	shalt  }
0x59: {  	_ =	shalt  }
0x5a: {  	_ =	shalt  }
0x5b: {  	_ =	shalt  }
0x5c: {  	_ =	shalt  }
0x5d: {  	_ =	shalt  }
0x5e: {  	_ =	shalt  }
0x5f: {  	_ =	shalt  }
0x60: {  	_ =	shalt  }
0x61: {  	_ =	shalt  }
0x62: {  	_ =	shalt  }
0x63: {  	_ =	shalt  }
0x64: {  	_ =	shalt  }
0x65: {  	_ =	shalt  }
0x66: {  	_ =	shalt  }
0x67: {  	_ =	shalt  }
0x68: {  	_ =	shalt  }
0x69: {  	_ =	shalt  }
0x6a: {  	_ =	shalt  }
0x6b: {  	_ =	shalt  }
0x6c: {  	_ =	shalt  }
0x6d: {  	_ =	shalt  }
0x6e: {  	_ =	shalt  }
0x6f: {  	_ =	shalt  }
0x70: {  	_ =	shalt  }
0x71: {  	_ =	shalt  }
0x72: {  	_ =	shalt  }
0x73: {  	_ =	shalt  }
0x74: {  	_ =	shalt  }
0x75: {  	_ =	shalt  }
0x76: {  	_ =	shalt  }
0x77: {  	_ =	shalt  }
0x78: {  	_ =	shalt  }
0x79: {  	_ =	shalt  }
0x7a: {  	_ =	shalt  }
0x7b: {  	_ =	shalt  }
0x7c: {  	_ =	shalt  }
0x7d: {  	_ =	shalt  }
0x7e: {  	_ =	shalt  }
0x7f: {  	_ =	shalt  }
0x80: {  	_ =	shalt  }
0x81: {  	_ =	shalt  }
0x82: {  	_ =	shalt  }
0x83: {  	_ =	shalt  }
0x84: {  	_ =	shalt  }
0x85: {  	_ =	shalt  }
0x86: {  	_ =	shalt  }
0x87: {  	_ =	shalt  }
.Lfunc_end0:
.L_simem_size_0:
called_computation.2_lowered:
.L_overlay_start_0:
0x88: {  	s2 =	sld [smem:$0x3FD9]  }
0x89: {  	s3 =	sld [smem:$0x3FFE];
	_ =	sdelay $0x1  }
0x8a: {  	s1 =	srdreg.scid  }
0x8b: {  	s0 =	sand.u32 $0x1, s1  }
0x8c: {  	s17 =	sshll.u32 s0, $0xA;
	s2 =	sadd.s32 s3, s2  }
0x8d: {  	s2 =	sadd.s32 s2, s17  }
0x8e: {  	[smem:$0x3FB0] =	sst s2  }
0x8f: {  	_ = 	snop  }
0x90: {  	s18 =	sld [smem:$0x3FD0];
	(tm) =	ssettm $0x1  }
0x91: {  	s19 =	sld [smem:$0x3FFB];
	_ =	sdelay $0x3  }
0x92: {  	_ =	strace s19  }
0x93: {  	s2 =	sld [smem:$0x3FFC];
	_ =	sdelay $0x3  }
0x94: {  	_ =	strace s2  }
0x95: {  	s2 =	sld [smem:$0x3FFD];
	_ =	sdelay $0x3  }
0x96: {  	_ =	strace s2  }
0x97: {  	_ =	strace $0x8FFFFFFF  }
0x98: {  	s20 =	sld [smem:$0x3FDB];
	_ =	sdelay $0x1  }
0x99: {  	s4 =	simm.s32 $_scs_section_size  }
0x9a: {  	s5 =	simm.s32 $_size__tile_overlayer_lowered;
	s6 =	simm.s32 $_tile_overlayer_lowered  }
0x9b: {  	s7 =	simm.s32 $0x1BFF;
	s21 =	sshll.u32 s6, $0x1;
	s4 =	sadd.s32 s4, s20  }
0x9c: {  	s22 =	simm.s32 $0x0;
	s5 =	sshll.u32 s5, $0x1;
	s6 =	sadd.s32 s21, s4  }
0x9d: {  	[timem:s22], [sflag:s7] =	dma.local [hbm:s6], s5  }
0x9e: {  	_ =	swait.ge [sflag:s7], s5  }
0x9f: {  	s5 =	ssub.s32 $0x0, s5;
	[sflag:s7] =	ssyncset.done $0x0  }
0xa0: {  	[sflag:s7] =	ssyncadd.s32 s5;
	_ =	sdelay $0x1  }
0xa1: {  	s23 =	simm.s32 $0x1B8B  }
0xa2: {  	_ =	swait.ge [sflag:s23], $0x1  }
0xa3: {  	[sflag:s23] =	ssyncset.done $0x0  }
0xa4: {  	[sflag:s23] =	ssyncadd.s32 $0xFFFFFFFF  }
0xa5: {  	s5 =	sld [smem:$0x0]  }
0xa6: {  	s6 =	sand.u32 $0xFFFFFFFE, s1  }
0xa7: {  	p0 =	sne.s32 s1, s6  }
0xa8: {  	s6 =	sshll.u32 @p0 s6, $0xE  }
0xa9: {  	s6 =	sadd.s32 @p0 $0x11B8D, s6;
	s7 =	sshll.u32 @p0 s5, $0x11  }
0xaa: {  	s6 =	sor.u32 @p0 s7, s6  }
0xab: {  	[sflag:s6] =	ssyncadd.remote.s32 @p0 $0x1;
	_ =	sdelay $0x1  }
0xac: {  	s6 =	simm.s32 @p0 $0x1B8D  }
0xad: {  	_ =	swait.eq @p0 [sflag:s6], $0x1  }
0xae: {  	[sflag:s6] =	ssyncadd.s32 @p0 $0xFFFFFFFF  }
0xaf: {  	s7 =	sshll.u32 @!p0 s1, $0xE  }
0xb0: {  	s7 =	sor.u32 @!p0 $0x4000, s7;
	s6 =	simm.s32 @!p0 $0x1B8D  }
0xb1: {  	s5 =	sshll.u32 @!p0 s5, $0x11;
	s7 =	sadd.s32 @!p0 $0x11B8D, s7;
	_ =	swait.eq @!p0 [sflag:s6], $0x1  }
0xb2: {  	s5 =	sor.u32 @!p0 s5, s7;
	[sflag:s6] =	ssyncadd.s32 @!p0 $0xFFFFFFFF  }
0xb3: {  	s25 =	simm.s32 $0x1B8E;
	s24 =	sld [smem:$0x3FFE];
	[sflag:s5] =	ssyncadd.remote.s32 @!p0 $0x1  }
0xb4: {  	s26 =	simm.s32 $execute0_lowered;
	[smem:$0x3FD2] =	sst s25  }
0xb5: {  	s6 =	sshll.u32 s26, $0x1;
	_ =	strace $0x8000004C;
	[dreg:$0x1] =	wrdreg $0xFFFFFFFF  }
0xb6: {  	s28 =	simm.s32 $_size_execute0_lowered;
	s4 =	sadd.s32 s4, s6;
	[dreg:$0x0] =	wrdreg $0x0  }
0xb7: {  	s6 =	sshll.u32 s28, $0x1;
	[dreg:$0x2] =	wrdreg s4  }
0xb8: {  	[dreg:$0x3] =	wrdreg s6  }
0xb9: {  	[dreg:$0x4] =	wrdreg $0xC0  }
0xba: {  	_ =	task [dreg:s22], $0x5FFFF  }
0xbb: {  	[dreg:$0x1] =	wrdreg $0xFFFFFFFF  }
0xbc: {  	[dreg:$0x0] =	wrdreg $0x60  }
0xbd: {  	[dreg:$0x2] =	wrdreg s24  }
0xbe: {  	[dreg:$0x3] =	wrdreg s18  }
0xbf: {  	[dreg:$0x4] =	wrdreg $0x4800  }
0xc0: {  	[dreg:$0x5] =	wrdreg $0xA  }
0xc1: {  	_ =	task.clear_ibuf [dreg:s22], $0x6FFFF;
	_ =	strace $0x9000004C  }
0xc2: {  	s29 =	simm.s32 $0xA;
	_ =	strace $0x8000004E  }
0xc3: {  	_ =	swait.ge [sflag:s29], $0x1  }
0xc4: {  	[sflag:s29] =	ssyncadd.s32 $0xFFFFFFFF  }
0xc5: {  	_ =	strace $0x9000004E  }
0xc6: {  	_ =	sfence  }
0xc7: {  	s30 =	sld [smem:$0x0];
	_ =	sdelay $0x2  }
0xc8: {  	s31 =	sshll.u32 s1, $0xD;
	s1 =	sshrl.u32 s1, $0x2  }
0xc9: {  	s4 =	sand.u32 $0x4000, s31;
	s1 =	sadd.s32 s1, s30  }
0xca: {  	s0 =	sor.u32 s4, s0;
	s1 =	sshll.u32 s1, $0x11  }
0xcb: {  	s0 =	sor.u32 s1, s0  }
0xcc: {  	s0 =	sadd.s32 $0x8F2B, s0  }
0xcd: {  	[sflag:s0] =	ssyncadd.remote.s32 $0x1  }
0xce: {  	_ =	sfence.sel $0xFFFF  }
0xcf: {  	[dreg:$0x0] =	wrdreg $0xFFFFFFFF;
	(pc) =	sbr.abs _section_cstart, $3  }
0xd0: {  	[dreg:$0x1] =	wrdreg $0xFFFFFFFF  }
0xd1: {  	_ =	task.clear_ibuf [dreg:s22], $0x2FFFF;
	_ =	strace $0x9FFFFFFF  }
0xd2: {  	(tm) =	ssettm $0x7FFFFFFF  }
0xd3: {  	_ =	shalt  }
tec
execute0_lowered:
.L_overlay_start_1:
0x0: {  	(tag) =	ssettag $0x1  }
0x1: {  	s5 =	rddreg [dreg:$0x0]  }
0x2: {  	s1 =	srdreg.scid;
	s2 =	rddreg [dreg:$0x1]  }
0x3: {  	s0 =	stileid.u32;
	s3 =	rddreg [dreg:$0x2]  }
0x4: {  	s4 =	simm.s32 $0x0;
	s13 =	simm.s32 $0x0;
	s7 =	smul.u32 $0xF00, s0  }
0x5: {  	s6 =	sand.u32 $0x1, s1;
	s9 =	smul.u32 $0x1388, s0;
	s1 =	rddreg [dreg:$0x3]  }
0x6: {  	[smem:$0x7FF] =	sst s4;
	s31 =	sshll.u32 s0, $0x6;
	s8 =	smul.u32 $0x780, s6  }
0x7: {  	s10 =	smul.u32 $0x13880, s6;
	_ =	strace $0x8000004D;
	s6 =	ssub.s32 $0x2, s6  }
0x8: {  	s29 =	sshrl.u32 s6, $0x1;
	s12 =	sadd.s32 s9, s3;
	s7 =	sadd.s32 s8, s7  }
0x9: {  	s10 =	sadd.s32 s9, s10;
	s30 =	ssub.s32 s6, s29;
	s8 =	sshrl.u32 s7, $0x3  }
0xa: {  	s25 =	sshrl.u32 s10, $0x3;
	s26 =	sadd.s32 s7, s5;
	s7 =	smax.u32 s30, $0x1  }
0xb: {  	s10 =	sshrl.u32 s12, $0x3;
	s12 =	simm.s32 $0x80;
	s11 =	sadd.s32 s8, s5  }
0xc: {  	s28 =	sadd.s32 s25, s5;
	s5 =	sor.u32 $0x1C01, s31;
	s8 =	sadd.s32 $0x30C00, s26  }
0xd: {  	s6 =	sadd.s32 $0x3FC00, s28;
	s9 =	sadd.s32 $0xA5E00, s11;
	s11 =	simm.s32 $0x1  }
.LBB2_1:
0xe: {  	[spmem:s10], [sflag:s5] =	dma.local [hbm:s2], $0x271  }
0xf: {  	_ =	swait.ge [sflag:s11], $0x271  }
0x10: {  	[sflag:s11] =	ssyncset.done $0x0  }
0x11: {  	[sflag:s11] =	ssyncadd.s32 $0xFFFFFD8F  }
0x12: {  	s14 =	sadd.s32 $0x0, s9;
	[bflag:$0x0] =	sbarrier.arrive $0xFFFF  }
0x13: {  	[tilespmem:s4], [sflag:$0x1] =	stream.linear.gather [hbm4b:s14+s4], $0x80, $0x38;
	[tilespmem:$0x1808] =	vst v63  }
0x14: {  	_ =	swait.ge [sflag:s11], $0x80  }
0x15: {  	[sflag:s11] =	ssyncset.done $0x0  }
0x16: {  	[sflag:s11] =	ssyncadd.s32 $0xFFFFFF80  }
0x17: {  	[tilespmem:s12], [sflag:$0x1] =	stream.linear.gather [hbm4b:s8+s4], $0x400, $0x38;
	[tilespmem:$0x1808] =	vst v63  }
0x18: {  	_ =	swait.ge [sflag:s11], $0x400  }
0x19: {  	[sflag:s11] =	ssyncset.done $0x0  }
0x1a: {  	[sflag:s11] =	ssyncadd.s32 $0xFFFFFC00  }
0x1b: {  	[spmem:s3] =	stream.indirect.scatter.add.f32 [tilespmem:s12], [sflag:$0x1], $0x8, s4, s12, $0xb8;
	[tilespmem:$0x1808] =	vst v63  }
0x1c: {  	s15 =	simm.s32 $0x10;
	_ =	swait.ge [sflag:s11], $0x400  }
0x1d: {  	s16 =	simm.s32 $0x20;
	s14 =	sadd.s32 $0x80, s8;
	[sflag:s11] =	ssyncset.done $0x0  }
.LBB2_2:
0x1e: {  	s17 =	sadd.s32 s15, s9  }
0x1f: {  	[sflag:s11] =	ssyncadd.s32 $0xFFFFFC00;
	s15 =	smov.u32 s16;
	s18 =	sadd.s32 $0x10, s16  }
0x20: {  	[tilespmem:s4], [sflag:$0x1] =	stream.linear.gather [hbm4b:s17+s4], $0x80, $0x38;
	[tilespmem:$0x1808] =	vst v63  }
0x21: {  	p0 =	sne.s32 s16, $0xE0;
	_ =	swait.ge [sflag:s11], $0x80  }
0x22: {  	[sflag:s11] =	ssyncset.done $0x0  }
0x23: {  	[sflag:s11] =	ssyncadd.s32 $0xFFFFFF80  }
0x24: {  	[tilespmem:s12], [sflag:$0x1] =	stream.linear.gather [hbm4b:s14+s4], $0x400, $0x38;
	[tilespmem:$0x1808] =	vst v63  }
0x25: {  	_ =	swait.ge [sflag:s11], $0x400  }
.Ltmp0:
0x26: {  	[sflag:s11] =	ssyncset.done $0x0;
	(pc) =	sbr.rel @p0 .LBB2_2-.Ltmp0, $4  }
0x27: {  	[sflag:s11] =	ssyncadd.s32 $0xFFFFFC00  }
0x28: {  	[spmem:s3] =	stream.indirect.scatter.add.f32 [tilespmem:s12], [sflag:$0x1], $0x8, s4, s12, $0xb8;
	[tilespmem:$0x1808] =	vst v63  }
0x29: {  	_ =	swait.ge [sflag:s11], $0x400  }
0x2a: {  	s16 =	smov.u32 s18;
	s14 =	sadd.s32 $0x80, s14;
	[sflag:s11] =	ssyncset.done $0x0  }
0x2b: {  	s15 =	sadd.s32 s15, s9;
	[sflag:s11] =	ssyncadd.s32 $0xFFFFFC00  }
0x2c: {  	[tilespmem:s4], [sflag:$0x1] =	stream.linear.gather [hbm4b:s15+s4], $0x80, $0x38;
	[tilespmem:$0x1808] =	vst v63  }
0x2d: {  	_ =	swait.ge [sflag:s11], $0x80  }
0x2e: {  	[sflag:s11] =	ssyncset.done $0x0  }
0x2f: {  	[sflag:s11] =	ssyncadd.s32 $0xFFFFFF80  }
0x30: {  	[tilespmem:s12], [sflag:$0x1] =	stream.linear.gather [hbm4b:s14+s4], $0x400, $0x38;
	[tilespmem:$0x1808] =	vst v63  }
0x31: {  	_ =	swait.ge [sflag:s11], $0x400  }
0x32: {  	[sflag:s11] =	ssyncset.done $0x0  }
0x33: {  	[sflag:s11] =	ssyncadd.s32 $0xFFFFFC00  }
0x34: {  	[spmem:s3] =	stream.indirect.scatter.add.f32 [tilespmem:s12], [sflag:$0x1], $0x8, s4, s12, $0xb8;
	[tilespmem:$0x1808] =	vst v63  }
0x35: {  	_ =	swait.ge [sflag:s11], $0x400  }
0x36: {  	s13 =	sadd.s32 $0x1, s13;
	[sflag:s11] =	ssyncset.done $0x0  }
0x37: {  	p0 =	sne.s32 s13, s7;
	[sflag:s11] =	ssyncadd.s32 $0xFFFFFC00  }
.Ltmp1:
0x38: {  	[bflag:$0x0] =	sbarrier.arrive $0xFFFF;
	(pc) =	sbr.rel @p0 .LBB2_1-.Ltmp1, $4  }
0x39: {  	[hbm:s6], [sflag:s5] =	dma.local [spmem:s10], $0x271  }
0x3a: {  	_ =	swait.ge [sflag:s11], $0x271  }
0x3b: {  	[sflag:s11] =	ssyncset.done $0x0  }
0x3c: {  	[sflag:s11] =	ssyncadd.s32 $0xFFFFFD8F  }
0x3d: {  	_ =	sfence.sel $0x180000  }
0x3e: {  	[bflag:$0x0] =	sbarrier.arrive $0xFFFF  }
0x3f: {  	p0 =	sne.s32 s0, $0x0;
	_ =	strace $0x9000004D  }
0x40: {  	s0 =	sadd.s32 @!p0 $0x100000, s1;
	[bflag:$0x2] =	sbarrier.arrive $0xFFFF  }
0x41: {  	[sflag:s0] =	ssyncadd.tile.s32 @!p0 $0x1;
	_ =	shalt  }
.Lfunc_end2:
_tile_overlayer_lowered:
.L_overlay_start_2:
0x42: {  	(tag) =	ssettag $0x2  }
0x43: {  	s0 =	rddreg [dreg:$0x0];
	s2 =	stileid.u32  }
0x44: {  	s1 =	rddreg [dreg:$0x1];
	p0 =	sne.s32 s2, $0x0  }
0x45: {  	s3 =	rddreg [dreg:$0x2];
	[bflag:$0x3] =	sbarrier.arrive $0xFFFF;
	s2 =	simm.s32 @!p0 $0x1C01  }
0x46: {  	[timem:s3], [sflag:s2] =	dma.local @!p0 [hbm:s0], s1  }
0x47: {  	s0 =	simm.s32 @!p0 $0x1  }
0x48: {  	_ =	swait.ge @!p0 [sflag:s0], s1  }
0x49: {  	s1 =	ssub.s32 @!p0 $0x0, s1;
	[sflag:s0] =	ssyncset.done @!p0 $0x0  }
0x4a: {  	[sflag:s0] =	ssyncadd.s32 @!p0 s1  }
0x4b: {  	[bflag:$0x3] =	sbarrier.arrive $0xFFFF  }
0x4c: {  	_ =	shalt  }

// kernel: kernel.35.cloned.1.call-start
scs
__scs_entry_jumppad:
0x0: {  	(pc) =	sbr.rel $0x88, $3  }
0x1: {  	(tag) =	ssettag $0x0;
	lr =	simm.s32 $0x1  }
0x2: {  	[smem:$0x3F89] =	sst lr;
	_ =	strace $0xD0000000  }
0x3: {  	_ = 	snop  }
0x4: {  	_ = 	snop  }
0x5: {  	_ = 	snop  }
0x6: {  	_ = 	snop  }
0x7: {  	_ = 	snop  }
__scs_overlays_trampoline_lowered:
0x8: {  	[smem:$0x3F98] =	sst s0  }
0x9: {  	[smem:$0x3F99] =	sst s1  }
0xa: {  	[smem:$0x3F9A] =	sst s2  }
0xb: {  	[smem:$0x3F9B] =	sst s3  }
0xc: {  	[smem:$0x3F9C] =	sst s4  }
0xd: {  	[smem:$0x3F9D] =	sst s5  }
0xe: {  	[smem:$0x3F9E] =	sst s6  }
0xf: {  	[smem:$0x3F9F] =	sst s7  }
0x10: {  	[smem:$0x3FA0] =	sst s8  }
0x11: {  	[smem:$0x3FA1] =	sst s9;
	s0 =	simm.s32 @!p0 $0x0  }
0x12: {  	s1 =	sld [smem:$0x3F87];
	s0 =	simm.s32 @p0 $0x1  }
0x13: {  	[smem:$0x3FA2] =	sst s0;
	s0 =	simm.s32 @!p1 $0x0  }
0x14: {  	s2 =	sld [smem:$0x3F86];
	s0 =	simm.s32 @p1 $0x1  }
0x15: {  	[smem:$0x3FA3] =	sst s0;
	s0 =	simm.s32 @!p2 $0x0  }
0x16: {  	s3 =	sld [smem:$0x3FDB];
	s0 =	simm.s32 @p2 $0x1  }
0x17: {  	s4 =	simm.s32 $0x1BF5;
	[smem:$0x3FA5] =	sst s0  }
0x18: {  	s0 =	sld [smem:$0x3F88];
	_ =	swait.ge [sflag:s4], $0x0  }
0x19: {  	s7 =	sld [smem:$0x3F89]  }
0x1a: {  	s8 =	sadd.s32 $0xFFFFE003, lr  }
0x1b: {  	s9 =	sadd.s32 $0xFFFFFEF7, lr;
	s5 =	simm.s32 $0xFFFFFFFF;
	p2 =	slt.u32 s8, $0xFFFFF086  }
0x1c: {  	p1 =	slt.u32 s9, $0xF7A;
	s5 =	simm.s32 @!p2 $0x0  }
0x1d: {  	s5 =	simm.s32 @p1 $0x1;
	p0 =	seq.s32 s7, s2  }
0x1e: {  	s7 =	smul.u32 @!p0 $0xF7A, s2;
	p2 =	seq.s32 @!p0 s5, $0x0  }
0x1f: {  	s9 =	smul.u32 $0xF7A, s1;
	s8 =	simm.s32 @!p0 $0x1BF5;
	p2 =	por !p2, p0  }
0x20: {  	[sflag:s8] =	ssyncset.s32 @!p0 $0xFFFFF086;
	s6 =	sadd.s32 @!p0 s3, s7;
	s7 =	simm.s32 @!p0 $0x108  }
0x21: {  	s3 =	sadd.s32 s3, s9;
	s6 =	sadd.s32 @!p0 $0x88, s6;
	s7 =	simm.s32 @p2 $0x1082  }
0x22: {  	[simem:s7], [sflag:s8] =	dma.local @!p0 [hbm:s6], $0xF7A  }
0x23: {  	s9 =	sor.u32 $0xD0000000, s2;
	s6 =	simm.s32 $0x108;
	_ =	swait.ge @!p0 [sflag:s8], $0x0  }
0x24: {  	s3 =	sadd.s32 $0x88, s3;
	s6 =	simm.s32 @!p1 $0x1082;
	[sflag:s4] =	ssyncset.s32 $0xFFFFF086  }
0x25: {  	[simem:s6], [sflag:s4] =	dma.local [hbm:s3], $0xF7A  }
0x26: {  	[smem:$0x3F89] =	sst s1;
	(tag) =	ssettag s2;
	_ =	strace s9  }
0x27: {  	s1 =	sld [smem:$0x3F99]  }
0x28: {  	s2 =	sld [smem:$0x3F9A]  }
0x29: {  	s4 =	sld [smem:$0x3F9C]  }
0x2a: {  	p0 =	seq.s32 s5, $0x0;
	s5 =	sld [smem:$0x3F9D]  }
0x2b: {  	s6 =	sld [smem:$0x3F9E]  }
0x2c: {  	s7 =	sld [smem:$0x3F9F]  }
0x2d: {  	s3 =	simm.s32 $0x108;
	s8 =	sld [smem:$0x3FA0]  }
0x2e: {  	s3 =	simm.s32 @!p0 $0x1082;
	s9 =	sld [smem:$0x3FA1]  }
0x2f: {  	lr =	sadd.s32 s0, s3;
	s0 =	sld [smem:$0x3F98]  }
0x30: {  	s3 =	sld [smem:$0x3F9B]  }
0x31: {  	[smem:$0x3FA4] =	sst s10  }
0x32: {  	s10 =	sld [smem:$0x3FA2];
	_ =	sdelay $0x3  }
0x33: {  	p0 =	seq.s32 s10, $0x1;
	s10 =	sld [smem:$0x3FA4];
	_ =	sdelay $0x3  }
0x34: {  	[smem:$0x3FA4] =	sst s10  }
0x35: {  	s10 =	sld [smem:$0x3FA3];
	_ =	sdelay $0x3  }
0x36: {  	p1 =	seq.s32 s10, $0x1;
	s10 =	sld [smem:$0x3FA4];
	_ =	sdelay $0x3  }
0x37: {  	[smem:$0x3FA4] =	sst s10  }
0x38: {  	s10 =	sld [smem:$0x3FA5]  }
0x39: {  	_ = 	snop;
	(pc) =	sbr.ind lr, $3  }
0x3a: {  	_ = 	snop  }
0x3b: {  	_ = 	snop  }
0x3c: {  	p2 =	seq.s32 s10, $0x1;
	s10 =	sld [smem:$0x3FA4]  }
0x3d: {  	_ =	shalt  }
0x3e: {  	_ =	shalt  }
0x3f: {  	_ =	shalt  }
0x40: {  	_ =	shalt  }
0x41: {  	_ =	shalt  }
0x42: {  	_ =	shalt  }
0x43: {  	_ =	shalt  }
0x44: {  	_ =	shalt  }
0x45: {  	_ =	shalt  }
0x46: {  	_ =	shalt  }
0x47: {  	_ =	shalt  }
0x48: {  	_ =	shalt  }
0x49: {  	_ =	shalt  }
0x4a: {  	_ =	shalt  }
0x4b: {  	_ =	shalt  }
0x4c: {  	_ =	shalt  }
0x4d: {  	_ =	shalt  }
0x4e: {  	_ =	shalt  }
0x4f: {  	_ =	shalt  }
0x50: {  	_ =	shalt  }
0x51: {  	_ =	shalt  }
0x52: {  	_ =	shalt  }
0x53: {  	_ =	shalt  }
0x54: {  	_ =	shalt  }
0x55: {  	_ =	shalt  }
0x56: {  	_ =	shalt  }
0x57: {  	_ =	shalt  }
0x58: {  	_ =	shalt  }
0x59: {  	_ =	shalt  }
0x5a: {  	_ =	shalt  }
0x5b: {  	_ =	shalt  }
0x5c: {  	_ =	shalt  }
0x5d: {  	_ =	shalt  }
0x5e: {  	_ =	shalt  }
0x5f: {  	_ =	shalt  }
0x60: {  	_ =	shalt  }
0x61: {  	_ =	shalt  }
0x62: {  	_ =	shalt  }
0x63: {  	_ =	shalt  }
0x64: {  	_ =	shalt  }
0x65: {  	_ =	shalt  }
0x66: {  	_ =	shalt  }
0x67: {  	_ =	shalt  }
0x68: {  	_ =	shalt  }
0x69: {  	_ =	shalt  }
0x6a: {  	_ =	shalt  }
0x6b: {  	_ =	shalt  }
0x6c: {  	_ =	shalt  }
0x6d: {  	_ =	shalt  }
0x6e: {  	_ =	shalt  }
0x6f: {  	_ =	shalt  }
0x70: {  	_ =	shalt  }
0x71: {  	_ =	shalt  }
0x72: {  	_ =	shalt  }
0x73: {  	_ =	shalt  }
0x74: {  	_ =	shalt  }
0x75: {  	_ =	shalt  }
0x76: {  	_ =	shalt  }
0x77: {  	_ =	shalt  }
0x78: {  	_ =	shalt  }
0x79: {  	_ =	shalt  }
0x7a: {  	_ =	shalt  }
0x7b: {  	_ =	shalt  }
0x7c: {  	_ =	shalt  }
0x7d: {  	_ =	shalt  }
0x7e: {  	_ =	shalt  }
0x7f: {  	_ =	shalt  }
0x80: {  	_ =	shalt  }
0x81: {  	_ =	shalt  }
0x82: {  	_ =	shalt  }
0x83: {  	_ =	shalt  }
0x84: {  	_ =	shalt  }
0x85: {  	_ =	shalt  }
0x86: {  	_ =	shalt  }
0x87: {  	_ =	shalt  }
.Lfunc_end0:
.L_simem_size_0:
called_computation.3_lowered:
.L_overlay_start_0:
0x88: {  	s2 =	sld [smem:$0x3FD9]  }
0x89: {  	s3 =	sld [smem:$0x3FFE];
	_ =	sdelay $0x1  }
0x8a: {  	s1 =	srdreg.scid  }
0x8b: {  	s0 =	sand.u32 $0x1, s1  }
0x8c: {  	s16 =	sshll.u32 s0, $0xA;
	s2 =	sadd.s32 s3, s2  }
0x8d: {  	s2 =	sadd.s32 s2, s16  }
0x8e: {  	[smem:$0x3FB0] =	sst s2  }
0x8f: {  	_ = 	snop  }
0x90: {  	(tm) =	ssettm $0x1  }
0x91: {  	s17 =	sld [smem:$0x3FFB];
	_ =	sdelay $0x3  }
0x92: {  	_ =	strace s17  }
0x93: {  	s2 =	sld [smem:$0x3FFC];
	_ =	sdelay $0x3  }
0x94: {  	_ =	strace s2  }
0x95: {  	s2 =	sld [smem:$0x3FFD];
	_ =	sdelay $0x3  }
0x96: {  	_ =	strace s2  }
0x97: {  	_ =	strace $0x8FFFFFFF  }
0x98: {  	s18 =	sld [smem:$0x3FDB];
	_ =	sdelay $0x1  }
0x99: {  	s19 =	simm.s32 $_scs_section_size  }
0x9a: {  	s4 =	simm.s32 $_size__tile_overlayer_lowered;
	s5 =	simm.s32 $_tile_overlayer_lowered  }
0x9b: {  	s22 =	simm.s32 $0x1BFF;
	s21 =	sshll.u32 s5, $0x1;
	s2 =	sadd.s32 s19, s18  }
0x9c: {  	s6 =	simm.s32 $0x0;
	s20 =	sshll.u32 s4, $0x1;
	s4 =	sadd.s32 s21, s2  }
0x9d: {  	[timem:s6], [sflag:s22] =	dma.local [hbm:s4], s20  }
0x9e: {  	_ =	swait.ge [sflag:s22], s20  }
0x9f: {  	s3 =	ssub.s32 $0x0, s20;
	[sflag:s22] =	ssyncset.done $0x0  }
0xa0: {  	[sflag:s22] =	ssyncadd.s32 s3;
	_ =	sdelay $0x1  }
0xa1: {  	s23 =	simm.s32 $0x1B8B  }
0xa2: {  	_ =	swait.ge [sflag:s23], $0x1  }
0xa3: {  	[sflag:s23] =	ssyncset.done $0x0  }
0xa4: {  	s25 =	simm.s32 $0x1B8E;
	s24 =	sld [smem:$0x3FFE];
	[sflag:s23] =	ssyncadd.s32 $0xFFFFFFFF  }
0xa5: {  	s26 =	simm.s32 $execute0_lowered;
	[smem:$0x3FD2] =	sst s25  }
0xa6: {  	s4 =	sshll.u32 s26, $0x1;
	_ =	strace $0x8000004F;
	[dreg:$0x1] =	wrdreg $0xFFFFFFFF  }
0xa7: {  	s28 =	simm.s32 $_size_execute0_lowered;
	s2 =	sadd.s32 s2, s4;
	[dreg:$0x0] =	wrdreg $0x0  }
0xa8: {  	s4 =	sshll.u32 s28, $0x1;
	[dreg:$0x2] =	wrdreg s2  }
0xa9: {  	[dreg:$0x3] =	wrdreg s4  }
0xaa: {  	[dreg:$0x4] =	wrdreg $0xC0  }
0xab: {  	_ =	task [dreg:s6], $0x5FFFF  }
0xac: {  	[dreg:$0x1] =	wrdreg $0xFFFFFFFF  }
0xad: {  	[dreg:$0x0] =	wrdreg $0x60  }
0xae: {  	[dreg:$0x2] =	wrdreg s24  }
0xaf: {  	[dreg:$0x3] =	wrdreg $0x51800  }
0xb0: {  	[dreg:$0x4] =	wrdreg $0x9  }
0xb1: {  	_ =	task.clear_ibuf [dreg:s6], $0x5FFFF;
	_ =	strace $0x9000004F  }
0xb2: {  	s29 =	simm.s32 $0x9;
	_ =	strace $0x80000051  }
0xb3: {  	_ =	swait.ge [sflag:s29], $0x1  }
0xb4: {  	[sflag:s29] =	ssyncadd.s32 $0xFFFFFFFF  }
0xb5: {  	_ =	strace $0x90000051  }
0xb6: {  	_ =	sfence  }
0xb7: {  	s30 =	sld [smem:$0x0];
	_ =	sdelay $0x2  }
0xb8: {  	s31 =	sshll.u32 s1, $0xD;
	s1 =	sshrl.u32 s1, $0x2  }
0xb9: {  	s3 =	sand.u32 $0x4000, s31;
	s1 =	sadd.s32 s1, s30  }
0xba: {  	s0 =	sor.u32 s3, s0;
	s1 =	sshll.u32 s1, $0x11  }
0xbb: {  	s0 =	sor.u32 s1, s0  }
0xbc: {  	s0 =	sadd.s32 $0x8F2B, s0  }
0xbd: {  	[sflag:s0] =	ssyncadd.remote.s32 $0x1  }
0xbe: {  	_ =	sfence.sel $0xFFFF  }
0xbf: {  	[dreg:$0x0] =	wrdreg $0xFFFFFFFF;
	(pc) =	sbr.abs _section_cstart, $3  }
0xc0: {  	[dreg:$0x1] =	wrdreg $0xFFFFFFFF  }
0xc1: {  	_ =	task.clear_ibuf [dreg:s6], $0x2FFFF;
	_ =	strace $0x9FFFFFFF  }
0xc2: {  	(tm) =	ssettm $0x7FFFFFFF  }
0xc3: {  	_ =	shalt  }
tec
execute0_lowered:
.L_overlay_start_1:
0x0: {  	(tag) =	ssettag $0x1  }
0x1: {  	s11 =	rddreg [dreg:$0x0]  }
0x2: {  	s1 =	rddreg [dreg:$0x1]  }
0x3: {  	s0 =	rddreg [dreg:$0x2]  }
0x4: {  	s3 =	simm.s32 $0x0;
	s4 =	srdreg.scid;
	s2 =	stileid.u32  }
0x5: {  	s17 =	simm.s32 $0x80;
	s18 =	simm.s32 $0x180;
	s19 =	simm.s32 $0x980  }
0x6: {  	s20 =	simm.s32 $0x100;
	s21 =	simm.s32 $0x1180;
	s22 =	simm.s32 $0x3180  }
0x7: {  	s23 =	simm.s32 $0x1;
	s24 =	simm.s32 $0x2;
	[smem:$0x7FF] =	sst s3  }
0x8: {  	s12 =	sand.u32 $0x1, s4;
	s13 =	smul.u32 $0x9C40, s2;
	s4 =	sadd.s32 $0x227800, s11  }
0x9: {  	s5 =	sadd.s32 $0x6C800, s11;
	s6 =	sadd.s32 $0x71800, s11;
	s7 =	sadd.s32 $0x84AC00, s11  }
0xa: {  	s8 =	sadd.s32 $0x7FAC00, s11;
	s9 =	sadd.s32 $0x9BE00, s11;
	s16 =	sshll.u32 s2, $0x1  }
0xb: {  	s30 =	sshll.u32 s2, $0x6;
	_ =	strace $0x80000050;
	s10 =	smul.u32 $0x9C400, s12  }
0xc: {  	s15 =	ssub.s32 $0x2, s12;
	s12 =	sor.u32 s12, s16;
	s16 =	simm.s32 $0x3  }
0xd: {  	s29 =	sshrl.u32 s15, $0x1;
	s31 =	sadd.s32 s13, s1;
	s14 =	sadd.s32 s13, s10  }
0xe: {  	s12 =	smul.u32 $0x1400, s12;
	s10 =	sadd.s32 $0x76800, s11;
	s14 =	sshrl.u32 s14, $0x3  }
0xf: {  	s15 =	ssub.s32 s15, s29;
	s14 =	sadd.s32 s14, s11;
	s11 =	sor.u32 $0x1C03, s30  }
0x10: {  	s13 =	sadd.s32 $0x2BC00, s14;
	s14 =	smax.u32 s15, $0x1;
	s15 =	sshrl.u32 s31, $0x3  }
.LBB2_1:
0x11: {  	[spmem:s15], [sflag:s11] =	dma.local [hbm:s10], $0x1388  }
0x12: {  	_ =	swait.ge [sflag:s16], $0x1388  }
0x13: {  	[sflag:s16] =	ssyncset.done $0x0  }
0x14: {  	[sflag:s16] =	ssyncadd.s32 $0xFFFFEC78  }
0x15: {  	s25 =	simm.s32 $0x0;
	[bflag:$0x0] =	sbarrier.arrive $0xFFFF  }
.LBB2_2:
0x16: {  	s26 =	sshll.u32 s25, $0x7  }
0x17: {  	s26 =	sadd.s32 s12, s26  }
0x18: {  	s28 =	sshrl.u32 s26, $0x3  }
0x19: {  	s30 =	simm.s32 $0x0;
	s29 =	sadd.s32 s5, s28  }
0x1a: {  	[tilespmem:s30], [sflag:$0x3] =	stream.linear.gather [hbm4b:s29+s30], $0x80, $0x38;
	[tilespmem:$0xEDC0] =	vst v63  }
0x1b: {  	_ =	swait.ge [sflag:s16], $0x80  }
0x1c: {  	[sflag:s16] =	ssyncset.done $0x0  }
0x1d: {  	s29 =	sadd.s32 s6, s28;
	[sflag:s16] =	ssyncadd.s32 $0xFFFFFF80  }
0x1e: {  	[tilespmem:s17], [sflag:$0x3] =	stream.linear.gather [hbm4b:s29+s30], $0x80, $0x38;
	[tilespmem:$0xEDC0] =	vst v63  }
0x1f: {  	_ =	swait.ge [sflag:s16], $0x80  }
0x20: {  	s26 =	sshll.u32 s26, $0x1;
	[sflag:s16] =	ssyncset.done $0x0  }
0x21: {  	s29 =	sadd.s32 s7, s26;
	[sflag:s16] =	ssyncadd.s32 $0xFFFFFF80  }
0x22: {  	[tilespmem:s18], [sflag:$0x3] =	stream.linear.gather [hbm4b:s29+s30], $0x800, $0x38;
	[tilespmem:$0xEDC0] =	vst v63  }
0x23: {  	_ =	swait.ge [sflag:s16], $0x800  }
0x24: {  	[sflag:s16] =	ssyncset.done $0x0  }
0x25: {  	s26 =	sadd.s32 s8, s26;
	[sflag:s16] =	ssyncadd.s32 $0xFFFFF800  }
0x26: {  	[tilespmem:s19], [sflag:$0x3] =	stream.linear.gather [hbm4b:s26+s30], $0x800, $0x38;
	[tilespmem:$0xEDC0] =	vst v63  }
0x27: {  	_ =	swait.ge [sflag:s16], $0x800  }
0x28: {  	[sflag:s16] =	ssyncset.done $0x0  }
0x29: {  	s31 =	sadd.s32 s9, s28;
	[sflag:s16] =	ssyncadd.s32 $0xFFFFF800  }
0x2a: {  	[tilespmem:s20], [sflag:$0x3] =	stream.linear.gather [hbm4b:s31+s30], $0x80, $0x38;
	[tilespmem:$0xEDC0] =	vst v63  }
0x2b: {  	_ =	swait.ge [sflag:s16], $0x80  }
0x2c: {  	[sflag:s16] =	ssyncset.done $0x0  }
0x2d: {  	[sflag:s16] =	ssyncadd.s32 $0xFFFFFF80  }
0x2e: {  	[tilespmem:s21], [sflag:$0x1] =	stream.indirect.gather [hbm4b:s4+s17], $0x40, s30, s17, $0xb8;
	[tilespmem:$0xEDC0] =	vst v63  }
0x2f: {  	_ = 	snop  }
0x30: {  	[tilespmem:s22], [sflag:$0x2] =	stream.indirect.gather [hbm4b:s4+s17], $0x40, s17, s17, $0xb8;
	[tilespmem:$0xEDC0] =	vst v63  }
0x31: {  	_ =	swait.ge [sflag:s23], $0x2000  }
0x32: {  	[sflag:s23] =	ssyncset.done $0x0  }
0x33: {  	[sflag:s23] =	ssyncadd.s32 $0xFFFFE000  }
0x34: {  	_ =	swait.ge [sflag:s24], $0x2000  }
0x35: {  	[sflag:s24] =	ssyncset.done $0x0  }
0x36: {  	s26 =	simm.s32 $0x11A0;
	[sflag:s24] =	ssyncadd.s32 $0xFFFFE000  }
0x37: {  	s28 =	simm.s32 $0x31A0;
	v0 =	vld [tilespmem:s26+$0xFFFFFFE0]  }
0x38: {  	s29 =	simm.s32 $0x0;
	v1 =	vld [tilespmem:s28+$0xFFFFFFE0]  }
0x39: {  	v2 =	vld [tilespmem:s29+$0x180]  }
0x3a: {  	v3 =	vld [tilespmem:s29+$0x980];
	_ =	sdelay $0x4  }
0x3b: {  	v0 =	vmul.f32 v0, v2;
	v1 =	vmul.f32 v1, v3;
	_ =	sdelay $0x1  }
0x3c: {  	v0 =	vadd.f32 v1, v0;
	_ =	sdelay $0x1  }
0x3d: {  	[tilespmem:s26+$0xFFFFFFE0] =	vst v0;
	v0 =	vld [tilespmem:s26+$0xFFFFFFF0]  }
0x3e: {  	v1 =	vld [tilespmem:s28+$0xFFFFFFF0];
	_ =	sdelay $0x4  }
0x3f: {  	v0 =	vmul.f32 v0, v2;
	v1 =	vmul.f32 v1, v3;
	_ =	sdelay $0x1  }
0x40: {  	v0 =	vadd.f32 v1, v0;
	_ =	sdelay $0x1  }
0x41: {  	[tilespmem:s26+$0xFFFFFFF0] =	vst v0;
	v0 =	vld [tilespmem:s26+$0x0]  }
0x42: {  	v1 =	vld [tilespmem:s28+$0x0];
	_ =	sdelay $0x4  }
0x43: {  	v0 =	vmul.f32 v0, v2;
	v1 =	vmul.f32 v1, v3;
	_ =	sdelay $0x1  }
0x44: {  	v0 =	vadd.f32 v1, v0;
	_ =	sdelay $0x1  }
0x45: {  	[tilespmem:s26+$0x0] =	vst v0;
	v0 =	vld [tilespmem:s26+$0x10]  }
0x46: {  	v1 =	vld [tilespmem:s28+$0x10];
	_ =	sdelay $0x4  }
0x47: {  	v0 =	vmul.f32 v0, v2;
	v1 =	vmul.f32 v1, v3;
	_ =	sdelay $0x1  }
0x48: {  	s30 =	simm.s32 $0x11A0;
	s29 =	simm.s32 $0x40;
	v0 =	vadd.f32 v1, v0  }
.LBB2_3:
0x49: {  	p0 =	sne.s32 s29, $0x1FC0;
	s26 =	sadd.s32 $0x40, s26;
	s28 =	sadd.s32 $0x40, s28  }
0x4a: {  	s31 =	smov.u32 s29;
	s29 =	sadd.s32 $0x40, s29;
	v1 =	vld [tilespmem:s26+$0xFFFFFFE0];
	[tilespmem:s30+$0x10] =	vst v0;
	s30 =	smov.u32 s26  }
0x4b: {  	s31 =	sshra.s32 s31, $0x2;
	v0 =	vld [tilespmem:s28+$0xFFFFFFE0]  }
0x4c: {  	v2 =	vld [tilespmem:s31+$0x180]  }
0x4d: {  	v3 =	vld [tilespmem:s31+$0x980];
	_ =	sdelay $0x3  }
0x4e: {  	v1 =	vmul.f32 v1, v2  }
0x4f: {  	v0 =	vmul.f32 v0, v3;
	_ =	sdelay $0x1  }
0x50: {  	v0 =	vadd.f32 v0, v1;
	_ =	sdelay $0x1  }
0x51: {  	[tilespmem:s26+$0xFFFFFFE0] =	vst v0;
	v0 =	vld [tilespmem:s26+$0xFFFFFFF0]  }
0x52: {  	v1 =	vld [tilespmem:s28+$0xFFFFFFF0];
	_ =	sdelay $0x3  }
0x53: {  	v0 =	vmul.f32 v0, v2  }
0x54: {  	v1 =	vmul.f32 v1, v3;
	_ =	sdelay $0x1  }
0x55: {  	v0 =	vadd.f32 v1, v0;
	_ =	sdelay $0x1  }
0x56: {  	[tilespmem:s26+$0xFFFFFFF0] =	vst v0;
	v0 =	vld [tilespmem:s26+$0x0]  }
0x57: {  	v1 =	vld [tilespmem:s28+$0x0];
	_ =	sdelay $0x3  }
0x58: {  	v0 =	vmul.f32 v0, v2  }
0x59: {  	v1 =	vmul.f32 v1, v3;
	_ =	sdelay $0x1  }
0x5a: {  	v0 =	vadd.f32 v1, v0;
	_ =	sdelay $0x1  }
0x5b: {  	[tilespmem:s26+$0x0] =	vst v0;
	v0 =	vld [tilespmem:s26+$0x10]  }
0x5c: {  	v1 =	vld [tilespmem:s28+$0x10];
	_ =	sdelay $0x2  }
.Ltmp0:
0x5d: {  	(pc) =	sbr.rel @p0 .LBB2_3-.Ltmp0, $3  }
0x5e: {  	v0 =	vmul.f32 v0, v2  }
0x5f: {  	v1 =	vmul.f32 v1, v3;
	_ =	sdelay $0x1  }
0x60: {  	v0 =	vadd.f32 v1, v0  }
0x61: {  	s25 =	sadd.s32 $0x1, s25  }
0x62: {  	p0 =	sne.s32 s25, $0x28  }
.Ltmp1:
0x63: {  	[tilespmem:s30+$0x10] =	vst v0;
	(pc) =	sbr.rel @p0 .LBB2_2-.Ltmp1, $4  }
0x64: {  	[spmem:s1] =	stream.indirect.scatter.add.f32 [tilespmem:s21], [sflag:$0x3], $0x40, s20, s17, $0xb8;
	[tilespmem:$0xEDC0] =	vst v63  }
0x65: {  	_ =	swait.ge [sflag:s16], $0x2000  }
0x66: {  	[sflag:s16] =	ssyncset.done $0x0  }
0x67: {  	[sflag:s16] =	ssyncadd.s32 $0xFFFFE000  }
0x68: {  	s3 =	sadd.s32 $0x1, s3  }
0x69: {  	p0 =	sne.s32 s3, s14  }
.Ltmp2:
0x6a: {  	[bflag:$0x0] =	sbarrier.arrive $0xFFFF;
	(pc) =	sbr.rel @p0 .LBB2_1-.Ltmp2, $4  }
0x6b: {  	[hbm:s13], [sflag:s11] =	dma.local [spmem:s15], $0x1388  }
0x6c: {  	_ =	swait.ge [sflag:s16], $0x1388  }
0x6d: {  	[sflag:s16] =	ssyncset.done $0x0  }
0x6e: {  	[sflag:s16] =	ssyncadd.s32 $0xFFFFEC78  }
0x6f: {  	_ =	sfence.sel $0x180000  }
0x70: {  	[bflag:$0x0] =	sbarrier.arrive $0xFFFF  }
0x71: {  	p0 =	sne.s32 s2, $0x0;
	_ =	strace $0x90000050  }
0x72: {  	s0 =	sadd.s32 @!p0 $0x100000, s0;
	[bflag:$0x2] =	sbarrier.arrive $0xFFFF  }
0x73: {  	[sflag:s0] =	ssyncadd.tile.s32 @!p0 $0x1;
	_ =	shalt  }
.Lfunc_end2:
_tile_overlayer_lowered:
.L_overlay_start_2:
0x74: {  	(tag) =	ssettag $0x2  }
0x75: {  	s0 =	rddreg [dreg:$0x0];
	s2 =	stileid.u32  }
0x76: {  	s1 =	rddreg [dreg:$0x1];
	p0 =	sne.s32 s2, $0x0  }
0x77: {  	s3 =	rddreg [dreg:$0x2];
	[bflag:$0x3] =	sbarrier.arrive $0xFFFF;
	s2 =	simm.s32 @!p0 $0x1C03  }
0x78: {  	[timem:s3], [sflag:s2] =	dma.local @!p0 [hbm:s0], s1  }
0x79: {  	s0 =	simm.s32 @!p0 $0x3  }
0x7a: {  	_ =	swait.ge @!p0 [sflag:s0], s1  }
0x7b: {  	s1 =	ssub.s32 @!p0 $0x0, s1;
	[sflag:s0] =	ssyncset.done @!p0 $0x0  }
0x7c: {  	[sflag:s0] =	ssyncadd.s32 @!p0 s1  }
0x7d: {  	[bflag:$0x3] =	sbarrier.arrive $0xFFFF  }
0x7e: {  	_ =	shalt  }

// kernel: kernel.38.cloned.1.call-start
scs
__scs_entry_jumppad:
0x0: {  	(pc) =	sbr.rel $0x88, $3  }
0x1: {  	(tag) =	ssettag $0x0;
	lr =	simm.s32 $0x1  }
0x2: {  	[smem:$0x3F89] =	sst lr;
	_ =	strace $0xD0000000  }
0x3: {  	_ = 	snop  }
0x4: {  	_ = 	snop  }
0x5: {  	_ = 	snop  }
0x6: {  	_ = 	snop  }
0x7: {  	_ = 	snop  }
__scs_overlays_trampoline_lowered:
0x8: {  	[smem:$0x3F98] =	sst s0  }
0x9: {  	[smem:$0x3F99] =	sst s1  }
0xa: {  	[smem:$0x3F9A] =	sst s2  }
0xb: {  	[smem:$0x3F9B] =	sst s3  }
0xc: {  	[smem:$0x3F9C] =	sst s4  }
0xd: {  	[smem:$0x3F9D] =	sst s5  }
0xe: {  	[smem:$0x3F9E] =	sst s6  }
0xf: {  	[smem:$0x3F9F] =	sst s7  }
0x10: {  	[smem:$0x3FA0] =	sst s8  }
0x11: {  	[smem:$0x3FA1] =	sst s9;
	s0 =	simm.s32 @!p0 $0x0  }
0x12: {  	s1 =	sld [smem:$0x3F87];
	s0 =	simm.s32 @p0 $0x1  }
0x13: {  	[smem:$0x3FA2] =	sst s0;
	s0 =	simm.s32 @!p1 $0x0  }
0x14: {  	s2 =	sld [smem:$0x3F86];
	s0 =	simm.s32 @p1 $0x1  }
0x15: {  	[smem:$0x3FA3] =	sst s0;
	s0 =	simm.s32 @!p2 $0x0  }
0x16: {  	s3 =	sld [smem:$0x3FDB];
	s0 =	simm.s32 @p2 $0x1  }
0x17: {  	s4 =	simm.s32 $0x1BF5;
	[smem:$0x3FA5] =	sst s0  }
0x18: {  	s0 =	sld [smem:$0x3F88];
	_ =	swait.ge [sflag:s4], $0x0  }
0x19: {  	s7 =	sld [smem:$0x3F89]  }
0x1a: {  	s8 =	sadd.s32 $0xFFFFE003, lr  }
0x1b: {  	s9 =	sadd.s32 $0xFFFFFEF7, lr;
	s5 =	simm.s32 $0xFFFFFFFF;
	p2 =	slt.u32 s8, $0xFFFFF086  }
0x1c: {  	p1 =	slt.u32 s9, $0xF7A;
	s5 =	simm.s32 @!p2 $0x0  }
0x1d: {  	s5 =	simm.s32 @p1 $0x1;
	p0 =	seq.s32 s7, s2  }
0x1e: {  	s7 =	smul.u32 @!p0 $0xF7A, s2;
	p2 =	seq.s32 @!p0 s5, $0x0  }
0x1f: {  	s9 =	smul.u32 $0xF7A, s1;
	s8 =	simm.s32 @!p0 $0x1BF5;
	p2 =	por !p2, p0  }
0x20: {  	[sflag:s8] =	ssyncset.s32 @!p0 $0xFFFFF086;
	s6 =	sadd.s32 @!p0 s3, s7;
	s7 =	simm.s32 @!p0 $0x108  }
0x21: {  	s3 =	sadd.s32 s3, s9;
	s6 =	sadd.s32 @!p0 $0x88, s6;
	s7 =	simm.s32 @p2 $0x1082  }
0x22: {  	[simem:s7], [sflag:s8] =	dma.local @!p0 [hbm:s6], $0xF7A  }
0x23: {  	s9 =	sor.u32 $0xD0000000, s2;
	s6 =	simm.s32 $0x108;
	_ =	swait.ge @!p0 [sflag:s8], $0x0  }
0x24: {  	s3 =	sadd.s32 $0x88, s3;
	s6 =	simm.s32 @!p1 $0x1082;
	[sflag:s4] =	ssyncset.s32 $0xFFFFF086  }
0x25: {  	[simem:s6], [sflag:s4] =	dma.local [hbm:s3], $0xF7A  }
0x26: {  	[smem:$0x3F89] =	sst s1;
	(tag) =	ssettag s2;
	_ =	strace s9  }
0x27: {  	s1 =	sld [smem:$0x3F99]  }
0x28: {  	s2 =	sld [smem:$0x3F9A]  }
0x29: {  	s4 =	sld [smem:$0x3F9C]  }
0x2a: {  	p0 =	seq.s32 s5, $0x0;
	s5 =	sld [smem:$0x3F9D]  }
0x2b: {  	s6 =	sld [smem:$0x3F9E]  }
0x2c: {  	s7 =	sld [smem:$0x3F9F]  }
0x2d: {  	s3 =	simm.s32 $0x108;
	s8 =	sld [smem:$0x3FA0]  }
0x2e: {  	s3 =	simm.s32 @!p0 $0x1082;
	s9 =	sld [smem:$0x3FA1]  }
0x2f: {  	lr =	sadd.s32 s0, s3;
	s0 =	sld [smem:$0x3F98]  }
0x30: {  	s3 =	sld [smem:$0x3F9B]  }
0x31: {  	[smem:$0x3FA4] =	sst s10  }
0x32: {  	s10 =	sld [smem:$0x3FA2];
	_ =	sdelay $0x3  }
0x33: {  	p0 =	seq.s32 s10, $0x1;
	s10 =	sld [smem:$0x3FA4];
	_ =	sdelay $0x3  }
0x34: {  	[smem:$0x3FA4] =	sst s10  }
0x35: {  	s10 =	sld [smem:$0x3FA3];
	_ =	sdelay $0x3  }
0x36: {  	p1 =	seq.s32 s10, $0x1;
	s10 =	sld [smem:$0x3FA4];
	_ =	sdelay $0x3  }
0x37: {  	[smem:$0x3FA4] =	sst s10  }
0x38: {  	s10 =	sld [smem:$0x3FA5]  }
0x39: {  	_ = 	snop;
	(pc) =	sbr.ind lr, $3  }
0x3a: {  	_ = 	snop  }
0x3b: {  	_ = 	snop  }
0x3c: {  	p2 =	seq.s32 s10, $0x1;
	s10 =	sld [smem:$0x3FA4]  }
0x3d: {  	_ =	shalt  }
0x3e: {  	_ =	shalt  }
0x3f: {  	_ =	shalt  }
0x40: {  	_ =	shalt  }
0x41: {  	_ =	shalt  }
0x42: {  	_ =	shalt  }
0x43: {  	_ =	shalt  }
0x44: {  	_ =	shalt  }
0x45: {  	_ =	shalt  }
0x46: {  	_ =	shalt  }
0x47: {  	_ =	shalt  }
0x48: {  	_ =	shalt  }
0x49: {  	_ =	shalt  }
0x4a: {  	_ =	shalt  }
0x4b: {  	_ =	shalt  }
0x4c: {  	_ =	shalt  }
0x4d: {  	_ =	shalt  }
0x4e: {  	_ =	shalt  }
0x4f: {  	_ =	shalt  }
0x50: {  	_ =	shalt  }
0x51: {  	_ =	shalt  }
0x52: {  	_ =	shalt  }
0x53: {  	_ =	shalt  }
0x54: {  	_ =	shalt  }
0x55: {  	_ =	shalt  }
0x56: {  	_ =	shalt  }
0x57: {  	_ =	shalt  }
0x58: {  	_ =	shalt  }
0x59: {  	_ =	shalt  }
0x5a: {  	_ =	shalt  }
0x5b: {  	_ =	shalt  }
0x5c: {  	_ =	shalt  }
0x5d: {  	_ =	shalt  }
0x5e: {  	_ =	shalt  }
0x5f: {  	_ =	shalt  }
0x60: {  	_ =	shalt  }
0x61: {  	_ =	shalt  }
0x62: {  	_ =	shalt  }
0x63: {  	_ =	shalt  }
0x64: {  	_ =	shalt  }
0x65: {  	_ =	shalt  }
0x66: {  	_ =	shalt  }
0x67: {  	_ =	shalt  }
0x68: {  	_ =	shalt  }
0x69: {  	_ =	shalt  }
0x6a: {  	_ =	shalt  }
0x6b: {  	_ =	shalt  }
0x6c: {  	_ =	shalt  }
0x6d: {  	_ =	shalt  }
0x6e: {  	_ =	shalt  }
0x6f: {  	_ =	shalt  }
0x70: {  	_ =	shalt  }
0x71: {  	_ =	shalt  }
0x72: {  	_ =	shalt  }
0x73: {  	_ =	shalt  }
0x74: {  	_ =	shalt  }
0x75: {  	_ =	shalt  }
0x76: {  	_ =	shalt  }
0x77: {  	_ =	shalt  }
0x78: {  	_ =	shalt  }
0x79: {  	_ =	shalt  }
0x7a: {  	_ =	shalt  }
0x7b: {  	_ =	shalt  }
0x7c: {  	_ =	shalt  }
0x7d: {  	_ =	shalt  }
0x7e: {  	_ =	shalt  }
0x7f: {  	_ =	shalt  }
0x80: {  	_ =	shalt  }
0x81: {  	_ =	shalt  }
0x82: {  	_ =	shalt  }
0x83: {  	_ =	shalt  }
0x84: {  	_ =	shalt  }
0x85: {  	_ =	shalt  }
0x86: {  	_ =	shalt  }
0x87: {  	_ =	shalt  }
.Lfunc_end0:
.L_simem_size_0:
called_computation.4_lowered:
.L_overlay_start_0:
0x88: {  	s2 =	sld [smem:$0x3FD9]  }
0x89: {  	s3 =	sld [smem:$0x3FFE];
	_ =	sdelay $0x1  }
0x8a: {  	s1 =	srdreg.scid  }
0x8b: {  	s0 =	sand.u32 $0x1, s1  }
0x8c: {  	s16 =	sshll.u32 s0, $0xA;
	s2 =	sadd.s32 s3, s2  }
0x8d: {  	s2 =	sadd.s32 s2, s16  }
0x8e: {  	[smem:$0x3FB0] =	sst s2  }
0x8f: {  	_ = 	snop  }
0x90: {  	(tm) =	ssettm $0x1  }
0x91: {  	s17 =	sld [smem:$0x3FFB];
	_ =	sdelay $0x3  }
0x92: {  	_ =	strace s17  }
0x93: {  	s2 =	sld [smem:$0x3FFC];
	_ =	sdelay $0x3  }
0x94: {  	_ =	strace s2  }
0x95: {  	s2 =	sld [smem:$0x3FFD];
	_ =	sdelay $0x3  }
0x96: {  	_ =	strace s2  }
0x97: {  	_ =	strace $0x8FFFFFFF  }
0x98: {  	s18 =	sld [smem:$0x3FDB];
	_ =	sdelay $0x1  }
0x99: {  	s19 =	simm.s32 $_scs_section_size  }
0x9a: {  	s4 =	simm.s32 $_size__tile_overlayer_lowered;
	s5 =	simm.s32 $_tile_overlayer_lowered  }
0x9b: {  	s22 =	simm.s32 $0x1BFF;
	s21 =	sshll.u32 s5, $0x1;
	s2 =	sadd.s32 s19, s18  }
0x9c: {  	s6 =	simm.s32 $0x0;
	s20 =	sshll.u32 s4, $0x1;
	s4 =	sadd.s32 s21, s2  }
0x9d: {  	[timem:s6], [sflag:s22] =	dma.local [hbm:s4], s20  }
0x9e: {  	_ =	swait.ge [sflag:s22], s20  }
0x9f: {  	s3 =	ssub.s32 $0x0, s20;
	[sflag:s22] =	ssyncset.done $0x0  }
0xa0: {  	[sflag:s22] =	ssyncadd.s32 s3;
	_ =	sdelay $0x1  }
0xa1: {  	s23 =	simm.s32 $0x1B8B  }
0xa2: {  	_ =	swait.ge [sflag:s23], $0x1  }
0xa3: {  	[sflag:s23] =	ssyncset.done $0x0  }
0xa4: {  	s25 =	simm.s32 $0x1B8E;
	s24 =	sld [smem:$0x3FFE];
	[sflag:s23] =	ssyncadd.s32 $0xFFFFFFFF  }
0xa5: {  	s26 =	simm.s32 $execute0_lowered;
	[smem:$0x3FD2] =	sst s25  }
0xa6: {  	s4 =	sshll.u32 s26, $0x1;
	_ =	strace $0x80000052;
	[dreg:$0x1] =	wrdreg $0xFFFFFFFF  }
0xa7: {  	s28 =	simm.s32 $_size_execute0_lowered;
	s2 =	sadd.s32 s2, s4;
	[dreg:$0x0] =	wrdreg $0x0  }
0xa8: {  	s4 =	sshll.u32 s28, $0x1;
	[dreg:$0x2] =	wrdreg s2  }
0xa9: {  	[dreg:$0x3] =	wrdreg s4  }
0xaa: {  	[dreg:$0x4] =	wrdreg $0xC0  }
0xab: {  	_ =	task [dreg:s6], $0x5FFFF  }
0xac: {  	[dreg:$0x1] =	wrdreg $0xFFFFFFFF  }
0xad: {  	[dreg:$0x0] =	wrdreg $0x60  }
0xae: {  	[dreg:$0x2] =	wrdreg s24  }
0xaf: {  	[dreg:$0x3] =	wrdreg $0x91800  }
0xb0: {  	[dreg:$0x4] =	wrdreg $0x9  }
0xb1: {  	_ =	task.clear_ibuf [dreg:s6], $0x5FFFF;
	_ =	strace $0x90000052  }
0xb2: {  	s29 =	simm.s32 $0x9;
	_ =	strace $0x80000054  }
0xb3: {  	_ =	swait.ge [sflag:s29], $0x1  }
0xb4: {  	[sflag:s29] =	ssyncadd.s32 $0xFFFFFFFF  }
0xb5: {  	_ =	strace $0x90000054  }
0xb6: {  	_ =	sfence  }
0xb7: {  	s30 =	sld [smem:$0x0];
	_ =	sdelay $0x2  }
0xb8: {  	s31 =	sshll.u32 s1, $0xD;
	s1 =	sshrl.u32 s1, $0x2  }
0xb9: {  	s3 =	sand.u32 $0x4000, s31;
	s1 =	sadd.s32 s1, s30  }
0xba: {  	s0 =	sor.u32 s3, s0;
	s1 =	sshll.u32 s1, $0x11  }
0xbb: {  	s0 =	sor.u32 s1, s0  }
0xbc: {  	s0 =	sadd.s32 $0x8F2B, s0  }
0xbd: {  	[sflag:s0] =	ssyncadd.remote.s32 $0x1  }
0xbe: {  	_ =	sfence.sel $0xFFFF  }
0xbf: {  	[dreg:$0x0] =	wrdreg $0xFFFFFFFF;
	(pc) =	sbr.abs _section_cstart, $3  }
0xc0: {  	[dreg:$0x1] =	wrdreg $0xFFFFFFFF  }
0xc1: {  	_ =	task.clear_ibuf [dreg:s6], $0x2FFFF;
	_ =	strace $0x9FFFFFFF  }
0xc2: {  	(tm) =	ssettm $0x7FFFFFFF  }
0xc3: {  	_ =	shalt  }
tec
execute0_lowered:
.L_overlay_start_1:
0x0: {  	(tag) =	ssettag $0x1  }
0x1: {  	s11 =	rddreg [dreg:$0x0]  }
0x2: {  	s1 =	rddreg [dreg:$0x1]  }
0x3: {  	s0 =	rddreg [dreg:$0x2]  }
0x4: {  	s3 =	simm.s32 $0x0;
	s4 =	srdreg.scid;
	s2 =	stileid.u32  }
0x5: {  	s17 =	simm.s32 $0x80;
	s18 =	simm.s32 $0x180;
	s19 =	simm.s32 $0x980  }
0x6: {  	s20 =	simm.s32 $0x100;
	s21 =	simm.s32 $0x1180;
	s22 =	simm.s32 $0x5180  }
0x7: {  	s23 =	simm.s32 $0x1;
	s24 =	simm.s32 $0x2;
	[smem:$0x7FF] =	sst s3  }
0x8: {  	s12 =	sand.u32 $0x1, s4;
	s13 =	smul.u32 $0x13880, s2;
	s4 =	sadd.s32 $0x3AE200, s11  }
0x9: {  	s5 =	sadd.s32 $0x6C800, s11;
	s6 =	sadd.s32 $0x71800, s11;
	s7 =	sadd.s32 $0x84AC00, s11  }
0xa: {  	s8 =	sadd.s32 $0x7FAC00, s11;
	s9 =	sadd.s32 $0x9BE00, s11;
	s16 =	sshll.u32 s2, $0x1  }
0xb: {  	s30 =	sshll.u32 s2, $0x6;
	_ =	strace $0x80000053;
	s10 =	smul.u32 $0x138800, s12  }
0xc: {  	s15 =	ssub.s32 $0x2, s12;
	s12 =	sor.u32 s12, s16;
	s16 =	simm.s32 $0x3  }
0xd: {  	s29 =	sshrl.u32 s15, $0x1;
	s31 =	sadd.s32 s13, s1;
	s14 =	sadd.s32 s13, s10  }
0xe: {  	s12 =	smul.u32 $0x1400, s12;
	s10 =	sadd.s32 $0x52E00, s11;
	s14 =	sshrl.u32 s14, $0x3  }
0xf: {  	s15 =	ssub.s32 s15, s29;
	s14 =	sadd.s32 s14, s11;
	s11 =	sor.u32 $0x1C03, s30  }
0x10: {  	s13 =	sadd.s32 $0x6BB600, s14;
	s14 =	smax.u32 s15, $0x1;
	s15 =	sshrl.u32 s31, $0x3  }
.LBB2_1:
0x11: {  	[spmem:s15], [sflag:s11] =	dma.local [hbm:s10], $0x2710  }
0x12: {  	_ =	swait.ge [sflag:s16], $0x2710  }
0x13: {  	[sflag:s16] =	ssyncset.done $0x0  }
0x14: {  	[sflag:s16] =	ssyncadd.s32 $0xFFFFD8F0  }
0x15: {  	s25 =	simm.s32 $0x0;
	[bflag:$0x0] =	sbarrier.arrive $0xFFFF  }
.LBB2_2:
0x16: {  	s26 =	sshll.u32 s25, $0x7  }
0x17: {  	s26 =	sadd.s32 s12, s26  }
0x18: {  	s28 =	sshrl.u32 s26, $0x3  }
0x19: {  	s30 =	simm.s32 $0x0;
	s29 =	sadd.s32 s5, s28  }
0x1a: {  	[tilespmem:s30], [sflag:$0x3] =	stream.linear.gather [hbm4b:s29+s30], $0x80, $0x38;
	[tilespmem:$0x1CA00] =	vst v63  }
0x1b: {  	_ =	swait.ge [sflag:s16], $0x80  }
0x1c: {  	[sflag:s16] =	ssyncset.done $0x0  }
0x1d: {  	s29 =	sadd.s32 s6, s28;
	[sflag:s16] =	ssyncadd.s32 $0xFFFFFF80  }
0x1e: {  	[tilespmem:s17], [sflag:$0x3] =	stream.linear.gather [hbm4b:s29+s30], $0x80, $0x38;
	[tilespmem:$0x1CA00] =	vst v63  }
0x1f: {  	_ =	swait.ge [sflag:s16], $0x80  }
0x20: {  	s26 =	sshll.u32 s26, $0x1;
	[sflag:s16] =	ssyncset.done $0x0  }
0x21: {  	s29 =	sadd.s32 s7, s26;
	[sflag:s16] =	ssyncadd.s32 $0xFFFFFF80  }
0x22: {  	[tilespmem:s18], [sflag:$0x3] =	stream.linear.gather [hbm4b:s29+s30], $0x800, $0x38;
	[tilespmem:$0x1CA00] =	vst v63  }
0x23: {  	_ =	swait.ge [sflag:s16], $0x800  }
0x24: {  	[sflag:s16] =	ssyncset.done $0x0  }
0x25: {  	s26 =	sadd.s32 s8, s26;
	[sflag:s16] =	ssyncadd.s32 $0xFFFFF800  }
0x26: {  	[tilespmem:s19], [sflag:$0x3] =	stream.linear.gather [hbm4b:s26+s30], $0x800, $0x38;
	[tilespmem:$0x1CA00] =	vst v63  }
0x27: {  	_ =	swait.ge [sflag:s16], $0x800  }
0x28: {  	[sflag:s16] =	ssyncset.done $0x0  }
0x29: {  	s31 =	sadd.s32 s9, s28;
	[sflag:s16] =	ssyncadd.s32 $0xFFFFF800  }
0x2a: {  	[tilespmem:s20], [sflag:$0x3] =	stream.linear.gather [hbm4b:s31+s30], $0x80, $0x38;
	[tilespmem:$0x1CA00] =	vst v63  }
0x2b: {  	_ =	swait.ge [sflag:s16], $0x80  }
0x2c: {  	[sflag:s16] =	ssyncset.done $0x0  }
0x2d: {  	[sflag:s16] =	ssyncadd.s32 $0xFFFFFF80  }
0x2e: {  	[tilespmem:s21], [sflag:$0x1] =	stream.indirect.gather [hbm4b:s4+s17], $0x80, s30, s17, $0xb8;
	[tilespmem:$0x1CA00] =	vst v63  }
0x2f: {  	_ = 	snop  }
0x30: {  	[tilespmem:s22], [sflag:$0x2] =	stream.indirect.gather [hbm4b:s4+s17], $0x80, s17, s17, $0xb8;
	[tilespmem:$0x1CA00] =	vst v63  }
0x31: {  	_ =	swait.ge [sflag:s23], $0x4000  }
0x32: {  	[sflag:s23] =	ssyncset.done $0x0  }
0x33: {  	[sflag:s23] =	ssyncadd.s32 $0xFFFFC000  }
0x34: {  	_ =	swait.ge [sflag:s24], $0x4000  }
0x35: {  	[sflag:s24] =	ssyncset.done $0x0  }
0x36: {  	s26 =	simm.s32 $0x11C0;
	[sflag:s24] =	ssyncadd.s32 $0xFFFFC000  }
0x37: {  	s28 =	simm.s32 $0x51C0;
	v0 =	vld [tilespmem:s26+$0xFFFFFFC0]  }
0x38: {  	s29 =	simm.s32 $0x0;
	v1 =	vld [tilespmem:s28+$0xFFFFFFC0]  }
0x39: {  	v2 =	vld [tilespmem:s29+$0x180]  }
0x3a: {  	v3 =	vld [tilespmem:s29+$0x980];
	_ =	sdelay $0x4  }
0x3b: {  	v0 =	vmul.f32 v0, v2;
	v1 =	vmul.f32 v1, v3;
	_ =	sdelay $0x1  }
0x3c: {  	v0 =	vadd.f32 v1, v0;
	_ =	sdelay $0x1  }
0x3d: {  	[tilespmem:s26+$0xFFFFFFC0] =	vst v0;
	v0 =	vld [tilespmem:s26+$0xFFFFFFD0]  }
0x3e: {  	v1 =	vld [tilespmem:s28+$0xFFFFFFD0];
	_ =	sdelay $0x4  }
0x3f: {  	v0 =	vmul.f32 v0, v2;
	v1 =	vmul.f32 v1, v3;
	_ =	sdelay $0x1  }
0x40: {  	v0 =	vadd.f32 v1, v0;
	_ =	sdelay $0x1  }
0x41: {  	[tilespmem:s26+$0xFFFFFFD0] =	vst v0;
	v0 =	vld [tilespmem:s26+$0xFFFFFFE0]  }
0x42: {  	v1 =	vld [tilespmem:s28+$0xFFFFFFE0];
	_ =	sdelay $0x4  }
0x43: {  	v0 =	vmul.f32 v0, v2;
	v1 =	vmul.f32 v1, v3;
	_ =	sdelay $0x1  }
0x44: {  	v0 =	vadd.f32 v1, v0;
	_ =	sdelay $0x1  }
0x45: {  	[tilespmem:s26+$0xFFFFFFE0] =	vst v0;
	v0 =	vld [tilespmem:s26+$0xFFFFFFF0]  }
0x46: {  	v1 =	vld [tilespmem:s28+$0xFFFFFFF0];
	_ =	sdelay $0x4  }
0x47: {  	v0 =	vmul.f32 v0, v2;
	v1 =	vmul.f32 v1, v3;
	_ =	sdelay $0x1  }
0x48: {  	v0 =	vadd.f32 v1, v0;
	_ =	sdelay $0x1  }
0x49: {  	[tilespmem:s26+$0xFFFFFFF0] =	vst v0;
	v0 =	vld [tilespmem:s26+$0x0]  }
0x4a: {  	v1 =	vld [tilespmem:s28+$0x0];
	_ =	sdelay $0x4  }
0x4b: {  	v0 =	vmul.f32 v0, v2;
	v1 =	vmul.f32 v1, v3;
	_ =	sdelay $0x1  }
0x4c: {  	v0 =	vadd.f32 v1, v0;
	_ =	sdelay $0x1  }
0x4d: {  	[tilespmem:s26+$0x0] =	vst v0;
	v0 =	vld [tilespmem:s26+$0x10]  }
0x4e: {  	v1 =	vld [tilespmem:s28+$0x10];
	_ =	sdelay $0x4  }
0x4f: {  	v0 =	vmul.f32 v0, v2;
	v1 =	vmul.f32 v1, v3;
	_ =	sdelay $0x1  }
0x50: {  	v0 =	vadd.f32 v1, v0;
	_ =	sdelay $0x1  }
0x51: {  	[tilespmem:s26+$0x10] =	vst v0;
	v0 =	vld [tilespmem:s26+$0x20]  }
0x52: {  	v1 =	vld [tilespmem:s28+$0x20];
	_ =	sdelay $0x4  }
0x53: {  	v0 =	vmul.f32 v0, v2;
	v1 =	vmul.f32 v1, v3;
	_ =	sdelay $0x1  }
0x54: {  	v0 =	vadd.f32 v1, v0;
	_ =	sdelay $0x1  }
0x55: {  	[tilespmem:s26+$0x20] =	vst v0;
	v0 =	vld [tilespmem:s26+$0x30]  }
0x56: {  	v1 =	vld [tilespmem:s28+$0x30];
	_ =	sdelay $0x4  }
0x57: {  	v0 =	vmul.f32 v0, v2;
	v1 =	vmul.f32 v1, v3;
	_ =	sdelay $0x1  }
0x58: {  	s30 =	simm.s32 $0x11C0;
	s29 =	simm.s32 $0x40;
	v0 =	vadd.f32 v1, v0  }
.LBB2_3:
0x59: {  	p0 =	sne.s32 s29, $0x1FC0;
	s28 =	sadd.s32 $0x80, s28;
	s26 =	sadd.s32 $0x80, s26  }
0x5a: {  	s31 =	smov.u32 s29;
	s29 =	sadd.s32 $0x40, s29;
	v1 =	vld [tilespmem:s26+$0xFFFFFFC0];
	[tilespmem:s30+$0x30] =	vst v0;
	s30 =	smov.u32 s26  }
0x5b: {  	s31 =	sshra.s32 s31, $0x2;
	v0 =	vld [tilespmem:s28+$0xFFFFFFC0]  }
0x5c: {  	v2 =	vld [tilespmem:s31+$0x180]  }
0x5d: {  	v3 =	vld [tilespmem:s31+$0x980];
	_ =	sdelay $0x3  }
0x5e: {  	v1 =	vmul.f32 v1, v2  }
0x5f: {  	v0 =	vmul.f32 v0, v3;
	_ =	sdelay $0x1  }
0x60: {  	v0 =	vadd.f32 v0, v1;
	_ =	sdelay $0x1  }
0x61: {  	[tilespmem:s26+$0xFFFFFFC0] =	vst v0;
	v0 =	vld [tilespmem:s26+$0xFFFFFFD0]  }
0x62: {  	v1 =	vld [tilespmem:s28+$0xFFFFFFD0];
	_ =	sdelay $0x3  }
0x63: {  	v0 =	vmul.f32 v0, v2  }
0x64: {  	v1 =	vmul.f32 v1, v3;
	_ =	sdelay $0x1  }
0x65: {  	v0 =	vadd.f32 v1, v0;
	_ =	sdelay $0x1  }
0x66: {  	[tilespmem:s26+$0xFFFFFFD0] =	vst v0;
	v0 =	vld [tilespmem:s26+$0xFFFFFFE0]  }
0x67: {  	v1 =	vld [tilespmem:s28+$0xFFFFFFE0];
	_ =	sdelay $0x3  }
0x68: {  	v0 =	vmul.f32 v0, v2  }
0x69: {  	v1 =	vmul.f32 v1, v3;
	_ =	sdelay $0x1  }
0x6a: {  	v0 =	vadd.f32 v1, v0;
	_ =	sdelay $0x1  }
0x6b: {  	[tilespmem:s26+$0xFFFFFFE0] =	vst v0;
	v0 =	vld [tilespmem:s26+$0xFFFFFFF0]  }
0x6c: {  	v1 =	vld [tilespmem:s28+$0xFFFFFFF0];
	_ =	sdelay $0x3  }
0x6d: {  	v0 =	vmul.f32 v0, v2  }
0x6e: {  	v1 =	vmul.f32 v1, v3;
	_ =	sdelay $0x1  }
0x6f: {  	v0 =	vadd.f32 v1, v0;
	_ =	sdelay $0x1  }
0x70: {  	[tilespmem:s26+$0xFFFFFFF0] =	vst v0;
	v0 =	vld [tilespmem:s26+$0x0]  }
0x71: {  	v1 =	vld [tilespmem:s28+$0x0];
	_ =	sdelay $0x3  }
0x72: {  	v0 =	vmul.f32 v0, v2  }
0x73: {  	v1 =	vmul.f32 v1, v3;
	_ =	sdelay $0x1  }
0x74: {  	v0 =	vadd.f32 v1, v0;
	_ =	sdelay $0x1  }
0x75: {  	[tilespmem:s26+$0x0] =	vst v0;
	v0 =	vld [tilespmem:s26+$0x10]  }
0x76: {  	v1 =	vld [tilespmem:s28+$0x10];
	_ =	sdelay $0x3  }
0x77: {  	v0 =	vmul.f32 v0, v2  }
0x78: {  	v1 =	vmul.f32 v1, v3;
	_ =	sdelay $0x1  }
0x79: {  	v0 =	vadd.f32 v1, v0;
	_ =	sdelay $0x1  }
0x7a: {  	[tilespmem:s26+$0x10] =	vst v0;
	v0 =	vld [tilespmem:s26+$0x20]  }
0x7b: {  	v1 =	vld [tilespmem:s28+$0x20];
	_ =	sdelay $0x3  }
0x7c: {  	v0 =	vmul.f32 v0, v2  }
0x7d: {  	v1 =	vmul.f32 v1, v3;
	_ =	sdelay $0x1  }
0x7e: {  	v0 =	vadd.f32 v1, v0;
	_ =	sdelay $0x1  }
0x7f: {  	[tilespmem:s26+$0x20] =	vst v0;
	v0 =	vld [tilespmem:s26+$0x30]  }
0x80: {  	v1 =	vld [tilespmem:s28+$0x30];
	_ =	sdelay $0x2  }
.Ltmp0:
0x81: {  	(pc) =	sbr.rel @p0 .LBB2_3-.Ltmp0, $3  }
0x82: {  	v0 =	vmul.f32 v0, v2  }
0x83: {  	v1 =	vmul.f32 v1, v3;
	_ =	sdelay $0x1  }
0x84: {  	v0 =	vadd.f32 v1, v0  }
0x85: {  	s25 =	sadd.s32 $0x1, s25  }
0x86: {  	p0 =	sne.s32 s25, $0x28  }
.Ltmp1:
0x87: {  	[tilespmem:s30+$0x30] =	vst v0;
	(pc) =	sbr.rel @p0 .LBB2_2-.Ltmp1, $4  }
0x88: {  	[spmem:s1] =	stream.indirect.scatter.add.f32 [tilespmem:s21], [sflag:$0x3], $0x80, s20, s17, $0xb8;
	[tilespmem:$0x1CA00] =	vst v63  }
0x89: {  	_ =	swait.ge [sflag:s16], $0x4000  }
0x8a: {  	[sflag:s16] =	ssyncset.done $0x0  }
0x8b: {  	[sflag:s16] =	ssyncadd.s32 $0xFFFFC000  }
0x8c: {  	s3 =	sadd.s32 $0x1, s3  }
0x8d: {  	p0 =	sne.s32 s3, s14  }
.Ltmp2:
0x8e: {  	[bflag:$0x0] =	sbarrier.arrive $0xFFFF;
	(pc) =	sbr.rel @p0 .LBB2_1-.Ltmp2, $4  }
0x8f: {  	[hbm:s13], [sflag:s11] =	dma.local [spmem:s15], $0x2710  }
0x90: {  	_ =	swait.ge [sflag:s16], $0x2710  }
0x91: {  	[sflag:s16] =	ssyncset.done $0x0  }
0x92: {  	[sflag:s16] =	ssyncadd.s32 $0xFFFFD8F0  }
0x93: {  	_ =	sfence.sel $0x180000  }
0x94: {  	[bflag:$0x0] =	sbarrier.arrive $0xFFFF  }
0x95: {  	p0 =	sne.s32 s2, $0x0;
	_ =	strace $0x90000053  }
0x96: {  	s0 =	sadd.s32 @!p0 $0x100000, s0;
	[bflag:$0x2] =	sbarrier.arrive $0xFFFF  }
0x97: {  	[sflag:s0] =	ssyncadd.tile.s32 @!p0 $0x1;
	_ =	shalt  }
.Lfunc_end2:
_tile_overlayer_lowered:
.L_overlay_start_2:
0x98: {  	(tag) =	ssettag $0x2  }
0x99: {  	s0 =	rddreg [dreg:$0x0];
	s2 =	stileid.u32  }
0x9a: {  	s1 =	rddreg [dreg:$0x1];
	p0 =	sne.s32 s2, $0x0  }
0x9b: {  	s3 =	rddreg [dreg:$0x2];
	[bflag:$0x3] =	sbarrier.arrive $0xFFFF;
	s2 =	simm.s32 @!p0 $0x1C03  }
0x9c: {  	[timem:s3], [sflag:s2] =	dma.local @!p0 [hbm:s0], s1  }
0x9d: {  	s0 =	simm.s32 @!p0 $0x3  }
0x9e: {  	_ =	swait.ge @!p0 [sflag:s0], s1  }
0x9f: {  	s1 =	ssub.s32 @!p0 $0x0, s1;
	[sflag:s0] =	ssyncset.done @!p0 $0x0  }
0xa0: {  	[sflag:s0] =	ssyncadd.s32 @!p0 s1  }
0xa1: {  	[bflag:$0x3] =	sbarrier.arrive $0xFFFF  }
0xa2: {  	_ =	shalt  }

// kernel: kernel.41.cloned.1.call-start
scs
__scs_entry_jumppad:
0x0: {  	(pc) =	sbr.rel $0x88, $3  }
0x1: {  	(tag) =	ssettag $0x0;
	lr =	simm.s32 $0x1  }
0x2: {  	[smem:$0x3F89] =	sst lr;
	_ =	strace $0xD0000000  }
0x3: {  	_ = 	snop  }
0x4: {  	_ = 	snop  }
0x5: {  	_ = 	snop  }
0x6: {  	_ = 	snop  }
0x7: {  	_ = 	snop  }
__scs_overlays_trampoline_lowered:
0x8: {  	[smem:$0x3F98] =	sst s0  }
0x9: {  	[smem:$0x3F99] =	sst s1  }
0xa: {  	[smem:$0x3F9A] =	sst s2  }
0xb: {  	[smem:$0x3F9B] =	sst s3  }
0xc: {  	[smem:$0x3F9C] =	sst s4  }
0xd: {  	[smem:$0x3F9D] =	sst s5  }
0xe: {  	[smem:$0x3F9E] =	sst s6  }
0xf: {  	[smem:$0x3F9F] =	sst s7  }
0x10: {  	[smem:$0x3FA0] =	sst s8  }
0x11: {  	[smem:$0x3FA1] =	sst s9;
	s0 =	simm.s32 @!p0 $0x0  }
0x12: {  	s1 =	sld [smem:$0x3F87];
	s0 =	simm.s32 @p0 $0x1  }
0x13: {  	[smem:$0x3FA2] =	sst s0;
	s0 =	simm.s32 @!p1 $0x0  }
0x14: {  	s2 =	sld [smem:$0x3F86];
	s0 =	simm.s32 @p1 $0x1  }
0x15: {  	[smem:$0x3FA3] =	sst s0;
	s0 =	simm.s32 @!p2 $0x0  }
0x16: {  	s3 =	sld [smem:$0x3FDB];
	s0 =	simm.s32 @p2 $0x1  }
0x17: {  	s4 =	simm.s32 $0x1BF5;
	[smem:$0x3FA5] =	sst s0  }
0x18: {  	s0 =	sld [smem:$0x3F88];
	_ =	swait.ge [sflag:s4], $0x0  }
0x19: {  	s7 =	sld [smem:$0x3F89]  }
0x1a: {  	s8 =	sadd.s32 $0xFFFFE003, lr  }
0x1b: {  	s9 =	sadd.s32 $0xFFFFFEF7, lr;
	s5 =	simm.s32 $0xFFFFFFFF;
	p2 =	slt.u32 s8, $0xFFFFF086  }
0x1c: {  	p1 =	slt.u32 s9, $0xF7A;
	s5 =	simm.s32 @!p2 $0x0  }
0x1d: {  	s5 =	simm.s32 @p1 $0x1;
	p0 =	seq.s32 s7, s2  }
0x1e: {  	s7 =	smul.u32 @!p0 $0xF7A, s2;
	p2 =	seq.s32 @!p0 s5, $0x0  }
0x1f: {  	s9 =	smul.u32 $0xF7A, s1;
	s8 =	simm.s32 @!p0 $0x1BF5;
	p2 =	por !p2, p0  }
0x20: {  	[sflag:s8] =	ssyncset.s32 @!p0 $0xFFFFF086;
	s6 =	sadd.s32 @!p0 s3, s7;
	s7 =	simm.s32 @!p0 $0x108  }
0x21: {  	s3 =	sadd.s32 s3, s9;
	s6 =	sadd.s32 @!p0 $0x88, s6;
	s7 =	simm.s32 @p2 $0x1082  }
0x22: {  	[simem:s7], [sflag:s8] =	dma.local @!p0 [hbm:s6], $0xF7A  }
0x23: {  	s9 =	sor.u32 $0xD0000000, s2;
	s6 =	simm.s32 $0x108;
	_ =	swait.ge @!p0 [sflag:s8], $0x0  }
0x24: {  	s3 =	sadd.s32 $0x88, s3;
	s6 =	simm.s32 @!p1 $0x1082;
	[sflag:s4] =	ssyncset.s32 $0xFFFFF086  }
0x25: {  	[simem:s6], [sflag:s4] =	dma.local [hbm:s3], $0xF7A  }
0x26: {  	[smem:$0x3F89] =	sst s1;
	(tag) =	ssettag s2;
	_ =	strace s9  }
0x27: {  	s1 =	sld [smem:$0x3F99]  }
0x28: {  	s2 =	sld [smem:$0x3F9A]  }
0x29: {  	s4 =	sld [smem:$0x3F9C]  }
0x2a: {  	p0 =	seq.s32 s5, $0x0;
	s5 =	sld [smem:$0x3F9D]  }
0x2b: {  	s6 =	sld [smem:$0x3F9E]  }
0x2c: {  	s7 =	sld [smem:$0x3F9F]  }
0x2d: {  	s3 =	simm.s32 $0x108;
	s8 =	sld [smem:$0x3FA0]  }
0x2e: {  	s3 =	simm.s32 @!p0 $0x1082;
	s9 =	sld [smem:$0x3FA1]  }
0x2f: {  	lr =	sadd.s32 s0, s3;
	s0 =	sld [smem:$0x3F98]  }
0x30: {  	s3 =	sld [smem:$0x3F9B]  }
0x31: {  	[smem:$0x3FA4] =	sst s10  }
0x32: {  	s10 =	sld [smem:$0x3FA2];
	_ =	sdelay $0x3  }
0x33: {  	p0 =	seq.s32 s10, $0x1;
	s10 =	sld [smem:$0x3FA4];
	_ =	sdelay $0x3  }
0x34: {  	[smem:$0x3FA4] =	sst s10  }
0x35: {  	s10 =	sld [smem:$0x3FA3];
	_ =	sdelay $0x3  }
0x36: {  	p1 =	seq.s32 s10, $0x1;
	s10 =	sld [smem:$0x3FA4];
	_ =	sdelay $0x3  }
0x37: {  	[smem:$0x3FA4] =	sst s10  }
0x38: {  	s10 =	sld [smem:$0x3FA5]  }
0x39: {  	_ = 	snop;
	(pc) =	sbr.ind lr, $3  }
0x3a: {  	_ = 	snop  }
0x3b: {  	_ = 	snop  }
0x3c: {  	p2 =	seq.s32 s10, $0x1;
	s10 =	sld [smem:$0x3FA4]  }
0x3d: {  	_ =	shalt  }
0x3e: {  	_ =	shalt  }
0x3f: {  	_ =	shalt  }
0x40: {  	_ =	shalt  }
0x41: {  	_ =	shalt  }
0x42: {  	_ =	shalt  }
0x43: {  	_ =	shalt  }
0x44: {  	_ =	shalt  }
0x45: {  	_ =	shalt  }
0x46: {  	_ =	shalt  }
0x47: {  	_ =	shalt  }
0x48: {  	_ =	shalt  }
0x49: {  	_ =	shalt  }
0x4a: {  	_ =	shalt  }
0x4b: {  	_ =	shalt  }
0x4c: {  	_ =	shalt  }
0x4d: {  	_ =	shalt  }
0x4e: {  	_ =	shalt  }
0x4f: {  	_ =	shalt  }
0x50: {  	_ =	shalt  }
0x51: {  	_ =	shalt  }
0x52: {  	_ =	shalt  }
0x53: {  	_ =	shalt  }
0x54: {  	_ =	shalt  }
0x55: {  	_ =	shalt  }
0x56: {  	_ =	shalt  }
0x57: {  	_ =	shalt  }
0x58: {  	_ =	shalt  }
0x59: {  	_ =	shalt  }
0x5a: {  	_ =	shalt  }
0x5b: {  	_ =	shalt  }
0x5c: {  	_ =	shalt  }
0x5d: {  	_ =	shalt  }
0x5e: {  	_ =	shalt  }
0x5f: {  	_ =	shalt  }
0x60: {  	_ =	shalt  }
0x61: {  	_ =	shalt  }
0x62: {  	_ =	shalt  }
0x63: {  	_ =	shalt  }
0x64: {  	_ =	shalt  }
0x65: {  	_ =	shalt  }
0x66: {  	_ =	shalt  }
0x67: {  	_ =	shalt  }
0x68: {  	_ =	shalt  }
0x69: {  	_ =	shalt  }
0x6a: {  	_ =	shalt  }
0x6b: {  	_ =	shalt  }
0x6c: {  	_ =	shalt  }
0x6d: {  	_ =	shalt  }
0x6e: {  	_ =	shalt  }
0x6f: {  	_ =	shalt  }
0x70: {  	_ =	shalt  }
0x71: {  	_ =	shalt  }
0x72: {  	_ =	shalt  }
0x73: {  	_ =	shalt  }
0x74: {  	_ =	shalt  }
0x75: {  	_ =	shalt  }
0x76: {  	_ =	shalt  }
0x77: {  	_ =	shalt  }
0x78: {  	_ =	shalt  }
0x79: {  	_ =	shalt  }
0x7a: {  	_ =	shalt  }
0x7b: {  	_ =	shalt  }
0x7c: {  	_ =	shalt  }
0x7d: {  	_ =	shalt  }
0x7e: {  	_ =	shalt  }
0x7f: {  	_ =	shalt  }
0x80: {  	_ =	shalt  }
0x81: {  	_ =	shalt  }
0x82: {  	_ =	shalt  }
0x83: {  	_ =	shalt  }
0x84: {  	_ =	shalt  }
0x85: {  	_ =	shalt  }
0x86: {  	_ =	shalt  }
0x87: {  	_ =	shalt  }
.Lfunc_end0:
.L_simem_size_0:
called_computation.5_lowered:
.L_overlay_start_0:
0x88: {  	s2 =	sld [smem:$0x3FD9]  }
0x89: {  	s3 =	sld [smem:$0x3FFE];
	_ =	sdelay $0x1  }
0x8a: {  	s1 =	srdreg.scid  }
0x8b: {  	s0 =	sand.u32 $0x1, s1  }
0x8c: {  	s16 =	sshll.u32 s0, $0xA;
	s2 =	sadd.s32 s3, s2  }
0x8d: {  	s2 =	sadd.s32 s2, s16  }
0x8e: {  	[smem:$0x3FB0] =	sst s2  }
0x8f: {  	_ = 	snop  }
0x90: {  	(tm) =	ssettm $0x1  }
0x91: {  	s17 =	sld [smem:$0x3FFB];
	_ =	sdelay $0x3  }
0x92: {  	_ =	strace s17  }
0x93: {  	s2 =	sld [smem:$0x3FFC];
	_ =	sdelay $0x3  }
0x94: {  	_ =	strace s2  }
0x95: {  	s2 =	sld [smem:$0x3FFD];
	_ =	sdelay $0x3  }
0x96: {  	_ =	strace s2  }
0x97: {  	_ =	strace $0x8FFFFFFF  }
0x98: {  	s18 =	sld [smem:$0x3FDB];
	_ =	sdelay $0x1  }
0x99: {  	s19 =	simm.s32 $_scs_section_size  }
0x9a: {  	s4 =	simm.s32 $_size__tile_overlayer_lowered;
	s5 =	simm.s32 $_tile_overlayer_lowered  }
0x9b: {  	s22 =	simm.s32 $0x1BFF;
	s21 =	sshll.u32 s5, $0x1;
	s2 =	sadd.s32 s19, s18  }
0x9c: {  	s6 =	simm.s32 $0x0;
	s20 =	sshll.u32 s4, $0x1;
	s4 =	sadd.s32 s21, s2  }
0x9d: {  	[timem:s6], [sflag:s22] =	dma.local [hbm:s4], s20  }
0x9e: {  	_ =	swait.ge [sflag:s22], s20  }
0x9f: {  	s3 =	ssub.s32 $0x0, s20;
	[sflag:s22] =	ssyncset.done $0x0  }
0xa0: {  	[sflag:s22] =	ssyncadd.s32 s3;
	_ =	sdelay $0x1  }
0xa1: {  	s23 =	simm.s32 $0x1B8B  }
0xa2: {  	_ =	swait.ge [sflag:s23], $0x1  }
0xa3: {  	[sflag:s23] =	ssyncset.done $0x0  }
0xa4: {  	s25 =	simm.s32 $0x1B8E;
	s24 =	sld [smem:$0x3FFE];
	[sflag:s23] =	ssyncadd.s32 $0xFFFFFFFF  }
0xa5: {  	s26 =	simm.s32 $execute0_lowered;
	[smem:$0x3FD2] =	sst s25  }
0xa6: {  	s4 =	sshll.u32 s26, $0x1;
	_ =	strace $0x80000055;
	[dreg:$0x1] =	wrdreg $0xFFFFFFFF  }
0xa7: {  	s28 =	simm.s32 $_size_execute0_lowered;
	s2 =	sadd.s32 s2, s4;
	[dreg:$0x0] =	wrdreg $0x0  }
0xa8: {  	s4 =	sshll.u32 s28, $0x1;
	[dreg:$0x2] =	wrdreg s2  }
0xa9: {  	[dreg:$0x3] =	wrdreg s4  }
0xaa: {  	[dreg:$0x4] =	wrdreg $0xC0  }
0xab: {  	_ =	task [dreg:s6], $0x5FFFF  }
0xac: {  	[dreg:$0x1] =	wrdreg $0xFFFFFFFF  }
0xad: {  	[dreg:$0x0] =	wrdreg $0x60  }
0xae: {  	[dreg:$0x2] =	wrdreg s24  }
0xaf: {  	[dreg:$0x3] =	wrdreg $0x51800  }
0xb0: {  	[dreg:$0x4] =	wrdreg $0x9  }
0xb1: {  	_ =	task.clear_ibuf [dreg:s6], $0x5FFFF;
	_ =	strace $0x90000055  }
0xb2: {  	s29 =	simm.s32 $0x9;
	_ =	strace $0x80000057  }
0xb3: {  	_ =	swait.ge [sflag:s29], $0x1  }
0xb4: {  	[sflag:s29] =	ssyncadd.s32 $0xFFFFFFFF  }
0xb5: {  	_ =	strace $0x90000057  }
0xb6: {  	_ =	sfence  }
0xb7: {  	s30 =	sld [smem:$0x0];
	_ =	sdelay $0x2  }
0xb8: {  	s31 =	sshll.u32 s1, $0xD;
	s1 =	sshrl.u32 s1, $0x2  }
0xb9: {  	s3 =	sand.u32 $0x4000, s31;
	s1 =	sadd.s32 s1, s30  }
0xba: {  	s0 =	sor.u32 s3, s0;
	s1 =	sshll.u32 s1, $0x11  }
0xbb: {  	s0 =	sor.u32 s1, s0  }
0xbc: {  	s0 =	sadd.s32 $0x8F2B, s0  }
0xbd: {  	[sflag:s0] =	ssyncadd.remote.s32 $0x1  }
0xbe: {  	_ =	sfence.sel $0xFFFF  }
0xbf: {  	[dreg:$0x0] =	wrdreg $0xFFFFFFFF;
	(pc) =	sbr.abs _section_cstart, $3  }
0xc0: {  	[dreg:$0x1] =	wrdreg $0xFFFFFFFF  }
0xc1: {  	_ =	task.clear_ibuf [dreg:s6], $0x2FFFF;
	_ =	strace $0x9FFFFFFF  }
0xc2: {  	(tm) =	ssettm $0x7FFFFFFF  }
0xc3: {  	_ =	shalt  }
tec
execute0_lowered:
.L_overlay_start_1:
0x0: {  	(tag) =	ssettag $0x1  }
0x1: {  	s11 =	rddreg [dreg:$0x0]  }
0x2: {  	s1 =	rddreg [dreg:$0x1]  }
0x3: {  	s0 =	rddreg [dreg:$0x2]  }
0x4: {  	s3 =	simm.s32 $0x0;
	s4 =	srdreg.scid;
	s2 =	stileid.u32  }
0x5: {  	s17 =	simm.s32 $0x80;
	s18 =	simm.s32 $0x180;
	s19 =	simm.s32 $0x980  }
0x6: {  	s20 =	simm.s32 $0x100;
	s21 =	simm.s32 $0x1180;
	s22 =	simm.s32 $0x3180  }
0x7: {  	s23 =	simm.s32 $0x1;
	s24 =	simm.s32 $0x2;
	[smem:$0x7FF] =	sst s3  }
0x8: {  	s12 =	sand.u32 $0x1, s4;
	s13 =	smul.u32 $0x9C40, s2;
	s4 =	sadd.s32 $0x227800, s11  }
0x9: {  	s5 =	sadd.s32 $0x6C800, s11;
	s6 =	sadd.s32 $0x71800, s11;
	s7 =	sadd.s32 $0x84AC00, s11  }
0xa: {  	s8 =	sadd.s32 $0x7FAC00, s11;
	s9 =	sadd.s32 $0x9BE00, s11;
	s16 =	sshll.u32 s2, $0x1  }
0xb: {  	s30 =	sshll.u32 s2, $0x6;
	_ =	strace $0x80000056;
	s10 =	smul.u32 $0x9C400, s12  }
0xc: {  	s15 =	ssub.s32 $0x2, s12;
	s12 =	sor.u32 s12, s16;
	s16 =	simm.s32 $0x3  }
0xd: {  	s29 =	sshrl.u32 s15, $0x1;
	s31 =	sadd.s32 s13, s1;
	s14 =	sadd.s32 s13, s10  }
0xe: {  	s12 =	smul.u32 $0x1400, s12;
	s10 =	sadd.s32 $0x76800, s11;
	s14 =	sshrl.u32 s14, $0x3  }
0xf: {  	s15 =	ssub.s32 s15, s29;
	s14 =	sadd.s32 s14, s11;
	s11 =	sor.u32 $0x1C03, s30  }
0x10: {  	s13 =	sadd.s32 $0x4A00, s14;
	s14 =	smax.u32 s15, $0x1;
	s15 =	sshrl.u32 s31, $0x3  }
.LBB2_1:
0x11: {  	[spmem:s15], [sflag:s11] =	dma.local [hbm:s10], $0x1388  }
0x12: {  	_ =	swait.ge [sflag:s16], $0x1388  }
0x13: {  	[sflag:s16] =	ssyncset.done $0x0  }
0x14: {  	[sflag:s16] =	ssyncadd.s32 $0xFFFFEC78  }
0x15: {  	s25 =	simm.s32 $0x0;
	[bflag:$0x0] =	sbarrier.arrive $0xFFFF  }
.LBB2_2:
0x16: {  	s26 =	sshll.u32 s25, $0x7  }
0x17: {  	s26 =	sadd.s32 s12, s26  }
0x18: {  	s28 =	sshrl.u32 s26, $0x3  }
0x19: {  	s30 =	simm.s32 $0x0;
	s29 =	sadd.s32 s5, s28  }
0x1a: {  	[tilespmem:s30], [sflag:$0x3] =	stream.linear.gather [hbm4b:s29+s30], $0x80, $0x38;
	[tilespmem:$0xEDC0] =	vst v63  }
0x1b: {  	_ =	swait.ge [sflag:s16], $0x80  }
0x1c: {  	[sflag:s16] =	ssyncset.done $0x0  }
0x1d: {  	s29 =	sadd.s32 s6, s28;
	[sflag:s16] =	ssyncadd.s32 $0xFFFFFF80  }
0x1e: {  	[tilespmem:s17], [sflag:$0x3] =	stream.linear.gather [hbm4b:s29+s30], $0x80, $0x38;
	[tilespmem:$0xEDC0] =	vst v63  }
0x1f: {  	_ =	swait.ge [sflag:s16], $0x80  }
0x20: {  	s26 =	sshll.u32 s26, $0x1;
	[sflag:s16] =	ssyncset.done $0x0  }
0x21: {  	s29 =	sadd.s32 s7, s26;
	[sflag:s16] =	ssyncadd.s32 $0xFFFFFF80  }
0x22: {  	[tilespmem:s18], [sflag:$0x3] =	stream.linear.gather [hbm4b:s29+s30], $0x800, $0x38;
	[tilespmem:$0xEDC0] =	vst v63  }
0x23: {  	_ =	swait.ge [sflag:s16], $0x800  }
0x24: {  	[sflag:s16] =	ssyncset.done $0x0  }
0x25: {  	s26 =	sadd.s32 s8, s26;
	[sflag:s16] =	ssyncadd.s32 $0xFFFFF800  }
0x26: {  	[tilespmem:s19], [sflag:$0x3] =	stream.linear.gather [hbm4b:s26+s30], $0x800, $0x38;
	[tilespmem:$0xEDC0] =	vst v63  }
0x27: {  	_ =	swait.ge [sflag:s16], $0x800  }
0x28: {  	[sflag:s16] =	ssyncset.done $0x0  }
0x29: {  	s31 =	sadd.s32 s9, s28;
	[sflag:s16] =	ssyncadd.s32 $0xFFFFF800  }
0x2a: {  	[tilespmem:s20], [sflag:$0x3] =	stream.linear.gather [hbm4b:s31+s30], $0x80, $0x38;
	[tilespmem:$0xEDC0] =	vst v63  }
0x2b: {  	_ =	swait.ge [sflag:s16], $0x80  }
0x2c: {  	[sflag:s16] =	ssyncset.done $0x0  }
0x2d: {  	[sflag:s16] =	ssyncadd.s32 $0xFFFFFF80  }
0x2e: {  	[tilespmem:s21], [sflag:$0x1] =	stream.indirect.gather [hbm4b:s4+s17], $0x40, s30, s17, $0xb8;
	[tilespmem:$0xEDC0] =	vst v63  }
0x2f: {  	_ = 	snop  }
0x30: {  	[tilespmem:s22], [sflag:$0x2] =	stream.indirect.gather [hbm4b:s4+s17], $0x40, s17, s17, $0xb8;
	[tilespmem:$0xEDC0] =	vst v63  }
0x31: {  	_ =	swait.ge [sflag:s23], $0x2000  }
0x32: {  	[sflag:s23] =	ssyncset.done $0x0  }
0x33: {  	[sflag:s23] =	ssyncadd.s32 $0xFFFFE000  }
0x34: {  	_ =	swait.ge [sflag:s24], $0x2000  }
0x35: {  	[sflag:s24] =	ssyncset.done $0x0  }
0x36: {  	s26 =	simm.s32 $0x11A0;
	[sflag:s24] =	ssyncadd.s32 $0xFFFFE000  }
0x37: {  	s28 =	simm.s32 $0x31A0;
	v0 =	vld [tilespmem:s26+$0xFFFFFFE0]  }
0x38: {  	s29 =	simm.s32 $0x0;
	v1 =	vld [tilespmem:s28+$0xFFFFFFE0]  }
0x39: {  	v2 =	vld [tilespmem:s29+$0x180]  }
0x3a: {  	v3 =	vld [tilespmem:s29+$0x980];
	_ =	sdelay $0x4  }
0x3b: {  	v0 =	vmul.f32 v0, v2;
	v1 =	vmul.f32 v1, v3;
	_ =	sdelay $0x1  }
0x3c: {  	v0 =	vadd.f32 v1, v0;
	_ =	sdelay $0x1  }
0x3d: {  	[tilespmem:s26+$0xFFFFFFE0] =	vst v0;
	v0 =	vld [tilespmem:s26+$0xFFFFFFF0]  }
0x3e: {  	v1 =	vld [tilespmem:s28+$0xFFFFFFF0];
	_ =	sdelay $0x4  }
0x3f: {  	v0 =	vmul.f32 v0, v2;
	v1 =	vmul.f32 v1, v3;
	_ =	sdelay $0x1  }
0x40: {  	v0 =	vadd.f32 v1, v0;
	_ =	sdelay $0x1  }
0x41: {  	[tilespmem:s26+$0xFFFFFFF0] =	vst v0;
	v0 =	vld [tilespmem:s26+$0x0]  }
0x42: {  	v1 =	vld [tilespmem:s28+$0x0];
	_ =	sdelay $0x4  }
0x43: {  	v0 =	vmul.f32 v0, v2;
	v1 =	vmul.f32 v1, v3;
	_ =	sdelay $0x1  }
0x44: {  	v0 =	vadd.f32 v1, v0;
	_ =	sdelay $0x1  }
0x45: {  	[tilespmem:s26+$0x0] =	vst v0;
	v0 =	vld [tilespmem:s26+$0x10]  }
0x46: {  	v1 =	vld [tilespmem:s28+$0x10];
	_ =	sdelay $0x4  }
0x47: {  	v0 =	vmul.f32 v0, v2;
	v1 =	vmul.f32 v1, v3;
	_ =	sdelay $0x1  }
0x48: {  	s30 =	simm.s32 $0x11A0;
	s29 =	simm.s32 $0x40;
	v0 =	vadd.f32 v1, v0  }
.LBB2_3:
0x49: {  	p0 =	sne.s32 s29, $0x1FC0;
	s26 =	sadd.s32 $0x40, s26;
	s28 =	sadd.s32 $0x40, s28  }
0x4a: {  	s31 =	smov.u32 s29;
	s29 =	sadd.s32 $0x40, s29;
	v1 =	vld [tilespmem:s26+$0xFFFFFFE0];
	[tilespmem:s30+$0x10] =	vst v0;
	s30 =	smov.u32 s26  }
0x4b: {  	s31 =	sshra.s32 s31, $0x2;
	v0 =	vld [tilespmem:s28+$0xFFFFFFE0]  }
0x4c: {  	v2 =	vld [tilespmem:s31+$0x180]  }
0x4d: {  	v3 =	vld [tilespmem:s31+$0x980];
	_ =	sdelay $0x3  }
0x4e: {  	v1 =	vmul.f32 v1, v2  }
0x4f: {  	v0 =	vmul.f32 v0, v3;
	_ =	sdelay $0x1  }
0x50: {  	v0 =	vadd.f32 v0, v1;
	_ =	sdelay $0x1  }
0x51: {  	[tilespmem:s26+$0xFFFFFFE0] =	vst v0;
	v0 =	vld [tilespmem:s26+$0xFFFFFFF0]  }
0x52: {  	v1 =	vld [tilespmem:s28+$0xFFFFFFF0];
	_ =	sdelay $0x3  }
0x53: {  	v0 =	vmul.f32 v0, v2  }
0x54: {  	v1 =	vmul.f32 v1, v3;
	_ =	sdelay $0x1  }
0x55: {  	v0 =	vadd.f32 v1, v0;
	_ =	sdelay $0x1  }
0x56: {  	[tilespmem:s26+$0xFFFFFFF0] =	vst v0;
	v0 =	vld [tilespmem:s26+$0x0]  }
0x57: {  	v1 =	vld [tilespmem:s28+$0x0];
	_ =	sdelay $0x3  }
0x58: {  	v0 =	vmul.f32 v0, v2  }
0x59: {  	v1 =	vmul.f32 v1, v3;
	_ =	sdelay $0x1  }
0x5a: {  	v0 =	vadd.f32 v1, v0;
	_ =	sdelay $0x1  }
0x5b: {  	[tilespmem:s26+$0x0] =	vst v0;
	v0 =	vld [tilespmem:s26+$0x10]  }
0x5c: {  	v1 =	vld [tilespmem:s28+$0x10];
	_ =	sdelay $0x2  }
.Ltmp0:
0x5d: {  	(pc) =	sbr.rel @p0 .LBB2_3-.Ltmp0, $3  }
0x5e: {  	v0 =	vmul.f32 v0, v2  }
0x5f: {  	v1 =	vmul.f32 v1, v3;
	_ =	sdelay $0x1  }
0x60: {  	v0 =	vadd.f32 v1, v0  }
0x61: {  	s25 =	sadd.s32 $0x1, s25  }
0x62: {  	p0 =	sne.s32 s25, $0x28  }
.Ltmp1:
0x63: {  	[tilespmem:s30+$0x10] =	vst v0;
	(pc) =	sbr.rel @p0 .LBB2_2-.Ltmp1, $4  }
0x64: {  	[spmem:s1] =	stream.indirect.scatter.add.f32 [tilespmem:s21], [sflag:$0x3], $0x40, s20, s17, $0xb8;
	[tilespmem:$0xEDC0] =	vst v63  }
0x65: {  	_ =	swait.ge [sflag:s16], $0x2000  }
0x66: {  	[sflag:s16] =	ssyncset.done $0x0  }
0x67: {  	[sflag:s16] =	ssyncadd.s32 $0xFFFFE000  }
0x68: {  	s3 =	sadd.s32 $0x1, s3  }
0x69: {  	p0 =	sne.s32 s3, s14  }
.Ltmp2:
0x6a: {  	[bflag:$0x0] =	sbarrier.arrive $0xFFFF;
	(pc) =	sbr.rel @p0 .LBB2_1-.Ltmp2, $4  }
0x6b: {  	[hbm:s13], [sflag:s11] =	dma.local [spmem:s15], $0x1388  }
0x6c: {  	_ =	swait.ge [sflag:s16], $0x1388  }
0x6d: {  	[sflag:s16] =	ssyncset.done $0x0  }
0x6e: {  	[sflag:s16] =	ssyncadd.s32 $0xFFFFEC78  }
0x6f: {  	_ =	sfence.sel $0x180000  }
0x70: {  	[bflag:$0x0] =	sbarrier.arrive $0xFFFF  }
0x71: {  	p0 =	sne.s32 s2, $0x0;
	_ =	strace $0x90000056  }
0x72: {  	s0 =	sadd.s32 @!p0 $0x100000, s0;
	[bflag:$0x2] =	sbarrier.arrive $0xFFFF  }
0x73: {  	[sflag:s0] =	ssyncadd.tile.s32 @!p0 $0x1;
	_ =	shalt  }
.Lfunc_end2:
_tile_overlayer_lowered:
.L_overlay_start_2:
0x74: {  	(tag) =	ssettag $0x2  }
0x75: {  	s0 =	rddreg [dreg:$0x0];
	s2 =	stileid.u32  }
0x76: {  	s1 =	rddreg [dreg:$0x1];
	p0 =	sne.s32 s2, $0x0  }
0x77: {  	s3 =	rddreg [dreg:$0x2];
	[bflag:$0x3] =	sbarrier.arrive $0xFFFF;
	s2 =	simm.s32 @!p0 $0x1C03  }
0x78: {  	[timem:s3], [sflag:s2] =	dma.local @!p0 [hbm:s0], s1  }
0x79: {  	s0 =	simm.s32 @!p0 $0x3  }
0x7a: {  	_ =	swait.ge @!p0 [sflag:s0], s1  }
0x7b: {  	s1 =	ssub.s32 @!p0 $0x0, s1;
	[sflag:s0] =	ssyncset.done @!p0 $0x0  }
0x7c: {  	[sflag:s0] =	ssyncadd.s32 @!p0 s1  }
0x7d: {  	[bflag:$0x3] =	sbarrier.arrive $0xFFFF  }
0x7e: {  	_ =	shalt  }

// kernel: kernel.44.cloned.1.call-start
scs
__scs_entry_jumppad:
0x0: {  	(pc) =	sbr.rel $0x88, $3  }
0x1: {  	(tag) =	ssettag $0x0;
	lr =	simm.s32 $0x1  }
0x2: {  	[smem:$0x3F89] =	sst lr;
	_ =	strace $0xD0000000  }
0x3: {  	_ = 	snop  }
0x4: {  	_ = 	snop  }
0x5: {  	_ = 	snop  }
0x6: {  	_ = 	snop  }
0x7: {  	_ = 	snop  }
__scs_overlays_trampoline_lowered:
0x8: {  	[smem:$0x3F98] =	sst s0  }
0x9: {  	[smem:$0x3F99] =	sst s1  }
0xa: {  	[smem:$0x3F9A] =	sst s2  }
0xb: {  	[smem:$0x3F9B] =	sst s3  }
0xc: {  	[smem:$0x3F9C] =	sst s4  }
0xd: {  	[smem:$0x3F9D] =	sst s5  }
0xe: {  	[smem:$0x3F9E] =	sst s6  }
0xf: {  	[smem:$0x3F9F] =	sst s7  }
0x10: {  	[smem:$0x3FA0] =	sst s8  }
0x11: {  	[smem:$0x3FA1] =	sst s9;
	s0 =	simm.s32 @!p0 $0x0  }
0x12: {  	s1 =	sld [smem:$0x3F87];
	s0 =	simm.s32 @p0 $0x1  }
0x13: {  	[smem:$0x3FA2] =	sst s0;
	s0 =	simm.s32 @!p1 $0x0  }
0x14: {  	s2 =	sld [smem:$0x3F86];
	s0 =	simm.s32 @p1 $0x1  }
0x15: {  	[smem:$0x3FA3] =	sst s0;
	s0 =	simm.s32 @!p2 $0x0  }
0x16: {  	s3 =	sld [smem:$0x3FDB];
	s0 =	simm.s32 @p2 $0x1  }
0x17: {  	s4 =	simm.s32 $0x1BF5;
	[smem:$0x3FA5] =	sst s0  }
0x18: {  	s0 =	sld [smem:$0x3F88];
	_ =	swait.ge [sflag:s4], $0x0  }
0x19: {  	s7 =	sld [smem:$0x3F89]  }
0x1a: {  	s8 =	sadd.s32 $0xFFFFE003, lr  }
0x1b: {  	s9 =	sadd.s32 $0xFFFFFEF7, lr;
	s5 =	simm.s32 $0xFFFFFFFF;
	p2 =	slt.u32 s8, $0xFFFFF086  }
0x1c: {  	p1 =	slt.u32 s9, $0xF7A;
	s5 =	simm.s32 @!p2 $0x0  }
0x1d: {  	s5 =	simm.s32 @p1 $0x1;
	p0 =	seq.s32 s7, s2  }
0x1e: {  	s7 =	smul.u32 @!p0 $0xF7A, s2;
	p2 =	seq.s32 @!p0 s5, $0x0  }
0x1f: {  	s9 =	smul.u32 $0xF7A, s1;
	s8 =	simm.s32 @!p0 $0x1BF5;
	p2 =	por !p2, p0  }
0x20: {  	[sflag:s8] =	ssyncset.s32 @!p0 $0xFFFFF086;
	s6 =	sadd.s32 @!p0 s3, s7;
	s7 =	simm.s32 @!p0 $0x108  }
0x21: {  	s3 =	sadd.s32 s3, s9;
	s6 =	sadd.s32 @!p0 $0x88, s6;
	s7 =	simm.s32 @p2 $0x1082  }
0x22: {  	[simem:s7], [sflag:s8] =	dma.local @!p0 [hbm:s6], $0xF7A  }
0x23: {  	s9 =	sor.u32 $0xD0000000, s2;
	s6 =	simm.s32 $0x108;
	_ =	swait.ge @!p0 [sflag:s8], $0x0  }
0x24: {  	s3 =	sadd.s32 $0x88, s3;
	s6 =	simm.s32 @!p1 $0x1082;
	[sflag:s4] =	ssyncset.s32 $0xFFFFF086  }
0x25: {  	[simem:s6], [sflag:s4] =	dma.local [hbm:s3], $0xF7A  }
0x26: {  	[smem:$0x3F89] =	sst s1;
	(tag) =	ssettag s2;
	_ =	strace s9  }
0x27: {  	s1 =	sld [smem:$0x3F99]  }
0x28: {  	s2 =	sld [smem:$0x3F9A]  }
0x29: {  	s4 =	sld [smem:$0x3F9C]  }
0x2a: {  	p0 =	seq.s32 s5, $0x0;
	s5 =	sld [smem:$0x3F9D]  }
0x2b: {  	s6 =	sld [smem:$0x3F9E]  }
0x2c: {  	s7 =	sld [smem:$0x3F9F]  }
0x2d: {  	s3 =	simm.s32 $0x108;
	s8 =	sld [smem:$0x3FA0]  }
0x2e: {  	s3 =	simm.s32 @!p0 $0x1082;
	s9 =	sld [smem:$0x3FA1]  }
0x2f: {  	lr =	sadd.s32 s0, s3;
	s0 =	sld [smem:$0x3F98]  }
0x30: {  	s3 =	sld [smem:$0x3F9B]  }
0x31: {  	[smem:$0x3FA4] =	sst s10  }
0x32: {  	s10 =	sld [smem:$0x3FA2];
	_ =	sdelay $0x3  }
0x33: {  	p0 =	seq.s32 s10, $0x1;
	s10 =	sld [smem:$0x3FA4];
	_ =	sdelay $0x3  }
0x34: {  	[smem:$0x3FA4] =	sst s10  }
0x35: {  	s10 =	sld [smem:$0x3FA3];
	_ =	sdelay $0x3  }
0x36: {  	p1 =	seq.s32 s10, $0x1;
	s10 =	sld [smem:$0x3FA4];
	_ =	sdelay $0x3  }
0x37: {  	[smem:$0x3FA4] =	sst s10  }
0x38: {  	s10 =	sld [smem:$0x3FA5]  }
0x39: {  	_ = 	snop;
	(pc) =	sbr.ind lr, $3  }
0x3a: {  	_ = 	snop  }
0x3b: {  	_ = 	snop  }
0x3c: {  	p2 =	seq.s32 s10, $0x1;
	s10 =	sld [smem:$0x3FA4]  }
0x3d: {  	_ =	shalt  }
0x3e: {  	_ =	shalt  }
0x3f: {  	_ =	shalt  }
0x40: {  	_ =	shalt  }
0x41: {  	_ =	shalt  }
0x42: {  	_ =	shalt  }
0x43: {  	_ =	shalt  }
0x44: {  	_ =	shalt  }
0x45: {  	_ =	shalt  }
0x46: {  	_ =	shalt  }
0x47: {  	_ =	shalt  }
0x48: {  	_ =	shalt  }
0x49: {  	_ =	shalt  }
0x4a: {  	_ =	shalt  }
0x4b: {  	_ =	shalt  }
0x4c: {  	_ =	shalt  }
0x4d: {  	_ =	shalt  }
0x4e: {  	_ =	shalt  }
0x4f: {  	_ =	shalt  }
0x50: {  	_ =	shalt  }
0x51: {  	_ =	shalt  }
0x52: {  	_ =	shalt  }
0x53: {  	_ =	shalt  }
0x54: {  	_ =	shalt  }
0x55: {  	_ =	shalt  }
0x56: {  	_ =	shalt  }
0x57: {  	_ =	shalt  }
0x58: {  	_ =	shalt  }
0x59: {  	_ =	shalt  }
0x5a: {  	_ =	shalt  }
0x5b: {  	_ =	shalt  }
0x5c: {  	_ =	shalt  }
0x5d: {  	_ =	shalt  }
0x5e: {  	_ =	shalt  }
0x5f: {  	_ =	shalt  }
0x60: {  	_ =	shalt  }
0x61: {  	_ =	shalt  }
0x62: {  	_ =	shalt  }
0x63: {  	_ =	shalt  }
0x64: {  	_ =	shalt  }
0x65: {  	_ =	shalt  }
0x66: {  	_ =	shalt  }
0x67: {  	_ =	shalt  }
0x68: {  	_ =	shalt  }
0x69: {  	_ =	shalt  }
0x6a: {  	_ =	shalt  }
0x6b: {  	_ =	shalt  }
0x6c: {  	_ =	shalt  }
0x6d: {  	_ =	shalt  }
0x6e: {  	_ =	shalt  }
0x6f: {  	_ =	shalt  }
0x70: {  	_ =	shalt  }
0x71: {  	_ =	shalt  }
0x72: {  	_ =	shalt  }
0x73: {  	_ =	shalt  }
0x74: {  	_ =	shalt  }
0x75: {  	_ =	shalt  }
0x76: {  	_ =	shalt  }
0x77: {  	_ =	shalt  }
0x78: {  	_ =	shalt  }
0x79: {  	_ =	shalt  }
0x7a: {  	_ =	shalt  }
0x7b: {  	_ =	shalt  }
0x7c: {  	_ =	shalt  }
0x7d: {  	_ =	shalt  }
0x7e: {  	_ =	shalt  }
0x7f: {  	_ =	shalt  }
0x80: {  	_ =	shalt  }
0x81: {  	_ =	shalt  }
0x82: {  	_ =	shalt  }
0x83: {  	_ =	shalt  }
0x84: {  	_ =	shalt  }
0x85: {  	_ =	shalt  }
0x86: {  	_ =	shalt  }
0x87: {  	_ =	shalt  }
.Lfunc_end0:
.L_simem_size_0:
called_computation.6_lowered:
.L_overlay_start_0:
0x88: {  	s2 =	sld [smem:$0x3FD9]  }
0x89: {  	s3 =	sld [smem:$0x3FFE];
	_ =	sdelay $0x1  }
0x8a: {  	s1 =	srdreg.scid  }
0x8b: {  	s0 =	sand.u32 $0x1, s1  }
0x8c: {  	s16 =	sshll.u32 s0, $0xA;
	s2 =	sadd.s32 s3, s2  }
0x8d: {  	s2 =	sadd.s32 s2, s16  }
0x8e: {  	[smem:$0x3FB0] =	sst s2  }
0x8f: {  	_ = 	snop  }
0x90: {  	(tm) =	ssettm $0x1  }
0x91: {  	s17 =	sld [smem:$0x3FFB];
	_ =	sdelay $0x3  }
0x92: {  	_ =	strace s17  }
0x93: {  	s2 =	sld [smem:$0x3FFC];
	_ =	sdelay $0x3  }
0x94: {  	_ =	strace s2  }
0x95: {  	s2 =	sld [smem:$0x3FFD];
	_ =	sdelay $0x3  }
0x96: {  	_ =	strace s2  }
0x97: {  	_ =	strace $0x8FFFFFFF  }
0x98: {  	s18 =	sld [smem:$0x3FDB];
	_ =	sdelay $0x1  }
0x99: {  	s19 =	simm.s32 $_scs_section_size  }
0x9a: {  	s4 =	simm.s32 $_size__tile_overlayer_lowered;
	s5 =	simm.s32 $_tile_overlayer_lowered  }
0x9b: {  	s22 =	simm.s32 $0x1BFF;
	s21 =	sshll.u32 s5, $0x1;
	s2 =	sadd.s32 s19, s18  }
0x9c: {  	s6 =	simm.s32 $0x0;
	s20 =	sshll.u32 s4, $0x1;
	s4 =	sadd.s32 s21, s2  }
0x9d: {  	[timem:s6], [sflag:s22] =	dma.local [hbm:s4], s20  }
0x9e: {  	_ =	swait.ge [sflag:s22], s20  }
0x9f: {  	s3 =	ssub.s32 $0x0, s20;
	[sflag:s22] =	ssyncset.done $0x0  }
0xa0: {  	[sflag:s22] =	ssyncadd.s32 s3;
	_ =	sdelay $0x1  }
0xa1: {  	s23 =	simm.s32 $0x1B8B  }
0xa2: {  	_ =	swait.ge [sflag:s23], $0x1  }
0xa3: {  	[sflag:s23] =	ssyncset.done $0x0  }
0xa4: {  	s25 =	simm.s32 $0x1B8E;
	s24 =	sld [smem:$0x3FFE];
	[sflag:s23] =	ssyncadd.s32 $0xFFFFFFFF  }
0xa5: {  	s26 =	simm.s32 $execute0_lowered;
	[smem:$0x3FD2] =	sst s25  }
0xa6: {  	s4 =	sshll.u32 s26, $0x1;
	_ =	strace $0x80000058;
	[dreg:$0x1] =	wrdreg $0xFFFFFFFF  }
0xa7: {  	s28 =	simm.s32 $_size_execute0_lowered;
	s2 =	sadd.s32 s2, s4;
	[dreg:$0x0] =	wrdreg $0x0  }
0xa8: {  	s4 =	sshll.u32 s28, $0x1;
	[dreg:$0x2] =	wrdreg s2  }
0xa9: {  	[dreg:$0x3] =	wrdreg s4  }
0xaa: {  	[dreg:$0x4] =	wrdreg $0xC0  }
0xab: {  	_ =	task [dreg:s6], $0x5FFFF  }
0xac: {  	[dreg:$0x1] =	wrdreg $0xFFFFFFFF  }
0xad: {  	[dreg:$0x0] =	wrdreg $0x60  }
0xae: {  	[dreg:$0x2] =	wrdreg s24  }
0xaf: {  	[dreg:$0x3] =	wrdreg $0x31800  }
0xb0: {  	[dreg:$0x4] =	wrdreg $0x9  }
0xb1: {  	_ =	task.clear_ibuf [dreg:s6], $0x5FFFF;
	_ =	strace $0x90000058  }
0xb2: {  	s29 =	simm.s32 $0x9;
	_ =	strace $0x8000005A  }
0xb3: {  	_ =	swait.ge [sflag:s29], $0x1  }
0xb4: {  	[sflag:s29] =	ssyncadd.s32 $0xFFFFFFFF  }
0xb5: {  	_ =	strace $0x9000005A  }
0xb6: {  	_ =	sfence  }
0xb7: {  	s30 =	sld [smem:$0x0];
	_ =	sdelay $0x2  }
0xb8: {  	s31 =	sshll.u32 s1, $0xD;
	s1 =	sshrl.u32 s1, $0x2  }
0xb9: {  	s3 =	sand.u32 $0x4000, s31;
	s1 =	sadd.s32 s1, s30  }
0xba: {  	s0 =	sor.u32 s3, s0;
	s1 =	sshll.u32 s1, $0x11  }
0xbb: {  	s0 =	sor.u32 s1, s0  }
0xbc: {  	s0 =	sadd.s32 $0x8F2B, s0  }
0xbd: {  	[sflag:s0] =	ssyncadd.remote.s32 $0x1  }
0xbe: {  	_ =	sfence.sel $0xFFFF  }
0xbf: {  	[dreg:$0x0] =	wrdreg $0xFFFFFFFF;
	(pc) =	sbr.abs _section_cstart, $3  }
0xc0: {  	[dreg:$0x1] =	wrdreg $0xFFFFFFFF  }
0xc1: {  	_ =	task.clear_ibuf [dreg:s6], $0x2FFFF;
	_ =	strace $0x9FFFFFFF  }
0xc2: {  	(tm) =	ssettm $0x7FFFFFFF  }
0xc3: {  	_ =	shalt  }
tec
execute0_lowered:
.L_overlay_start_1:
0x0: {  	(tag) =	ssettag $0x1  }
0x1: {  	s11 =	rddreg [dreg:$0x0]  }
0x2: {  	s1 =	rddreg [dreg:$0x1]  }
0x3: {  	s0 =	rddreg [dreg:$0x2]  }
0x4: {  	s3 =	simm.s32 $0x0;
	s4 =	srdreg.scid;
	s2 =	stileid.u32  }
0x5: {  	s17 =	simm.s32 $0x80;
	s18 =	simm.s32 $0x180;
	s19 =	simm.s32 $0x980  }
0x6: {  	s20 =	simm.s32 $0x100;
	s21 =	simm.s32 $0x1180;
	s22 =	simm.s32 $0x2180  }
0x7: {  	s23 =	simm.s32 $0x1;
	s24 =	simm.s32 $0x2;
	[smem:$0x7FF] =	sst s3  }
0x8: {  	s12 =	sand.u32 $0x1, s4;
	s13 =	smul.u32 $0x4E20, s2;
	s4 =	sadd.s32 $0x164400, s11  }
0x9: {  	s5 =	sadd.s32 $0x6C800, s11;
	s6 =	sadd.s32 $0x71800, s11;
	s7 =	sadd.s32 $0x84AC00, s11  }
0xa: {  	s8 =	sadd.s32 $0x7FAC00, s11;
	s9 =	sadd.s32 $0x9BE00, s11;
	s16 =	sshll.u32 s2, $0x1  }
0xb: {  	s30 =	sshll.u32 s2, $0x6;
	_ =	strace $0x80000059;
	s10 =	smul.u32 $0x4E200, s12  }
0xc: {  	s15 =	ssub.s32 $0x2, s12;
	s12 =	sor.u32 s12, s16;
	s16 =	simm.s32 $0x3  }
0xd: {  	s29 =	sshrl.u32 s15, $0x1;
	s31 =	sadd.s32 s13, s1;
	s14 =	sadd.s32 s13, s10  }
0xe: {  	s12 =	smul.u32 $0x1400, s12;
	s10 =	sadd.s32 $0x76800, s11;
	s14 =	sshrl.u32 s14, $0x3  }
0xf: {  	s15 =	ssub.s32 s15, s29;
	s14 =	sadd.s32 s14, s11;
	s11 =	sor.u32 $0x1C03, s30  }
0x10: {  	s13 =	sadd.s32 $0x77200, s14;
	s14 =	smax.u32 s15, $0x1;
	s15 =	sshrl.u32 s31, $0x3  }
.LBB2_1:
0x11: {  	[spmem:s15], [sflag:s11] =	dma.local [hbm:s10], $0x9C4  }
0x12: {  	_ =	swait.ge [sflag:s16], $0x9C4  }
0x13: {  	[sflag:s16] =	ssyncset.done $0x0  }
0x14: {  	[sflag:s16] =	ssyncadd.s32 $0xFFFFF63C  }
0x15: {  	s25 =	simm.s32 $0x0;
	[bflag:$0x0] =	sbarrier.arrive $0xFFFF  }
.LBB2_2:
0x16: {  	s26 =	sshll.u32 s25, $0x7  }
0x17: {  	s26 =	sadd.s32 s12, s26  }
0x18: {  	s28 =	sshrl.u32 s26, $0x3  }
0x19: {  	s30 =	simm.s32 $0x0;
	s29 =	sadd.s32 s5, s28  }
0x1a: {  	[tilespmem:s30], [sflag:$0x3] =	stream.linear.gather [hbm4b:s29+s30], $0x80, $0x38;
	[tilespmem:$0x7FA0] =	vst v63  }
0x1b: {  	_ =	swait.ge [sflag:s16], $0x80  }
0x1c: {  	[sflag:s16] =	ssyncset.done $0x0  }
0x1d: {  	s29 =	sadd.s32 s6, s28;
	[sflag:s16] =	ssyncadd.s32 $0xFFFFFF80  }
0x1e: {  	[tilespmem:s17], [sflag:$0x3] =	stream.linear.gather [hbm4b:s29+s30], $0x80, $0x38;
	[tilespmem:$0x7FA0] =	vst v63  }
0x1f: {  	_ =	swait.ge [sflag:s16], $0x80  }
0x20: {  	s26 =	sshll.u32 s26, $0x1;
	[sflag:s16] =	ssyncset.done $0x0  }
0x21: {  	s29 =	sadd.s32 s7, s26;
	[sflag:s16] =	ssyncadd.s32 $0xFFFFFF80  }
0x22: {  	[tilespmem:s18], [sflag:$0x3] =	stream.linear.gather [hbm4b:s29+s30], $0x800, $0x38;
	[tilespmem:$0x7FA0] =	vst v63  }
0x23: {  	_ =	swait.ge [sflag:s16], $0x800  }
0x24: {  	[sflag:s16] =	ssyncset.done $0x0  }
0x25: {  	s26 =	sadd.s32 s8, s26;
	[sflag:s16] =	ssyncadd.s32 $0xFFFFF800  }
0x26: {  	[tilespmem:s19], [sflag:$0x3] =	stream.linear.gather [hbm4b:s26+s30], $0x800, $0x38;
	[tilespmem:$0x7FA0] =	vst v63  }
0x27: {  	_ =	swait.ge [sflag:s16], $0x800  }
0x28: {  	[sflag:s16] =	ssyncset.done $0x0  }
0x29: {  	s31 =	sadd.s32 s9, s28;
	[sflag:s16] =	ssyncadd.s32 $0xFFFFF800  }
0x2a: {  	[tilespmem:s20], [sflag:$0x3] =	stream.linear.gather [hbm4b:s31+s30], $0x80, $0x38;
	[tilespmem:$0x7FA0] =	vst v63  }
0x2b: {  	_ =	swait.ge [sflag:s16], $0x80  }
0x2c: {  	[sflag:s16] =	ssyncset.done $0x0  }
0x2d: {  	[sflag:s16] =	ssyncadd.s32 $0xFFFFFF80  }
0x2e: {  	[tilespmem:s21], [sflag:$0x1] =	stream.indirect.gather [hbm4b:s4+s17], $0x20, s30, s17, $0xb8;
	[tilespmem:$0x7FA0] =	vst v63  }
0x2f: {  	_ = 	snop  }
0x30: {  	[tilespmem:s22], [sflag:$0x2] =	stream.indirect.gather [hbm4b:s4+s17], $0x20, s17, s17, $0xb8;
	[tilespmem:$0x7FA0] =	vst v63  }
0x31: {  	_ =	swait.ge [sflag:s23], $0x1000  }
0x32: {  	[sflag:s23] =	ssyncset.done $0x0  }
0x33: {  	[sflag:s23] =	ssyncadd.s32 $0xFFFFF000  }
0x34: {  	_ =	swait.ge [sflag:s24], $0x1000  }
0x35: {  	[sflag:s24] =	ssyncset.done $0x0  }
0x36: {  	s26 =	simm.s32 $0x1190;
	[sflag:s24] =	ssyncadd.s32 $0xFFFFF000  }
0x37: {  	s28 =	simm.s32 $0x2190;
	v0 =	vld [tilespmem:s26+$0xFFFFFFF0]  }
0x38: {  	s29 =	simm.s32 $0x0;
	v1 =	vld [tilespmem:s28+$0xFFFFFFF0]  }
0x39: {  	v2 =	vld [tilespmem:s29+$0x180]  }
0x3a: {  	v3 =	vld [tilespmem:s29+$0x980];
	_ =	sdelay $0x4  }
0x3b: {  	v0 =	vmul.f32 v0, v2;
	v1 =	vmul.f32 v1, v3;
	_ =	sdelay $0x1  }
0x3c: {  	v0 =	vadd.f32 v1, v0;
	_ =	sdelay $0x1  }
0x3d: {  	[tilespmem:s26+$0xFFFFFFF0] =	vst v0;
	v0 =	vld [tilespmem:s26+$0x0]  }
0x3e: {  	v1 =	vld [tilespmem:s28+$0x0];
	_ =	sdelay $0x4  }
0x3f: {  	v0 =	vmul.f32 v0, v2;
	v1 =	vmul.f32 v1, v3;
	_ =	sdelay $0x1  }
0x40: {  	s30 =	simm.s32 $0x1190;
	s29 =	simm.s32 $0x40;
	v0 =	vadd.f32 v1, v0  }
.LBB2_3:
0x41: {  	p0 =	sne.s32 s29, $0x1FC0;
	s26 =	sadd.s32 $0x20, s26;
	s28 =	sadd.s32 $0x20, s28  }
0x42: {  	s31 =	smov.u32 s29;
	s29 =	sadd.s32 $0x40, s29;
	v1 =	vld [tilespmem:s26+$0xFFFFFFF0];
	[tilespmem:s30+$0x0] =	vst v0;
	s30 =	smov.u32 s26  }
0x43: {  	s31 =	sshra.s32 s31, $0x2;
	v0 =	vld [tilespmem:s28+$0xFFFFFFF0]  }
0x44: {  	v2 =	vld [tilespmem:s31+$0x180]  }
0x45: {  	v3 =	vld [tilespmem:s31+$0x980];
	_ =	sdelay $0x3  }
0x46: {  	v1 =	vmul.f32 v1, v2  }
0x47: {  	v0 =	vmul.f32 v0, v3;
	_ =	sdelay $0x1  }
0x48: {  	v0 =	vadd.f32 v0, v1;
	_ =	sdelay $0x1  }
0x49: {  	[tilespmem:s26+$0xFFFFFFF0] =	vst v0;
	v0 =	vld [tilespmem:s26+$0x0]  }
0x4a: {  	v1 =	vld [tilespmem:s28+$0x0];
	_ =	sdelay $0x2  }
.Ltmp0:
0x4b: {  	(pc) =	sbr.rel @p0 .LBB2_3-.Ltmp0, $3  }
0x4c: {  	v0 =	vmul.f32 v0, v2  }
0x4d: {  	v1 =	vmul.f32 v1, v3;
	_ =	sdelay $0x1  }
0x4e: {  	v0 =	vadd.f32 v1, v0  }
0x4f: {  	s25 =	sadd.s32 $0x1, s25  }
0x50: {  	p0 =	sne.s32 s25, $0x28  }
.Ltmp1:
0x51: {  	[tilespmem:s30+$0x0] =	vst v0;
	(pc) =	sbr.rel @p0 .LBB2_2-.Ltmp1, $4  }
0x52: {  	[spmem:s1] =	stream.indirect.scatter.add.f32 [tilespmem:s21], [sflag:$0x3], $0x20, s20, s17, $0xb8;
	[tilespmem:$0x7FA0] =	vst v63  }
0x53: {  	_ =	swait.ge [sflag:s16], $0x1000  }
0x54: {  	[sflag:s16] =	ssyncset.done $0x0  }
0x55: {  	[sflag:s16] =	ssyncadd.s32 $0xFFFFF000  }
0x56: {  	s3 =	sadd.s32 $0x1, s3  }
0x57: {  	p0 =	sne.s32 s3, s14  }
.Ltmp2:
0x58: {  	[bflag:$0x0] =	sbarrier.arrive $0xFFFF;
	(pc) =	sbr.rel @p0 .LBB2_1-.Ltmp2, $4  }
0x59: {  	[hbm:s13], [sflag:s11] =	dma.local [spmem:s15], $0x9C4  }
0x5a: {  	_ =	swait.ge [sflag:s16], $0x9C4  }
0x5b: {  	[sflag:s16] =	ssyncset.done $0x0  }
0x5c: {  	[sflag:s16] =	ssyncadd.s32 $0xFFFFF63C  }
0x5d: {  	_ =	sfence.sel $0x180000  }
0x5e: {  	[bflag:$0x0] =	sbarrier.arrive $0xFFFF  }
0x5f: {  	p0 =	sne.s32 s2, $0x0;
	_ =	strace $0x90000059  }
0x60: {  	s0 =	sadd.s32 @!p0 $0x100000, s0;
	[bflag:$0x2] =	sbarrier.arrive $0xFFFF  }
0x61: {  	[sflag:s0] =	ssyncadd.tile.s32 @!p0 $0x1;
	_ =	shalt  }
.Lfunc_end2:
_tile_overlayer_lowered:
.L_overlay_start_2:
0x62: {  	(tag) =	ssettag $0x2  }
0x63: {  	s0 =	rddreg [dreg:$0x0];
	s2 =	stileid.u32  }
0x64: {  	s1 =	rddreg [dreg:$0x1];
	p0 =	sne.s32 s2, $0x0  }
0x65: {  	s3 =	rddreg [dreg:$0x2];
	[bflag:$0x3] =	sbarrier.arrive $0xFFFF;
	s2 =	simm.s32 @!p0 $0x1C03  }
0x66: {  	[timem:s3], [sflag:s2] =	dma.local @!p0 [hbm:s0], s1  }
0x67: {  	s0 =	simm.s32 @!p0 $0x3  }
0x68: {  	_ =	swait.ge @!p0 [sflag:s0], s1  }
0x69: {  	s1 =	ssub.s32 @!p0 $0x0, s1;
	[sflag:s0] =	ssyncset.done @!p0 $0x0  }
0x6a: {  	[sflag:s0] =	ssyncadd.s32 @!p0 s1  }
0x6b: {  	[bflag:$0x3] =	sbarrier.arrive $0xFFFF  }
0x6c: {  	_ =	shalt  }

// kernel: kernel.47.cloned.1.call-start
scs
__scs_entry_jumppad:
0x0: {  	(pc) =	sbr.rel $0x88, $3  }
0x1: {  	(tag) =	ssettag $0x0;
	lr =	simm.s32 $0x1  }
0x2: {  	[smem:$0x3F89] =	sst lr;
	_ =	strace $0xD0000000  }
0x3: {  	_ = 	snop  }
0x4: {  	_ = 	snop  }
0x5: {  	_ = 	snop  }
0x6: {  	_ = 	snop  }
0x7: {  	_ = 	snop  }
__scs_overlays_trampoline_lowered:
0x8: {  	[smem:$0x3F98] =	sst s0  }
0x9: {  	[smem:$0x3F99] =	sst s1  }
0xa: {  	[smem:$0x3F9A] =	sst s2  }
0xb: {  	[smem:$0x3F9B] =	sst s3  }
0xc: {  	[smem:$0x3F9C] =	sst s4  }
0xd: {  	[smem:$0x3F9D] =	sst s5  }
0xe: {  	[smem:$0x3F9E] =	sst s6  }
0xf: {  	[smem:$0x3F9F] =	sst s7  }
0x10: {  	[smem:$0x3FA0] =	sst s8  }
0x11: {  	[smem:$0x3FA1] =	sst s9;
	s0 =	simm.s32 @!p0 $0x0  }
0x12: {  	s1 =	sld [smem:$0x3F87];
	s0 =	simm.s32 @p0 $0x1  }
0x13: {  	[smem:$0x3FA2] =	sst s0;
	s0 =	simm.s32 @!p1 $0x0  }
0x14: {  	s2 =	sld [smem:$0x3F86];
	s0 =	simm.s32 @p1 $0x1  }
0x15: {  	[smem:$0x3FA3] =	sst s0;
	s0 =	simm.s32 @!p2 $0x0  }
0x16: {  	s3 =	sld [smem:$0x3FDB];
	s0 =	simm.s32 @p2 $0x1  }
0x17: {  	s4 =	simm.s32 $0x1BF5;
	[smem:$0x3FA5] =	sst s0  }
0x18: {  	s0 =	sld [smem:$0x3F88];
	_ =	swait.ge [sflag:s4], $0x0  }
0x19: {  	s7 =	sld [smem:$0x3F89]  }
0x1a: {  	s8 =	sadd.s32 $0xFFFFE003, lr  }
0x1b: {  	s9 =	sadd.s32 $0xFFFFFEF7, lr;
	s5 =	simm.s32 $0xFFFFFFFF;
	p2 =	slt.u32 s8, $0xFFFFF086  }
0x1c: {  	p1 =	slt.u32 s9, $0xF7A;
	s5 =	simm.s32 @!p2 $0x0  }
0x1d: {  	s5 =	simm.s32 @p1 $0x1;
	p0 =	seq.s32 s7, s2  }
0x1e: {  	s7 =	smul.u32 @!p0 $0xF7A, s2;
	p2 =	seq.s32 @!p0 s5, $0x0  }
0x1f: {  	s9 =	smul.u32 $0xF7A, s1;
	s8 =	simm.s32 @!p0 $0x1BF5;
	p2 =	por !p2, p0  }
0x20: {  	[sflag:s8] =	ssyncset.s32 @!p0 $0xFFFFF086;
	s6 =	sadd.s32 @!p0 s3, s7;
	s7 =	simm.s32 @!p0 $0x108  }
0x21: {  	s3 =	sadd.s32 s3, s9;
	s6 =	sadd.s32 @!p0 $0x88, s6;
	s7 =	simm.s32 @p2 $0x1082  }
0x22: {  	[simem:s7], [sflag:s8] =	dma.local @!p0 [hbm:s6], $0xF7A  }
0x23: {  	s9 =	sor.u32 $0xD0000000, s2;
	s6 =	simm.s32 $0x108;
	_ =	swait.ge @!p0 [sflag:s8], $0x0  }
0x24: {  	s3 =	sadd.s32 $0x88, s3;
	s6 =	simm.s32 @!p1 $0x1082;
	[sflag:s4] =	ssyncset.s32 $0xFFFFF086  }
0x25: {  	[simem:s6], [sflag:s4] =	dma.local [hbm:s3], $0xF7A  }
0x26: {  	[smem:$0x3F89] =	sst s1;
	(tag) =	ssettag s2;
	_ =	strace s9  }
0x27: {  	s1 =	sld [smem:$0x3F99]  }
0x28: {  	s2 =	sld [smem:$0x3F9A]  }
0x29: {  	s4 =	sld [smem:$0x3F9C]  }
0x2a: {  	p0 =	seq.s32 s5, $0x0;
	s5 =	sld [smem:$0x3F9D]  }
0x2b: {  	s6 =	sld [smem:$0x3F9E]  }
0x2c: {  	s7 =	sld [smem:$0x3F9F]  }
0x2d: {  	s3 =	simm.s32 $0x108;
	s8 =	sld [smem:$0x3FA0]  }
0x2e: {  	s3 =	simm.s32 @!p0 $0x1082;
	s9 =	sld [smem:$0x3FA1]  }
0x2f: {  	lr =	sadd.s32 s0, s3;
	s0 =	sld [smem:$0x3F98]  }
0x30: {  	s3 =	sld [smem:$0x3F9B]  }
0x31: {  	[smem:$0x3FA4] =	sst s10  }
0x32: {  	s10 =	sld [smem:$0x3FA2];
	_ =	sdelay $0x3  }
0x33: {  	p0 =	seq.s32 s10, $0x1;
	s10 =	sld [smem:$0x3FA4];
	_ =	sdelay $0x3  }
0x34: {  	[smem:$0x3FA4] =	sst s10  }
0x35: {  	s10 =	sld [smem:$0x3FA3];
	_ =	sdelay $0x3  }
0x36: {  	p1 =	seq.s32 s10, $0x1;
	s10 =	sld [smem:$0x3FA4];
	_ =	sdelay $0x3  }
0x37: {  	[smem:$0x3FA4] =	sst s10  }
0x38: {  	s10 =	sld [smem:$0x3FA5]  }
0x39: {  	_ = 	snop;
	(pc) =	sbr.ind lr, $3  }
0x3a: {  	_ = 	snop  }
0x3b: {  	_ = 	snop  }
0x3c: {  	p2 =	seq.s32 s10, $0x1;
	s10 =	sld [smem:$0x3FA4]  }
0x3d: {  	_ =	shalt  }
0x3e: {  	_ =	shalt  }
0x3f: {  	_ =	shalt  }
0x40: {  	_ =	shalt  }
0x41: {  	_ =	shalt  }
0x42: {  	_ =	shalt  }
0x43: {  	_ =	shalt  }
0x44: {  	_ =	shalt  }
0x45: {  	_ =	shalt  }
0x46: {  	_ =	shalt  }
0x47: {  	_ =	shalt  }
0x48: {  	_ =	shalt  }
0x49: {  	_ =	shalt  }
0x4a: {  	_ =	shalt  }
0x4b: {  	_ =	shalt  }
0x4c: {  	_ =	shalt  }
0x4d: {  	_ =	shalt  }
0x4e: {  	_ =	shalt  }
0x4f: {  	_ =	shalt  }
0x50: {  	_ =	shalt  }
0x51: {  	_ =	shalt  }
0x52: {  	_ =	shalt  }
0x53: {  	_ =	shalt  }
0x54: {  	_ =	shalt  }
0x55: {  	_ =	shalt  }
0x56: {  	_ =	shalt  }
0x57: {  	_ =	shalt  }
0x58: {  	_ =	shalt  }
0x59: {  	_ =	shalt  }
0x5a: {  	_ =	shalt  }
0x5b: {  	_ =	shalt  }
0x5c: {  	_ =	shalt  }
0x5d: {  	_ =	shalt  }
0x5e: {  	_ =	shalt  }
0x5f: {  	_ =	shalt  }
0x60: {  	_ =	shalt  }
0x61: {  	_ =	shalt  }
0x62: {  	_ =	shalt  }
0x63: {  	_ =	shalt  }
0x64: {  	_ =	shalt  }
0x65: {  	_ =	shalt  }
0x66: {  	_ =	shalt  }
0x67: {  	_ =	shalt  }
0x68: {  	_ =	shalt  }
0x69: {  	_ =	shalt  }
0x6a: {  	_ =	shalt  }
0x6b: {  	_ =	shalt  }
0x6c: {  	_ =	shalt  }
0x6d: {  	_ =	shalt  }
0x6e: {  	_ =	shalt  }
0x6f: {  	_ =	shalt  }
0x70: {  	_ =	shalt  }
0x71: {  	_ =	shalt  }
0x72: {  	_ =	shalt  }
0x73: {  	_ =	shalt  }
0x74: {  	_ =	shalt  }
0x75: {  	_ =	shalt  }
0x76: {  	_ =	shalt  }
0x77: {  	_ =	shalt  }
0x78: {  	_ =	shalt  }
0x79: {  	_ =	shalt  }
0x7a: {  	_ =	shalt  }
0x7b: {  	_ =	shalt  }
0x7c: {  	_ =	shalt  }
0x7d: {  	_ =	shalt  }
0x7e: {  	_ =	shalt  }
0x7f: {  	_ =	shalt  }
0x80: {  	_ =	shalt  }
0x81: {  	_ =	shalt  }
0x82: {  	_ =	shalt  }
0x83: {  	_ =	shalt  }
0x84: {  	_ =	shalt  }
0x85: {  	_ =	shalt  }
0x86: {  	_ =	shalt  }
0x87: {  	_ =	shalt  }
.Lfunc_end0:
.L_simem_size_0:
called_computation.7_lowered:
.L_overlay_start_0:
0x88: {  	s2 =	sld [smem:$0x3FD9]  }
0x89: {  	s3 =	sld [smem:$0x3FFE];
	_ =	sdelay $0x1  }
0x8a: {  	s1 =	srdreg.scid  }
0x8b: {  	s0 =	sand.u32 $0x1, s1  }
0x8c: {  	s17 =	sshll.u32 s0, $0xA;
	s2 =	sadd.s32 s3, s2  }
0x8d: {  	s2 =	sadd.s32 s2, s17  }
0x8e: {  	[smem:$0x3FB0] =	sst s2  }
0x8f: {  	_ = 	snop  }
0x90: {  	s2 =	sld [smem:$0x3FD0];
	(tm) =	ssettm $0x1  }
0x91: {  	s18 =	sld [smem:$0x3FFB];
	_ =	sdelay $0x3  }
0x92: {  	_ =	strace s18  }
0x93: {  	s3 =	sld [smem:$0x3FFC];
	_ =	sdelay $0x3  }
0x94: {  	_ =	strace s3  }
0x95: {  	s3 =	sld [smem:$0x3FFD];
	_ =	sdelay $0x3  }
0x96: {  	_ =	strace s3  }
0x97: {  	_ =	strace $0x8FFFFFFF  }
0x98: {  	s19 =	sld [smem:$0x3FDB];
	_ =	sdelay $0x1  }
0x99: {  	s4 =	simm.s32 $_scs_section_size  }
0x9a: {  	s5 =	simm.s32 $_size__tile_overlayer_lowered;
	s6 =	simm.s32 $_tile_overlayer_lowered  }
0x9b: {  	s22 =	simm.s32 $0x1BFF;
	s21 =	sshll.u32 s6, $0x1;
	s3 =	sadd.s32 s4, s19  }
0x9c: {  	s7 =	simm.s32 $0x0;
	s20 =	sshll.u32 s5, $0x1;
	s5 =	sadd.s32 s21, s3  }
0x9d: {  	[timem:s7], [sflag:s22] =	dma.local [hbm:s5], s20  }
0x9e: {  	_ =	swait.ge [sflag:s22], s20  }
0x9f: {  	s4 =	ssub.s32 $0x0, s20;
	[sflag:s22] =	ssyncset.done $0x0  }
0xa0: {  	[sflag:s22] =	ssyncadd.s32 s4;
	_ =	sdelay $0x1  }
0xa1: {  	s23 =	simm.s32 $0x1B8B  }
0xa2: {  	_ =	swait.ge [sflag:s23], $0x1  }
0xa3: {  	[sflag:s23] =	ssyncset.done $0x0  }
0xa4: {  	s25 =	simm.s32 $0x1B8E;
	s24 =	sld [smem:$0x3FFE];
	[sflag:s23] =	ssyncadd.s32 $0xFFFFFFFF  }
0xa5: {  	s26 =	simm.s32 $execute0_lowered;
	[smem:$0x3FD2] =	sst s25  }
0xa6: {  	s5 =	sshll.u32 s26, $0x1;
	_ =	strace $0x8000005B;
	[dreg:$0x1] =	wrdreg $0xFFFFFFFF  }
0xa7: {  	s28 =	simm.s32 $_size_execute0_lowered;
	s3 =	sadd.s32 s3, s5;
	[dreg:$0x0] =	wrdreg $0x0  }
0xa8: {  	s5 =	sshll.u32 s28, $0x1;
	[dreg:$0x2] =	wrdreg s3  }
0xa9: {  	[dreg:$0x3] =	wrdreg s5  }
0xaa: {  	[dreg:$0x4] =	wrdreg $0xC0  }
0xab: {  	_ =	task [dreg:s7], $0x5FFFF  }
0xac: {  	[dreg:$0x1] =	wrdreg $0xFFFFFFFF  }
0xad: {  	[dreg:$0x0] =	wrdreg $0x60  }
0xae: {  	[dreg:$0x2] =	wrdreg s24  }
0xaf: {  	[dreg:$0x3] =	wrdreg s2  }
0xb0: {  	[dreg:$0x4] =	wrdreg $0x21800  }
0xb1: {  	[dreg:$0x5] =	wrdreg $0x9  }
0xb2: {  	_ =	task.clear_ibuf [dreg:s7], $0x6FFFF;
	_ =	strace $0x9000005B  }
0xb3: {  	s29 =	simm.s32 $0x9;
	_ =	strace $0x8000005D  }
0xb4: {  	_ =	swait.ge [sflag:s29], $0x1  }
0xb5: {  	[sflag:s29] =	ssyncadd.s32 $0xFFFFFFFF  }
0xb6: {  	_ =	strace $0x9000005D  }
0xb7: {  	_ =	sfence  }
0xb8: {  	s30 =	sld [smem:$0x0];
	_ =	sdelay $0x2  }
0xb9: {  	s31 =	sshll.u32 s1, $0xD;
	s1 =	sshrl.u32 s1, $0x2  }
0xba: {  	s3 =	sand.u32 $0x4000, s31;
	s1 =	sadd.s32 s1, s30  }
0xbb: {  	s0 =	sor.u32 s3, s0;
	s1 =	sshll.u32 s1, $0x11  }
0xbc: {  	s0 =	sor.u32 s1, s0  }
0xbd: {  	s0 =	sadd.s32 $0x8F2B, s0  }
0xbe: {  	[sflag:s0] =	ssyncadd.remote.s32 $0x1  }
0xbf: {  	_ =	sfence.sel $0xFFFF  }
0xc0: {  	[dreg:$0x0] =	wrdreg $0xFFFFFFFF;
	(pc) =	sbr.abs _section_cstart, $3  }
0xc1: {  	[dreg:$0x1] =	wrdreg $0xFFFFFFFF  }
0xc2: {  	_ =	task.clear_ibuf [dreg:s7], $0x2FFFF;
	_ =	strace $0x9FFFFFFF  }
0xc3: {  	(tm) =	ssettm $0x7FFFFFFF  }
tec
execute0_lowered:
.L_overlay_start_1:
0x0: {  	(tag) =	ssettag $0x1  }
0x1: {  	s11 =	rddreg [dreg:$0x0]  }
0x2: {  	s1 =	rddreg [dreg:$0x1]  }
0x3: {  	s3 =	rddreg [dreg:$0x2]  }
0x4: {  	s0 =	rddreg [dreg:$0x3]  }
0x5: {  	s4 =	simm.s32 $0x0;
	s5 =	srdreg.scid;
	s2 =	stileid.u32  }
0x6: {  	s17 =	simm.s32 $0x80;
	s18 =	simm.s32 $0x180;
	s19 =	simm.s32 $0x980  }
0x7: {  	s20 =	simm.s32 $0x100;
	s21 =	simm.s32 $0x1180;
	s22 =	simm.s32 $0x1980  }
0x8: {  	s23 =	simm.s32 $0x1;
	s24 =	simm.s32 $0x2;
	s30 =	simm.s32 $0x0  }
0x9: {  	[smem:$0x7FF] =	sst s4;
	s12 =	sand.u32 $0x1, s5;
	s13 =	smul.u32 $0x2710, s2  }
0xa: {  	s5 =	sadd.s32 $0x4A00, s11;
	s6 =	sadd.s32 $0x6C800, s11;
	s7 =	sadd.s32 $0x71800, s11  }
0xb: {  	s8 =	sadd.s32 $0x84AC00, s11;
	s9 =	sadd.s32 $0x7FAC00, s11;
	s16 =	sshll.u32 s2, $0x1  }
0xc: {  	s29 =	sshll.u32 s2, $0x6;
	_ =	strace $0x8000005C;
	s10 =	smul.u32 $0x27100, s12  }
0xd: {  	s15 =	ssub.s32 $0x2, s12;
	s12 =	sor.u32 s12, s16;
	s16 =	simm.s32 $0x3  }
0xe: {  	s28 =	sshrl.u32 s15, $0x1;
	s31 =	sadd.s32 s13, s3;
	s14 =	sadd.s32 s13, s10  }
0xf: {  	s12 =	smul.u32 $0x1400, s12;
	s10 =	sadd.s32 $0x9BE00, s11;
	s14 =	sshrl.u32 s14, $0x3  }
0x10: {  	s15 =	ssub.s32 s15, s28;
	s14 =	sadd.s32 s14, s11;
	s11 =	sor.u32 $0x1C03, s29  }
0x11: {  	s13 =	sadd.s32 $0x76800, s14;
	s14 =	smax.u32 s15, $0x1;
	s15 =	sshrl.u32 s31, $0x3  }
.LBB2_1:
0x12: {  	[spmem:s15], [sflag:s11] =	dma.local [hbm:s1], $0x4E2  }
0x13: {  	_ =	swait.ge [sflag:s16], $0x4E2  }
0x14: {  	[sflag:s16] =	ssyncset.done $0x0  }
0x15: {  	[sflag:s16] =	ssyncadd.s32 $0xFFFFFB1E  }
0x16: {  	s25 =	simm.s32 $0x0;
	[bflag:$0x0] =	sbarrier.arrive $0xFFFF  }
.LBB2_2:
0x17: {  	s26 =	sshll.u32 s25, $0x7  }
0x18: {  	s26 =	sadd.s32 s12, s26  }
0x19: {  	s28 =	sshrl.u32 s26, $0x3  }
0x1a: {  	s29 =	sadd.s32 s6, s28  }
0x1b: {  	[tilespmem:s30], [sflag:$0x3] =	stream.linear.gather [hbm4b:s29+s30], $0x80, $0x38;
	[tilespmem:$0x4890] =	vst v63  }
0x1c: {  	_ =	swait.ge [sflag:s16], $0x80  }
0x1d: {  	[sflag:s16] =	ssyncset.done $0x0  }
0x1e: {  	s31 =	sadd.s32 s7, s28;
	[sflag:s16] =	ssyncadd.s32 $0xFFFFFF80  }
0x1f: {  	[tilespmem:s17], [sflag:$0x3] =	stream.linear.gather [hbm4b:s31+s30], $0x80, $0x38;
	[tilespmem:$0x4890] =	vst v63  }
0x20: {  	_ =	swait.ge [sflag:s16], $0x80  }
0x21: {  	s26 =	sshll.u32 s26, $0x1;
	[sflag:s16] =	ssyncset.done $0x0  }
0x22: {  	s31 =	sadd.s32 s8, s26;
	[sflag:s16] =	ssyncadd.s32 $0xFFFFFF80  }
0x23: {  	[tilespmem:s18], [sflag:$0x3] =	stream.linear.gather [hbm4b:s31+s30], $0x800, $0x38;
	[tilespmem:$0x4890] =	vst v63  }
0x24: {  	_ =	swait.ge [sflag:s16], $0x800  }
0x25: {  	[sflag:s16] =	ssyncset.done $0x0  }
0x26: {  	s26 =	sadd.s32 s9, s26;
	[sflag:s16] =	ssyncadd.s32 $0xFFFFF800  }
0x27: {  	[tilespmem:s19], [sflag:$0x3] =	stream.linear.gather [hbm4b:s26+s30], $0x800, $0x38;
	[tilespmem:$0x4890] =	vst v63  }
0x28: {  	_ =	swait.ge [sflag:s16], $0x800  }
0x29: {  	[sflag:s16] =	ssyncset.done $0x0  }
0x2a: {  	s31 =	sadd.s32 s10, s28;
	[sflag:s16] =	ssyncadd.s32 $0xFFFFF800  }
0x2b: {  	[tilespmem:s20], [sflag:$0x3] =	stream.linear.gather [hbm4b:s31+s30], $0x80, $0x38;
	[tilespmem:$0x4890] =	vst v63  }
0x2c: {  	_ =	swait.ge [sflag:s16], $0x80  }
0x2d: {  	[sflag:s16] =	ssyncset.done $0x0  }
0x2e: {  	[sflag:s16] =	ssyncadd.s32 $0xFFFFFF80  }
0x2f: {  	[tilespmem:s21], [sflag:$0x1] =	stream.indirect.gather [hbm4b:s5+s17], $0x10, s30, s17, $0xb8;
	[tilespmem:$0x4890] =	vst v63  }
0x30: {  	_ = 	snop  }
0x31: {  	[tilespmem:s22], [sflag:$0x2] =	stream.indirect.gather [hbm4b:s5+s17], $0x10, s17, s17, $0xb8;
	[tilespmem:$0x4890] =	vst v63  }
0x32: {  	_ =	swait.ge [sflag:s23], $0x800  }
0x33: {  	[sflag:s23] =	ssyncset.done $0x0  }
0x34: {  	[sflag:s23] =	ssyncadd.s32 $0xFFFFF800  }
0x35: {  	_ =	swait.ge [sflag:s24], $0x800  }
0x36: {  	[sflag:s24] =	ssyncset.done $0x0  }
0x37: {  	s26 =	simm.s32 $0x0;
	[sflag:s24] =	ssyncadd.s32 $0xFFFFF800  }
0x38: {  	v0 =	vld [tilespmem:s26+$0x180]  }
0x39: {  	v1 =	vld [tilespmem:s26+$0x980]  }
0x3a: {  	s28 =	simm.s32 $0x40;
	v2 =	vld [tilespmem:s26+$0x1980]  }
.LBB2_3:
0x3b: {  	p0 =	sne.s32 s28, $0x1FC0;
	v3 =	vld [tilespmem:s26+$0x1180];
	_ =	sdelay $0x4  }
.Ltmp0:
0x3c: {  	v1 =	vmul.f32 v2, v1;
	v3 =	vmul.f32 v3, v0;
	(pc) =	sbr.rel @p0 .LBB2_3-.Ltmp0, $4  }
0x3d: {  	s29 =	sshra.s32 s28, $0x2  }
0x3e: {  	v0 =	vld [tilespmem:s29+$0x180];
	v3 =	vadd.f32 v1, v3  }
0x3f: {  	v1 =	vld [tilespmem:s29+$0x980]  }
0x40: {  	s28 =	sadd.s32 $0x40, s28;
	v2 =	vld [tilespmem:s29+$0x1980];
	[tilespmem:s26+$0x1180] =	vst v3;
	s26 =	smov.u32 s29  }
0x41: {  	v3 =	vld [tilespmem:s26+$0x1180];
	_ =	sdelay $0x4  }
0x42: {  	v1 =	vmul.f32 v2, v1;
	v0 =	vmul.f32 v3, v0;
	_ =	sdelay $0x1  }
0x43: {  	s25 =	sadd.s32 $0x1, s25;
	v0 =	vadd.f32 v1, v0  }
0x44: {  	p0 =	sne.s32 s25, $0x28  }
.Ltmp1:
0x45: {  	[tilespmem:s26+$0x1180] =	vst v0;
	(pc) =	sbr.rel @p0 .LBB2_2-.Ltmp1, $4  }
0x46: {  	[spmem:s3] =	stream.indirect.scatter.add.f32 [tilespmem:s21], [sflag:$0x3], $0x10, s20, s17, $0xb8;
	[tilespmem:$0x4890] =	vst v63  }
0x47: {  	_ =	swait.ge [sflag:s16], $0x800  }
0x48: {  	[sflag:s16] =	ssyncset.done $0x0  }
0x49: {  	[sflag:s16] =	ssyncadd.s32 $0xFFFFF800  }
0x4a: {  	s4 =	sadd.s32 $0x1, s4  }
0x4b: {  	p0 =	sne.s32 s4, s14  }
.Ltmp2:
0x4c: {  	[bflag:$0x0] =	sbarrier.arrive $0xFFFF;
	(pc) =	sbr.rel @p0 .LBB2_1-.Ltmp2, $4  }
0x4d: {  	[hbm:s13], [sflag:s11] =	dma.local [spmem:s15], $0x4E2  }
0x4e: {  	_ =	swait.ge [sflag:s16], $0x4E2  }
0x4f: {  	[sflag:s16] =	ssyncset.done $0x0  }
0x50: {  	[sflag:s16] =	ssyncadd.s32 $0xFFFFFB1E  }
0x51: {  	_ =	sfence.sel $0x180000  }
0x52: {  	[bflag:$0x0] =	sbarrier.arrive $0xFFFF  }
0x53: {  	p0 =	sne.s32 s2, $0x0;
	_ =	strace $0x9000005C  }
0x54: {  	s0 =	sadd.s32 @!p0 $0x100000, s0;
	[bflag:$0x2] =	sbarrier.arrive $0xFFFF  }
0x55: {  	[sflag:s0] =	ssyncadd.tile.s32 @!p0 $0x1;
	_ =	shalt  }
.Lfunc_end2:
_tile_overlayer_lowered:
.L_overlay_start_2:
0x56: {  	(tag) =	ssettag $0x2  }
0x57: {  	s0 =	rddreg [dreg:$0x0];
	s2 =	stileid.u32  }
0x58: {  	s1 =	rddreg [dreg:$0x1];
	p0 =	sne.s32 s2, $0x0  }
0x59: {  	s3 =	rddreg [dreg:$0x2];
	[bflag:$0x3] =	sbarrier.arrive $0xFFFF;
	s2 =	simm.s32 @!p0 $0x1C03  }
0x5a: {  	[timem:s3], [sflag:s2] =	dma.local @!p0 [hbm:s0], s1  }
0x5b: {  	s0 =	simm.s32 @!p0 $0x3  }
0x5c: {  	_ =	swait.ge @!p0 [sflag:s0], s1  }
0x5d: {  	s1 =	ssub.s32 @!p0 $0x0, s1;
	[sflag:s0] =	ssyncset.done @!p0 $0x0  }
0x5e: {  	[sflag:s0] =	ssyncadd.s32 @!p0 s1  }
0x5f: {  	[bflag:$0x3] =	sbarrier.arrive $0xFFFF  }
0x60: {  	_ =	shalt  }

// kernel: kernel.50.cloned.1.call-start
scs
__scs_entry_jumppad:
0x0: {  	(pc) =	sbr.rel $0x88, $3  }
0x1: {  	(tag) =	ssettag $0x0;
	lr =	simm.s32 $0x1  }
0x2: {  	[smem:$0x3F89] =	sst lr;
	_ =	strace $0xD0000000  }
0x3: {  	_ = 	snop  }
0x4: {  	_ = 	snop  }
0x5: {  	_ = 	snop  }
0x6: {  	_ = 	snop  }
0x7: {  	_ = 	snop  }
__scs_overlays_trampoline_lowered:
0x8: {  	[smem:$0x3F98] =	sst s0  }
0x9: {  	[smem:$0x3F99] =	sst s1  }
0xa: {  	[smem:$0x3F9A] =	sst s2  }
0xb: {  	[smem:$0x3F9B] =	sst s3  }
0xc: {  	[smem:$0x3F9C] =	sst s4  }
0xd: {  	[smem:$0x3F9D] =	sst s5  }
0xe: {  	[smem:$0x3F9E] =	sst s6  }
0xf: {  	[smem:$0x3F9F] =	sst s7  }
0x10: {  	[smem:$0x3FA0] =	sst s8  }
0x11: {  	[smem:$0x3FA1] =	sst s9;
	s0 =	simm.s32 @!p0 $0x0  }
0x12: {  	s1 =	sld [smem:$0x3F87];
	s0 =	simm.s32 @p0 $0x1  }
0x13: {  	[smem:$0x3FA2] =	sst s0;
	s0 =	simm.s32 @!p1 $0x0  }
0x14: {  	s2 =	sld [smem:$0x3F86];
	s0 =	simm.s32 @p1 $0x1  }
0x15: {  	[smem:$0x3FA3] =	sst s0;
	s0 =	simm.s32 @!p2 $0x0  }
0x16: {  	s3 =	sld [smem:$0x3FDB];
	s0 =	simm.s32 @p2 $0x1  }
0x17: {  	s4 =	simm.s32 $0x1BF5;
	[smem:$0x3FA5] =	sst s0  }
0x18: {  	s0 =	sld [smem:$0x3F88];
	_ =	swait.ge [sflag:s4], $0x0  }
0x19: {  	s7 =	sld [smem:$0x3F89]  }
0x1a: {  	s8 =	sadd.s32 $0xFFFFE003, lr  }
0x1b: {  	s9 =	sadd.s32 $0xFFFFFEF7, lr;
	s5 =	simm.s32 $0xFFFFFFFF;
	p2 =	slt.u32 s8, $0xFFFFF086  }
0x1c: {  	p1 =	slt.u32 s9, $0xF7A;
	s5 =	simm.s32 @!p2 $0x0  }
0x1d: {  	s5 =	simm.s32 @p1 $0x1;
	p0 =	seq.s32 s7, s2  }
0x1e: {  	s7 =	smul.u32 @!p0 $0xF7A, s2;
	p2 =	seq.s32 @!p0 s5, $0x0  }
0x1f: {  	s9 =	smul.u32 $0xF7A, s1;
	s8 =	simm.s32 @!p0 $0x1BF5;
	p2 =	por !p2, p0  }
0x20: {  	[sflag:s8] =	ssyncset.s32 @!p0 $0xFFFFF086;
	s6 =	sadd.s32 @!p0 s3, s7;
	s7 =	simm.s32 @!p0 $0x108  }
0x21: {  	s3 =	sadd.s32 s3, s9;
	s6 =	sadd.s32 @!p0 $0x88, s6;
	s7 =	simm.s32 @p2 $0x1082  }
0x22: {  	[simem:s7], [sflag:s8] =	dma.local @!p0 [hbm:s6], $0xF7A  }
0x23: {  	s9 =	sor.u32 $0xD0000000, s2;
	s6 =	simm.s32 $0x108;
	_ =	swait.ge @!p0 [sflag:s8], $0x0  }
0x24: {  	s3 =	sadd.s32 $0x88, s3;
	s6 =	simm.s32 @!p1 $0x1082;
	[sflag:s4] =	ssyncset.s32 $0xFFFFF086  }
0x25: {  	[simem:s6], [sflag:s4] =	dma.local [hbm:s3], $0xF7A  }
0x26: {  	[smem:$0x3F89] =	sst s1;
	(tag) =	ssettag s2;
	_ =	strace s9  }
0x27: {  	s1 =	sld [smem:$0x3F99]  }
0x28: {  	s2 =	sld [smem:$0x3F9A]  }
0x29: {  	s4 =	sld [smem:$0x3F9C]  }
0x2a: {  	p0 =	seq.s32 s5, $0x0;
	s5 =	sld [smem:$0x3F9D]  }
0x2b: {  	s6 =	sld [smem:$0x3F9E]  }
0x2c: {  	s7 =	sld [smem:$0x3F9F]  }
0x2d: {  	s3 =	simm.s32 $0x108;
	s8 =	sld [smem:$0x3FA0]  }
0x2e: {  	s3 =	simm.s32 @!p0 $0x1082;
	s9 =	sld [smem:$0x3FA1]  }
0x2f: {  	lr =	sadd.s32 s0, s3;
	s0 =	sld [smem:$0x3F98]  }
0x30: {  	s3 =	sld [smem:$0x3F9B]  }
0x31: {  	[smem:$0x3FA4] =	sst s10  }
0x32: {  	s10 =	sld [smem:$0x3FA2];
	_ =	sdelay $0x3  }
0x33: {  	p0 =	seq.s32 s10, $0x1;
	s10 =	sld [smem:$0x3FA4];
	_ =	sdelay $0x3  }
0x34: {  	[smem:$0x3FA4] =	sst s10  }
0x35: {  	s10 =	sld [smem:$0x3FA3];
	_ =	sdelay $0x3  }
0x36: {  	p1 =	seq.s32 s10, $0x1;
	s10 =	sld [smem:$0x3FA4];
	_ =	sdelay $0x3  }
0x37: {  	[smem:$0x3FA4] =	sst s10  }
0x38: {  	s10 =	sld [smem:$0x3FA5]  }
0x39: {  	_ = 	snop;
	(pc) =	sbr.ind lr, $3  }
0x3a: {  	_ = 	snop  }
0x3b: {  	_ = 	snop  }
0x3c: {  	p2 =	seq.s32 s10, $0x1;
	s10 =	sld [smem:$0x3FA4]  }
0x3d: {  	_ =	shalt  }
0x3e: {  	_ =	shalt  }
0x3f: {  	_ =	shalt  }
0x40: {  	_ =	shalt  }
0x41: {  	_ =	shalt  }
0x42: {  	_ =	shalt  }
0x43: {  	_ =	shalt  }
0x44: {  	_ =	shalt  }
0x45: {  	_ =	shalt  }
0x46: {  	_ =	shalt  }
0x47: {  	_ =	shalt  }
0x48: {  	_ =	shalt  }
0x49: {  	_ =	shalt  }
0x4a: {  	_ =	shalt  }
0x4b: {  	_ =	shalt  }
0x4c: {  	_ =	shalt  }
0x4d: {  	_ =	shalt  }
0x4e: {  	_ =	shalt  }
0x4f: {  	_ =	shalt  }
0x50: {  	_ =	shalt  }
0x51: {  	_ =	shalt  }
0x52: {  	_ =	shalt  }
0x53: {  	_ =	shalt  }
0x54: {  	_ =	shalt  }
0x55: {  	_ =	shalt  }
0x56: {  	_ =	shalt  }
0x57: {  	_ =	shalt  }
0x58: {  	_ =	shalt  }
0x59: {  	_ =	shalt  }
0x5a: {  	_ =	shalt  }
0x5b: {  	_ =	shalt  }
0x5c: {  	_ =	shalt  }
0x5d: {  	_ =	shalt  }
0x5e: {  	_ =	shalt  }
0x5f: {  	_ =	shalt  }
0x60: {  	_ =	shalt  }
0x61: {  	_ =	shalt  }
0x62: {  	_ =	shalt  }
0x63: {  	_ =	shalt  }
0x64: {  	_ =	shalt  }
0x65: {  	_ =	shalt  }
0x66: {  	_ =	shalt  }
0x67: {  	_ =	shalt  }
0x68: {  	_ =	shalt  }
0x69: {  	_ =	shalt  }
0x6a: {  	_ =	shalt  }
0x6b: {  	_ =	shalt  }
0x6c: {  	_ =	shalt  }
0x6d: {  	_ =	shalt  }
0x6e: {  	_ =	shalt  }
0x6f: {  	_ =	shalt  }
0x70: {  	_ =	shalt  }
0x71: {  	_ =	shalt  }
0x72: {  	_ =	shalt  }
0x73: {  	_ =	shalt  }
0x74: {  	_ =	shalt  }
0x75: {  	_ =	shalt  }
0x76: {  	_ =	shalt  }
0x77: {  	_ =	shalt  }
0x78: {  	_ =	shalt  }
0x79: {  	_ =	shalt  }
0x7a: {  	_ =	shalt  }
0x7b: {  	_ =	shalt  }
0x7c: {  	_ =	shalt  }
0x7d: {  	_ =	shalt  }
0x7e: {  	_ =	shalt  }
0x7f: {  	_ =	shalt  }
0x80: {  	_ =	shalt  }
0x81: {  	_ =	shalt  }
0x82: {  	_ =	shalt  }
0x83: {  	_ =	shalt  }
0x84: {  	_ =	shalt  }
0x85: {  	_ =	shalt  }
0x86: {  	_ =	shalt  }
0x87: {  	_ =	shalt  }
.Lfunc_end0:
.L_simem_size_0:
called_computation.8_lowered:
.L_overlay_start_0:
0x88: {  	s2 =	sld [smem:$0x3FD9]  }
0x89: {  	s3 =	sld [smem:$0x3FFE];
	_ =	sdelay $0x1  }
0x8a: {  	s1 =	srdreg.scid  }
0x8b: {  	s0 =	sand.u32 $0x1, s1  }
0x8c: {  	s17 =	sshll.u32 s0, $0xA;
	s2 =	sadd.s32 s3, s2  }
0x8d: {  	s2 =	sadd.s32 s2, s17  }
0x8e: {  	[smem:$0x3FB0] =	sst s2  }
0x8f: {  	_ = 	snop  }
0x90: {  	s2 =	sld [smem:$0x3FD0];
	(tm) =	ssettm $0x1  }
0x91: {  	s18 =	sld [smem:$0x3FFB];
	_ =	sdelay $0x3  }
0x92: {  	_ =	strace s18  }
0x93: {  	s3 =	sld [smem:$0x3FFC];
	_ =	sdelay $0x3  }
0x94: {  	_ =	strace s3  }
0x95: {  	s3 =	sld [smem:$0x3FFD];
	_ =	sdelay $0x3  }
0x96: {  	_ =	strace s3  }
0x97: {  	_ =	strace $0x8FFFFFFF  }
0x98: {  	s19 =	sld [smem:$0x3FDB];
	_ =	sdelay $0x1  }
0x99: {  	s4 =	simm.s32 $_scs_section_size  }
0x9a: {  	s5 =	simm.s32 $_size__tile_overlayer_lowered;
	s6 =	simm.s32 $_tile_overlayer_lowered  }
0x9b: {  	s22 =	simm.s32 $0x1BFF;
	s21 =	sshll.u32 s6, $0x1;
	s3 =	sadd.s32 s4, s19  }
0x9c: {  	s7 =	simm.s32 $0x0;
	s20 =	sshll.u32 s5, $0x1;
	s5 =	sadd.s32 s21, s3  }
0x9d: {  	[timem:s7], [sflag:s22] =	dma.local [hbm:s5], s20  }
0x9e: {  	_ =	swait.ge [sflag:s22], s20  }
0x9f: {  	s4 =	ssub.s32 $0x0, s20;
	[sflag:s22] =	ssyncset.done $0x0  }
0xa0: {  	[sflag:s22] =	ssyncadd.s32 s4;
	_ =	sdelay $0x1  }
0xa1: {  	s23 =	simm.s32 $0x1B8B  }
0xa2: {  	_ =	swait.ge [sflag:s23], $0x1  }
0xa3: {  	[sflag:s23] =	ssyncset.done $0x0  }
0xa4: {  	s25 =	simm.s32 $0x1B8E;
	s24 =	sld [smem:$0x3FFE];
	[sflag:s23] =	ssyncadd.s32 $0xFFFFFFFF  }
0xa5: {  	s26 =	simm.s32 $execute0_lowered;
	[smem:$0x3FD2] =	sst s25  }
0xa6: {  	s5 =	sshll.u32 s26, $0x1;
	_ =	strace $0x8000005E;
	[dreg:$0x1] =	wrdreg $0xFFFFFFFF  }
0xa7: {  	s28 =	simm.s32 $_size_execute0_lowered;
	s3 =	sadd.s32 s3, s5;
	[dreg:$0x0] =	wrdreg $0x0  }
0xa8: {  	s5 =	sshll.u32 s28, $0x1;
	[dreg:$0x2] =	wrdreg s3  }
0xa9: {  	[dreg:$0x3] =	wrdreg s5  }
0xaa: {  	[dreg:$0x4] =	wrdreg $0xC0  }
0xab: {  	_ =	task [dreg:s7], $0x5FFFF  }
0xac: {  	[dreg:$0x1] =	wrdreg $0xFFFFFFFF  }
0xad: {  	[dreg:$0x0] =	wrdreg $0x60  }
0xae: {  	[dreg:$0x2] =	wrdreg s24  }
0xaf: {  	[dreg:$0x3] =	wrdreg s2  }
0xb0: {  	[dreg:$0x4] =	wrdreg $0x21800  }
0xb1: {  	[dreg:$0x5] =	wrdreg $0x9  }
0xb2: {  	_ =	task.clear_ibuf [dreg:s7], $0x6FFFF;
	_ =	strace $0x9000005E  }
0xb3: {  	s29 =	simm.s32 $0x9;
	_ =	strace $0x80000060  }
0xb4: {  	_ =	swait.ge [sflag:s29], $0x1  }
0xb5: {  	[sflag:s29] =	ssyncadd.s32 $0xFFFFFFFF  }
0xb6: {  	_ =	strace $0x90000060  }
0xb7: {  	_ =	sfence  }
0xb8: {  	s30 =	sld [smem:$0x0];
	_ =	sdelay $0x2  }
0xb9: {  	s31 =	sshll.u32 s1, $0xD;
	s1 =	sshrl.u32 s1, $0x2  }
0xba: {  	s3 =	sand.u32 $0x4000, s31;
	s1 =	sadd.s32 s1, s30  }
0xbb: {  	s0 =	sor.u32 s3, s0;
	s1 =	sshll.u32 s1, $0x11  }
0xbc: {  	s0 =	sor.u32 s1, s0  }
0xbd: {  	s0 =	sadd.s32 $0x8F2B, s0  }
0xbe: {  	[sflag:s0] =	ssyncadd.remote.s32 $0x1  }
0xbf: {  	_ =	sfence.sel $0xFFFF  }
0xc0: {  	[dreg:$0x0] =	wrdreg $0xFFFFFFFF;
	(pc) =	sbr.abs _section_cstart, $3  }
0xc1: {  	[dreg:$0x1] =	wrdreg $0xFFFFFFFF  }
0xc2: {  	_ =	task.clear_ibuf [dreg:s7], $0x2FFFF;
	_ =	strace $0x9FFFFFFF  }
0xc3: {  	(tm) =	ssettm $0x7FFFFFFF  }
tec
execute0_lowered:
.L_overlay_start_1:
0x0: {  	(tag) =	ssettag $0x1  }
0x1: {  	s11 =	rddreg [dreg:$0x0]  }
0x2: {  	s1 =	rddreg [dreg:$0x1]  }
0x3: {  	s3 =	rddreg [dreg:$0x2]  }
0x4: {  	s0 =	rddreg [dreg:$0x3]  }
0x5: {  	s4 =	simm.s32 $0x0;
	s5 =	srdreg.scid;
	s2 =	stileid.u32  }
0x6: {  	s17 =	simm.s32 $0x80;
	s18 =	simm.s32 $0x180;
	s19 =	simm.s32 $0x980  }
0x7: {  	s20 =	simm.s32 $0x100;
	s21 =	simm.s32 $0x1180;
	s22 =	simm.s32 $0x1980  }
0x8: {  	s23 =	simm.s32 $0x1;
	s24 =	simm.s32 $0x2;
	s30 =	simm.s32 $0x0  }
0x9: {  	[smem:$0x7FF] =	sst s4;
	s12 =	sand.u32 $0x1, s5;
	s13 =	smul.u32 $0x2710, s2  }
0xa: {  	s5 =	sadd.s32 $0x4A00, s11;
	s6 =	sadd.s32 $0x6C800, s11;
	s7 =	sadd.s32 $0x71800, s11  }
0xb: {  	s8 =	sadd.s32 $0x84AC00, s11;
	s9 =	sadd.s32 $0x7FAC00, s11;
	s16 =	sshll.u32 s2, $0x1  }
0xc: {  	s29 =	sshll.u32 s2, $0x6;
	_ =	strace $0x8000005F;
	s10 =	smul.u32 $0x27100, s12  }
0xd: {  	s15 =	ssub.s32 $0x2, s12;
	s12 =	sor.u32 s12, s16;
	s16 =	simm.s32 $0x3  }
0xe: {  	s28 =	sshrl.u32 s15, $0x1;
	s31 =	sadd.s32 s13, s3;
	s14 =	sadd.s32 s13, s10  }
0xf: {  	s12 =	smul.u32 $0x1400, s12;
	s10 =	sadd.s32 $0x9BE00, s11;
	s14 =	sshrl.u32 s14, $0x3  }
0x10: {  	s15 =	ssub.s32 s15, s28;
	s14 =	sadd.s32 s14, s11;
	s11 =	sor.u32 $0x1C03, s29  }
0x11: {  	s13 =	sadd.s32 $0x76800, s14;
	s14 =	smax.u32 s15, $0x1;
	s15 =	sshrl.u32 s31, $0x3  }
.LBB2_1:
0x12: {  	[spmem:s15], [sflag:s11] =	dma.local [hbm:s1], $0x4E2  }
0x13: {  	_ =	swait.ge [sflag:s16], $0x4E2  }
0x14: {  	[sflag:s16] =	ssyncset.done $0x0  }
0x15: {  	[sflag:s16] =	ssyncadd.s32 $0xFFFFFB1E  }
0x16: {  	s25 =	simm.s32 $0x0;
	[bflag:$0x0] =	sbarrier.arrive $0xFFFF  }
.LBB2_2:
0x17: {  	s26 =	sshll.u32 s25, $0x7  }
0x18: {  	s26 =	sadd.s32 s12, s26  }
0x19: {  	s28 =	sshrl.u32 s26, $0x3  }
0x1a: {  	s29 =	sadd.s32 s6, s28  }
0x1b: {  	[tilespmem:s30], [sflag:$0x3] =	stream.linear.gather [hbm4b:s29+s30], $0x80, $0x38;
	[tilespmem:$0x4890] =	vst v63  }
0x1c: {  	_ =	swait.ge [sflag:s16], $0x80  }
0x1d: {  	[sflag:s16] =	ssyncset.done $0x0  }
0x1e: {  	s31 =	sadd.s32 s7, s28;
	[sflag:s16] =	ssyncadd.s32 $0xFFFFFF80  }
0x1f: {  	[tilespmem:s17], [sflag:$0x3] =	stream.linear.gather [hbm4b:s31+s30], $0x80, $0x38;
	[tilespmem:$0x4890] =	vst v63  }
0x20: {  	_ =	swait.ge [sflag:s16], $0x80  }
0x21: {  	s26 =	sshll.u32 s26, $0x1;
	[sflag:s16] =	ssyncset.done $0x0  }
0x22: {  	s31 =	sadd.s32 s8, s26;
	[sflag:s16] =	ssyncadd.s32 $0xFFFFFF80  }
0x23: {  	[tilespmem:s18], [sflag:$0x3] =	stream.linear.gather [hbm4b:s31+s30], $0x800, $0x38;
	[tilespmem:$0x4890] =	vst v63  }
0x24: {  	_ =	swait.ge [sflag:s16], $0x800  }
0x25: {  	[sflag:s16] =	ssyncset.done $0x0  }
0x26: {  	s26 =	sadd.s32 s9, s26;
	[sflag:s16] =	ssyncadd.s32 $0xFFFFF800  }
0x27: {  	[tilespmem:s19], [sflag:$0x3] =	stream.linear.gather [hbm4b:s26+s30], $0x800, $0x38;
	[tilespmem:$0x4890] =	vst v63  }
0x28: {  	_ =	swait.ge [sflag:s16], $0x800  }
0x29: {  	[sflag:s16] =	ssyncset.done $0x0  }
0x2a: {  	s31 =	sadd.s32 s10, s28;
	[sflag:s16] =	ssyncadd.s32 $0xFFFFF800  }
0x2b: {  	[tilespmem:s20], [sflag:$0x3] =	stream.linear.gather [hbm4b:s31+s30], $0x80, $0x38;
	[tilespmem:$0x4890] =	vst v63  }
0x2c: {  	_ =	swait.ge [sflag:s16], $0x80  }
0x2d: {  	[sflag:s16] =	ssyncset.done $0x0  }
0x2e: {  	[sflag:s16] =	ssyncadd.s32 $0xFFFFFF80  }
0x2f: {  	[tilespmem:s21], [sflag:$0x1] =	stream.indirect.gather [hbm4b:s5+s17], $0x10, s30, s17, $0xb8;
	[tilespmem:$0x4890] =	vst v63  }
0x30: {  	_ = 	snop  }
0x31: {  	[tilespmem:s22], [sflag:$0x2] =	stream.indirect.gather [hbm4b:s5+s17], $0x10, s17, s17, $0xb8;
	[tilespmem:$0x4890] =	vst v63  }
0x32: {  	_ =	swait.ge [sflag:s23], $0x800  }
0x33: {  	[sflag:s23] =	ssyncset.done $0x0  }
0x34: {  	[sflag:s23] =	ssyncadd.s32 $0xFFFFF800  }
0x35: {  	_ =	swait.ge [sflag:s24], $0x800  }
0x36: {  	[sflag:s24] =	ssyncset.done $0x0  }
0x37: {  	s26 =	simm.s32 $0x0;
	[sflag:s24] =	ssyncadd.s32 $0xFFFFF800  }
0x38: {  	v0 =	vld [tilespmem:s26+$0x180]  }
0x39: {  	v1 =	vld [tilespmem:s26+$0x980]  }
0x3a: {  	s28 =	simm.s32 $0x40;
	v2 =	vld [tilespmem:s26+$0x1980]  }
.LBB2_3:
0x3b: {  	p0 =	sne.s32 s28, $0x1FC0;
	v3 =	vld [tilespmem:s26+$0x1180];
	_ =	sdelay $0x4  }
.Ltmp0:
0x3c: {  	v1 =	vmul.f32 v2, v1;
	v3 =	vmul.f32 v3, v0;
	(pc) =	sbr.rel @p0 .LBB2_3-.Ltmp0, $4  }
0x3d: {  	s29 =	sshra.s32 s28, $0x2  }
0x3e: {  	v0 =	vld [tilespmem:s29+$0x180];
	v3 =	vadd.f32 v1, v3  }
0x3f: {  	v1 =	vld [tilespmem:s29+$0x980]  }
0x40: {  	s28 =	sadd.s32 $0x40, s28;
	v2 =	vld [tilespmem:s29+$0x1980];
	[tilespmem:s26+$0x1180] =	vst v3;
	s26 =	smov.u32 s29  }
0x41: {  	v3 =	vld [tilespmem:s26+$0x1180];
	_ =	sdelay $0x4  }
0x42: {  	v1 =	vmul.f32 v2, v1;
	v0 =	vmul.f32 v3, v0;
	_ =	sdelay $0x1  }
0x43: {  	s25 =	sadd.s32 $0x1, s25;
	v0 =	vadd.f32 v1, v0  }
0x44: {  	p0 =	sne.s32 s25, $0x28  }
.Ltmp1:
0x45: {  	[tilespmem:s26+$0x1180] =	vst v0;
	(pc) =	sbr.rel @p0 .LBB2_2-.Ltmp1, $4  }
0x46: {  	[spmem:s3] =	stream.indirect.scatter.add.f32 [tilespmem:s21], [sflag:$0x3], $0x10, s20, s17, $0xb8;
	[tilespmem:$0x4890] =	vst v63  }
0x47: {  	_ =	swait.ge [sflag:s16], $0x800  }
0x48: {  	[sflag:s16] =	ssyncset.done $0x0  }
0x49: {  	[sflag:s16] =	ssyncadd.s32 $0xFFFFF800  }
0x4a: {  	s4 =	sadd.s32 $0x1, s4  }
0x4b: {  	p0 =	sne.s32 s4, s14  }
.Ltmp2:
0x4c: {  	[bflag:$0x0] =	sbarrier.arrive $0xFFFF;
	(pc) =	sbr.rel @p0 .LBB2_1-.Ltmp2, $4  }
0x4d: {  	[hbm:s13], [sflag:s11] =	dma.local [spmem:s15], $0x4E2  }
0x4e: {  	_ =	swait.ge [sflag:s16], $0x4E2  }
0x4f: {  	[sflag:s16] =	ssyncset.done $0x0  }
0x50: {  	[sflag:s16] =	ssyncadd.s32 $0xFFFFFB1E  }
0x51: {  	_ =	sfence.sel $0x180000  }
0x52: {  	[bflag:$0x0] =	sbarrier.arrive $0xFFFF  }
0x53: {  	p0 =	sne.s32 s2, $0x0;
	_ =	strace $0x9000005F  }
0x54: {  	s0 =	sadd.s32 @!p0 $0x100000, s0;
	[bflag:$0x2] =	sbarrier.arrive $0xFFFF  }
0x55: {  	[sflag:s0] =	ssyncadd.tile.s32 @!p0 $0x1;
	_ =	shalt  }
.Lfunc_end2:
_tile_overlayer_lowered:
.L_overlay_start_2:
0x56: {  	(tag) =	ssettag $0x2  }
0x57: {  	s0 =	rddreg [dreg:$0x0];
	s2 =	stileid.u32  }
0x58: {  	s1 =	rddreg [dreg:$0x1];
	p0 =	sne.s32 s2, $0x0  }
0x59: {  	s3 =	rddreg [dreg:$0x2];
	[bflag:$0x3] =	sbarrier.arrive $0xFFFF;
	s2 =	simm.s32 @!p0 $0x1C03  }
0x5a: {  	[timem:s3], [sflag:s2] =	dma.local @!p0 [hbm:s0], s1  }
0x5b: {  	s0 =	simm.s32 @!p0 $0x3  }
0x5c: {  	_ =	swait.ge @!p0 [sflag:s0], s1  }
0x5d: {  	s1 =	ssub.s32 @!p0 $0x0, s1;
	[sflag:s0] =	ssyncset.done @!p0 $0x0  }
0x5e: {  	[sflag:s0] =	ssyncadd.s32 @!p0 s1  }
0x5f: {  	[bflag:$0x3] =	sbarrier.arrive $0xFFFF  }
0x60: {  	_ =	shalt  }

</sc_bundles>
